<compile_context>
chip_gen: v7x
topology: tpu7x:2x2x1
jax: 0.10.2.dev20260603
libtpu: 0.0.44.dev20260713+nightly
codegen_flags: <defaults>
</compile_context>

<pallas_src>
import functools

import jax
import jax.numpy as jnp
from jax import lax
from jax.experimental import pallas as pl
from jax.experimental.pallas import tpu as pltpu
from jax.experimental.pallas import tpu_sc as plsc

N = 10000
E = 320000
NC = 2
NS = 16
NW = NC * NS
EPW = E // NW
C = 80
NCHUNK = EPW // C
NPAIR = NCHUNK // 2
RPT = 640
DEGW = 128


def _mesh():
    return plsc.VectorSubcoreMesh(core_axis_name="c", subcore_axis_name="s",
                                  num_cores=NC, num_subcores=NS)


def _row_chunks(si):
    return jnp.where(si == NS - 1, (N - (NS - 1) * RPT) // C, RPT // C)


def _sc_sum(g, src, dst):
    d = g.shape[1]

    @functools.partial(
        pl.kernel,
        out_type=jax.ShapeDtypeStruct((NC, N, d), jnp.float32),
        mesh=_mesh(),
        scratch_types=[
            [pltpu.VMEM((C,), jnp.int32) for _ in range(2)],
            [pltpu.VMEM((C,), jnp.int32) for _ in range(2)],
            [pltpu.VMEM((C, d), jnp.float32) for _ in range(2)],
            pltpu.VMEM_SHARED((N, d), jnp.float32),
            [pltpu.SemaphoreType.DMA for _ in range(2)],
            [pltpu.SemaphoreType.DMA for _ in range(2)],
            [pltpu.SemaphoreType.DMA for _ in range(2)],
        ],
    )
    def agg(g_hbm, src_hbm, dst_hbm, zrow_hbm, sum_hbm,
            sidx, didx, rows, acc_sh, semi, semg, sems):
        ci = lax.axis_index("c")
        si = lax.axis_index("s")
        rbase = si * RPT
        nrch = _row_chunks(si)

        pltpu.sync_copy(zrow_hbm, rows[0])

        def zbody(j, carry):
            pltpu.sync_copy(rows[0], acc_sh.at[pl.ds(rbase + j * C, C), :])
            return carry

        lax.fori_loop(0, nrch, zbody, 0)
        plsc.subcore_barrier()

        ebase = (si * NC + ci) * EPW

        def body(j, carry):
            off0 = ebase + (2 * j) * C
            off1 = off0 + C
            pltpu.async_copy(src_hbm.at[pl.ds(off0, C)], sidx[0], semi[0])
            pltpu.async_copy(dst_hbm.at[pl.ds(off0, C)], didx[0], semi[0])
            pltpu.async_copy(src_hbm.at[pl.ds(off1, C)], sidx[1], semi[1])
            pltpu.async_copy(dst_hbm.at[pl.ds(off1, C)], didx[1], semi[1])
            pltpu.make_async_copy(src_hbm.at[pl.ds(off0, C)], sidx[0],
                                  semi[0]).wait()
            pltpu.make_async_copy(dst_hbm.at[pl.ds(off0, C)], didx[0],
                                  semi[0]).wait()
            pltpu.async_copy(g_hbm.at[sidx[0]], rows[0], semg[0])
            pltpu.make_async_copy(src_hbm.at[pl.ds(off1, C)], sidx[1],
                                  semi[1]).wait()
            pltpu.make_async_copy(dst_hbm.at[pl.ds(off1, C)], didx[1],
                                  semi[1]).wait()
            pltpu.async_copy(g_hbm.at[sidx[1]], rows[1], semg[1])
            pltpu.make_async_copy(g_hbm.at[sidx[0]], rows[0], semg[0]).wait()
            pltpu.async_copy(rows[0], acc_sh.at[didx[0]], sems[0], add=True)
            pltpu.make_async_copy(g_hbm.at[sidx[1]], rows[1], semg[1]).wait()
            pltpu.async_copy(rows[1], acc_sh.at[didx[1]], sems[1], add=True)
            pltpu.make_async_copy(rows[0], acc_sh.at[didx[0]],
                                  sems[0]).wait()
            pltpu.make_async_copy(rows[1], acc_sh.at[didx[1]],
                                  sems[1]).wait()
            return carry

        lax.fori_loop(0, NPAIR, body, 0)

        offt = ebase + (NCHUNK - 1) * C
        pltpu.sync_copy(src_hbm.at[pl.ds(offt, C)], sidx[0])
        pltpu.sync_copy(dst_hbm.at[pl.ds(offt, C)], didx[0])
        pltpu.async_copy(g_hbm.at[sidx[0]], rows[0], semg[0]).wait()
        pltpu.sync_copy(rows[0], acc_sh.at[didx[0]], add=True)
        plsc.subcore_barrier()

        def pbody(j, carry):
            off = rbase + j * C
            pltpu.sync_copy(acc_sh.at[pl.ds(off, C), :], rows[0])
            pltpu.sync_copy(rows[0], sum_hbm.at[ci, pl.ds(off, C), :])
            return carry

        lax.fori_loop(0, nrch, pbody, 0)

    zrow = jnp.zeros((C, d), jnp.float32)
    return agg(g, src, dst, zrow)


def _sc_deg(dst):
    d = DEGW

    @functools.partial(
        pl.kernel,
        out_type=jax.ShapeDtypeStruct((NC, N, d), jnp.float32),
        mesh=_mesh(),
        scratch_types=[
            [pltpu.VMEM((C,), jnp.int32) for _ in range(4)],
            pltpu.VMEM((C, d), jnp.float32),
            pltpu.VMEM_SHARED((N, d), jnp.float32),
            [pltpu.SemaphoreType.DMA for _ in range(4)],
            [pltpu.SemaphoreType.DMA for _ in range(4)],
        ],
    )
    def deg(dst_hbm, zrow_hbm, ones_hbm, deg_hbm,
            didx, buf, deg_sh, semi, sems):
        ci = lax.axis_index("c")
        si = lax.axis_index("s")
        rbase = si * RPT
        nrch = _row_chunks(si)

        pltpu.sync_copy(zrow_hbm, buf)

        def zbody(j, carry):
            pltpu.sync_copy(buf, deg_sh.at[pl.ds(rbase + j * C, C), :])
            return carry

        lax.fori_loop(0, nrch, zbody, 0)
        pltpu.sync_copy(ones_hbm, buf)
        plsc.subcore_barrier()

        ebase = (si * NC + ci) * EPW
        nquad = NCHUNK // 4

        def body(j, carry):
            offs = [ebase + (4 * j + b) * C for b in range(4)]
            for b in range(4):
                pltpu.async_copy(dst_hbm.at[pl.ds(offs[b], C)], didx[b],
                                 semi[b])
            for b in range(4):
                pltpu.make_async_copy(dst_hbm.at[pl.ds(offs[b], C)], didx[b],
                                      semi[b]).wait()
                pltpu.async_copy(buf, deg_sh.at[didx[b]], sems[b], add=True)
            for b in range(4):
                pltpu.make_async_copy(buf, deg_sh.at[didx[b]],
                                      sems[b]).wait()
            return carry

        lax.fori_loop(0, nquad, body, 0)
        offt = ebase + (NCHUNK - 1) * C
        pltpu.sync_copy(dst_hbm.at[pl.ds(offt, C)], didx[0])
        pltpu.sync_copy(buf, deg_sh.at[didx[0]], add=True)
        plsc.subcore_barrier()

        def pbody(j, carry):
            off = rbase + j * C
            pltpu.sync_copy(deg_sh.at[pl.ds(off, C), :], buf)
            pltpu.sync_copy(buf, deg_hbm.at[ci, pl.ds(off, C), :])
            return carry

        lax.fori_loop(0, nrch, pbody, 0)

    zrow = jnp.zeros((C, d), jnp.float32)
    ones = jnp.ones((C, d), jnp.float32)
    return deg(dst, zrow, ones)


_BN = 2000


def _tc_first(h, w_neigh, w_self, b):
    d_out = w_neigh.shape[1]

    def body(h_ref, wn_ref, ws_ref, b_ref, g_ref, s_ref):
        h_blk = h_ref[...]
        g_ref[...] = jnp.dot(h_blk, wn_ref[...],
                             preferred_element_type=jnp.float32)
        s_ref[...] = jnp.dot(h_blk, ws_ref[...],
                             preferred_element_type=jnp.float32) + b_ref[...]

    return pl.pallas_call(
        body,
        grid=(N // _BN,),
        in_specs=[
            pl.BlockSpec((_BN, h.shape[1]), lambda i: (i, 0)),
            pl.BlockSpec(w_neigh.shape, lambda i: (0, 0)),
            pl.BlockSpec(w_self.shape, lambda i: (0, 0)),
            pl.BlockSpec((1, d_out), lambda i: (0, 0)),
        ],
        out_specs=[
            pl.BlockSpec((_BN, d_out), lambda i: (i, 0)),
            pl.BlockSpec((_BN, d_out), lambda i: (i, 0)),
        ],
        out_shape=[
            jax.ShapeDtypeStruct((N, d_out), jnp.float32),
            jax.ShapeDtypeStruct((N, d_out), jnp.float32),
        ],
    )(h, w_neigh, w_self, b.reshape(1, -1))


def _tc_mid(s_prev, ssum, deg, w_neigh, w_self, b):
    d_in = s_prev.shape[1]
    d_out = w_neigh.shape[1]

    def body(sp_ref, sum_ref, deg_ref, wn_ref, ws_ref, b_ref, g_ref, s_ref):
        total = sum_ref[0] + sum_ref[1]
        degc = deg_ref[0, :, 0:1] + deg_ref[1, :, 0:1]
        h_blk = jnp.maximum(
            sp_ref[...] + total / jnp.maximum(degc, 1.0), 0.0)
        g_ref[...] = jnp.dot(h_blk, wn_ref[...],
                             preferred_element_type=jnp.float32)
        s_ref[...] = jnp.dot(h_blk, ws_ref[...],
                             preferred_element_type=jnp.float32) + b_ref[...]

    return pl.pallas_call(
        body,
        grid=(N // _BN,),
        in_specs=[
            pl.BlockSpec((_BN, d_in), lambda i: (i, 0)),
            pl.BlockSpec((NC, _BN, d_in), lambda i: (0, i, 0)),
            pl.BlockSpec((NC, _BN, DEGW), lambda i: (0, i, 0)),
            pl.BlockSpec(w_neigh.shape, lambda i: (0, 0)),
            pl.BlockSpec(w_self.shape, lambda i: (0, 0)),
            pl.BlockSpec((1, d_out), lambda i: (0, 0)),
        ],
        out_specs=[
            pl.BlockSpec((_BN, d_out), lambda i: (i, 0)),
            pl.BlockSpec((_BN, d_out), lambda i: (i, 0)),
        ],
        out_shape=[
            jax.ShapeDtypeStruct((N, d_out), jnp.float32),
            jax.ShapeDtypeStruct((N, d_out), jnp.float32),
        ],
    )(s_prev, ssum, deg, w_neigh, w_self, b.reshape(1, -1))


def _tc_mid2(s_prev, ssum, deg, w_self, b):
    d_in = s_prev.shape[1]
    d_out = w_self.shape[1]

    def body(sp_ref, sum_ref, deg_ref, ws_ref, b_ref, h_ref, s_ref):
        total = sum_ref[0] + sum_ref[1]
        degc = deg_ref[0, :, 0:1] + deg_ref[1, :, 0:1]
        h_blk = jnp.maximum(
            sp_ref[...] + total / jnp.maximum(degc, 1.0), 0.0)
        h_ref[...] = h_blk
        s_ref[...] = jnp.dot(h_blk, ws_ref[...],
                             preferred_element_type=jnp.float32) + b_ref[...]

    return pl.pallas_call(
        body,
        grid=(N // _BN,),
        in_specs=[
            pl.BlockSpec((_BN, d_in), lambda i: (i, 0)),
            pl.BlockSpec((NC, _BN, d_in), lambda i: (0, i, 0)),
            pl.BlockSpec((NC, _BN, DEGW), lambda i: (0, i, 0)),
            pl.BlockSpec(w_self.shape, lambda i: (0, 0)),
            pl.BlockSpec((1, d_out), lambda i: (0, 0)),
        ],
        out_specs=[
            pl.BlockSpec((_BN, d_in), lambda i: (i, 0)),
            pl.BlockSpec((_BN, d_out), lambda i: (i, 0)),
        ],
        out_shape=[
            jax.ShapeDtypeStruct((N, d_in), jnp.float32),
            jax.ShapeDtypeStruct((N, d_out), jnp.float32),
        ],
    )(s_prev, ssum, deg, w_self, b.reshape(1, -1))


def _tc_last(s_prev, ssum, deg, w_neigh):
    d_in = w_neigh.shape[0]
    d_out = w_neigh.shape[1]

    def body(sp_ref, sum_ref, deg_ref, wn_ref, o_ref):
        total = sum_ref[0] + sum_ref[1]
        degc = deg_ref[0, :, 0:1] + deg_ref[1, :, 0:1]
        h_neigh = total / jnp.maximum(degc, 1.0)
        o_ref[...] = sp_ref[...] + jnp.dot(
            h_neigh, wn_ref[...], preferred_element_type=jnp.float32)

    return pl.pallas_call(
        body,
        grid=(N // _BN,),
        in_specs=[
            pl.BlockSpec((_BN, d_out), lambda i: (i, 0)),
            pl.BlockSpec((NC, _BN, d_in), lambda i: (0, i, 0)),
            pl.BlockSpec((NC, _BN, DEGW), lambda i: (0, i, 0)),
            pl.BlockSpec(w_neigh.shape, lambda i: (0, 0)),
        ],
        out_specs=pl.BlockSpec((_BN, d_out), lambda i: (i, 0)),
        out_shape=jax.ShapeDtypeStruct((N, d_out), jnp.float32),
    )(s_prev, ssum, deg, w_neigh)


def kernel(inputs, edge_index0, edge_index1, edge_index2,
           W_self0, W_neigh0, b0, W_self1, W_neigh1, b1,
           W_self2, W_neigh2, b2):
    g0, s0 = _tc_first(inputs, W_neigh0, W_self0, b0)
    sum0 = _sc_sum(g0, edge_index0[0], edge_index0[1])
    deg0 = _sc_deg(edge_index0[1])
    g1, s1 = _tc_mid(s0, sum0, deg0, W_neigh1, W_self1, b1)
    sum1 = _sc_sum(g1, edge_index1[0], edge_index1[1])
    deg1 = _sc_deg(edge_index1[1])
    h2, s2 = _tc_mid2(s1, sum1, deg1, W_self2, b2)
    sum2 = _sc_sum(h2, edge_index2[0], edge_index2[1])
    deg2 = _sc_deg(edge_index2[1])
    return _tc_last(s2, sum2, deg2, W_neigh2)

# --- scband reference (transcript-rebuilt; emitter-appended) ---
"""Pipeline reference for scband-graph-sageminibatch-32246614458524 (READ-ONLY COPY).

The authoritative reference and input builder live on the scoring server;
editing this copy changes nothing except your own understanding.
"""

import jax, jax.numpy as jnp
import numpy as np

N = 10000
E = 320000
D_IN = 128
D_H = 128
D_OUT = 64


def setup_inputs(seed: int = 0) -> dict:
    key = jax.random.key(seed)
    ks = jax.random.split(key, 16)
    inputs = jax.random.normal(ks[0], (N, D_IN), dtype=jnp.float32)
    edge_index0 = jax.random.randint(ks[1], (2, E), 0, N, dtype=jnp.int32)
    edge_index1 = jax.random.randint(ks[2], (2, E), 0, N, dtype=jnp.int32)
    edge_index2 = jax.random.randint(ks[3], (2, E), 0, N, dtype=jnp.int32)
    def init_w(k, fan_in, fan_out):
        return jax.random.normal(k, (fan_in, fan_out), dtype=jnp.float32) * (1.0 / np.sqrt(fan_in))
    W_self0 = init_w(ks[4], D_IN, D_H)
    W_neigh0 = init_w(ks[5], D_IN, D_H)
    b0 = jnp.zeros((D_H,), dtype=jnp.float32)
    W_self1 = init_w(ks[6], D_H, D_H)
    W_neigh1 = init_w(ks[7], D_H, D_H)
    b1 = jnp.zeros((D_H,), dtype=jnp.float32)
    W_self2 = init_w(ks[8], D_H, D_OUT)
    W_neigh2 = init_w(ks[9], D_H, D_OUT)
    b2 = jnp.zeros((D_OUT,), dtype=jnp.float32)
    return {"inputs": inputs,
            "edge_index0": edge_index0, "edge_index1": edge_index1, "edge_index2": edge_index2,
            "W_self0": W_self0, "W_neigh0": W_neigh0, "b0": b0,
            "W_self1": W_self1, "W_neigh1": W_neigh1, "b1": b1,
            "W_self2": W_self2, "W_neigh2": W_neigh2, "b2": b2}


def _sage_conv(h, src, dst, W_self, W_neigh, b, n_nodes):
    # DGL SAGEConv with 'mean' aggregator: fc_self(h_dst) + fc_neigh(mean_{u in N(v)} h_src[u]) + b
    m = jnp.take(h, src, axis=0)                                   # gather (SparseCore)
    summed = jax.ops.segment_sum(m, dst, num_segments=n_nodes)     # scatter-add
    ones = jnp.ones((src.shape[0], 1), dtype=h.dtype)
    deg = jax.ops.segment_sum(ones, dst, num_segments=n_nodes)
    h_neigh = summed / jnp.maximum(deg, 1.0)
    return h @ W_self + h_neigh @ W_neigh + b


def reference(inputs, edge_index0, edge_index1, edge_index2,
              W_self0, W_neigh0, b0, W_self1, W_neigh1, b1, W_self2, W_neigh2, b2):
    # eval-mode: dropout is identity
    h = inputs
    h = _sage_conv(h, edge_index0[0], edge_index0[1], W_self0, W_neigh0, b0, N)
    h = jax.nn.relu(h)
    h = _sage_conv(h, edge_index1[0], edge_index1[1], W_self1, W_neigh1, b1, N)
    h = jax.nn.relu(h)
    h = _sage_conv(h, edge_index2[0], edge_index2[1], W_self2, W_neigh2, b2, N)
    return h

if __name__ == "__main__":
    import jax
    _d = setup_inputs()
    print(jax.jit(kernel)(*tuple(_d.values())))

</pallas_src>

<mosaic_0001>
#map = affine_map<(d0, d1) -> (0, 0)>
#map1 = affine_map<(d0, d1) -> (0)>
#map2 = affine_map<(d0, d1) -> (0, 0, 0)>
module attributes {stable_mosaic.version = 14 : i64} {
  func.func @agg(%arg0: i32, %arg1: i32, %arg2: memref<10000x128xf32, #tpu.memory_space<hbm>>, %arg3: memref<320000xi32, #tpu.memory_space<hbm>>, %arg4: memref<320000xi32, #tpu.memory_space<hbm>>, %arg5: memref<80x128xf32, #tpu.memory_space<hbm>>, %arg6: memref<2x10000x128xf32, #tpu.memory_space<hbm>>, %arg7: memref<80xi32, #tpu.memory_space<vmem>>, %arg8: memref<80xi32, #tpu.memory_space<vmem>>, %arg9: memref<80xi32, #tpu.memory_space<vmem>>, %arg10: memref<80xi32, #tpu.memory_space<vmem>>, %arg11: memref<80x128xf32, #tpu.memory_space<vmem>>, %arg12: memref<80x128xf32, #tpu.memory_space<vmem>>, %arg13: memref<10000x128xf32, #tpu.memory_space<vmem_shared>>, %arg14: memref<!tpu.dma_semaphore, #tpu.memory_space<semaphore_mem>>, %arg15: memref<!tpu.dma_semaphore, #tpu.memory_space<semaphore_mem>>, %arg16: memref<!tpu.dma_semaphore, #tpu.memory_space<semaphore_mem>>, %arg17: memref<!tpu.dma_semaphore, #tpu.memory_space<semaphore_mem>>, %arg18: memref<!tpu.dma_semaphore, #tpu.memory_space<semaphore_mem>>, %arg19: memref<!tpu.dma_semaphore, #tpu.memory_space<semaphore_mem>>) attributes {dimension_semantics = [#tpu.dimension_semantics<core_parallel>, #tpu.dimension_semantics<subcore_parallel>], iteration_bounds = array<i64: 2, 16>, scalar_prefetch = 0 : i64, scratch_operands = 13 : i64, tpu.core_type = #tpu.core_type<sc_vector_subcore>, window_params = [{transform_indices = #map}, {transform_indices = #map1}, {transform_indices = #map1}, {transform_indices = #map}, {transform_indices = #map2}]} {
    %mul3A = arith.constant 640 : i32
    %mul3A_0 = arith.muli %arg1, %mul3A : i32
    %eq3A = arith.constant 15 : i32
    %eq3A_1 = arith.cmpi eq, %arg1, %eq3A : i32
    %jit3A = arith.constant 5 : i32
    %jit3A_2 = arith.constant 8 : i32
    %select_n3A = arith.select %eq3A_1, %jit3A, %jit3A_2 : i32
    "tpu.region"() ({
      %run_scoped3A = tpu.sem_alloc : memref<!tpu.dma_semaphore, #tpu.memory_space<semaphore_mem>>
      tpu.enqueue_dma source(%arg5 : memref<80x128xf32, #tpu.memory_space<hbm>>) target(%arg11 : memref<80x128xf32, #tpu.memory_space<vmem>>) target_semaphore(%run_scoped3A : memref<!tpu.dma_semaphore, #tpu.memory_space<semaphore_mem>>)
      tpu.wait_dma2 semaphore(%run_scoped3A : memref<!tpu.dma_semaphore, #tpu.memory_space<semaphore_mem>>) src(%arg5 : memref<80x128xf32, #tpu.memory_space<hbm>>) dst(%arg11 : memref<80x128xf32, #tpu.memory_space<vmem>>)
      tpu.yield
    }) : () -> ()
    %while3A = arith.constant 0 : i32
    %while3A_3 = arith.constant 0 : i32
    %while3A_4 = arith.subi %select_n3A, %while3A_3 : i32
    %while3A_5 = arith.addi %while3A_3, %while3A_4 : i32
    %while3A_6 = arith.constant 1 : i32
    %while3A_7 = arith.divsi %while3A_4, %while3A_6 : i32
    %while3A_8 = arith.muli %while3A_7, %while3A_6 : i32
    %while3A_9 = arith.addi %while3A_3, %while3A_8 : i32
    %while3A_10 = arith.constant 1 : i32
    scf.for %while3A_38 = %while3A_3 to %while3A_9 step %while3A_10  : i32 {
      %mul3A_39 = arith.constant 80 : i32
      %mul3A_40 = arith.muli %while3A_38, %mul3A_39 : i32
      %add3A_41 = arith.addi %mul3A_0, %mul3A_40 : i32
      "tpu.region"() ({
        %run_scoped3A = tpu.sem_alloc : memref<!tpu.dma_semaphore, #tpu.memory_space<semaphore_mem>>
        %dma_start3A_42 = arith.constant 0 : i32
        %dma_start3A_43 = tpu.memref_slice %arg13[%add3A_41, %dma_start3A_42] : memref<10000x128xf32, #tpu.memory_space<vmem_shared>> -> memref<80x128xf32, #tpu.memory_space<vmem_shared>>
        %dma_start3A_44 = arith.constant 0 : i32
        %dma_start3A_45 = tpu.memref_slice %arg13[%add3A_41, %dma_start3A_44] : memref<10000x128xf32, #tpu.memory_space<vmem_shared>> -> memref<80x128xf32, #tpu.memory_space<vmem_shared>>
        tpu.enqueue_dma source(%arg11 : memref<80x128xf32, #tpu.memory_space<vmem>>) target(%dma_start3A_45 : memref<80x128xf32, #tpu.memory_space<vmem_shared>>) target_semaphore(%run_scoped3A : memref<!tpu.dma_semaphore, #tpu.memory_space<semaphore_mem>>)
        %dma_wait3A_46 = arith.constant 0 : i32
        %dma_wait3A_47 = tpu.memref_slice %arg13[%add3A_41, %dma_wait3A_46] : memref<10000x128xf32, #tpu.memory_space<vmem_shared>> -> memref<80x128xf32, #tpu.memory_space<vmem_shared>>
        %dma_wait3A_48 = arith.constant 0 : i32
        %dma_wait3A_49 = tpu.memref_slice %arg13[%add3A_41, %dma_wait3A_48] : memref<10000x128xf32, #tpu.memory_space<vmem_shared>> -> memref<80x128xf32, #tpu.memory_space<vmem_shared>>
        tpu.wait_dma2 semaphore(%run_scoped3A : memref<!tpu.dma_semaphore, #tpu.memory_space<semaphore_mem>>) src(%arg11 : memref<80x128xf32, #tpu.memory_space<vmem>>) dst(%dma_wait3A_49 : memref<80x128xf32, #tpu.memory_space<vmem_shared>>)
        tpu.yield
      }) : () -> ()
    }
    %while3A_11 = arith.constant 1 : i32
    scf.for %while3A_38 = %while3A_9 to %while3A_5 step %while3A_11  : i32 {
      %mul3A_39 = arith.constant 80 : i32
      %mul3A_40 = arith.muli %while3A_38, %mul3A_39 : i32
      %add3A_41 = arith.addi %mul3A_0, %mul3A_40 : i32
      "tpu.region"() ({
        %run_scoped3A = tpu.sem_alloc : memref<!tpu.dma_semaphore, #tpu.memory_space<semaphore_mem>>
        %dma_start3A_42 = arith.constant 0 : i32
        %dma_start3A_43 = tpu.memref_slice %arg13[%add3A_41, %dma_start3A_42] : memref<10000x128xf32, #tpu.memory_space<vmem_shared>> -> memref<80x128xf32, #tpu.memory_space<vmem_shared>>
        %dma_start3A_44 = arith.constant 0 : i32
        %dma_start3A_45 = tpu.memref_slice %arg13[%add3A_41, %dma_start3A_44] : memref<10000x128xf32, #tpu.memory_space<vmem_shared>> -> memref<80x128xf32, #tpu.memory_space<vmem_shared>>
        tpu.enqueue_dma source(%arg11 : memref<80x128xf32, #tpu.memory_space<vmem>>) target(%dma_start3A_45 : memref<80x128xf32, #tpu.memory_space<vmem_shared>>) target_semaphore(%run_scoped3A : memref<!tpu.dma_semaphore, #tpu.memory_space<semaphore_mem>>)
        %dma_wait3A_46 = arith.constant 0 : i32
        %dma_wait3A_47 = tpu.memref_slice %arg13[%add3A_41, %dma_wait3A_46] : memref<10000x128xf32, #tpu.memory_space<vmem_shared>> -> memref<80x128xf32, #tpu.memory_space<vmem_shared>>
        %dma_wait3A_48 = arith.constant 0 : i32
        %dma_wait3A_49 = tpu.memref_slice %arg13[%add3A_41, %dma_wait3A_48] : memref<10000x128xf32, #tpu.memory_space<vmem_shared>> -> memref<80x128xf32, #tpu.memory_space<vmem_shared>>
        tpu.wait_dma2 semaphore(%run_scoped3A : memref<!tpu.dma_semaphore, #tpu.memory_space<semaphore_mem>>) src(%arg11 : memref<80x128xf32, #tpu.memory_space<vmem>>) dst(%dma_wait3A_49 : memref<80x128xf32, #tpu.memory_space<vmem_shared>>)
        tpu.yield
      }) : () -> ()
    }
    %barrier3A = arith.constant 0 : index
    tpu.barrier barrier_id(%barrier3A)
    %mul3A_12 = arith.constant 2 : i32
    %mul3A_13 = arith.muli %arg1, %mul3A_12 : i32
    %add3A = arith.addi %mul3A_13, %arg0 : i32
    %mul3A_14 = arith.constant 10000 : i32
    %mul3A_15 = arith.muli %add3A, %mul3A_14 : i32
    %scan3A = arith.constant 0 : i32
    %scan3A_16 = arith.constant 0 : i32
    %scan3A_17 = arith.constant 62 : i32
    %scan3A_18 = arith.addi %scan3A_16, %scan3A_17 : i32
    %scan3A_19 = arith.constant 1 : i32
    scf.for %scan3A_38 = %scan3A_16 to %scan3A_18 step %scan3A_19  : i32 {
      %mul3A_39 = arith.constant 2 : i32
      %mul3A_40 = arith.muli %mul3A_39, %scan3A_38 : i32
      %mul3A_41 = arith.constant 80 : i32
      %mul3A_42 = arith.muli %mul3A_40, %mul3A_41 : i32
      %add3A_43 = arith.addi %mul3A_15, %mul3A_42 : i32
      %add3A_44 = arith.constant 80 : i32
      %add3A_45 = arith.addi %add3A_43, %add3A_44 : i32
      %dma_start3A_46 = tpu.memref_slice %arg3[%add3A_43] : memref<320000xi32, #tpu.memory_space<hbm>> -> memref<80xi32, #tpu.memory_space<hbm>>
      %dma_start3A_47 = tpu.memref_slice %arg3[%add3A_43] : memref<320000xi32, #tpu.memory_space<hbm>> -> memref<80xi32, #tpu.memory_space<hbm>>
      tpu.enqueue_dma source(%dma_start3A_47 : memref<80xi32, #tpu.memory_space<hbm>>) target(%arg7 : memref<80xi32, #tpu.memory_space<vmem>>) target_semaphore(%arg14 : memref<!tpu.dma_semaphore, #tpu.memory_space<semaphore_mem>>)
      %dma_start3A_48 = tpu.memref_slice %arg4[%add3A_43] : memref<320000xi32, #tpu.memory_space<hbm>> -> memref<80xi32, #tpu.memory_space<hbm>>
      %dma_start3A_49 = tpu.memref_slice %arg4[%add3A_43] : memref<320000xi32, #tpu.memory_space<hbm>> -> memref<80xi32, #tpu.memory_space<hbm>>
      tpu.enqueue_dma source(%dma_start3A_49 : memref<80xi32, #tpu.memory_space<hbm>>) target(%arg9 : memref<80xi32, #tpu.memory_space<vmem>>) target_semaphore(%arg14 : memref<!tpu.dma_semaphore, #tpu.memory_space<semaphore_mem>>)
      %dma_start3A_50 = tpu.memref_slice %arg3[%add3A_45] : memref<320000xi32, #tpu.memory_space<hbm>> -> memref<80xi32, #tpu.memory_space<hbm>>
      %dma_start3A_51 = tpu.memref_slice %arg3[%add3A_45] : memref<320000xi32, #tpu.memory_space<hbm>> -> memref<80xi32, #tpu.memory_space<hbm>>
      tpu.enqueue_dma source(%dma_start3A_51 : memref<80xi32, #tpu.memory_space<hbm>>) target(%arg8 : memref<80xi32, #tpu.memory_space<vmem>>) target_semaphore(%arg15 : memref<!tpu.dma_semaphore, #tpu.memory_space<semaphore_mem>>)
      %dma_start3A_52 = tpu.memref_slice %arg4[%add3A_45] : memref<320000xi32, #tpu.memory_space<hbm>> -> memref<80xi32, #tpu.memory_space<hbm>>
      %dma_start3A_53 = tpu.memref_slice %arg4[%add3A_45] : memref<320000xi32, #tpu.memory_space<hbm>> -> memref<80xi32, #tpu.memory_space<hbm>>
      tpu.enqueue_dma source(%dma_start3A_53 : memref<80xi32, #tpu.memory_space<hbm>>) target(%arg10 : memref<80xi32, #tpu.memory_space<vmem>>) target_semaphore(%arg15 : memref<!tpu.dma_semaphore, #tpu.memory_space<semaphore_mem>>)
      %dma_wait3A_54 = tpu.memref_slice %arg3[%add3A_43] : memref<320000xi32, #tpu.memory_space<hbm>> -> memref<80xi32, #tpu.memory_space<hbm>>
      %dma_wait3A_55 = tpu.memref_slice %arg3[%add3A_43] : memref<320000xi32, #tpu.memory_space<hbm>> -> memref<80xi32, #tpu.memory_space<hbm>>
      tpu.wait_dma2 semaphore(%arg14 : memref<!tpu.dma_semaphore, #tpu.memory_space<semaphore_mem>>) src(%dma_wait3A_55 : memref<80xi32, #tpu.memory_space<hbm>>) dst(%arg7 : memref<80xi32, #tpu.memory_space<vmem>>)
      %dma_wait3A_56 = tpu.memref_slice %arg4[%add3A_43] : memref<320000xi32, #tpu.memory_space<hbm>> -> memref<80xi32, #tpu.memory_space<hbm>>
      %dma_wait3A_57 = tpu.memref_slice %arg4[%add3A_43] : memref<320000xi32, #tpu.memory_space<hbm>> -> memref<80xi32, #tpu.memory_space<hbm>>
      tpu.wait_dma2 semaphore(%arg14 : memref<!tpu.dma_semaphore, #tpu.memory_space<semaphore_mem>>) src(%dma_wait3A_57 : memref<80xi32, #tpu.memory_space<hbm>>) dst(%arg9 : memref<80xi32, #tpu.memory_space<vmem>>)
      %dma_start3A_58 = arith.constant 0 : i32
      %dma_start3A_59 = arith.constant 0 : i32
      %dma_start3A_60 = tpu.memref_slice %arg2[%dma_start3A_58, %dma_start3A_59] : memref<10000x128xf32, #tpu.memory_space<hbm>> -> memref<10000x128xf32, #tpu.memory_space<hbm>>
      tpu.enqueue_indirect_dma source(%dma_start3A_60 : memref<10000x128xf32, #tpu.memory_space<hbm>>) target(%arg11 : memref<80x128xf32, #tpu.memory_space<vmem>>) offsets(%arg7 : memref<80xi32, #tpu.memory_space<vmem>>) semaphore(%arg16 : memref<!tpu.dma_semaphore, #tpu.memory_space<semaphore_mem>>)
      %dma_wait3A_61 = tpu.memref_slice %arg3[%add3A_45] : memref<320000xi32, #tpu.memory_space<hbm>> -> memref<80xi32, #tpu.memory_space<hbm>>
      %dma_wait3A_62 = tpu.memref_slice %arg3[%add3A_45] : memref<320000xi32, #tpu.memory_space<hbm>> -> memref<80xi32, #tpu.memory_space<hbm>>
      tpu.wait_dma2 semaphore(%arg15 : memref<!tpu.dma_semaphore, #tpu.memory_space<semaphore_mem>>) src(%dma_wait3A_62 : memref<80xi32, #tpu.memory_space<hbm>>) dst(%arg8 : memref<80xi32, #tpu.memory_space<vmem>>)
      %dma_wait3A_63 = tpu.memref_slice %arg4[%add3A_45] : memref<320000xi32, #tpu.memory_space<hbm>> -> memref<80xi32, #tpu.memory_space<hbm>>
      %dma_wait3A_64 = tpu.memref_slice %arg4[%add3A_45] : memref<320000xi32, #tpu.memory_space<hbm>> -> memref<80xi32, #tpu.memory_space<hbm>>
      tpu.wait_dma2 semaphore(%arg15 : memref<!tpu.dma_semaphore, #tpu.memory_space<semaphore_mem>>) src(%dma_wait3A_64 : memref<80xi32, #tpu.memory_space<hbm>>) dst(%arg10 : memref<80xi32, #tpu.memory_space<vmem>>)
      %dma_start3A_65 = arith.constant 0 : i32
      %dma_start3A_66 = arith.constant 0 : i32
      %dma_start3A_67 = tpu.memref_slice %arg2[%dma_start3A_65, %dma_start3A_66] : memref<10000x128xf32, #tpu.memory_space<hbm>> -> memref<10000x128xf32, #tpu.memory_space<hbm>>
      tpu.enqueue_indirect_dma source(%dma_start3A_67 : memref<10000x128xf32, #tpu.memory_space<hbm>>) target(%arg12 : memref<80x128xf32, #tpu.memory_space<vmem>>) offsets(%arg8 : memref<80xi32, #tpu.memory_space<vmem>>) semaphore(%arg17 : memref<!tpu.dma_semaphore, #tpu.memory_space<semaphore_mem>>)
      %dma_wait3A_68 = arith.constant 0 : i32
      %dma_wait3A_69 = arith.constant 0 : i32
      %dma_wait3A_70 = tpu.memref_slice %arg2[%dma_wait3A_68, %dma_wait3A_69] : memref<10000x128xf32, #tpu.memory_space<hbm>> -> memref<10000x128xf32, #tpu.memory_space<hbm>>
      tpu.wait_indirect_dma semaphore(%arg16 : memref<!tpu.dma_semaphore, #tpu.memory_space<semaphore_mem>>) src(%dma_wait3A_70 : memref<10000x128xf32, #tpu.memory_space<hbm>>) dst(%arg11 : memref<80x128xf32, #tpu.memory_space<vmem>>)
      %dma_start3A_71 = arith.constant 0 : i32
      %dma_start3A_72 = arith.constant 0 : i32
      %dma_start3A_73 = tpu.memref_slice %arg13[%dma_start3A_71, %dma_start3A_72] : memref<10000x128xf32, #tpu.memory_space<vmem_shared>> -> memref<10000x128xf32, #tpu.memory_space<vmem_shared>>
      tpu.enqueue_indirect_dma source(%arg11 : memref<80x128xf32, #tpu.memory_space<vmem>>) target(%dma_start3A_73 : memref<10000x128xf32, #tpu.memory_space<vmem_shared>>) offsets(%arg9 : memref<80xi32, #tpu.memory_space<vmem>>) semaphore(%arg18 : memref<!tpu.dma_semaphore, #tpu.memory_space<semaphore_mem>>) {add = true}
      %dma_wait3A_74 = arith.constant 0 : i32
      %dma_wait3A_75 = arith.constant 0 : i32
      %dma_wait3A_76 = tpu.memref_slice %arg2[%dma_wait3A_74, %dma_wait3A_75] : memref<10000x128xf32, #tpu.memory_space<hbm>> -> memref<10000x128xf32, #tpu.memory_space<hbm>>
      tpu.wait_indirect_dma semaphore(%arg17 : memref<!tpu.dma_semaphore, #tpu.memory_space<semaphore_mem>>) src(%dma_wait3A_76 : memref<10000x128xf32, #tpu.memory_space<hbm>>) dst(%arg12 : memref<80x128xf32, #tpu.memory_space<vmem>>)
      %dma_start3A_77 = arith.constant 0 : i32
      %dma_start3A_78 = arith.constant 0 : i32
      %dma_start3A_79 = tpu.memref_slice %arg13[%dma_start3A_77, %dma_start3A_78] : memref<10000x128xf32, #tpu.memory_space<vmem_shared>> -> memref<10000x128xf32, #tpu.memory_space<vmem_shared>>
      tpu.enqueue_indirect_dma source(%arg12 : memref<80x128xf32, #tpu.memory_space<vmem>>) target(%dma_start3A_79 : memref<10000x128xf32, #tpu.memory_space<vmem_shared>>) offsets(%arg10 : memref<80xi32, #tpu.memory_space<vmem>>) semaphore(%arg19 : memref<!tpu.dma_semaphore, #tpu.memory_space<semaphore_mem>>) {add = true}
      %dma_wait3A_80 = arith.constant 0 : i32
      %dma_wait3A_81 = arith.constant 0 : i32
      %dma_wait3A_82 = tpu.memref_slice %arg13[%dma_wait3A_80, %dma_wait3A_81] : memref<10000x128xf32, #tpu.memory_space<vmem_shared>> -> memref<10000x128xf32, #tpu.memory_space<vmem_shared>>
      tpu.wait_indirect_dma semaphore(%arg18 : memref<!tpu.dma_semaphore, #tpu.memory_space<semaphore_mem>>) src(%arg11 : memref<80x128xf32, #tpu.memory_space<vmem>>) dst(%dma_wait3A_82 : memref<10000x128xf32, #tpu.memory_space<vmem_shared>>)
      %dma_wait3A_83 = arith.constant 0 : i32
      %dma_wait3A_84 = arith.constant 0 : i32
      %dma_wait3A_85 = tpu.memref_slice %arg13[%dma_wait3A_83, %dma_wait3A_84] : memref<10000x128xf32, #tpu.memory_space<vmem_shared>> -> memref<10000x128xf32, #tpu.memory_space<vmem_shared>>
      tpu.wait_indirect_dma semaphore(%arg19 : memref<!tpu.dma_semaphore, #tpu.memory_space<semaphore_mem>>) src(%arg12 : memref<80x128xf32, #tpu.memory_space<vmem>>) dst(%dma_wait3A_85 : memref<10000x128xf32, #tpu.memory_space<vmem_shared>>)
    }
    %scan3A_20 = arith.constant 62 : i32
    %add3A_21 = arith.constant 9920 : i32
    %add3A_22 = arith.addi %mul3A_15, %add3A_21 : i32
    "tpu.region"() ({
      %run_scoped3A = tpu.sem_alloc : memref<!tpu.dma_semaphore, #tpu.memory_space<semaphore_mem>>
      %dma_start3A_38 = tpu.memref_slice %arg3[%add3A_22] : memref<320000xi32, #tpu.memory_space<hbm>> -> memref<80xi32, #tpu.memory_space<hbm>>
      %dma_start3A_39 = tpu.memref_slice %arg3[%add3A_22] : memref<320000xi32, #tpu.memory_space<hbm>> -> memref<80xi32, #tpu.memory_space<hbm>>
      tpu.enqueue_dma source(%dma_start3A_39 : memref<80xi32, #tpu.memory_space<hbm>>) target(%arg7 : memref<80xi32, #tpu.memory_space<vmem>>) target_semaphore(%run_scoped3A : memref<!tpu.dma_semaphore, #tpu.memory_space<semaphore_mem>>)
      %dma_wait3A_40 = tpu.memref_slice %arg3[%add3A_22] : memref<320000xi32, #tpu.memory_space<hbm>> -> memref<80xi32, #tpu.memory_space<hbm>>
      %dma_wait3A_41 = tpu.memref_slice %arg3[%add3A_22] : memref<320000xi32, #tpu.memory_space<hbm>> -> memref<80xi32, #tpu.memory_space<hbm>>
      tpu.wait_dma2 semaphore(%run_scoped3A : memref<!tpu.dma_semaphore, #tpu.memory_space<semaphore_mem>>) src(%dma_wait3A_41 : memref<80xi32, #tpu.memory_space<hbm>>) dst(%arg7 : memref<80xi32, #tpu.memory_space<vmem>>)
      tpu.yield
    }) : () -> ()
    "tpu.region"() ({
      %run_scoped3A = tpu.sem_alloc : memref<!tpu.dma_semaphore, #tpu.memory_space<semaphore_mem>>
      %dma_start3A_38 = tpu.memref_slice %arg4[%add3A_22] : memref<320000xi32, #tpu.memory_space<hbm>> -> memref<80xi32, #tpu.memory_space<hbm>>
      %dma_start3A_39 = tpu.memref_slice %arg4[%add3A_22] : memref<320000xi32, #tpu.memory_space<hbm>> -> memref<80xi32, #tpu.memory_space<hbm>>
      tpu.enqueue_dma source(%dma_start3A_39 : memref<80xi32, #tpu.memory_space<hbm>>) target(%arg9 : memref<80xi32, #tpu.memory_space<vmem>>) target_semaphore(%run_scoped3A : memref<!tpu.dma_semaphore, #tpu.memory_space<semaphore_mem>>)
      %dma_wait3A_40 = tpu.memref_slice %arg4[%add3A_22] : memref<320000xi32, #tpu.memory_space<hbm>> -> memref<80xi32, #tpu.memory_space<hbm>>
      %dma_wait3A_41 = tpu.memref_slice %arg4[%add3A_22] : memref<320000xi32, #tpu.memory_space<hbm>> -> memref<80xi32, #tpu.memory_space<hbm>>
      tpu.wait_dma2 semaphore(%run_scoped3A : memref<!tpu.dma_semaphore, #tpu.memory_space<semaphore_mem>>) src(%dma_wait3A_41 : memref<80xi32, #tpu.memory_space<hbm>>) dst(%arg9 : memref<80xi32, #tpu.memory_space<vmem>>)
      tpu.yield
    }) : () -> ()
    %dma_start3A = arith.constant 0 : i32
    %dma_start3A_23 = arith.constant 0 : i32
    %dma_start3A_24 = tpu.memref_slice %arg2[%dma_start3A, %dma_start3A_23] : memref<10000x128xf32, #tpu.memory_space<hbm>> -> memref<10000x128xf32, #tpu.memory_space<hbm>>
    tpu.enqueue_indirect_dma source(%dma_start3A_24 : memref<10000x128xf32, #tpu.memory_space<hbm>>) target(%arg11 : memref<80x128xf32, #tpu.memory_space<vmem>>) offsets(%arg7 : memref<80xi32, #tpu.memory_space<vmem>>) semaphore(%arg16 : memref<!tpu.dma_semaphore, #tpu.memory_space<semaphore_mem>>)
    %dma_wait3A = arith.constant 0 : i32
    %dma_wait3A_25 = arith.constant 0 : i32
    %dma_wait3A_26 = tpu.memref_slice %arg2[%dma_wait3A, %dma_wait3A_25] : memref<10000x128xf32, #tpu.memory_space<hbm>> -> memref<10000x128xf32, #tpu.memory_space<hbm>>
    tpu.wait_indirect_dma semaphore(%arg16 : memref<!tpu.dma_semaphore, #tpu.memory_space<semaphore_mem>>) src(%dma_wait3A_26 : memref<10000x128xf32, #tpu.memory_space<hbm>>) dst(%arg11 : memref<80x128xf32, #tpu.memory_space<vmem>>)
    "tpu.region"() ({
      %run_scoped3A = tpu.sem_alloc : memref<!tpu.dma_semaphore, #tpu.memory_space<semaphore_mem>>
      %dma_start3A_38 = arith.constant 0 : i32
      %dma_start3A_39 = arith.constant 0 : i32
      %dma_start3A_40 = tpu.memref_slice %arg13[%dma_start3A_38, %dma_start3A_39] : memref<10000x128xf32, #tpu.memory_space<vmem_shared>> -> memref<10000x128xf32, #tpu.memory_space<vmem_shared>>
      tpu.enqueue_indirect_dma source(%arg11 : memref<80x128xf32, #tpu.memory_space<vmem>>) target(%dma_start3A_40 : memref<10000x128xf32, #tpu.memory_space<vmem_shared>>) offsets(%arg9 : memref<80xi32, #tpu.memory_space<vmem>>) semaphore(%run_scoped3A : memref<!tpu.dma_semaphore, #tpu.memory_space<semaphore_mem>>) {add = true}
      %dma_wait3A_41 = arith.constant 0 : i32
      %dma_wait3A_42 = arith.constant 0 : i32
      %dma_wait3A_43 = tpu.memref_slice %arg13[%dma_wait3A_41, %dma_wait3A_42] : memref<10000x128xf32, #tpu.memory_space<vmem_shared>> -> memref<10000x128xf32, #tpu.memory_space<vmem_shared>>
      tpu.wait_indirect_dma semaphore(%run_scoped3A : memref<!tpu.dma_semaphore, #tpu.memory_space<semaphore_mem>>) src(%arg11 : memref<80x128xf32, #tpu.memory_space<vmem>>) dst(%dma_wait3A_43 : memref<10000x128xf32, #tpu.memory_space<vmem_shared>>)
      tpu.yield
    }) : () -> ()
    %barrier3A_27 = arith.constant 0 : index
    tpu.barrier barrier_id(%barrier3A_27)
    %while3A_28 = arith.constant 0 : i32
    %while3A_29 = arith.constant 0 : i32
    %while3A_30 = arith.subi %select_n3A, %while3A_29 : i32
    %while3A_31 = arith.addi %while3A_29, %while3A_30 : i32
    %while3A_32 = arith.constant 1 : i32
    %while3A_33 = arith.divsi %while3A_30, %while3A_32 : i32
    %while3A_34 = arith.muli %while3A_33, %while3A_32 : i32
    %while3A_35 = arith.addi %while3A_29, %while3A_34 : i32
    %while3A_36 = arith.constant 1 : i32
    scf.for %while3A_38 = %while3A_29 to %while3A_35 step %while3A_36  : i32 {
      %mul3A_39 = arith.constant 80 : i32
      %mul3A_40 = arith.muli %while3A_38, %mul3A_39 : i32
      %add3A_41 = arith.addi %mul3A_0, %mul3A_40 : i32
      "tpu.region"() ({
        %run_scoped3A = tpu.sem_alloc : memref<!tpu.dma_semaphore, #tpu.memory_space<semaphore_mem>>
        %dma_start3A_42 = arith.constant 0 : i32
        %dma_start3A_43 = tpu.memref_slice %arg13[%add3A_41, %dma_start3A_42] : memref<10000x128xf32, #tpu.memory_space<vmem_shared>> -> memref<80x128xf32, #tpu.memory_space<vmem_shared>>
        %dma_start3A_44 = arith.constant 0 : i32
        %dma_start3A_45 = tpu.memref_slice %arg13[%add3A_41, %dma_start3A_44] : memref<10000x128xf32, #tpu.memory_space<vmem_shared>> -> memref<80x128xf32, #tpu.memory_space<vmem_shared>>
        tpu.enqueue_dma source(%dma_start3A_45 : memref<80x128xf32, #tpu.memory_space<vmem_shared>>) target(%arg11 : memref<80x128xf32, #tpu.memory_space<vmem>>) target_semaphore(%run_scoped3A : memref<!tpu.dma_semaphore, #tpu.memory_space<semaphore_mem>>)
        %dma_wait3A_46 = arith.constant 0 : i32
        %dma_wait3A_47 = tpu.memref_slice %arg13[%add3A_41, %dma_wait3A_46] : memref<10000x128xf32, #tpu.memory_space<vmem_shared>> -> memref<80x128xf32, #tpu.memory_space<vmem_shared>>
        %dma_wait3A_48 = arith.constant 0 : i32
        %dma_wait3A_49 = tpu.memref_slice %arg13[%add3A_41, %dma_wait3A_48] : memref<10000x128xf32, #tpu.memory_space<vmem_shared>> -> memref<80x128xf32, #tpu.memory_space<vmem_shared>>
        tpu.wait_dma2 semaphore(%run_scoped3A : memref<!tpu.dma_semaphore, #tpu.memory_space<semaphore_mem>>) src(%dma_wait3A_49 : memref<80x128xf32, #tpu.memory_space<vmem_shared>>) dst(%arg11 : memref<80x128xf32, #tpu.memory_space<vmem>>)
        tpu.yield
      }) : () -> ()
      "tpu.region"() ({
        %run_scoped3A = tpu.sem_alloc : memref<!tpu.dma_semaphore, #tpu.memory_space<semaphore_mem>>
        %dma_start3A_42 = arith.constant 0 : i32
        %dma_start3A_43 = tpu.memref_slice %arg6[%arg0, %add3A_41, %dma_start3A_42] : memref<2x10000x128xf32, #tpu.memory_space<hbm>> -> memref<1x80x128xf32, #tpu.memory_space<hbm>>
        %dma_start3A_44 = tpu.memref_squeeze %dma_start3A_43 : memref<1x80x128xf32, #tpu.memory_space<hbm>> -> memref<80x128xf32, #tpu.memory_space<hbm>>
        %dma_start3A_45 = arith.constant 0 : i32
        %dma_start3A_46 = tpu.memref_slice %arg6[%arg0, %add3A_41, %dma_start3A_45] : memref<2x10000x128xf32, #tpu.memory_space<hbm>> -> memref<1x80x128xf32, #tpu.memory_space<hbm>>
        %dma_start3A_47 = tpu.memref_squeeze %dma_start3A_46 : memref<1x80x128xf32, #tpu.memory_space<hbm>> -> memref<80x128xf32, #tpu.memory_space<hbm>>
        tpu.enqueue_dma source(%arg11 : memref<80x128xf32, #tpu.memory_space<vmem>>) target(%dma_start3A_47 : memref<80x128xf32, #tpu.memory_space<hbm>>) target_semaphore(%run_scoped3A : memref<!tpu.dma_semaphore, #tpu.memory_space<semaphore_mem>>)
        %dma_wait3A_48 = arith.constant 0 : i32
        %dma_wait3A_49 = tpu.memref_slice %arg6[%arg0, %add3A_41, %dma_wait3A_48] : memref<2x10000x128xf32, #tpu.memory_space<hbm>> -> memref<1x80x128xf32, #tpu.memory_space<hbm>>
        %dma_wait3A_50 = tpu.memref_squeeze %dma_wait3A_49 : memref<1x80x128xf32, #tpu.memory_space<hbm>> -> memref<80x128xf32, #tpu.memory_space<hbm>>
        %dma_wait3A_51 = arith.constant 0 : i32
        %dma_wait3A_52 = tpu.memref_slice %arg6[%arg0, %add3A_41, %dma_wait3A_51] : memref<2x10000x128xf32, #tpu.memory_space<hbm>> -> memref<1x80x128xf32, #tpu.memory_space<hbm>>
        %dma_wait3A_53 = tpu.memref_squeeze %dma_wait3A_52 : memref<1x80x128xf32, #tpu.memory_space<hbm>> -> memref<80x128xf32, #tpu.memory_space<hbm>>
        tpu.wait_dma2 semaphore(%run_scoped3A : memref<!tpu.dma_semaphore, #tpu.memory_space<semaphore_mem>>) src(%arg11 : memref<80x128xf32, #tpu.memory_space<vmem>>) dst(%dma_wait3A_53 : memref<80x128xf32, #tpu.memory_space<hbm>>)
        tpu.yield
      }) : () -> ()
    }
    %while3A_37 = arith.constant 1 : i32
    scf.for %while3A_38 = %while3A_35 to %while3A_31 step %while3A_37  : i32 {
      %mul3A_39 = arith.constant 80 : i32
      %mul3A_40 = arith.muli %while3A_38, %mul3A_39 : i32
      %add3A_41 = arith.addi %mul3A_0, %mul3A_40 : i32
      "tpu.region"() ({
        %run_scoped3A = tpu.sem_alloc : memref<!tpu.dma_semaphore, #tpu.memory_space<semaphore_mem>>
        %dma_start3A_42 = arith.constant 0 : i32
        %dma_start3A_43 = tpu.memref_slice %arg13[%add3A_41, %dma_start3A_42] : memref<10000x128xf32, #tpu.memory_space<vmem_shared>> -> memref<80x128xf32, #tpu.memory_space<vmem_shared>>
        %dma_start3A_44 = arith.constant 0 : i32
        %dma_start3A_45 = tpu.memref_slice %arg13[%add3A_41, %dma_start3A_44] : memref<10000x128xf32, #tpu.memory_space<vmem_shared>> -> memref<80x128xf32, #tpu.memory_space<vmem_shared>>
        tpu.enqueue_dma source(%dma_start3A_45 : memref<80x128xf32, #tpu.memory_space<vmem_shared>>) target(%arg11 : memref<80x128xf32, #tpu.memory_space<vmem>>) target_semaphore(%run_scoped3A : memref<!tpu.dma_semaphore, #tpu.memory_space<semaphore_mem>>)
        %dma_wait3A_46 = arith.constant 0 : i32
        %dma_wait3A_47 = tpu.memref_slice %arg13[%add3A_41, %dma_wait3A_46] : memref<10000x128xf32, #tpu.memory_space<vmem_shared>> -> memref<80x128xf32, #tpu.memory_space<vmem_shared>>
        %dma_wait3A_48 = arith.constant 0 : i32
        %dma_wait3A_49 = tpu.memref_slice %arg13[%add3A_41, %dma_wait3A_48] : memref<10000x128xf32, #tpu.memory_space<vmem_shared>> -> memref<80x128xf32, #tpu.memory_space<vmem_shared>>
        tpu.wait_dma2 semaphore(%run_scoped3A : memref<!tpu.dma_semaphore, #tpu.memory_space<semaphore_mem>>) src(%dma_wait3A_49 : memref<80x128xf32, #tpu.memory_space<vmem_shared>>) dst(%arg11 : memref<80x128xf32, #tpu.memory_space<vmem>>)
        tpu.yield
      }) : () -> ()
      "tpu.region"() ({
        %run_scoped3A = tpu.sem_alloc : memref<!tpu.dma_semaphore, #tpu.memory_space<semaphore_mem>>
        %dma_start3A_42 = arith.constant 0 : i32
        %dma_start3A_43 = tpu.memref_slice %arg6[%arg0, %add3A_41, %dma_start3A_42] : memref<2x10000x128xf32, #tpu.memory_space<hbm>> -> memref<1x80x128xf32, #tpu.memory_space<hbm>>
        %dma_start3A_44 = tpu.memref_squeeze %dma_start3A_43 : memref<1x80x128xf32, #tpu.memory_space<hbm>> -> memref<80x128xf32, #tpu.memory_space<hbm>>
        %dma_start3A_45 = arith.constant 0 : i32
        %dma_start3A_46 = tpu.memref_slice %arg6[%arg0, %add3A_41, %dma_start3A_45] : memref<2x10000x128xf32, #tpu.memory_space<hbm>> -> memref<1x80x128xf32, #tpu.memory_space<hbm>>
        %dma_start3A_47 = tpu.memref_squeeze %dma_start3A_46 : memref<1x80x128xf32, #tpu.memory_space<hbm>> -> memref<80x128xf32, #tpu.memory_space<hbm>>
        tpu.enqueue_dma source(%arg11 : memref<80x128xf32, #tpu.memory_space<vmem>>) target(%dma_start3A_47 : memref<80x128xf32, #tpu.memory_space<hbm>>) target_semaphore(%run_scoped3A : memref<!tpu.dma_semaphore, #tpu.memory_space<semaphore_mem>>)
        %dma_wait3A_48 = arith.constant 0 : i32
        %dma_wait3A_49 = tpu.memref_slice %arg6[%arg0, %add3A_41, %dma_wait3A_48] : memref<2x10000x128xf32, #tpu.memory_space<hbm>> -> memref<1x80x128xf32, #tpu.memory_space<hbm>>
        %dma_wait3A_50 = tpu.memref_squeeze %dma_wait3A_49 : memref<1x80x128xf32, #tpu.memory_space<hbm>> -> memref<80x128xf32, #tpu.memory_space<hbm>>
        %dma_wait3A_51 = arith.constant 0 : i32
        %dma_wait3A_52 = tpu.memref_slice %arg6[%arg0, %add3A_41, %dma_wait3A_51] : memref<2x10000x128xf32, #tpu.memory_space<hbm>> -> memref<1x80x128xf32, #tpu.memory_space<hbm>>
        %dma_wait3A_53 = tpu.memref_squeeze %dma_wait3A_52 : memref<1x80x128xf32, #tpu.memory_space<hbm>> -> memref<80x128xf32, #tpu.memory_space<hbm>>
        tpu.wait_dma2 semaphore(%run_scoped3A : memref<!tpu.dma_semaphore, #tpu.memory_space<semaphore_mem>>) src(%arg11 : memref<80x128xf32, #tpu.memory_space<vmem>>) dst(%dma_wait3A_53 : memref<80x128xf32, #tpu.memory_space<hbm>>)
        tpu.yield
      }) : () -> ()
    }
    return
  }
}

#map = affine_map<(d0, d1) -> (0)>
#map1 = affine_map<(d0, d1) -> (0, 0)>
#map2 = affine_map<(d0, d1) -> (0, 0, 0)>
module attributes {stable_mosaic.version = 14 : i64} {
  func.func @deg(%arg0: i32, %arg1: i32, %arg2: memref<320000xi32, #tpu.memory_space<hbm>>, %arg3: memref<80x128xf32, #tpu.memory_space<hbm>>, %arg4: memref<80x128xf32, #tpu.memory_space<hbm>>, %arg5: memref<2x10000x128xf32, #tpu.memory_space<hbm>>, %arg6: memref<80xi32, #tpu.memory_space<vmem>>, %arg7: memref<80xi32, #tpu.memory_space<vmem>>, %arg8: memref<80xi32, #tpu.memory_space<vmem>>, %arg9: memref<80xi32, #tpu.memory_space<vmem>>, %arg10: memref<80x128xf32, #tpu.memory_space<vmem>>, %arg11: memref<10000x128xf32, #tpu.memory_space<vmem_shared>>, %arg12: memref<!tpu.dma_semaphore, #tpu.memory_space<semaphore_mem>>, %arg13: memref<!tpu.dma_semaphore, #tpu.memory_space<semaphore_mem>>, %arg14: memref<!tpu.dma_semaphore, #tpu.memory_space<semaphore_mem>>, %arg15: memref<!tpu.dma_semaphore, #tpu.memory_space<semaphore_mem>>, %arg16: memref<!tpu.dma_semaphore, #tpu.memory_space<semaphore_mem>>, %arg17: memref<!tpu.dma_semaphore, #tpu.memory_space<semaphore_mem>>, %arg18: memref<!tpu.dma_semaphore, #tpu.memory_space<semaphore_mem>>, %arg19: memref<!tpu.dma_semaphore, #tpu.memory_space<semaphore_mem>>) attributes {dimension_semantics = [#tpu.dimension_semantics<core_parallel>, #tpu.dimension_semantics<subcore_parallel>], iteration_bounds = array<i64: 2, 16>, scalar_prefetch = 0 : i64, scratch_operands = 14 : i64, tpu.core_type = #tpu.core_type<sc_vector_subcore>, window_params = [{transform_indices = #map}, {transform_indices = #map1}, {transform_indices = #map1}, {transform_indices = #map2}]} {
    %mul3A = arith.constant 640 : i32
    %mul3A_0 = arith.muli %arg1, %mul3A : i32
    %eq3A = arith.constant 15 : i32
    %eq3A_1 = arith.cmpi eq, %arg1, %eq3A : i32
    %jit3A = arith.constant 5 : i32
    %jit3A_2 = arith.constant 8 : i32
    %select_n3A = arith.select %eq3A_1, %jit3A, %jit3A_2 : i32
    "tpu.region"() ({
      %run_scoped3A = tpu.sem_alloc : memref<!tpu.dma_semaphore, #tpu.memory_space<semaphore_mem>>
      tpu.enqueue_dma source(%arg3 : memref<80x128xf32, #tpu.memory_space<hbm>>) target(%arg10 : memref<80x128xf32, #tpu.memory_space<vmem>>) target_semaphore(%run_scoped3A : memref<!tpu.dma_semaphore, #tpu.memory_space<semaphore_mem>>)
      tpu.wait_dma2 semaphore(%run_scoped3A : memref<!tpu.dma_semaphore, #tpu.memory_space<semaphore_mem>>) src(%arg3 : memref<80x128xf32, #tpu.memory_space<hbm>>) dst(%arg10 : memref<80x128xf32, #tpu.memory_space<vmem>>)
      tpu.yield
    }) : () -> ()
    %while3A = arith.constant 0 : i32
    %while3A_3 = arith.constant 0 : i32
    %while3A_4 = arith.subi %select_n3A, %while3A_3 : i32
    %while3A_5 = arith.addi %while3A_3, %while3A_4 : i32
    %while3A_6 = arith.constant 1 : i32
    %while3A_7 = arith.divsi %while3A_4, %while3A_6 : i32
    %while3A_8 = arith.muli %while3A_7, %while3A_6 : i32
    %while3A_9 = arith.addi %while3A_3, %while3A_8 : i32
    %while3A_10 = arith.constant 1 : i32
    scf.for %while3A_34 = %while3A_3 to %while3A_9 step %while3A_10  : i32 {
      %mul3A_35 = arith.constant 80 : i32
      %mul3A_36 = arith.muli %while3A_34, %mul3A_35 : i32
      %add3A_37 = arith.addi %mul3A_0, %mul3A_36 : i32
      "tpu.region"() ({
        %run_scoped3A = tpu.sem_alloc : memref<!tpu.dma_semaphore, #tpu.memory_space<semaphore_mem>>
        %dma_start3A = arith.constant 0 : i32
        %dma_start3A_38 = tpu.memref_slice %arg11[%add3A_37, %dma_start3A] : memref<10000x128xf32, #tpu.memory_space<vmem_shared>> -> memref<80x128xf32, #tpu.memory_space<vmem_shared>>
        %dma_start3A_39 = arith.constant 0 : i32
        %dma_start3A_40 = tpu.memref_slice %arg11[%add3A_37, %dma_start3A_39] : memref<10000x128xf32, #tpu.memory_space<vmem_shared>> -> memref<80x128xf32, #tpu.memory_space<vmem_shared>>
        tpu.enqueue_dma source(%arg10 : memref<80x128xf32, #tpu.memory_space<vmem>>) target(%dma_start3A_40 : memref<80x128xf32, #tpu.memory_space<vmem_shared>>) target_semaphore(%run_scoped3A : memref<!tpu.dma_semaphore, #tpu.memory_space<semaphore_mem>>)
        %dma_wait3A = arith.constant 0 : i32
        %dma_wait3A_41 = tpu.memref_slice %arg11[%add3A_37, %dma_wait3A] : memref<10000x128xf32, #tpu.memory_space<vmem_shared>> -> memref<80x128xf32, #tpu.memory_space<vmem_shared>>
        %dma_wait3A_42 = arith.constant 0 : i32
        %dma_wait3A_43 = tpu.memref_slice %arg11[%add3A_37, %dma_wait3A_42] : memref<10000x128xf32, #tpu.memory_space<vmem_shared>> -> memref<80x128xf32, #tpu.memory_space<vmem_shared>>
        tpu.wait_dma2 semaphore(%run_scoped3A : memref<!tpu.dma_semaphore, #tpu.memory_space<semaphore_mem>>) src(%arg10 : memref<80x128xf32, #tpu.memory_space<vmem>>) dst(%dma_wait3A_43 : memref<80x128xf32, #tpu.memory_space<vmem_shared>>)
        tpu.yield
      }) : () -> ()
    }
    %while3A_11 = arith.constant 1 : i32
    scf.for %while3A_34 = %while3A_9 to %while3A_5 step %while3A_11  : i32 {
      %mul3A_35 = arith.constant 80 : i32
      %mul3A_36 = arith.muli %while3A_34, %mul3A_35 : i32
      %add3A_37 = arith.addi %mul3A_0, %mul3A_36 : i32
      "tpu.region"() ({
        %run_scoped3A = tpu.sem_alloc : memref<!tpu.dma_semaphore, #tpu.memory_space<semaphore_mem>>
        %dma_start3A = arith.constant 0 : i32
        %dma_start3A_38 = tpu.memref_slice %arg11[%add3A_37, %dma_start3A] : memref<10000x128xf32, #tpu.memory_space<vmem_shared>> -> memref<80x128xf32, #tpu.memory_space<vmem_shared>>
        %dma_start3A_39 = arith.constant 0 : i32
        %dma_start3A_40 = tpu.memref_slice %arg11[%add3A_37, %dma_start3A_39] : memref<10000x128xf32, #tpu.memory_space<vmem_shared>> -> memref<80x128xf32, #tpu.memory_space<vmem_shared>>
        tpu.enqueue_dma source(%arg10 : memref<80x128xf32, #tpu.memory_space<vmem>>) target(%dma_start3A_40 : memref<80x128xf32, #tpu.memory_space<vmem_shared>>) target_semaphore(%run_scoped3A : memref<!tpu.dma_semaphore, #tpu.memory_space<semaphore_mem>>)
        %dma_wait3A = arith.constant 0 : i32
        %dma_wait3A_41 = tpu.memref_slice %arg11[%add3A_37, %dma_wait3A] : memref<10000x128xf32, #tpu.memory_space<vmem_shared>> -> memref<80x128xf32, #tpu.memory_space<vmem_shared>>
        %dma_wait3A_42 = arith.constant 0 : i32
        %dma_wait3A_43 = tpu.memref_slice %arg11[%add3A_37, %dma_wait3A_42] : memref<10000x128xf32, #tpu.memory_space<vmem_shared>> -> memref<80x128xf32, #tpu.memory_space<vmem_shared>>
        tpu.wait_dma2 semaphore(%run_scoped3A : memref<!tpu.dma_semaphore, #tpu.memory_space<semaphore_mem>>) src(%arg10 : memref<80x128xf32, #tpu.memory_space<vmem>>) dst(%dma_wait3A_43 : memref<80x128xf32, #tpu.memory_space<vmem_shared>>)
        tpu.yield
      }) : () -> ()
    }
    "tpu.region"() ({
      %run_scoped3A = tpu.sem_alloc : memref<!tpu.dma_semaphore, #tpu.memory_space<semaphore_mem>>
      tpu.enqueue_dma source(%arg4 : memref<80x128xf32, #tpu.memory_space<hbm>>) target(%arg10 : memref<80x128xf32, #tpu.memory_space<vmem>>) target_semaphore(%run_scoped3A : memref<!tpu.dma_semaphore, #tpu.memory_space<semaphore_mem>>)
      tpu.wait_dma2 semaphore(%run_scoped3A : memref<!tpu.dma_semaphore, #tpu.memory_space<semaphore_mem>>) src(%arg4 : memref<80x128xf32, #tpu.memory_space<hbm>>) dst(%arg10 : memref<80x128xf32, #tpu.memory_space<vmem>>)
      tpu.yield
    }) : () -> ()
    %barrier3A = arith.constant 0 : index
    tpu.barrier barrier_id(%barrier3A)
    %mul3A_12 = arith.constant 2 : i32
    %mul3A_13 = arith.muli %arg1, %mul3A_12 : i32
    %add3A = arith.addi %mul3A_13, %arg0 : i32
    %mul3A_14 = arith.constant 10000 : i32
    %mul3A_15 = arith.muli %add3A, %mul3A_14 : i32
    %scan3A = arith.constant 0 : i32
    %scan3A_16 = arith.constant 0 : i32
    %scan3A_17 = arith.constant 31 : i32
    %scan3A_18 = arith.addi %scan3A_16, %scan3A_17 : i32
    %scan3A_19 = arith.constant 1 : i32
    scf.for %scan3A_34 = %scan3A_16 to %scan3A_18 step %scan3A_19  : i32 {
      %mul3A_35 = arith.constant 4 : i32
      %mul3A_36 = arith.muli %mul3A_35, %scan3A_34 : i32
      %add3A_37 = arith.constant 0 : i32
      %add3A_38 = arith.addi %mul3A_36, %add3A_37 : i32
      %mul3A_39 = arith.constant 80 : i32
      %mul3A_40 = arith.muli %add3A_38, %mul3A_39 : i32
      %add3A_41 = arith.addi %mul3A_15, %mul3A_40 : i32
      %mul3A_42 = arith.constant 4 : i32
      %mul3A_43 = arith.muli %mul3A_42, %scan3A_34 : i32
      %add3A_44 = arith.constant 1 : i32
      %add3A_45 = arith.addi %mul3A_43, %add3A_44 : i32
      %mul3A_46 = arith.constant 80 : i32
      %mul3A_47 = arith.muli %add3A_45, %mul3A_46 : i32
      %add3A_48 = arith.addi %mul3A_15, %mul3A_47 : i32
      %mul3A_49 = arith.constant 4 : i32
      %mul3A_50 = arith.muli %mul3A_49, %scan3A_34 : i32
      %add3A_51 = arith.constant 2 : i32
      %add3A_52 = arith.addi %mul3A_50, %add3A_51 : i32
      %mul3A_53 = arith.constant 80 : i32
      %mul3A_54 = arith.muli %add3A_52, %mul3A_53 : i32
      %add3A_55 = arith.addi %mul3A_15, %mul3A_54 : i32
      %mul3A_56 = arith.constant 4 : i32
      %mul3A_57 = arith.muli %mul3A_56, %scan3A_34 : i32
      %add3A_58 = arith.constant 3 : i32
      %add3A_59 = arith.addi %mul3A_57, %add3A_58 : i32
      %mul3A_60 = arith.constant 80 : i32
      %mul3A_61 = arith.muli %add3A_59, %mul3A_60 : i32
      %add3A_62 = arith.addi %mul3A_15, %mul3A_61 : i32
      %dma_start3A = tpu.memref_slice %arg2[%add3A_41] : memref<320000xi32, #tpu.memory_space<hbm>> -> memref<80xi32, #tpu.memory_space<hbm>>
      %dma_start3A_63 = tpu.memref_slice %arg2[%add3A_41] : memref<320000xi32, #tpu.memory_space<hbm>> -> memref<80xi32, #tpu.memory_space<hbm>>
      tpu.enqueue_dma source(%dma_start3A_63 : memref<80xi32, #tpu.memory_space<hbm>>) target(%arg6 : memref<80xi32, #tpu.memory_space<vmem>>) target_semaphore(%arg12 : memref<!tpu.dma_semaphore, #tpu.memory_space<semaphore_mem>>)
      %dma_start3A_64 = tpu.memref_slice %arg2[%add3A_48] : memref<320000xi32, #tpu.memory_space<hbm>> -> memref<80xi32, #tpu.memory_space<hbm>>
      %dma_start3A_65 = tpu.memref_slice %arg2[%add3A_48] : memref<320000xi32, #tpu.memory_space<hbm>> -> memref<80xi32, #tpu.memory_space<hbm>>
      tpu.enqueue_dma source(%dma_start3A_65 : memref<80xi32, #tpu.memory_space<hbm>>) target(%arg7 : memref<80xi32, #tpu.memory_space<vmem>>) target_semaphore(%arg13 : memref<!tpu.dma_semaphore, #tpu.memory_space<semaphore_mem>>)
      %dma_start3A_66 = tpu.memref_slice %arg2[%add3A_55] : memref<320000xi32, #tpu.memory_space<hbm>> -> memref<80xi32, #tpu.memory_space<hbm>>
      %dma_start3A_67 = tpu.memref_slice %arg2[%add3A_55] : memref<320000xi32, #tpu.memory_space<hbm>> -> memref<80xi32, #tpu.memory_space<hbm>>
      tpu.enqueue_dma source(%dma_start3A_67 : memref<80xi32, #tpu.memory_space<hbm>>) target(%arg8 : memref<80xi32, #tpu.memory_space<vmem>>) target_semaphore(%arg14 : memref<!tpu.dma_semaphore, #tpu.memory_space<semaphore_mem>>)
      %dma_start3A_68 = tpu.memref_slice %arg2[%add3A_62] : memref<320000xi32, #tpu.memory_space<hbm>> -> memref<80xi32, #tpu.memory_space<hbm>>
      %dma_start3A_69 = tpu.memref_slice %arg2[%add3A_62] : memref<320000xi32, #tpu.memory_space<hbm>> -> memref<80xi32, #tpu.memory_space<hbm>>
      tpu.enqueue_dma source(%dma_start3A_69 : memref<80xi32, #tpu.memory_space<hbm>>) target(%arg9 : memref<80xi32, #tpu.memory_space<vmem>>) target_semaphore(%arg15 : memref<!tpu.dma_semaphore, #tpu.memory_space<semaphore_mem>>)
      %dma_wait3A = tpu.memref_slice %arg2[%add3A_41] : memref<320000xi32, #tpu.memory_space<hbm>> -> memref<80xi32, #tpu.memory_space<hbm>>
      %dma_wait3A_70 = tpu.memref_slice %arg2[%add3A_41] : memref<320000xi32, #tpu.memory_space<hbm>> -> memref<80xi32, #tpu.memory_space<hbm>>
      tpu.wait_dma2 semaphore(%arg12 : memref<!tpu.dma_semaphore, #tpu.memory_space<semaphore_mem>>) src(%dma_wait3A_70 : memref<80xi32, #tpu.memory_space<hbm>>) dst(%arg6 : memref<80xi32, #tpu.memory_space<vmem>>)
      %dma_start3A_71 = arith.constant 0 : i32
      %dma_start3A_72 = arith.constant 0 : i32
      %dma_start3A_73 = tpu.memref_slice %arg11[%dma_start3A_71, %dma_start3A_72] : memref<10000x128xf32, #tpu.memory_space<vmem_shared>> -> memref<10000x128xf32, #tpu.memory_space<vmem_shared>>
      tpu.enqueue_indirect_dma source(%arg10 : memref<80x128xf32, #tpu.memory_space<vmem>>) target(%dma_start3A_73 : memref<10000x128xf32, #tpu.memory_space<vmem_shared>>) offsets(%arg6 : memref<80xi32, #tpu.memory_space<vmem>>) semaphore(%arg16 : memref<!tpu.dma_semaphore, #tpu.memory_space<semaphore_mem>>) {add = true}
      %dma_wait3A_74 = tpu.memref_slice %arg2[%add3A_48] : memref<320000xi32, #tpu.memory_space<hbm>> -> memref<80xi32, #tpu.memory_space<hbm>>
      %dma_wait3A_75 = tpu.memref_slice %arg2[%add3A_48] : memref<320000xi32, #tpu.memory_space<hbm>> -> memref<80xi32, #tpu.memory_space<hbm>>
      tpu.wait_dma2 semaphore(%arg13 : memref<!tpu.dma_semaphore, #tpu.memory_space<semaphore_mem>>) src(%dma_wait3A_75 : memref<80xi32, #tpu.memory_space<hbm>>) dst(%arg7 : memref<80xi32, #tpu.memory_space<vmem>>)
      %dma_start3A_76 = arith.constant 0 : i32
      %dma_start3A_77 = arith.constant 0 : i32
      %dma_start3A_78 = tpu.memref_slice %arg11[%dma_start3A_76, %dma_start3A_77] : memref<10000x128xf32, #tpu.memory_space<vmem_shared>> -> memref<10000x128xf32, #tpu.memory_space<vmem_shared>>
      tpu.enqueue_indirect_dma source(%arg10 : memref<80x128xf32, #tpu.memory_space<vmem>>) target(%dma_start3A_78 : memref<10000x128xf32, #tpu.memory_space<vmem_shared>>) offsets(%arg7 : memref<80xi32, #tpu.memory_space<vmem>>) semaphore(%arg17 : memref<!tpu.dma_semaphore, #tpu.memory_space<semaphore_mem>>) {add = true}
      %dma_wait3A_79 = tpu.memref_slice %arg2[%add3A_55] : memref<320000xi32, #tpu.memory_space<hbm>> -> memref<80xi32, #tpu.memory_space<hbm>>
      %dma_wait3A_80 = tpu.memref_slice %arg2[%add3A_55] : memref<320000xi32, #tpu.memory_space<hbm>> -> memref<80xi32, #tpu.memory_space<hbm>>
      tpu.wait_dma2 semaphore(%arg14 : memref<!tpu.dma_semaphore, #tpu.memory_space<semaphore_mem>>) src(%dma_wait3A_80 : memref<80xi32, #tpu.memory_space<hbm>>) dst(%arg8 : memref<80xi32, #tpu.memory_space<vmem>>)
      %dma_start3A_81 = arith.constant 0 : i32
      %dma_start3A_82 = arith.constant 0 : i32
      %dma_start3A_83 = tpu.memref_slice %arg11[%dma_start3A_81, %dma_start3A_82] : memref<10000x128xf32, #tpu.memory_space<vmem_shared>> -> memref<10000x128xf32, #tpu.memory_space<vmem_shared>>
      tpu.enqueue_indirect_dma source(%arg10 : memref<80x128xf32, #tpu.memory_space<vmem>>) target(%dma_start3A_83 : memref<10000x128xf32, #tpu.memory_space<vmem_shared>>) offsets(%arg8 : memref<80xi32, #tpu.memory_space<vmem>>) semaphore(%arg18 : memref<!tpu.dma_semaphore, #tpu.memory_space<semaphore_mem>>) {add = true}
      %dma_wait3A_84 = tpu.memref_slice %arg2[%add3A_62] : memref<320000xi32, #tpu.memory_space<hbm>> -> memref<80xi32, #tpu.memory_space<hbm>>
      %dma_wait3A_85 = tpu.memref_slice %arg2[%add3A_62] : memref<320000xi32, #tpu.memory_space<hbm>> -> memref<80xi32, #tpu.memory_space<hbm>>
      tpu.wait_dma2 semaphore(%arg15 : memref<!tpu.dma_semaphore, #tpu.memory_space<semaphore_mem>>) src(%dma_wait3A_85 : memref<80xi32, #tpu.memory_space<hbm>>) dst(%arg9 : memref<80xi32, #tpu.memory_space<vmem>>)
      %dma_start3A_86 = arith.constant 0 : i32
      %dma_start3A_87 = arith.constant 0 : i32
      %dma_start3A_88 = tpu.memref_slice %arg11[%dma_start3A_86, %dma_start3A_87] : memref<10000x128xf32, #tpu.memory_space<vmem_shared>> -> memref<10000x128xf32, #tpu.memory_space<vmem_shared>>
      tpu.enqueue_indirect_dma source(%arg10 : memref<80x128xf32, #tpu.memory_space<vmem>>) target(%dma_start3A_88 : memref<10000x128xf32, #tpu.memory_space<vmem_shared>>) offsets(%arg9 : memref<80xi32, #tpu.memory_space<vmem>>) semaphore(%arg19 : memref<!tpu.dma_semaphore, #tpu.memory_space<semaphore_mem>>) {add = true}
      %dma_wait3A_89 = arith.constant 0 : i32
      %dma_wait3A_90 = arith.constant 0 : i32
      %dma_wait3A_91 = tpu.memref_slice %arg11[%dma_wait3A_89, %dma_wait3A_90] : memref<10000x128xf32, #tpu.memory_space<vmem_shared>> -> memref<10000x128xf32, #tpu.memory_space<vmem_shared>>
      tpu.wait_indirect_dma semaphore(%arg16 : memref<!tpu.dma_semaphore, #tpu.memory_space<semaphore_mem>>) src(%arg10 : memref<80x128xf32, #tpu.memory_space<vmem>>) dst(%dma_wait3A_91 : memref<10000x128xf32, #tpu.memory_space<vmem_shared>>)
      %dma_wait3A_92 = arith.constant 0 : i32
      %dma_wait3A_93 = arith.constant 0 : i32
      %dma_wait3A_94 = tpu.memref_slice %arg11[%dma_wait3A_92, %dma_wait3A_93] : memref<10000x128xf32, #tpu.memory_space<vmem_shared>> -> memref<10000x128xf32, #tpu.memory_space<vmem_shared>>
      tpu.wait_indirect_dma semaphore(%arg17 : memref<!tpu.dma_semaphore, #tpu.memory_space<semaphore_mem>>) src(%arg10 : memref<80x128xf32, #tpu.memory_space<vmem>>) dst(%dma_wait3A_94 : memref<10000x128xf32, #tpu.memory_space<vmem_shared>>)
      %dma_wait3A_95 = arith.constant 0 : i32
      %dma_wait3A_96 = arith.constant 0 : i32
      %dma_wait3A_97 = tpu.memref_slice %arg11[%dma_wait3A_95, %dma_wait3A_96] : memref<10000x128xf32, #tpu.memory_space<vmem_shared>> -> memref<10000x128xf32, #tpu.memory_space<vmem_shared>>
      tpu.wait_indirect_dma semaphore(%arg18 : memref<!tpu.dma_semaphore, #tpu.memory_space<semaphore_mem>>) src(%arg10 : memref<80x128xf32, #tpu.memory_space<vmem>>) dst(%dma_wait3A_97 : memref<10000x128xf32, #tpu.memory_space<vmem_shared>>)
      %dma_wait3A_98 = arith.constant 0 : i32
      %dma_wait3A_99 = arith.constant 0 : i32
      %dma_wait3A_100 = tpu.memref_slice %arg11[%dma_wait3A_98, %dma_wait3A_99] : memref<10000x128xf32, #tpu.memory_space<vmem_shared>> -> memref<10000x128xf32, #tpu.memory_space<vmem_shared>>
      tpu.wait_indirect_dma semaphore(%arg19 : memref<!tpu.dma_semaphore, #tpu.memory_space<semaphore_mem>>) src(%arg10 : memref<80x128xf32, #tpu.memory_space<vmem>>) dst(%dma_wait3A_100 : memref<10000x128xf32, #tpu.memory_space<vmem_shared>>)
    }
    %scan3A_20 = arith.constant 31 : i32
    %add3A_21 = arith.constant 9920 : i32
    %add3A_22 = arith.addi %mul3A_15, %add3A_21 : i32
    "tpu.region"() ({
      %run_scoped3A = tpu.sem_alloc : memref<!tpu.dma_semaphore, #tpu.memory_space<semaphore_mem>>
      %dma_start3A = tpu.memref_slice %arg2[%add3A_22] : memref<320000xi32, #tpu.memory_space<hbm>> -> memref<80xi32, #tpu.memory_space<hbm>>
      %dma_start3A_34 = tpu.memref_slice %arg2[%add3A_22] : memref<320000xi32, #tpu.memory_space<hbm>> -> memref<80xi32, #tpu.memory_space<hbm>>
      tpu.enqueue_dma source(%dma_start3A_34 : memref<80xi32, #tpu.memory_space<hbm>>) target(%arg6 : memref<80xi32, #tpu.memory_space<vmem>>) target_semaphore(%run_scoped3A : memref<!tpu.dma_semaphore, #tpu.memory_space<semaphore_mem>>)
      %dma_wait3A = tpu.memref_slice %arg2[%add3A_22] : memref<320000xi32, #tpu.memory_space<hbm>> -> memref<80xi32, #tpu.memory_space<hbm>>
      %dma_wait3A_35 = tpu.memref_slice %arg2[%add3A_22] : memref<320000xi32, #tpu.memory_space<hbm>> -> memref<80xi32, #tpu.memory_space<hbm>>
      tpu.wait_dma2 semaphore(%run_scoped3A : memref<!tpu.dma_semaphore, #tpu.memory_space<semaphore_mem>>) src(%dma_wait3A_35 : memref<80xi32, #tpu.memory_space<hbm>>) dst(%arg6 : memref<80xi32, #tpu.memory_space<vmem>>)
      tpu.yield
    }) : () -> ()
    "tpu.region"() ({
      %run_scoped3A = tpu.sem_alloc : memref<!tpu.dma_semaphore, #tpu.memory_space<semaphore_mem>>
      %dma_start3A = arith.constant 0 : i32
      %dma_start3A_34 = arith.constant 0 : i32
      %dma_start3A_35 = tpu.memref_slice %arg11[%dma_start3A, %dma_start3A_34] : memref<10000x128xf32, #tpu.memory_space<vmem_shared>> -> memref<10000x128xf32, #tpu.memory_space<vmem_shared>>
      tpu.enqueue_indirect_dma source(%arg10 : memref<80x128xf32, #tpu.memory_space<vmem>>) target(%dma_start3A_35 : memref<10000x128xf32, #tpu.memory_space<vmem_shared>>) offsets(%arg6 : memref<80xi32, #tpu.memory_space<vmem>>) semaphore(%run_scoped3A : memref<!tpu.dma_semaphore, #tpu.memory_space<semaphore_mem>>) {add = true}
      %dma_wait3A = arith.constant 0 : i32
      %dma_wait3A_36 = arith.constant 0 : i32
      %dma_wait3A_37 = tpu.memref_slice %arg11[%dma_wait3A, %dma_wait3A_36] : memref<10000x128xf32, #tpu.memory_space<vmem_shared>> -> memref<10000x128xf32, #tpu.memory_space<vmem_shared>>
      tpu.wait_indirect_dma semaphore(%run_scoped3A : memref<!tpu.dma_semaphore, #tpu.memory_space<semaphore_mem>>) src(%arg10 : memref<80x128xf32, #tpu.memory_space<vmem>>) dst(%dma_wait3A_37 : memref<10000x128xf32, #tpu.memory_space<vmem_shared>>)
      tpu.yield
    }) : () -> ()
    %barrier3A_23 = arith.constant 0 : index
    tpu.barrier barrier_id(%barrier3A_23)
    %while3A_24 = arith.constant 0 : i32
    %while3A_25 = arith.constant 0 : i32
    %while3A_26 = arith.subi %select_n3A, %while3A_25 : i32
    %while3A_27 = arith.addi %while3A_25, %while3A_26 : i32
    %while3A_28 = arith.constant 1 : i32
    %while3A_29 = arith.divsi %while3A_26, %while3A_28 : i32
    %while3A_30 = arith.muli %while3A_29, %while3A_28 : i32
    %while3A_31 = arith.addi %while3A_25, %while3A_30 : i32
    %while3A_32 = arith.constant 1 : i32
    scf.for %while3A_34 = %while3A_25 to %while3A_31 step %while3A_32  : i32 {
      %mul3A_35 = arith.constant 80 : i32
      %mul3A_36 = arith.muli %while3A_34, %mul3A_35 : i32
      %add3A_37 = arith.addi %mul3A_0, %mul3A_36 : i32
      "tpu.region"() ({
        %run_scoped3A = tpu.sem_alloc : memref<!tpu.dma_semaphore, #tpu.memory_space<semaphore_mem>>
        %dma_start3A = arith.constant 0 : i32
        %dma_start3A_38 = tpu.memref_slice %arg11[%add3A_37, %dma_start3A] : memref<10000x128xf32, #tpu.memory_space<vmem_shared>> -> memref<80x128xf32, #tpu.memory_space<vmem_shared>>
        %dma_start3A_39 = arith.constant 0 : i32
        %dma_start3A_40 = tpu.memref_slice %arg11[%add3A_37, %dma_start3A_39] : memref<10000x128xf32, #tpu.memory_space<vmem_shared>> -> memref<80x128xf32, #tpu.memory_space<vmem_shared>>
        tpu.enqueue_dma source(%dma_start3A_40 : memref<80x128xf32, #tpu.memory_space<vmem_shared>>) target(%arg10 : memref<80x128xf32, #tpu.memory_space<vmem>>) target_semaphore(%run_scoped3A : memref<!tpu.dma_semaphore, #tpu.memory_space<semaphore_mem>>)
        %dma_wait3A = arith.constant 0 : i32
        %dma_wait3A_41 = tpu.memref_slice %arg11[%add3A_37, %dma_wait3A] : memref<10000x128xf32, #tpu.memory_space<vmem_shared>> -> memref<80x128xf32, #tpu.memory_space<vmem_shared>>
        %dma_wait3A_42 = arith.constant 0 : i32
        %dma_wait3A_43 = tpu.memref_slice %arg11[%add3A_37, %dma_wait3A_42] : memref<10000x128xf32, #tpu.memory_space<vmem_shared>> -> memref<80x128xf32, #tpu.memory_space<vmem_shared>>
        tpu.wait_dma2 semaphore(%run_scoped3A : memref<!tpu.dma_semaphore, #tpu.memory_space<semaphore_mem>>) src(%dma_wait3A_43 : memref<80x128xf32, #tpu.memory_space<vmem_shared>>) dst(%arg10 : memref<80x128xf32, #tpu.memory_space<vmem>>)
        tpu.yield
      }) : () -> ()
      "tpu.region"() ({
        %run_scoped3A = tpu.sem_alloc : memref<!tpu.dma_semaphore, #tpu.memory_space<semaphore_mem>>
        %dma_start3A = arith.constant 0 : i32
        %dma_start3A_38 = tpu.memref_slice %arg5[%arg0, %add3A_37, %dma_start3A] : memref<2x10000x128xf32, #tpu.memory_space<hbm>> -> memref<1x80x128xf32, #tpu.memory_space<hbm>>
        %dma_start3A_39 = tpu.memref_squeeze %dma_start3A_38 : memref<1x80x128xf32, #tpu.memory_space<hbm>> -> memref<80x128xf32, #tpu.memory_space<hbm>>
        %dma_start3A_40 = arith.constant 0 : i32
        %dma_start3A_41 = tpu.memref_slice %arg5[%arg0, %add3A_37, %dma_start3A_40] : memref<2x10000x128xf32, #tpu.memory_space<hbm>> -> memref<1x80x128xf32, #tpu.memory_space<hbm>>
        %dma_start3A_42 = tpu.memref_squeeze %dma_start3A_41 : memref<1x80x128xf32, #tpu.memory_space<hbm>> -> memref<80x128xf32, #tpu.memory_space<hbm>>
        tpu.enqueue_dma source(%arg10 : memref<80x128xf32, #tpu.memory_space<vmem>>) target(%dma_start3A_42 : memref<80x128xf32, #tpu.memory_space<hbm>>) target_semaphore(%run_scoped3A : memref<!tpu.dma_semaphore, #tpu.memory_space<semaphore_mem>>)
        %dma_wait3A = arith.constant 0 : i32
        %dma_wait3A_43 = tpu.memref_slice %arg5[%arg0, %add3A_37, %dma_wait3A] : memref<2x10000x128xf32, #tpu.memory_space<hbm>> -> memref<1x80x128xf32, #tpu.memory_space<hbm>>
        %dma_wait3A_44 = tpu.memref_squeeze %dma_wait3A_43 : memref<1x80x128xf32, #tpu.memory_space<hbm>> -> memref<80x128xf32, #tpu.memory_space<hbm>>
        %dma_wait3A_45 = arith.constant 0 : i32
        %dma_wait3A_46 = tpu.memref_slice %arg5[%arg0, %add3A_37, %dma_wait3A_45] : memref<2x10000x128xf32, #tpu.memory_space<hbm>> -> memref<1x80x128xf32, #tpu.memory_space<hbm>>
        %dma_wait3A_47 = tpu.memref_squeeze %dma_wait3A_46 : memref<1x80x128xf32, #tpu.memory_space<hbm>> -> memref<80x128xf32, #tpu.memory_space<hbm>>
        tpu.wait_dma2 semaphore(%run_scoped3A : memref<!tpu.dma_semaphore, #tpu.memory_space<semaphore_mem>>) src(%arg10 : memref<80x128xf32, #tpu.memory_space<vmem>>) dst(%dma_wait3A_47 : memref<80x128xf32, #tpu.memory_space<hbm>>)
        tpu.yield
      }) : () -> ()
    }
    %while3A_33 = arith.constant 1 : i32
    scf.for %while3A_34 = %while3A_31 to %while3A_27 step %while3A_33  : i32 {
      %mul3A_35 = arith.constant 80 : i32
      %mul3A_36 = arith.muli %while3A_34, %mul3A_35 : i32
      %add3A_37 = arith.addi %mul3A_0, %mul3A_36 : i32
      "tpu.region"() ({
        %run_scoped3A = tpu.sem_alloc : memref<!tpu.dma_semaphore, #tpu.memory_space<semaphore_mem>>
        %dma_start3A = arith.constant 0 : i32
        %dma_start3A_38 = tpu.memref_slice %arg11[%add3A_37, %dma_start3A] : memref<10000x128xf32, #tpu.memory_space<vmem_shared>> -> memref<80x128xf32, #tpu.memory_space<vmem_shared>>
        %dma_start3A_39 = arith.constant 0 : i32
        %dma_start3A_40 = tpu.memref_slice %arg11[%add3A_37, %dma_start3A_39] : memref<10000x128xf32, #tpu.memory_space<vmem_shared>> -> memref<80x128xf32, #tpu.memory_space<vmem_shared>>
        tpu.enqueue_dma source(%dma_start3A_40 : memref<80x128xf32, #tpu.memory_space<vmem_shared>>) target(%arg10 : memref<80x128xf32, #tpu.memory_space<vmem>>) target_semaphore(%run_scoped3A : memref<!tpu.dma_semaphore, #tpu.memory_space<semaphore_mem>>)
        %dma_wait3A = arith.constant 0 : i32
        %dma_wait3A_41 = tpu.memref_slice %arg11[%add3A_37, %dma_wait3A] : memref<10000x128xf32, #tpu.memory_space<vmem_shared>> -> memref<80x128xf32, #tpu.memory_space<vmem_shared>>
        %dma_wait3A_42 = arith.constant 0 : i32
        %dma_wait3A_43 = tpu.memref_slice %arg11[%add3A_37, %dma_wait3A_42] : memref<10000x128xf32, #tpu.memory_space<vmem_shared>> -> memref<80x128xf32, #tpu.memory_space<vmem_shared>>
        tpu.wait_dma2 semaphore(%run_scoped3A : memref<!tpu.dma_semaphore, #tpu.memory_space<semaphore_mem>>) src(%dma_wait3A_43 : memref<80x128xf32, #tpu.memory_space<vmem_shared>>) dst(%arg10 : memref<80x128xf32, #tpu.memory_space<vmem>>)
        tpu.yield
      }) : () -> ()
      "tpu.region"() ({
        %run_scoped3A = tpu.sem_alloc : memref<!tpu.dma_semaphore, #tpu.memory_space<semaphore_mem>>
        %dma_start3A = arith.constant 0 : i32
        %dma_start3A_38 = tpu.memref_slice %arg5[%arg0, %add3A_37, %dma_start3A] : memref<2x10000x128xf32, #tpu.memory_space<hbm>> -> memref<1x80x128xf32, #tpu.memory_space<hbm>>
        %dma_start3A_39 = tpu.memref_squeeze %dma_start3A_38 : memref<1x80x128xf32, #tpu.memory_space<hbm>> -> memref<80x128xf32, #tpu.memory_space<hbm>>
        %dma_start3A_40 = arith.constant 0 : i32
        %dma_start3A_41 = tpu.memref_slice %arg5[%arg0, %add3A_37, %dma_start3A_40] : memref<2x10000x128xf32, #tpu.memory_space<hbm>> -> memref<1x80x128xf32, #tpu.memory_space<hbm>>
        %dma_start3A_42 = tpu.memref_squeeze %dma_start3A_41 : memref<1x80x128xf32, #tpu.memory_space<hbm>> -> memref<80x128xf32, #tpu.memory_space<hbm>>
        tpu.enqueue_dma source(%arg10 : memref<80x128xf32, #tpu.memory_space<vmem>>) target(%dma_start3A_42 : memref<80x128xf32, #tpu.memory_space<hbm>>) target_semaphore(%run_scoped3A : memref<!tpu.dma_semaphore, #tpu.memory_space<semaphore_mem>>)
        %dma_wait3A = arith.constant 0 : i32
        %dma_wait3A_43 = tpu.memref_slice %arg5[%arg0, %add3A_37, %dma_wait3A] : memref<2x10000x128xf32, #tpu.memory_space<hbm>> -> memref<1x80x128xf32, #tpu.memory_space<hbm>>
        %dma_wait3A_44 = tpu.memref_squeeze %dma_wait3A_43 : memref<1x80x128xf32, #tpu.memory_space<hbm>> -> memref<80x128xf32, #tpu.memory_space<hbm>>
        %dma_wait3A_45 = arith.constant 0 : i32
        %dma_wait3A_46 = tpu.memref_slice %arg5[%arg0, %add3A_37, %dma_wait3A_45] : memref<2x10000x128xf32, #tpu.memory_space<hbm>> -> memref<1x80x128xf32, #tpu.memory_space<hbm>>
        %dma_wait3A_47 = tpu.memref_squeeze %dma_wait3A_46 : memref<1x80x128xf32, #tpu.memory_space<hbm>> -> memref<80x128xf32, #tpu.memory_space<hbm>>
        tpu.wait_dma2 semaphore(%run_scoped3A : memref<!tpu.dma_semaphore, #tpu.memory_space<semaphore_mem>>) src(%arg10 : memref<80x128xf32, #tpu.memory_space<vmem>>) dst(%dma_wait3A_47 : memref<80x128xf32, #tpu.memory_space<hbm>>)
        tpu.yield
      }) : () -> ()
    }
    return
  }
}

#map = affine_map<(d0, d1) -> (0, 0)>
#map1 = affine_map<(d0, d1) -> (0)>
#map2 = affine_map<(d0, d1) -> (0, 0, 0)>
module attributes {stable_mosaic.version = 14 : i64} {
  func.func @agg(%arg0: i32, %arg1: i32, %arg2: memref<10000x128xf32, #tpu.memory_space<hbm>>, %arg3: memref<320000xi32, #tpu.memory_space<hbm>>, %arg4: memref<320000xi32, #tpu.memory_space<hbm>>, %arg5: memref<80x128xf32, #tpu.memory_space<hbm>>, %arg6: memref<2x10000x128xf32, #tpu.memory_space<hbm>>, %arg7: memref<80xi32, #tpu.memory_space<vmem>>, %arg8: memref<80xi32, #tpu.memory_space<vmem>>, %arg9: memref<80xi32, #tpu.memory_space<vmem>>, %arg10: memref<80xi32, #tpu.memory_space<vmem>>, %arg11: memref<80x128xf32, #tpu.memory_space<vmem>>, %arg12: memref<80x128xf32, #tpu.memory_space<vmem>>, %arg13: memref<10000x128xf32, #tpu.memory_space<vmem_shared>>, %arg14: memref<!tpu.dma_semaphore, #tpu.memory_space<semaphore_mem>>, %arg15: memref<!tpu.dma_semaphore, #tpu.memory_space<semaphore_mem>>, %arg16: memref<!tpu.dma_semaphore, #tpu.memory_space<semaphore_mem>>, %arg17: memref<!tpu.dma_semaphore, #tpu.memory_space<semaphore_mem>>, %arg18: memref<!tpu.dma_semaphore, #tpu.memory_space<semaphore_mem>>, %arg19: memref<!tpu.dma_semaphore, #tpu.memory_space<semaphore_mem>>) attributes {dimension_semantics = [#tpu.dimension_semantics<core_parallel>, #tpu.dimension_semantics<subcore_parallel>], iteration_bounds = array<i64: 2, 16>, scalar_prefetch = 0 : i64, scratch_operands = 13 : i64, tpu.core_type = #tpu.core_type<sc_vector_subcore>, window_params = [{transform_indices = #map}, {transform_indices = #map1}, {transform_indices = #map1}, {transform_indices = #map}, {transform_indices = #map2}]} {
    %mul3A = arith.constant 640 : i32
    %mul3A_0 = arith.muli %arg1, %mul3A : i32
    %eq3A = arith.constant 15 : i32
    %eq3A_1 = arith.cmpi eq, %arg1, %eq3A : i32
    %jit3A = arith.constant 5 : i32
    %jit3A_2 = arith.constant 8 : i32
    %select_n3A = arith.select %eq3A_1, %jit3A, %jit3A_2 : i32
    "tpu.region"() ({
      %run_scoped3A = tpu.sem_alloc : memref<!tpu.dma_semaphore, #tpu.memory_space<semaphore_mem>>
      tpu.enqueue_dma source(%arg5 : memref<80x128xf32, #tpu.memory_space<hbm>>) target(%arg11 : memref<80x128xf32, #tpu.memory_space<vmem>>) target_semaphore(%run_scoped3A : memref<!tpu.dma_semaphore, #tpu.memory_space<semaphore_mem>>)
      tpu.wait_dma2 semaphore(%run_scoped3A : memref<!tpu.dma_semaphore, #tpu.memory_space<semaphore_mem>>) src(%arg5 : memref<80x128xf32, #tpu.memory_space<hbm>>) dst(%arg11 : memref<80x128xf32, #tpu.memory_space<vmem>>)
      tpu.yield
    }) : () -> ()
    %while3A = arith.constant 0 : i32
    %while3A_3 = arith.constant 0 : i32
    %while3A_4 = arith.subi %select_n3A, %while3A_3 : i32
    %while3A_5 = arith.addi %while3A_3, %while3A_4 : i32
    %while3A_6 = arith.constant 1 : i32
    %while3A_7 = arith.divsi %while3A_4, %while3A_6 : i32
    %while3A_8 = arith.muli %while3A_7, %while3A_6 : i32
    %while3A_9 = arith.addi %while3A_3, %while3A_8 : i32
    %while3A_10 = arith.constant 1 : i32
    scf.for %while3A_38 = %while3A_3 to %while3A_9 step %while3A_10  : i32 {
      %mul3A_39 = arith.constant 80 : i32
      %mul3A_40 = arith.muli %while3A_38, %mul3A_39 : i32
      %add3A_41 = arith.addi %mul3A_0, %mul3A_40 : i32
      "tpu.region"() ({
        %run_scoped3A = tpu.sem_alloc : memref<!tpu.dma_semaphore, #tpu.memory_space<semaphore_mem>>
        %dma_start3A_42 = arith.constant 0 : i32
        %dma_start3A_43 = tpu.memref_slice %arg13[%add3A_41, %dma_start3A_42] : memref<10000x128xf32, #tpu.memory_space<vmem_shared>> -> memref<80x128xf32, #tpu.memory_space<vmem_shared>>
        %dma_start3A_44 = arith.constant 0 : i32
        %dma_start3A_45 = tpu.memref_slice %arg13[%add3A_41, %dma_start3A_44] : memref<10000x128xf32, #tpu.memory_space<vmem_shared>> -> memref<80x128xf32, #tpu.memory_space<vmem_shared>>
        tpu.enqueue_dma source(%arg11 : memref<80x128xf32, #tpu.memory_space<vmem>>) target(%dma_start3A_45 : memref<80x128xf32, #tpu.memory_space<vmem_shared>>) target_semaphore(%run_scoped3A : memref<!tpu.dma_semaphore, #tpu.memory_space<semaphore_mem>>)
        %dma_wait3A_46 = arith.constant 0 : i32
        %dma_wait3A_47 = tpu.memref_slice %arg13[%add3A_41, %dma_wait3A_46] : memref<10000x128xf32, #tpu.memory_space<vmem_shared>> -> memref<80x128xf32, #tpu.memory_space<vmem_shared>>
        %dma_wait3A_48 = arith.constant 0 : i32
        %dma_wait3A_49 = tpu.memref_slice %arg13[%add3A_41, %dma_wait3A_48] : memref<10000x128xf32, #tpu.memory_space<vmem_shared>> -> memref<80x128xf32, #tpu.memory_space<vmem_shared>>
        tpu.wait_dma2 semaphore(%run_scoped3A : memref<!tpu.dma_semaphore, #tpu.memory_space<semaphore_mem>>) src(%arg11 : memref<80x128xf32, #tpu.memory_space<vmem>>) dst(%dma_wait3A_49 : memref<80x128xf32, #tpu.memory_space<vmem_shared>>)
        tpu.yield
      }) : () -> ()
    }
    %while3A_11 = arith.constant 1 : i32
    scf.for %while3A_38 = %while3A_9 to %while3A_5 step %while3A_11  : i32 {
      %mul3A_39 = arith.constant 80 : i32
      %mul3A_40 = arith.muli %while3A_38, %mul3A_39 : i32
      %add3A_41 = arith.addi %mul3A_0, %mul3A_40 : i32
      "tpu.region"() ({
        %run_scoped3A = tpu.sem_alloc : memref<!tpu.dma_semaphore, #tpu.memory_space<semaphore_mem>>
        %dma_start3A_42 = arith.constant 0 : i32
        %dma_start3A_43 = tpu.memref_slice %arg13[%add3A_41, %dma_start3A_42] : memref<10000x128xf32, #tpu.memory_space<vmem_shared>> -> memref<80x128xf32, #tpu.memory_space<vmem_shared>>
        %dma_start3A_44 = arith.constant 0 : i32
        %dma_start3A_45 = tpu.memref_slice %arg13[%add3A_41, %dma_start3A_44] : memref<10000x128xf32, #tpu.memory_space<vmem_shared>> -> memref<80x128xf32, #tpu.memory_space<vmem_shared>>
        tpu.enqueue_dma source(%arg11 : memref<80x128xf32, #tpu.memory_space<vmem>>) target(%dma_start3A_45 : memref<80x128xf32, #tpu.memory_space<vmem_shared>>) target_semaphore(%run_scoped3A : memref<!tpu.dma_semaphore, #tpu.memory_space<semaphore_mem>>)
        %dma_wait3A_46 = arith.constant 0 : i32
        %dma_wait3A_47 = tpu.memref_slice %arg13[%add3A_41, %dma_wait3A_46] : memref<10000x128xf32, #tpu.memory_space<vmem_shared>> -> memref<80x128xf32, #tpu.memory_space<vmem_shared>>
        %dma_wait3A_48 = arith.constant 0 : i32
        %dma_wait3A_49 = tpu.memref_slice %arg13[%add3A_41, %dma_wait3A_48] : memref<10000x128xf32, #tpu.memory_space<vmem_shared>> -> memref<80x128xf32, #tpu.memory_space<vmem_shared>>
        tpu.wait_dma2 semaphore(%run_scoped3A : memref<!tpu.dma_semaphore, #tpu.memory_space<semaphore_mem>>) src(%arg11 : memref<80x128xf32, #tpu.memory_space<vmem>>) dst(%dma_wait3A_49 : memref<80x128xf32, #tpu.memory_space<vmem_shared>>)
        tpu.yield
      }) : () -> ()
    }
    %barrier3A = arith.constant 0 : index
    tpu.barrier barrier_id(%barrier3A)
    %mul3A_12 = arith.constant 2 : i32
    %mul3A_13 = arith.muli %arg1, %mul3A_12 : i32
    %add3A = arith.addi %mul3A_13, %arg0 : i32
    %mul3A_14 = arith.constant 10000 : i32
    %mul3A_15 = arith.muli %add3A, %mul3A_14 : i32
    %scan3A = arith.constant 0 : i32
    %scan3A_16 = arith.constant 0 : i32
    %scan3A_17 = arith.constant 62 : i32
    %scan3A_18 = arith.addi %scan3A_16, %scan3A_17 : i32
    %scan3A_19 = arith.constant 1 : i32
    scf.for %scan3A_38 = %scan3A_16 to %scan3A_18 step %scan3A_19  : i32 {
      %mul3A_39 = arith.constant 2 : i32
      %mul3A_40 = arith.muli %mul3A_39, %scan3A_38 : i32
      %mul3A_41 = arith.constant 80 : i32
      %mul3A_42 = arith.muli %mul3A_40, %mul3A_41 : i32
      %add3A_43 = arith.addi %mul3A_15, %mul3A_42 : i32
      %add3A_44 = arith.constant 80 : i32
      %add3A_45 = arith.addi %add3A_43, %add3A_44 : i32
      %dma_start3A_46 = tpu.memref_slice %arg3[%add3A_43] : memref<320000xi32, #tpu.memory_space<hbm>> -> memref<80xi32, #tpu.memory_space<hbm>>
      %dma_start3A_47 = tpu.memref_slice %arg3[%add3A_43] : memref<320000xi32, #tpu.memory_space<hbm>> -> memref<80xi32, #tpu.memory_space<hbm>>
      tpu.enqueue_dma source(%dma_start3A_47 : memref<80xi32, #tpu.memory_space<hbm>>) target(%arg7 : memref<80xi32, #tpu.memory_space<vmem>>) target_semaphore(%arg14 : memref<!tpu.dma_semaphore, #tpu.memory_space<semaphore_mem>>)
      %dma_start3A_48 = tpu.memref_slice %arg4[%add3A_43] : memref<320000xi32, #tpu.memory_space<hbm>> -> memref<80xi32, #tpu.memory_space<hbm>>
      %dma_start3A_49 = tpu.memref_slice %arg4[%add3A_43] : memref<320000xi32, #tpu.memory_space<hbm>> -> memref<80xi32, #tpu.memory_space<hbm>>
      tpu.enqueue_dma source(%dma_start3A_49 : memref<80xi32, #tpu.memory_space<hbm>>) target(%arg9 : memref<80xi32, #tpu.memory_space<vmem>>) target_semaphore(%arg14 : memref<!tpu.dma_semaphore, #tpu.memory_space<semaphore_mem>>)
      %dma_start3A_50 = tpu.memref_slice %arg3[%add3A_45] : memref<320000xi32, #tpu.memory_space<hbm>> -> memref<80xi32, #tpu.memory_space<hbm>>
      %dma_start3A_51 = tpu.memref_slice %arg3[%add3A_45] : memref<320000xi32, #tpu.memory_space<hbm>> -> memref<80xi32, #tpu.memory_space<hbm>>
      tpu.enqueue_dma source(%dma_start3A_51 : memref<80xi32, #tpu.memory_space<hbm>>) target(%arg8 : memref<80xi32, #tpu.memory_space<vmem>>) target_semaphore(%arg15 : memref<!tpu.dma_semaphore, #tpu.memory_space<semaphore_mem>>)
      %dma_start3A_52 = tpu.memref_slice %arg4[%add3A_45] : memref<320000xi32, #tpu.memory_space<hbm>> -> memref<80xi32, #tpu.memory_space<hbm>>
      %dma_start3A_53 = tpu.memref_slice %arg4[%add3A_45] : memref<320000xi32, #tpu.memory_space<hbm>> -> memref<80xi32, #tpu.memory_space<hbm>>
      tpu.enqueue_dma source(%dma_start3A_53 : memref<80xi32, #tpu.memory_space<hbm>>) target(%arg10 : memref<80xi32, #tpu.memory_space<vmem>>) target_semaphore(%arg15 : memref<!tpu.dma_semaphore, #tpu.memory_space<semaphore_mem>>)
      %dma_wait3A_54 = tpu.memref_slice %arg3[%add3A_43] : memref<320000xi32, #tpu.memory_space<hbm>> -> memref<80xi32, #tpu.memory_space<hbm>>
      %dma_wait3A_55 = tpu.memref_slice %arg3[%add3A_43] : memref<320000xi32, #tpu.memory_space<hbm>> -> memref<80xi32, #tpu.memory_space<hbm>>
      tpu.wait_dma2 semaphore(%arg14 : memref<!tpu.dma_semaphore, #tpu.memory_space<semaphore_mem>>) src(%dma_wait3A_55 : memref<80xi32, #tpu.memory_space<hbm>>) dst(%arg7 : memref<80xi32, #tpu.memory_space<vmem>>)
      %dma_wait3A_56 = tpu.memref_slice %arg4[%add3A_43] : memref<320000xi32, #tpu.memory_space<hbm>> -> memref<80xi32, #tpu.memory_space<hbm>>
      %dma_wait3A_57 = tpu.memref_slice %arg4[%add3A_43] : memref<320000xi32, #tpu.memory_space<hbm>> -> memref<80xi32, #tpu.memory_space<hbm>>
      tpu.wait_dma2 semaphore(%arg14 : memref<!tpu.dma_semaphore, #tpu.memory_space<semaphore_mem>>) src(%dma_wait3A_57 : memref<80xi32, #tpu.memory_space<hbm>>) dst(%arg9 : memref<80xi32, #tpu.memory_space<vmem>>)
      %dma_start3A_58 = arith.constant 0 : i32
      %dma_start3A_59 = arith.constant 0 : i32
      %dma_start3A_60 = tpu.memref_slice %arg2[%dma_start3A_58, %dma_start3A_59] : memref<10000x128xf32, #tpu.memory_space<hbm>> -> memref<10000x128xf32, #tpu.memory_space<hbm>>
      tpu.enqueue_indirect_dma source(%dma_start3A_60 : memref<10000x128xf32, #tpu.memory_space<hbm>>) target(%arg11 : memref<80x128xf32, #tpu.memory_space<vmem>>) offsets(%arg7 : memref<80xi32, #tpu.memory_space<vmem>>) semaphore(%arg16 : memref<!tpu.dma_semaphore, #tpu.memory_space<semaphore_mem>>)
      %dma_wait3A_61 = tpu.memref_slice %arg3[%add3A_45] : memref<320000xi32, #tpu.memory_space<hbm>> -> memref<80xi32, #tpu.memory_space<hbm>>
      %dma_wait3A_62 = tpu.memref_slice %arg3[%add3A_45] : memref<320000xi32, #tpu.memory_space<hbm>> -> memref<80xi32, #tpu.memory_space<hbm>>
      tpu.wait_dma2 semaphore(%arg15 : memref<!tpu.dma_semaphore, #tpu.memory_space<semaphore_mem>>) src(%dma_wait3A_62 : memref<80xi32, #tpu.memory_space<hbm>>) dst(%arg8 : memref<80xi32, #tpu.memory_space<vmem>>)
      %dma_wait3A_63 = tpu.memref_slice %arg4[%add3A_45] : memref<320000xi32, #tpu.memory_space<hbm>> -> memref<80xi32, #tpu.memory_space<hbm>>
      %dma_wait3A_64 = tpu.memref_slice %arg4[%add3A_45] : memref<320000xi32, #tpu.memory_space<hbm>> -> memref<80xi32, #tpu.memory_space<hbm>>
      tpu.wait_dma2 semaphore(%arg15 : memref<!tpu.dma_semaphore, #tpu.memory_space<semaphore_mem>>) src(%dma_wait3A_64 : memref<80xi32, #tpu.memory_space<hbm>>) dst(%arg10 : memref<80xi32, #tpu.memory_space<vmem>>)
      %dma_start3A_65 = arith.constant 0 : i32
      %dma_start3A_66 = arith.constant 0 : i32
      %dma_start3A_67 = tpu.memref_slice %arg2[%dma_start3A_65, %dma_start3A_66] : memref<10000x128xf32, #tpu.memory_space<hbm>> -> memref<10000x128xf32, #tpu.memory_space<hbm>>
      tpu.enqueue_indirect_dma source(%dma_start3A_67 : memref<10000x128xf32, #tpu.memory_space<hbm>>) target(%arg12 : memref<80x128xf32, #tpu.memory_space<vmem>>) offsets(%arg8 : memref<80xi32, #tpu.memory_space<vmem>>) semaphore(%arg17 : memref<!tpu.dma_semaphore, #tpu.memory_space<semaphore_mem>>)
      %dma_wait3A_68 = arith.constant 0 : i32
      %dma_wait3A_69 = arith.constant 0 : i32
      %dma_wait3A_70 = tpu.memref_slice %arg2[%dma_wait3A_68, %dma_wait3A_69] : memref<10000x128xf32, #tpu.memory_space<hbm>> -> memref<10000x128xf32, #tpu.memory_space<hbm>>
      tpu.wait_indirect_dma semaphore(%arg16 : memref<!tpu.dma_semaphore, #tpu.memory_space<semaphore_mem>>) src(%dma_wait3A_70 : memref<10000x128xf32, #tpu.memory_space<hbm>>) dst(%arg11 : memref<80x128xf32, #tpu.memory_space<vmem>>)
      %dma_start3A_71 = arith.constant 0 : i32
      %dma_start3A_72 = arith.constant 0 : i32
      %dma_start3A_73 = tpu.memref_slice %arg13[%dma_start3A_71, %dma_start3A_72] : memref<10000x128xf32, #tpu.memory_space<vmem_shared>> -> memref<10000x128xf32, #tpu.memory_space<vmem_shared>>
      tpu.enqueue_indirect_dma source(%arg11 : memref<80x128xf32, #tpu.memory_space<vmem>>) target(%dma_start3A_73 : memref<10000x128xf32, #tpu.memory_space<vmem_shared>>) offsets(%arg9 : memref<80xi32, #tpu.memory_space<vmem>>) semaphore(%arg18 : memref<!tpu.dma_semaphore, #tpu.memory_space<semaphore_mem>>) {add = true}
      %dma_wait3A_74 = arith.constant 0 : i32
      %dma_wait3A_75 = arith.constant 0 : i32
      %dma_wait3A_76 = tpu.memref_slice %arg2[%dma_wait3A_74, %dma_wait3A_75] : memref<10000x128xf32, #tpu.memory_space<hbm>> -> memref<10000x128xf32, #tpu.memory_space<hbm>>
      tpu.wait_indirect_dma semaphore(%arg17 : memref<!tpu.dma_semaphore, #tpu.memory_space<semaphore_mem>>) src(%dma_wait3A_76 : memref<10000x128xf32, #tpu.memory_space<hbm>>) dst(%arg12 : memref<80x128xf32, #tpu.memory_space<vmem>>)
      %dma_start3A_77 = arith.constant 0 : i32
      %dma_start3A_78 = arith.constant 0 : i32
      %dma_start3A_79 = tpu.memref_slice %arg13[%dma_start3A_77, %dma_start3A_78] : memref<10000x128xf32, #tpu.memory_space<vmem_shared>> -> memref<10000x128xf32, #tpu.memory_space<vmem_shared>>
      tpu.enqueue_indirect_dma source(%arg12 : memref<80x128xf32, #tpu.memory_space<vmem>>) target(%dma_start3A_79 : memref<10000x128xf32, #tpu.memory_space<vmem_shared>>) offsets(%arg10 : memref<80xi32, #tpu.memory_space<vmem>>) semaphore(%arg19 : memref<!tpu.dma_semaphore, #tpu.memory_space<semaphore_mem>>) {add = true}
      %dma_wait3A_80 = arith.constant 0 : i32
      %dma_wait3A_81 = arith.constant 0 : i32
      %dma_wait3A_82 = tpu.memref_slice %arg13[%dma_wait3A_80, %dma_wait3A_81] : memref<10000x128xf32, #tpu.memory_space<vmem_shared>> -> memref<10000x128xf32, #tpu.memory_space<vmem_shared>>
      tpu.wait_indirect_dma semaphore(%arg18 : memref<!tpu.dma_semaphore, #tpu.memory_space<semaphore_mem>>) src(%arg11 : memref<80x128xf32, #tpu.memory_space<vmem>>) dst(%dma_wait3A_82 : memref<10000x128xf32, #tpu.memory_space<vmem_shared>>)
      %dma_wait3A_83 = arith.constant 0 : i32
      %dma_wait3A_84 = arith.constant 0 : i32
      %dma_wait3A_85 = tpu.memref_slice %arg13[%dma_wait3A_83, %dma_wait3A_84] : memref<10000x128xf32, #tpu.memory_space<vmem_shared>> -> memref<10000x128xf32, #tpu.memory_space<vmem_shared>>
      tpu.wait_indirect_dma semaphore(%arg19 : memref<!tpu.dma_semaphore, #tpu.memory_space<semaphore_mem>>) src(%arg12 : memref<80x128xf32, #tpu.memory_space<vmem>>) dst(%dma_wait3A_85 : memref<10000x128xf32, #tpu.memory_space<vmem_shared>>)
    }
    %scan3A_20 = arith.constant 62 : i32
    %add3A_21 = arith.constant 9920 : i32
    %add3A_22 = arith.addi %mul3A_15, %add3A_21 : i32
    "tpu.region"() ({
      %run_scoped3A = tpu.sem_alloc : memref<!tpu.dma_semaphore, #tpu.memory_space<semaphore_mem>>
      %dma_start3A_38 = tpu.memref_slice %arg3[%add3A_22] : memref<320000xi32, #tpu.memory_space<hbm>> -> memref<80xi32, #tpu.memory_space<hbm>>
      %dma_start3A_39 = tpu.memref_slice %arg3[%add3A_22] : memref<320000xi32, #tpu.memory_space<hbm>> -> memref<80xi32, #tpu.memory_space<hbm>>
      tpu.enqueue_dma source(%dma_start3A_39 : memref<80xi32, #tpu.memory_space<hbm>>) target(%arg7 : memref<80xi32, #tpu.memory_space<vmem>>) target_semaphore(%run_scoped3A : memref<!tpu.dma_semaphore, #tpu.memory_space<semaphore_mem>>)
      %dma_wait3A_40 = tpu.memref_slice %arg3[%add3A_22] : memref<320000xi32, #tpu.memory_space<hbm>> -> memref<80xi32, #tpu.memory_space<hbm>>
      %dma_wait3A_41 = tpu.memref_slice %arg3[%add3A_22] : memref<320000xi32, #tpu.memory_space<hbm>> -> memref<80xi32, #tpu.memory_space<hbm>>
      tpu.wait_dma2 semaphore(%run_scoped3A : memref<!tpu.dma_semaphore, #tpu.memory_space<semaphore_mem>>) src(%dma_wait3A_41 : memref<80xi32, #tpu.memory_space<hbm>>) dst(%arg7 : memref<80xi32, #tpu.memory_space<vmem>>)
      tpu.yield
    }) : () -> ()
    "tpu.region"() ({
      %run_scoped3A = tpu.sem_alloc : memref<!tpu.dma_semaphore, #tpu.memory_space<semaphore_mem>>
      %dma_start3A_38 = tpu.memref_slice %arg4[%add3A_22] : memref<320000xi32, #tpu.memory_space<hbm>> -> memref<80xi32, #tpu.memory_space<hbm>>
      %dma_start3A_39 = tpu.memref_slice %arg4[%add3A_22] : memref<320000xi32, #tpu.memory_space<hbm>> -> memref<80xi32, #tpu.memory_space<hbm>>
      tpu.enqueue_dma source(%dma_start3A_39 : memref<80xi32, #tpu.memory_space<hbm>>) target(%arg9 : memref<80xi32, #tpu.memory_space<vmem>>) target_semaphore(%run_scoped3A : memref<!tpu.dma_semaphore, #tpu.memory_space<semaphore_mem>>)
      %dma_wait3A_40 = tpu.memref_slice %arg4[%add3A_22] : memref<320000xi32, #tpu.memory_space<hbm>> -> memref<80xi32, #tpu.memory_space<hbm>>
      %dma_wait3A_41 = tpu.memref_slice %arg4[%add3A_22] : memref<320000xi32, #tpu.memory_space<hbm>> -> memref<80xi32, #tpu.memory_space<hbm>>
      tpu.wait_dma2 semaphore(%run_scoped3A : memref<!tpu.dma_semaphore, #tpu.memory_space<semaphore_mem>>) src(%dma_wait3A_41 : memref<80xi32, #tpu.memory_space<hbm>>) dst(%arg9 : memref<80xi32, #tpu.memory_space<vmem>>)
      tpu.yield
    }) : () -> ()
    %dma_start3A = arith.constant 0 : i32
    %dma_start3A_23 = arith.constant 0 : i32
    %dma_start3A_24 = tpu.memref_slice %arg2[%dma_start3A, %dma_start3A_23] : memref<10000x128xf32, #tpu.memory_space<hbm>> -> memref<10000x128xf32, #tpu.memory_space<hbm>>
    tpu.enqueue_indirect_dma source(%dma_start3A_24 : memref<10000x128xf32, #tpu.memory_space<hbm>>) target(%arg11 : memref<80x128xf32, #tpu.memory_space<vmem>>) offsets(%arg7 : memref<80xi32, #tpu.memory_space<vmem>>) semaphore(%arg16 : memref<!tpu.dma_semaphore, #tpu.memory_space<semaphore_mem>>)
    %dma_wait3A = arith.constant 0 : i32
    %dma_wait3A_25 = arith.constant 0 : i32
    %dma_wait3A_26 = tpu.memref_slice %arg2[%dma_wait3A, %dma_wait3A_25] : memref<10000x128xf32, #tpu.memory_space<hbm>> -> memref<10000x128xf32, #tpu.memory_space<hbm>>
    tpu.wait_indirect_dma semaphore(%arg16 : memref<!tpu.dma_semaphore, #tpu.memory_space<semaphore_mem>>) src(%dma_wait3A_26 : memref<10000x128xf32, #tpu.memory_space<hbm>>) dst(%arg11 : memref<80x128xf32, #tpu.memory_space<vmem>>)
    "tpu.region"() ({
      %run_scoped3A = tpu.sem_alloc : memref<!tpu.dma_semaphore, #tpu.memory_space<semaphore_mem>>
      %dma_start3A_38 = arith.constant 0 : i32
      %dma_start3A_39 = arith.constant 0 : i32
      %dma_start3A_40 = tpu.memref_slice %arg13[%dma_start3A_38, %dma_start3A_39] : memref<10000x128xf32, #tpu.memory_space<vmem_shared>> -> memref<10000x128xf32, #tpu.memory_space<vmem_shared>>
      tpu.enqueue_indirect_dma source(%arg11 : memref<80x128xf32, #tpu.memory_space<vmem>>) target(%dma_start3A_40 : memref<10000x128xf32, #tpu.memory_space<vmem_shared>>) offsets(%arg9 : memref<80xi32, #tpu.memory_space<vmem>>) semaphore(%run_scoped3A : memref<!tpu.dma_semaphore, #tpu.memory_space<semaphore_mem>>) {add = true}
      %dma_wait3A_41 = arith.constant 0 : i32
      %dma_wait3A_42 = arith.constant 0 : i32
      %dma_wait3A_43 = tpu.memref_slice %arg13[%dma_wait3A_41, %dma_wait3A_42] : memref<10000x128xf32, #tpu.memory_space<vmem_shared>> -> memref<10000x128xf32, #tpu.memory_space<vmem_shared>>
      tpu.wait_indirect_dma semaphore(%run_scoped3A : memref<!tpu.dma_semaphore, #tpu.memory_space<semaphore_mem>>) src(%arg11 : memref<80x128xf32, #tpu.memory_space<vmem>>) dst(%dma_wait3A_43 : memref<10000x128xf32, #tpu.memory_space<vmem_shared>>)
      tpu.yield
    }) : () -> ()
    %barrier3A_27 = arith.constant 0 : index
    tpu.barrier barrier_id(%barrier3A_27)
    %while3A_28 = arith.constant 0 : i32
    %while3A_29 = arith.constant 0 : i32
    %while3A_30 = arith.subi %select_n3A, %while3A_29 : i32
    %while3A_31 = arith.addi %while3A_29, %while3A_30 : i32
    %while3A_32 = arith.constant 1 : i32
    %while3A_33 = arith.divsi %while3A_30, %while3A_32 : i32
    %while3A_34 = arith.muli %while3A_33, %while3A_32 : i32
    %while3A_35 = arith.addi %while3A_29, %while3A_34 : i32
    %while3A_36 = arith.constant 1 : i32
    scf.for %while3A_38 = %while3A_29 to %while3A_35 step %while3A_36  : i32 {
      %mul3A_39 = arith.constant 80 : i32
      %mul3A_40 = arith.muli %while3A_38, %mul3A_39 : i32
      %add3A_41 = arith.addi %mul3A_0, %mul3A_40 : i32
      "tpu.region"() ({
        %run_scoped3A = tpu.sem_alloc : memref<!tpu.dma_semaphore, #tpu.memory_space<semaphore_mem>>
        %dma_start3A_42 = arith.constant 0 : i32
        %dma_start3A_43 = tpu.memref_slice %arg13[%add3A_41, %dma_start3A_42] : memref<10000x128xf32, #tpu.memory_space<vmem_shared>> -> memref<80x128xf32, #tpu.memory_space<vmem_shared>>
        %dma_start3A_44 = arith.constant 0 : i32
        %dma_start3A_45 = tpu.memref_slice %arg13[%add3A_41, %dma_start3A_44] : memref<10000x128xf32, #tpu.memory_space<vmem_shared>> -> memref<80x128xf32, #tpu.memory_space<vmem_shared>>
        tpu.enqueue_dma source(%dma_start3A_45 : memref<80x128xf32, #tpu.memory_space<vmem_shared>>) target(%arg11 : memref<80x128xf32, #tpu.memory_space<vmem>>) target_semaphore(%run_scoped3A : memref<!tpu.dma_semaphore, #tpu.memory_space<semaphore_mem>>)
        %dma_wait3A_46 = arith.constant 0 : i32
        %dma_wait3A_47 = tpu.memref_slice %arg13[%add3A_41, %dma_wait3A_46] : memref<10000x128xf32, #tpu.memory_space<vmem_shared>> -> memref<80x128xf32, #tpu.memory_space<vmem_shared>>
        %dma_wait3A_48 = arith.constant 0 : i32
        %dma_wait3A_49 = tpu.memref_slice %arg13[%add3A_41, %dma_wait3A_48] : memref<10000x128xf32, #tpu.memory_space<vmem_shared>> -> memref<80x128xf32, #tpu.memory_space<vmem_shared>>
        tpu.wait_dma2 semaphore(%run_scoped3A : memref<!tpu.dma_semaphore, #tpu.memory_space<semaphore_mem>>) src(%dma_wait3A_49 : memref<80x128xf32, #tpu.memory_space<vmem_shared>>) dst(%arg11 : memref<80x128xf32, #tpu.memory_space<vmem>>)
        tpu.yield
      }) : () -> ()
      "tpu.region"() ({
        %run_scoped3A = tpu.sem_alloc : memref<!tpu.dma_semaphore, #tpu.memory_space<semaphore_mem>>
        %dma_start3A_42 = arith.constant 0 : i32
        %dma_start3A_43 = tpu.memref_slice %arg6[%arg0, %add3A_41, %dma_start3A_42] : memref<2x10000x128xf32, #tpu.memory_space<hbm>> -> memref<1x80x128xf32, #tpu.memory_space<hbm>>
        %dma_start3A_44 = tpu.memref_squeeze %dma_start3A_43 : memref<1x80x128xf32, #tpu.memory_space<hbm>> -> memref<80x128xf32, #tpu.memory_space<hbm>>
        %dma_start3A_45 = arith.constant 0 : i32
        %dma_start3A_46 = tpu.memref_slice %arg6[%arg0, %add3A_41, %dma_start3A_45] : memref<2x10000x128xf32, #tpu.memory_space<hbm>> -> memref<1x80x128xf32, #tpu.memory_space<hbm>>
        %dma_start3A_47 = tpu.memref_squeeze %dma_start3A_46 : memref<1x80x128xf32, #tpu.memory_space<hbm>> -> memref<80x128xf32, #tpu.memory_space<hbm>>
        tpu.enqueue_dma source(%arg11 : memref<80x128xf32, #tpu.memory_space<vmem>>) target(%dma_start3A_47 : memref<80x128xf32, #tpu.memory_space<hbm>>) target_semaphore(%run_scoped3A : memref<!tpu.dma_semaphore, #tpu.memory_space<semaphore_mem>>)
        %dma_wait3A_48 = arith.constant 0 : i32
        %dma_wait3A_49 = tpu.memref_slice %arg6[%arg0, %add3A_41, %dma_wait3A_48] : memref<2x10000x128xf32, #tpu.memory_space<hbm>> -> memref<1x80x128xf32, #tpu.memory_space<hbm>>
        %dma_wait3A_50 = tpu.memref_squeeze %dma_wait3A_49 : memref<1x80x128xf32, #tpu.memory_space<hbm>> -> memref<80x128xf32, #tpu.memory_space<hbm>>
        %dma_wait3A_51 = arith.constant 0 : i32
        %dma_wait3A_52 = tpu.memref_slice %arg6[%arg0, %add3A_41, %dma_wait3A_51] : memref<2x10000x128xf32, #tpu.memory_space<hbm>> -> memref<1x80x128xf32, #tpu.memory_space<hbm>>
        %dma_wait3A_53 = tpu.memref_squeeze %dma_wait3A_52 : memref<1x80x128xf32, #tpu.memory_space<hbm>> -> memref<80x128xf32, #tpu.memory_space<hbm>>
        tpu.wait_dma2 semaphore(%run_scoped3A : memref<!tpu.dma_semaphore, #tpu.memory_space<semaphore_mem>>) src(%arg11 : memref<80x128xf32, #tpu.memory_space<vmem>>) dst(%dma_wait3A_53 : memref<80x128xf32, #tpu.memory_space<hbm>>)
        tpu.yield
      }) : () -> ()
    }
    %while3A_37 = arith.constant 1 : i32
    scf.for %while3A_38 = %while3A_35 to %while3A_31 step %while3A_37  : i32 {
      %mul3A_39 = arith.constant 80 : i32
      %mul3A_40 = arith.muli %while3A_38, %mul3A_39 : i32
      %add3A_41 = arith.addi %mul3A_0, %mul3A_40 : i32
      "tpu.region"() ({
        %run_scoped3A = tpu.sem_alloc : memref<!tpu.dma_semaphore, #tpu.memory_space<semaphore_mem>>
        %dma_start3A_42 = arith.constant 0 : i32
        %dma_start3A_43 = tpu.memref_slice %arg13[%add3A_41, %dma_start3A_42] : memref<10000x128xf32, #tpu.memory_space<vmem_shared>> -> memref<80x128xf32, #tpu.memory_space<vmem_shared>>
        %dma_start3A_44 = arith.constant 0 : i32
        %dma_start3A_45 = tpu.memref_slice %arg13[%add3A_41, %dma_start3A_44] : memref<10000x128xf32, #tpu.memory_space<vmem_shared>> -> memref<80x128xf32, #tpu.memory_space<vmem_shared>>
        tpu.enqueue_dma source(%dma_start3A_45 : memref<80x128xf32, #tpu.memory_space<vmem_shared>>) target(%arg11 : memref<80x128xf32, #tpu.memory_space<vmem>>) target_semaphore(%run_scoped3A : memref<!tpu.dma_semaphore, #tpu.memory_space<semaphore_mem>>)
        %dma_wait3A_46 = arith.constant 0 : i32
        %dma_wait3A_47 = tpu.memref_slice %arg13[%add3A_41, %dma_wait3A_46] : memref<10000x128xf32, #tpu.memory_space<vmem_shared>> -> memref<80x128xf32, #tpu.memory_space<vmem_shared>>
        %dma_wait3A_48 = arith.constant 0 : i32
        %dma_wait3A_49 = tpu.memref_slice %arg13[%add3A_41, %dma_wait3A_48] : memref<10000x128xf32, #tpu.memory_space<vmem_shared>> -> memref<80x128xf32, #tpu.memory_space<vmem_shared>>
        tpu.wait_dma2 semaphore(%run_scoped3A : memref<!tpu.dma_semaphore, #tpu.memory_space<semaphore_mem>>) src(%dma_wait3A_49 : memref<80x128xf32, #tpu.memory_space<vmem_shared>>) dst(%arg11 : memref<80x128xf32, #tpu.memory_space<vmem>>)
        tpu.yield
      }) : () -> ()
      "tpu.region"() ({
        %run_scoped3A = tpu.sem_alloc : memref<!tpu.dma_semaphore, #tpu.memory_space<semaphore_mem>>
        %dma_start3A_42 = arith.constant 0 : i32
        %dma_start3A_43 = tpu.memref_slice %arg6[%arg0, %add3A_41, %dma_start3A_42] : memref<2x10000x128xf32, #tpu.memory_space<hbm>> -> memref<1x80x128xf32, #tpu.memory_space<hbm>>
        %dma_start3A_44 = tpu.memref_squeeze %dma_start3A_43 : memref<1x80x128xf32, #tpu.memory_space<hbm>> -> memref<80x128xf32, #tpu.memory_space<hbm>>
        %dma_start3A_45 = arith.constant 0 : i32
        %dma_start3A_46 = tpu.memref_slice %arg6[%arg0, %add3A_41, %dma_start3A_45] : memref<2x10000x128xf32, #tpu.memory_space<hbm>> -> memref<1x80x128xf32, #tpu.memory_space<hbm>>
        %dma_start3A_47 = tpu.memref_squeeze %dma_start3A_46 : memref<1x80x128xf32, #tpu.memory_space<hbm>> -> memref<80x128xf32, #tpu.memory_space<hbm>>
        tpu.enqueue_dma source(%arg11 : memref<80x128xf32, #tpu.memory_space<vmem>>) target(%dma_start3A_47 : memref<80x128xf32, #tpu.memory_space<hbm>>) target_semaphore(%run_scoped3A : memref<!tpu.dma_semaphore, #tpu.memory_space<semaphore_mem>>)
        %dma_wait3A_48 = arith.constant 0 : i32
        %dma_wait3A_49 = tpu.memref_slice %arg6[%arg0, %add3A_41, %dma_wait3A_48] : memref<2x10000x128xf32, #tpu.memory_space<hbm>> -> memref<1x80x128xf32, #tpu.memory_space<hbm>>
        %dma_wait3A_50 = tpu.memref_squeeze %dma_wait3A_49 : memref<1x80x128xf32, #tpu.memory_space<hbm>> -> memref<80x128xf32, #tpu.memory_space<hbm>>
        %dma_wait3A_51 = arith.constant 0 : i32
        %dma_wait3A_52 = tpu.memref_slice %arg6[%arg0, %add3A_41, %dma_wait3A_51] : memref<2x10000x128xf32, #tpu.memory_space<hbm>> -> memref<1x80x128xf32, #tpu.memory_space<hbm>>
        %dma_wait3A_53 = tpu.memref_squeeze %dma_wait3A_52 : memref<1x80x128xf32, #tpu.memory_space<hbm>> -> memref<80x128xf32, #tpu.memory_space<hbm>>
        tpu.wait_dma2 semaphore(%run_scoped3A : memref<!tpu.dma_semaphore, #tpu.memory_space<semaphore_mem>>) src(%arg11 : memref<80x128xf32, #tpu.memory_space<vmem>>) dst(%dma_wait3A_53 : memref<80x128xf32, #tpu.memory_space<hbm>>)
        tpu.yield
      }) : () -> ()
    }
    return
  }
}

#map = affine_map<(d0, d1) -> (0)>
#map1 = affine_map<(d0, d1) -> (0, 0)>
#map2 = affine_map<(d0, d1) -> (0, 0, 0)>
module attributes {stable_mosaic.version = 14 : i64} {
  func.func @deg(%arg0: i32, %arg1: i32, %arg2: memref<320000xi32, #tpu.memory_space<hbm>>, %arg3: memref<80x128xf32, #tpu.memory_space<hbm>>, %arg4: memref<80x128xf32, #tpu.memory_space<hbm>>, %arg5: memref<2x10000x128xf32, #tpu.memory_space<hbm>>, %arg6: memref<80xi32, #tpu.memory_space<vmem>>, %arg7: memref<80xi32, #tpu.memory_space<vmem>>, %arg8: memref<80xi32, #tpu.memory_space<vmem>>, %arg9: memref<80xi32, #tpu.memory_space<vmem>>, %arg10: memref<80x128xf32, #tpu.memory_space<vmem>>, %arg11: memref<10000x128xf32, #tpu.memory_space<vmem_shared>>, %arg12: memref<!tpu.dma_semaphore, #tpu.memory_space<semaphore_mem>>, %arg13: memref<!tpu.dma_semaphore, #tpu.memory_space<semaphore_mem>>, %arg14: memref<!tpu.dma_semaphore, #tpu.memory_space<semaphore_mem>>, %arg15: memref<!tpu.dma_semaphore, #tpu.memory_space<semaphore_mem>>, %arg16: memref<!tpu.dma_semaphore, #tpu.memory_space<semaphore_mem>>, %arg17: memref<!tpu.dma_semaphore, #tpu.memory_space<semaphore_mem>>, %arg18: memref<!tpu.dma_semaphore, #tpu.memory_space<semaphore_mem>>, %arg19: memref<!tpu.dma_semaphore, #tpu.memory_space<semaphore_mem>>) attributes {dimension_semantics = [#tpu.dimension_semantics<core_parallel>, #tpu.dimension_semantics<subcore_parallel>], iteration_bounds = array<i64: 2, 16>, scalar_prefetch = 0 : i64, scratch_operands = 14 : i64, tpu.core_type = #tpu.core_type<sc_vector_subcore>, window_params = [{transform_indices = #map}, {transform_indices = #map1}, {transform_indices = #map1}, {transform_indices = #map2}]} {
    %mul3A = arith.constant 640 : i32
    %mul3A_0 = arith.muli %arg1, %mul3A : i32
    %eq3A = arith.constant 15 : i32
    %eq3A_1 = arith.cmpi eq, %arg1, %eq3A : i32
    %jit3A = arith.constant 5 : i32
    %jit3A_2 = arith.constant 8 : i32
    %select_n3A = arith.select %eq3A_1, %jit3A, %jit3A_2 : i32
    "tpu.region"() ({
      %run_scoped3A = tpu.sem_alloc : memref<!tpu.dma_semaphore, #tpu.memory_space<semaphore_mem>>
      tpu.enqueue_dma source(%arg3 : memref<80x128xf32, #tpu.memory_space<hbm>>) target(%arg10 : memref<80x128xf32, #tpu.memory_space<vmem>>) target_semaphore(%run_scoped3A : memref<!tpu.dma_semaphore, #tpu.memory_space<semaphore_mem>>)
      tpu.wait_dma2 semaphore(%run_scoped3A : memref<!tpu.dma_semaphore, #tpu.memory_space<semaphore_mem>>) src(%arg3 : memref<80x128xf32, #tpu.memory_space<hbm>>) dst(%arg10 : memref<80x128xf32, #tpu.memory_space<vmem>>)
      tpu.yield
    }) : () -> ()
    %while3A = arith.constant 0 : i32
    %while3A_3 = arith.constant 0 : i32
    %while3A_4 = arith.subi %select_n3A, %while3A_3 : i32
    %while3A_5 = arith.addi %while3A_3, %while3A_4 : i32
    %while3A_6 = arith.constant 1 : i32
    %while3A_7 = arith.divsi %while3A_4, %while3A_6 : i32
    %while3A_8 = arith.muli %while3A_7, %while3A_6 : i32
    %while3A_9 = arith.addi %while3A_3, %while3A_8 : i32
    %while3A_10 = arith.constant 1 : i32
    scf.for %while3A_34 = %while3A_3 to %while3A_9 step %while3A_10  : i32 {
      %mul3A_35 = arith.constant 80 : i32
      %mul3A_36 = arith.muli %while3A_34, %mul3A_35 : i32
      %add3A_37 = arith.addi %mul3A_0, %mul3A_36 : i32
      "tpu.region"() ({
        %run_scoped3A = tpu.sem_alloc : memref<!tpu.dma_semaphore, #tpu.memory_space<semaphore_mem>>
        %dma_start3A = arith.constant 0 : i32
        %dma_start3A_38 = tpu.memref_slice %arg11[%add3A_37, %dma_start3A] : memref<10000x128xf32, #tpu.memory_space<vmem_shared>> -> memref<80x128xf32, #tpu.memory_space<vmem_shared>>
        %dma_start3A_39 = arith.constant 0 : i32
        %dma_start3A_40 = tpu.memref_slice %arg11[%add3A_37, %dma_start3A_39] : memref<10000x128xf32, #tpu.memory_space<vmem_shared>> -> memref<80x128xf32, #tpu.memory_space<vmem_shared>>
        tpu.enqueue_dma source(%arg10 : memref<80x128xf32, #tpu.memory_space<vmem>>) target(%dma_start3A_40 : memref<80x128xf32, #tpu.memory_space<vmem_shared>>) target_semaphore(%run_scoped3A : memref<!tpu.dma_semaphore, #tpu.memory_space<semaphore_mem>>)
        %dma_wait3A = arith.constant 0 : i32
        %dma_wait3A_41 = tpu.memref_slice %arg11[%add3A_37, %dma_wait3A] : memref<10000x128xf32, #tpu.memory_space<vmem_shared>> -> memref<80x128xf32, #tpu.memory_space<vmem_shared>>
        %dma_wait3A_42 = arith.constant 0 : i32
        %dma_wait3A_43 = tpu.memref_slice %arg11[%add3A_37, %dma_wait3A_42] : memref<10000x128xf32, #tpu.memory_space<vmem_shared>> -> memref<80x128xf32, #tpu.memory_space<vmem_shared>>
        tpu.wait_dma2 semaphore(%run_scoped3A : memref<!tpu.dma_semaphore, #tpu.memory_space<semaphore_mem>>) src(%arg10 : memref<80x128xf32, #tpu.memory_space<vmem>>) dst(%dma_wait3A_43 : memref<80x128xf32, #tpu.memory_space<vmem_shared>>)
        tpu.yield
      }) : () -> ()
    }
    %while3A_11 = arith.constant 1 : i32
    scf.for %while3A_34 = %while3A_9 to %while3A_5 step %while3A_11  : i32 {
      %mul3A_35 = arith.constant 80 : i32
      %mul3A_36 = arith.muli %while3A_34, %mul3A_35 : i32
      %add3A_37 = arith.addi %mul3A_0, %mul3A_36 : i32
      "tpu.region"() ({
        %run_scoped3A = tpu.sem_alloc : memref<!tpu.dma_semaphore, #tpu.memory_space<semaphore_mem>>
        %dma_start3A = arith.constant 0 : i32
        %dma_start3A_38 = tpu.memref_slice %arg11[%add3A_37, %dma_start3A] : memref<10000x128xf32, #tpu.memory_space<vmem_shared>> -> memref<80x128xf32, #tpu.memory_space<vmem_shared>>
        %dma_start3A_39 = arith.constant 0 : i32
        %dma_start3A_40 = tpu.memref_slice %arg11[%add3A_37, %dma_start3A_39] : memref<10000x128xf32, #tpu.memory_space<vmem_shared>> -> memref<80x128xf32, #tpu.memory_space<vmem_shared>>
        tpu.enqueue_dma source(%arg10 : memref<80x128xf32, #tpu.memory_space<vmem>>) target(%dma_start3A_40 : memref<80x128xf32, #tpu.memory_space<vmem_shared>>) target_semaphore(%run_scoped3A : memref<!tpu.dma_semaphore, #tpu.memory_space<semaphore_mem>>)
        %dma_wait3A = arith.constant 0 : i32
        %dma_wait3A_41 = tpu.memref_slice %arg11[%add3A_37, %dma_wait3A] : memref<10000x128xf32, #tpu.memory_space<vmem_shared>> -> memref<80x128xf32, #tpu.memory_space<vmem_shared>>
        %dma_wait3A_42 = arith.constant 0 : i32
        %dma_wait3A_43 = tpu.memref_slice %arg11[%add3A_37, %dma_wait3A_42] : memref<10000x128xf32, #tpu.memory_space<vmem_shared>> -> memref<80x128xf32, #tpu.memory_space<vmem_shared>>
        tpu.wait_dma2 semaphore(%run_scoped3A : memref<!tpu.dma_semaphore, #tpu.memory_space<semaphore_mem>>) src(%arg10 : memref<80x128xf32, #tpu.memory_space<vmem>>) dst(%dma_wait3A_43 : memref<80x128xf32, #tpu.memory_space<vmem_shared>>)
        tpu.yield
      }) : () -> ()
    }
    "tpu.region"() ({
      %run_scoped3A = tpu.sem_alloc : memref<!tpu.dma_semaphore, #tpu.memory_space<semaphore_mem>>
      tpu.enqueue_dma source(%arg4 : memref<80x128xf32, #tpu.memory_space<hbm>>) target(%arg10 : memref<80x128xf32, #tpu.memory_space<vmem>>) target_semaphore(%run_scoped3A : memref<!tpu.dma_semaphore, #tpu.memory_space<semaphore_mem>>)
      tpu.wait_dma2 semaphore(%run_scoped3A : memref<!tpu.dma_semaphore, #tpu.memory_space<semaphore_mem>>) src(%arg4 : memref<80x128xf32, #tpu.memory_space<hbm>>) dst(%arg10 : memref<80x128xf32, #tpu.memory_space<vmem>>)
      tpu.yield
    }) : () -> ()
    %barrier3A = arith.constant 0 : index
    tpu.barrier barrier_id(%barrier3A)
    %mul3A_12 = arith.constant 2 : i32
    %mul3A_13 = arith.muli %arg1, %mul3A_12 : i32
    %add3A = arith.addi %mul3A_13, %arg0 : i32
    %mul3A_14 = arith.constant 10000 : i32
    %mul3A_15 = arith.muli %add3A, %mul3A_14 : i32
    %scan3A = arith.constant 0 : i32
    %scan3A_16 = arith.constant 0 : i32
    %scan3A_17 = arith.constant 31 : i32
    %scan3A_18 = arith.addi %scan3A_16, %scan3A_17 : i32
    %scan3A_19 = arith.constant 1 : i32
    scf.for %scan3A_34 = %scan3A_16 to %scan3A_18 step %scan3A_19  : i32 {
      %mul3A_35 = arith.constant 4 : i32
      %mul3A_36 = arith.muli %mul3A_35, %scan3A_34 : i32
      %add3A_37 = arith.constant 0 : i32
      %add3A_38 = arith.addi %mul3A_36, %add3A_37 : i32
      %mul3A_39 = arith.constant 80 : i32
      %mul3A_40 = arith.muli %add3A_38, %mul3A_39 : i32
      %add3A_41 = arith.addi %mul3A_15, %mul3A_40 : i32
      %mul3A_42 = arith.constant 4 : i32
      %mul3A_43 = arith.muli %mul3A_42, %scan3A_34 : i32
      %add3A_44 = arith.constant 1 : i32
      %add3A_45 = arith.addi %mul3A_43, %add3A_44 : i32
      %mul3A_46 = arith.constant 80 : i32
      %mul3A_47 = arith.muli %add3A_45, %mul3A_46 : i32
      %add3A_48 = arith.addi %mul3A_15, %mul3A_47 : i32
      %mul3A_49 = arith.constant 4 : i32
      %mul3A_50 = arith.muli %mul3A_49, %scan3A_34 : i32
      %add3A_51 = arith.constant 2 : i32
      %add3A_52 = arith.addi %mul3A_50, %add3A_51 : i32
      %mul3A_53 = arith.constant 80 : i32
      %mul3A_54 = arith.muli %add3A_52, %mul3A_53 : i32
      %add3A_55 = arith.addi %mul3A_15, %mul3A_54 : i32
      %mul3A_56 = arith.constant 4 : i32
      %mul3A_57 = arith.muli %mul3A_56, %scan3A_34 : i32
      %add3A_58 = arith.constant 3 : i32
      %add3A_59 = arith.addi %mul3A_57, %add3A_58 : i32
      %mul3A_60 = arith.constant 80 : i32
      %mul3A_61 = arith.muli %add3A_59, %mul3A_60 : i32
      %add3A_62 = arith.addi %mul3A_15, %mul3A_61 : i32
      %dma_start3A = tpu.memref_slice %arg2[%add3A_41] : memref<320000xi32, #tpu.memory_space<hbm>> -> memref<80xi32, #tpu.memory_space<hbm>>
      %dma_start3A_63 = tpu.memref_slice %arg2[%add3A_41] : memref<320000xi32, #tpu.memory_space<hbm>> -> memref<80xi32, #tpu.memory_space<hbm>>
      tpu.enqueue_dma source(%dma_start3A_63 : memref<80xi32, #tpu.memory_space<hbm>>) target(%arg6 : memref<80xi32, #tpu.memory_space<vmem>>) target_semaphore(%arg12 : memref<!tpu.dma_semaphore, #tpu.memory_space<semaphore_mem>>)
      %dma_start3A_64 = tpu.memref_slice %arg2[%add3A_48] : memref<320000xi32, #tpu.memory_space<hbm>> -> memref<80xi32, #tpu.memory_space<hbm>>
      %dma_start3A_65 = tpu.memref_slice %arg2[%add3A_48] : memref<320000xi32, #tpu.memory_space<hbm>> -> memref<80xi32, #tpu.memory_space<hbm>>
      tpu.enqueue_dma source(%dma_start3A_65 : memref<80xi32, #tpu.memory_space<hbm>>) target(%arg7 : memref<80xi32, #tpu.memory_space<vmem>>) target_semaphore(%arg13 : memref<!tpu.dma_semaphore, #tpu.memory_space<semaphore_mem>>)
      %dma_start3A_66 = tpu.memref_slice %arg2[%add3A_55] : memref<320000xi32, #tpu.memory_space<hbm>> -> memref<80xi32, #tpu.memory_space<hbm>>
      %dma_start3A_67 = tpu.memref_slice %arg2[%add3A_55] : memref<320000xi32, #tpu.memory_space<hbm>> -> memref<80xi32, #tpu.memory_space<hbm>>
      tpu.enqueue_dma source(%dma_start3A_67 : memref<80xi32, #tpu.memory_space<hbm>>) target(%arg8 : memref<80xi32, #tpu.memory_space<vmem>>) target_semaphore(%arg14 : memref<!tpu.dma_semaphore, #tpu.memory_space<semaphore_mem>>)
      %dma_start3A_68 = tpu.memref_slice %arg2[%add3A_62] : memref<320000xi32, #tpu.memory_space<hbm>> -> memref<80xi32, #tpu.memory_space<hbm>>
      %dma_start3A_69 = tpu.memref_slice %arg2[%add3A_62] : memref<320000xi32, #tpu.memory_space<hbm>> -> memref<80xi32, #tpu.memory_space<hbm>>
      tpu.enqueue_dma source(%dma_start3A_69 : memref<80xi32, #tpu.memory_space<hbm>>) target(%arg9 : memref<80xi32, #tpu.memory_space<vmem>>) target_semaphore(%arg15 : memref<!tpu.dma_semaphore, #tpu.memory_space<semaphore_mem>>)
      %dma_wait3A = tpu.memref_slice %arg2[%add3A_41] : memref<320000xi32, #tpu.memory_space<hbm>> -> memref<80xi32, #tpu.memory_space<hbm>>
      %dma_wait3A_70 = tpu.memref_slice %arg2[%add3A_41] : memref<320000xi32, #tpu.memory_space<hbm>> -> memref<80xi32, #tpu.memory_space<hbm>>
      tpu.wait_dma2 semaphore(%arg12 : memref<!tpu.dma_semaphore, #tpu.memory_space<semaphore_mem>>) src(%dma_wait3A_70 : memref<80xi32, #tpu.memory_space<hbm>>) dst(%arg6 : memref<80xi32, #tpu.memory_space<vmem>>)
      %dma_start3A_71 = arith.constant 0 : i32
      %dma_start3A_72 = arith.constant 0 : i32
      %dma_start3A_73 = tpu.memref_slice %arg11[%dma_start3A_71, %dma_start3A_72] : memref<10000x128xf32, #tpu.memory_space<vmem_shared>> -> memref<10000x128xf32, #tpu.memory_space<vmem_shared>>
      tpu.enqueue_indirect_dma source(%arg10 : memref<80x128xf32, #tpu.memory_space<vmem>>) target(%dma_start3A_73 : memref<10000x128xf32, #tpu.memory_space<vmem_shared>>) offsets(%arg6 : memref<80xi32, #tpu.memory_space<vmem>>) semaphore(%arg16 : memref<!tpu.dma_semaphore, #tpu.memory_space<semaphore_mem>>) {add = true}
      %dma_wait3A_74 = tpu.memref_slice %arg2[%add3A_48] : memref<320000xi32, #tpu.memory_space<hbm>> -> memref<80xi32, #tpu.memory_space<hbm>>
      %dma_wait3A_75 = tpu.memref_slice %arg2[%add3A_48] : memref<320000xi32, #tpu.memory_space<hbm>> -> memref<80xi32, #tpu.memory_space<hbm>>
      tpu.wait_dma2 semaphore(%arg13 : memref<!tpu.dma_semaphore, #tpu.memory_space<semaphore_mem>>) src(%dma_wait3A_75 : memref<80xi32, #tpu.memory_space<hbm>>) dst(%arg7 : memref<80xi32, #tpu.memory_space<vmem>>)
      %dma_start3A_76 = arith.constant 0 : i32
      %dma_start3A_77 = arith.constant 0 : i32
      %dma_start3A_78 = tpu.memref_slice %arg11[%dma_start3A_76, %dma_start3A_77] : memref<10000x128xf32, #tpu.memory_space<vmem_shared>> -> memref<10000x128xf32, #tpu.memory_space<vmem_shared>>
      tpu.enqueue_indirect_dma source(%arg10 : memref<80x128xf32, #tpu.memory_space<vmem>>) target(%dma_start3A_78 : memref<10000x128xf32, #tpu.memory_space<vmem_shared>>) offsets(%arg7 : memref<80xi32, #tpu.memory_space<vmem>>) semaphore(%arg17 : memref<!tpu.dma_semaphore, #tpu.memory_space<semaphore_mem>>) {add = true}
      %dma_wait3A_79 = tpu.memref_slice %arg2[%add3A_55] : memref<320000xi32, #tpu.memory_space<hbm>> -> memref<80xi32, #tpu.memory_space<hbm>>
      %dma_wait3A_80 = tpu.memref_slice %arg2[%add3A_55] : memref<320000xi32, #tpu.memory_space<hbm>> -> memref<80xi32, #tpu.memory_space<hbm>>
      tpu.wait_dma2 semaphore(%arg14 : memref<!tpu.dma_semaphore, #tpu.memory_space<semaphore_mem>>) src(%dma_wait3A_80 : memref<80xi32, #tpu.memory_space<hbm>>) dst(%arg8 : memref<80xi32, #tpu.memory_space<vmem>>)
      %dma_start3A_81 = arith.constant 0 : i32
      %dma_start3A_82 = arith.constant 0 : i32
      %dma_start3A_83 = tpu.memref_slice %arg11[%dma_start3A_81, %dma_start3A_82] : memref<10000x128xf32, #tpu.memory_space<vmem_shared>> -> memref<10000x128xf32, #tpu.memory_space<vmem_shared>>
      tpu.enqueue_indirect_dma source(%arg10 : memref<80x128xf32, #tpu.memory_space<vmem>>) target(%dma_start3A_83 : memref<10000x128xf32, #tpu.memory_space<vmem_shared>>) offsets(%arg8 : memref<80xi32, #tpu.memory_space<vmem>>) semaphore(%arg18 : memref<!tpu.dma_semaphore, #tpu.memory_space<semaphore_mem>>) {add = true}
      %dma_wait3A_84 = tpu.memref_slice %arg2[%add3A_62] : memref<320000xi32, #tpu.memory_space<hbm>> -> memref<80xi32, #tpu.memory_space<hbm>>
      %dma_wait3A_85 = tpu.memref_slice %arg2[%add3A_62] : memref<320000xi32, #tpu.memory_space<hbm>> -> memref<80xi32, #tpu.memory_space<hbm>>
      tpu.wait_dma2 semaphore(%arg15 : memref<!tpu.dma_semaphore, #tpu.memory_space<semaphore_mem>>) src(%dma_wait3A_85 : memref<80xi32, #tpu.memory_space<hbm>>) dst(%arg9 : memref<80xi32, #tpu.memory_space<vmem>>)
      %dma_start3A_86 = arith.constant 0 : i32
      %dma_start3A_87 = arith.constant 0 : i32
      %dma_start3A_88 = tpu.memref_slice %arg11[%dma_start3A_86, %dma_start3A_87] : memref<10000x128xf32, #tpu.memory_space<vmem_shared>> -> memref<10000x128xf32, #tpu.memory_space<vmem_shared>>
      tpu.enqueue_indirect_dma source(%arg10 : memref<80x128xf32, #tpu.memory_space<vmem>>) target(%dma_start3A_88 : memref<10000x128xf32, #tpu.memory_space<vmem_shared>>) offsets(%arg9 : memref<80xi32, #tpu.memory_space<vmem>>) semaphore(%arg19 : memref<!tpu.dma_semaphore, #tpu.memory_space<semaphore_mem>>) {add = true}
      %dma_wait3A_89 = arith.constant 0 : i32
      %dma_wait3A_90 = arith.constant 0 : i32
      %dma_wait3A_91 = tpu.memref_slice %arg11[%dma_wait3A_89, %dma_wait3A_90] : memref<10000x128xf32, #tpu.memory_space<vmem_shared>> -> memref<10000x128xf32, #tpu.memory_space<vmem_shared>>
      tpu.wait_indirect_dma semaphore(%arg16 : memref<!tpu.dma_semaphore, #tpu.memory_space<semaphore_mem>>) src(%arg10 : memref<80x128xf32, #tpu.memory_space<vmem>>) dst(%dma_wait3A_91 : memref<10000x128xf32, #tpu.memory_space<vmem_shared>>)
      %dma_wait3A_92 = arith.constant 0 : i32
      %dma_wait3A_93 = arith.constant 0 : i32
      %dma_wait3A_94 = tpu.memref_slice %arg11[%dma_wait3A_92, %dma_wait3A_93] : memref<10000x128xf32, #tpu.memory_space<vmem_shared>> -> memref<10000x128xf32, #tpu.memory_space<vmem_shared>>
      tpu.wait_indirect_dma semaphore(%arg17 : memref<!tpu.dma_semaphore, #tpu.memory_space<semaphore_mem>>) src(%arg10 : memref<80x128xf32, #tpu.memory_space<vmem>>) dst(%dma_wait3A_94 : memref<10000x128xf32, #tpu.memory_space<vmem_shared>>)
      %dma_wait3A_95 = arith.constant 0 : i32
      %dma_wait3A_96 = arith.constant 0 : i32
      %dma_wait3A_97 = tpu.memref_slice %arg11[%dma_wait3A_95, %dma_wait3A_96] : memref<10000x128xf32, #tpu.memory_space<vmem_shared>> -> memref<10000x128xf32, #tpu.memory_space<vmem_shared>>
      tpu.wait_indirect_dma semaphore(%arg18 : memref<!tpu.dma_semaphore, #tpu.memory_space<semaphore_mem>>) src(%arg10 : memref<80x128xf32, #tpu.memory_space<vmem>>) dst(%dma_wait3A_97 : memref<10000x128xf32, #tpu.memory_space<vmem_shared>>)
      %dma_wait3A_98 = arith.constant 0 : i32
      %dma_wait3A_99 = arith.constant 0 : i32
      %dma_wait3A_100 = tpu.memref_slice %arg11[%dma_wait3A_98, %dma_wait3A_99] : memref<10000x128xf32, #tpu.memory_space<vmem_shared>> -> memref<10000x128xf32, #tpu.memory_space<vmem_shared>>
      tpu.wait_indirect_dma semaphore(%arg19 : memref<!tpu.dma_semaphore, #tpu.memory_space<semaphore_mem>>) src(%arg10 : memref<80x128xf32, #tpu.memory_space<vmem>>) dst(%dma_wait3A_100 : memref<10000x128xf32, #tpu.memory_space<vmem_shared>>)
    }
    %scan3A_20 = arith.constant 31 : i32
    %add3A_21 = arith.constant 9920 : i32
    %add3A_22 = arith.addi %mul3A_15, %add3A_21 : i32
    "tpu.region"() ({
      %run_scoped3A = tpu.sem_alloc : memref<!tpu.dma_semaphore, #tpu.memory_space<semaphore_mem>>
      %dma_start3A = tpu.memref_slice %arg2[%add3A_22] : memref<320000xi32, #tpu.memory_space<hbm>> -> memref<80xi32, #tpu.memory_space<hbm>>
      %dma_start3A_34 = tpu.memref_slice %arg2[%add3A_22] : memref<320000xi32, #tpu.memory_space<hbm>> -> memref<80xi32, #tpu.memory_space<hbm>>
      tpu.enqueue_dma source(%dma_start3A_34 : memref<80xi32, #tpu.memory_space<hbm>>) target(%arg6 : memref<80xi32, #tpu.memory_space<vmem>>) target_semaphore(%run_scoped3A : memref<!tpu.dma_semaphore, #tpu.memory_space<semaphore_mem>>)
      %dma_wait3A = tpu.memref_slice %arg2[%add3A_22] : memref<320000xi32, #tpu.memory_space<hbm>> -> memref<80xi32, #tpu.memory_space<hbm>>
      %dma_wait3A_35 = tpu.memref_slice %arg2[%add3A_22] : memref<320000xi32, #tpu.memory_space<hbm>> -> memref<80xi32, #tpu.memory_space<hbm>>
      tpu.wait_dma2 semaphore(%run_scoped3A : memref<!tpu.dma_semaphore, #tpu.memory_space<semaphore_mem>>) src(%dma_wait3A_35 : memref<80xi32, #tpu.memory_space<hbm>>) dst(%arg6 : memref<80xi32, #tpu.memory_space<vmem>>)
      tpu.yield
    }) : () -> ()
    "tpu.region"() ({
      %run_scoped3A = tpu.sem_alloc : memref<!tpu.dma_semaphore, #tpu.memory_space<semaphore_mem>>
      %dma_start3A = arith.constant 0 : i32
      %dma_start3A_34 = arith.constant 0 : i32
      %dma_start3A_35 = tpu.memref_slice %arg11[%dma_start3A, %dma_start3A_34] : memref<10000x128xf32, #tpu.memory_space<vmem_shared>> -> memref<10000x128xf32, #tpu.memory_space<vmem_shared>>
      tpu.enqueue_indirect_dma source(%arg10 : memref<80x128xf32, #tpu.memory_space<vmem>>) target(%dma_start3A_35 : memref<10000x128xf32, #tpu.memory_space<vmem_shared>>) offsets(%arg6 : memref<80xi32, #tpu.memory_space<vmem>>) semaphore(%run_scoped3A : memref<!tpu.dma_semaphore, #tpu.memory_space<semaphore_mem>>) {add = true}
      %dma_wait3A = arith.constant 0 : i32
      %dma_wait3A_36 = arith.constant 0 : i32
      %dma_wait3A_37 = tpu.memref_slice %arg11[%dma_wait3A, %dma_wait3A_36] : memref<10000x128xf32, #tpu.memory_space<vmem_shared>> -> memref<10000x128xf32, #tpu.memory_space<vmem_shared>>
      tpu.wait_indirect_dma semaphore(%run_scoped3A : memref<!tpu.dma_semaphore, #tpu.memory_space<semaphore_mem>>) src(%arg10 : memref<80x128xf32, #tpu.memory_space<vmem>>) dst(%dma_wait3A_37 : memref<10000x128xf32, #tpu.memory_space<vmem_shared>>)
      tpu.yield
    }) : () -> ()
    %barrier3A_23 = arith.constant 0 : index
    tpu.barrier barrier_id(%barrier3A_23)
    %while3A_24 = arith.constant 0 : i32
    %while3A_25 = arith.constant 0 : i32
    %while3A_26 = arith.subi %select_n3A, %while3A_25 : i32
    %while3A_27 = arith.addi %while3A_25, %while3A_26 : i32
    %while3A_28 = arith.constant 1 : i32
    %while3A_29 = arith.divsi %while3A_26, %while3A_28 : i32
    %while3A_30 = arith.muli %while3A_29, %while3A_28 : i32
    %while3A_31 = arith.addi %while3A_25, %while3A_30 : i32
    %while3A_32 = arith.constant 1 : i32
    scf.for %while3A_34 = %while3A_25 to %while3A_31 step %while3A_32  : i32 {
      %mul3A_35 = arith.constant 80 : i32
      %mul3A_36 = arith.muli %while3A_34, %mul3A_35 : i32
      %add3A_37 = arith.addi %mul3A_0, %mul3A_36 : i32
      "tpu.region"() ({
        %run_scoped3A = tpu.sem_alloc : memref<!tpu.dma_semaphore, #tpu.memory_space<semaphore_mem>>
        %dma_start3A = arith.constant 0 : i32
        %dma_start3A_38 = tpu.memref_slice %arg11[%add3A_37, %dma_start3A] : memref<10000x128xf32, #tpu.memory_space<vmem_shared>> -> memref<80x128xf32, #tpu.memory_space<vmem_shared>>
        %dma_start3A_39 = arith.constant 0 : i32
        %dma_start3A_40 = tpu.memref_slice %arg11[%add3A_37, %dma_start3A_39] : memref<10000x128xf32, #tpu.memory_space<vmem_shared>> -> memref<80x128xf32, #tpu.memory_space<vmem_shared>>
        tpu.enqueue_dma source(%dma_start3A_40 : memref<80x128xf32, #tpu.memory_space<vmem_shared>>) target(%arg10 : memref<80x128xf32, #tpu.memory_space<vmem>>) target_semaphore(%run_scoped3A : memref<!tpu.dma_semaphore, #tpu.memory_space<semaphore_mem>>)
        %dma_wait3A = arith.constant 0 : i32
        %dma_wait3A_41 = tpu.memref_slice %arg11[%add3A_37, %dma_wait3A] : memref<10000x128xf32, #tpu.memory_space<vmem_shared>> -> memref<80x128xf32, #tpu.memory_space<vmem_shared>>
        %dma_wait3A_42 = arith.constant 0 : i32
        %dma_wait3A_43 = tpu.memref_slice %arg11[%add3A_37, %dma_wait3A_42] : memref<10000x128xf32, #tpu.memory_space<vmem_shared>> -> memref<80x128xf32, #tpu.memory_space<vmem_shared>>
        tpu.wait_dma2 semaphore(%run_scoped3A : memref<!tpu.dma_semaphore, #tpu.memory_space<semaphore_mem>>) src(%dma_wait3A_43 : memref<80x128xf32, #tpu.memory_space<vmem_shared>>) dst(%arg10 : memref<80x128xf32, #tpu.memory_space<vmem>>)
        tpu.yield
      }) : () -> ()
      "tpu.region"() ({
        %run_scoped3A = tpu.sem_alloc : memref<!tpu.dma_semaphore, #tpu.memory_space<semaphore_mem>>
        %dma_start3A = arith.constant 0 : i32
        %dma_start3A_38 = tpu.memref_slice %arg5[%arg0, %add3A_37, %dma_start3A] : memref<2x10000x128xf32, #tpu.memory_space<hbm>> -> memref<1x80x128xf32, #tpu.memory_space<hbm>>
        %dma_start3A_39 = tpu.memref_squeeze %dma_start3A_38 : memref<1x80x128xf32, #tpu.memory_space<hbm>> -> memref<80x128xf32, #tpu.memory_space<hbm>>
        %dma_start3A_40 = arith.constant 0 : i32
        %dma_start3A_41 = tpu.memref_slice %arg5[%arg0, %add3A_37, %dma_start3A_40] : memref<2x10000x128xf32, #tpu.memory_space<hbm>> -> memref<1x80x128xf32, #tpu.memory_space<hbm>>
        %dma_start3A_42 = tpu.memref_squeeze %dma_start3A_41 : memref<1x80x128xf32, #tpu.memory_space<hbm>> -> memref<80x128xf32, #tpu.memory_space<hbm>>
        tpu.enqueue_dma source(%arg10 : memref<80x128xf32, #tpu.memory_space<vmem>>) target(%dma_start3A_42 : memref<80x128xf32, #tpu.memory_space<hbm>>) target_semaphore(%run_scoped3A : memref<!tpu.dma_semaphore, #tpu.memory_space<semaphore_mem>>)
        %dma_wait3A = arith.constant 0 : i32
        %dma_wait3A_43 = tpu.memref_slice %arg5[%arg0, %add3A_37, %dma_wait3A] : memref<2x10000x128xf32, #tpu.memory_space<hbm>> -> memref<1x80x128xf32, #tpu.memory_space<hbm>>
        %dma_wait3A_44 = tpu.memref_squeeze %dma_wait3A_43 : memref<1x80x128xf32, #tpu.memory_space<hbm>> -> memref<80x128xf32, #tpu.memory_space<hbm>>
        %dma_wait3A_45 = arith.constant 0 : i32
        %dma_wait3A_46 = tpu.memref_slice %arg5[%arg0, %add3A_37, %dma_wait3A_45] : memref<2x10000x128xf32, #tpu.memory_space<hbm>> -> memref<1x80x128xf32, #tpu.memory_space<hbm>>
        %dma_wait3A_47 = tpu.memref_squeeze %dma_wait3A_46 : memref<1x80x128xf32, #tpu.memory_space<hbm>> -> memref<80x128xf32, #tpu.memory_space<hbm>>
        tpu.wait_dma2 semaphore(%run_scoped3A : memref<!tpu.dma_semaphore, #tpu.memory_space<semaphore_mem>>) src(%arg10 : memref<80x128xf32, #tpu.memory_space<vmem>>) dst(%dma_wait3A_47 : memref<80x128xf32, #tpu.memory_space<hbm>>)
        tpu.yield
      }) : () -> ()
    }
    %while3A_33 = arith.constant 1 : i32
    scf.for %while3A_34 = %while3A_31 to %while3A_27 step %while3A_33  : i32 {
      %mul3A_35 = arith.constant 80 : i32
      %mul3A_36 = arith.muli %while3A_34, %mul3A_35 : i32
      %add3A_37 = arith.addi %mul3A_0, %mul3A_36 : i32
      "tpu.region"() ({
        %run_scoped3A = tpu.sem_alloc : memref<!tpu.dma_semaphore, #tpu.memory_space<semaphore_mem>>
        %dma_start3A = arith.constant 0 : i32
        %dma_start3A_38 = tpu.memref_slice %arg11[%add3A_37, %dma_start3A] : memref<10000x128xf32, #tpu.memory_space<vmem_shared>> -> memref<80x128xf32, #tpu.memory_space<vmem_shared>>
        %dma_start3A_39 = arith.constant 0 : i32
        %dma_start3A_40 = tpu.memref_slice %arg11[%add3A_37, %dma_start3A_39] : memref<10000x128xf32, #tpu.memory_space<vmem_shared>> -> memref<80x128xf32, #tpu.memory_space<vmem_shared>>
        tpu.enqueue_dma source(%dma_start3A_40 : memref<80x128xf32, #tpu.memory_space<vmem_shared>>) target(%arg10 : memref<80x128xf32, #tpu.memory_space<vmem>>) target_semaphore(%run_scoped3A : memref<!tpu.dma_semaphore, #tpu.memory_space<semaphore_mem>>)
        %dma_wait3A = arith.constant 0 : i32
        %dma_wait3A_41 = tpu.memref_slice %arg11[%add3A_37, %dma_wait3A] : memref<10000x128xf32, #tpu.memory_space<vmem_shared>> -> memref<80x128xf32, #tpu.memory_space<vmem_shared>>
        %dma_wait3A_42 = arith.constant 0 : i32
        %dma_wait3A_43 = tpu.memref_slice %arg11[%add3A_37, %dma_wait3A_42] : memref<10000x128xf32, #tpu.memory_space<vmem_shared>> -> memref<80x128xf32, #tpu.memory_space<vmem_shared>>
        tpu.wait_dma2 semaphore(%run_scoped3A : memref<!tpu.dma_semaphore, #tpu.memory_space<semaphore_mem>>) src(%dma_wait3A_43 : memref<80x128xf32, #tpu.memory_space<vmem_shared>>) dst(%arg10 : memref<80x128xf32, #tpu.memory_space<vmem>>)
        tpu.yield
      }) : () -> ()
      "tpu.region"() ({
        %run_scoped3A = tpu.sem_alloc : memref<!tpu.dma_semaphore, #tpu.memory_space<semaphore_mem>>
        %dma_start3A = arith.constant 0 : i32
        %dma_start3A_38 = tpu.memref_slice %arg5[%arg0, %add3A_37, %dma_start3A] : memref<2x10000x128xf32, #tpu.memory_space<hbm>> -> memref<1x80x128xf32, #tpu.memory_space<hbm>>
        %dma_start3A_39 = tpu.memref_squeeze %dma_start3A_38 : memref<1x80x128xf32, #tpu.memory_space<hbm>> -> memref<80x128xf32, #tpu.memory_space<hbm>>
        %dma_start3A_40 = arith.constant 0 : i32
        %dma_start3A_41 = tpu.memref_slice %arg5[%arg0, %add3A_37, %dma_start3A_40] : memref<2x10000x128xf32, #tpu.memory_space<hbm>> -> memref<1x80x128xf32, #tpu.memory_space<hbm>>
        %dma_start3A_42 = tpu.memref_squeeze %dma_start3A_41 : memref<1x80x128xf32, #tpu.memory_space<hbm>> -> memref<80x128xf32, #tpu.memory_space<hbm>>
        tpu.enqueue_dma source(%arg10 : memref<80x128xf32, #tpu.memory_space<vmem>>) target(%dma_start3A_42 : memref<80x128xf32, #tpu.memory_space<hbm>>) target_semaphore(%run_scoped3A : memref<!tpu.dma_semaphore, #tpu.memory_space<semaphore_mem>>)
        %dma_wait3A = arith.constant 0 : i32
        %dma_wait3A_43 = tpu.memref_slice %arg5[%arg0, %add3A_37, %dma_wait3A] : memref<2x10000x128xf32, #tpu.memory_space<hbm>> -> memref<1x80x128xf32, #tpu.memory_space<hbm>>
        %dma_wait3A_44 = tpu.memref_squeeze %dma_wait3A_43 : memref<1x80x128xf32, #tpu.memory_space<hbm>> -> memref<80x128xf32, #tpu.memory_space<hbm>>
        %dma_wait3A_45 = arith.constant 0 : i32
        %dma_wait3A_46 = tpu.memref_slice %arg5[%arg0, %add3A_37, %dma_wait3A_45] : memref<2x10000x128xf32, #tpu.memory_space<hbm>> -> memref<1x80x128xf32, #tpu.memory_space<hbm>>
        %dma_wait3A_47 = tpu.memref_squeeze %dma_wait3A_46 : memref<1x80x128xf32, #tpu.memory_space<hbm>> -> memref<80x128xf32, #tpu.memory_space<hbm>>
        tpu.wait_dma2 semaphore(%run_scoped3A : memref<!tpu.dma_semaphore, #tpu.memory_space<semaphore_mem>>) src(%arg10 : memref<80x128xf32, #tpu.memory_space<vmem>>) dst(%dma_wait3A_47 : memref<80x128xf32, #tpu.memory_space<hbm>>)
        tpu.yield
      }) : () -> ()
    }
    return
  }
}

#map = affine_map<(d0, d1) -> (0)>
#map1 = affine_map<(d0, d1) -> (0, 0)>
#map2 = affine_map<(d0, d1) -> (0, 0, 0)>
module attributes {stable_mosaic.version = 14 : i64} {
  func.func @deg(%arg0: i32, %arg1: i32, %arg2: memref<320000xi32, #tpu.memory_space<hbm>>, %arg3: memref<80x128xf32, #tpu.memory_space<hbm>>, %arg4: memref<80x128xf32, #tpu.memory_space<hbm>>, %arg5: memref<2x10000x128xf32, #tpu.memory_space<hbm>>, %arg6: memref<80xi32, #tpu.memory_space<vmem>>, %arg7: memref<80xi32, #tpu.memory_space<vmem>>, %arg8: memref<80xi32, #tpu.memory_space<vmem>>, %arg9: memref<80xi32, #tpu.memory_space<vmem>>, %arg10: memref<80x128xf32, #tpu.memory_space<vmem>>, %arg11: memref<10000x128xf32, #tpu.memory_space<vmem_shared>>, %arg12: memref<!tpu.dma_semaphore, #tpu.memory_space<semaphore_mem>>, %arg13: memref<!tpu.dma_semaphore, #tpu.memory_space<semaphore_mem>>, %arg14: memref<!tpu.dma_semaphore, #tpu.memory_space<semaphore_mem>>, %arg15: memref<!tpu.dma_semaphore, #tpu.memory_space<semaphore_mem>>, %arg16: memref<!tpu.dma_semaphore, #tpu.memory_space<semaphore_mem>>, %arg17: memref<!tpu.dma_semaphore, #tpu.memory_space<semaphore_mem>>, %arg18: memref<!tpu.dma_semaphore, #tpu.memory_space<semaphore_mem>>, %arg19: memref<!tpu.dma_semaphore, #tpu.memory_space<semaphore_mem>>) attributes {dimension_semantics = [#tpu.dimension_semantics<core_parallel>, #tpu.dimension_semantics<subcore_parallel>], iteration_bounds = array<i64: 2, 16>, scalar_prefetch = 0 : i64, scratch_operands = 14 : i64, tpu.core_type = #tpu.core_type<sc_vector_subcore>, window_params = [{transform_indices = #map}, {transform_indices = #map1}, {transform_indices = #map1}, {transform_indices = #map2}]} {
    %mul3A = arith.constant 640 : i32
    %mul3A_0 = arith.muli %arg1, %mul3A : i32
    %eq3A = arith.constant 15 : i32
    %eq3A_1 = arith.cmpi eq, %arg1, %eq3A : i32
    %jit3A = arith.constant 5 : i32
    %jit3A_2 = arith.constant 8 : i32
    %select_n3A = arith.select %eq3A_1, %jit3A, %jit3A_2 : i32
    "tpu.region"() ({
      %run_scoped3A = tpu.sem_alloc : memref<!tpu.dma_semaphore, #tpu.memory_space<semaphore_mem>>
      tpu.enqueue_dma source(%arg3 : memref<80x128xf32, #tpu.memory_space<hbm>>) target(%arg10 : memref<80x128xf32, #tpu.memory_space<vmem>>) target_semaphore(%run_scoped3A : memref<!tpu.dma_semaphore, #tpu.memory_space<semaphore_mem>>)
      tpu.wait_dma2 semaphore(%run_scoped3A : memref<!tpu.dma_semaphore, #tpu.memory_space<semaphore_mem>>) src(%arg3 : memref<80x128xf32, #tpu.memory_space<hbm>>) dst(%arg10 : memref<80x128xf32, #tpu.memory_space<vmem>>)
      tpu.yield
    }) : () -> ()
    %while3A = arith.constant 0 : i32
    %while3A_3 = arith.constant 0 : i32
    %while3A_4 = arith.subi %select_n3A, %while3A_3 : i32
    %while3A_5 = arith.addi %while3A_3, %while3A_4 : i32
    %while3A_6 = arith.constant 1 : i32
    %while3A_7 = arith.divsi %while3A_4, %while3A_6 : i32
    %while3A_8 = arith.muli %while3A_7, %while3A_6 : i32
    %while3A_9 = arith.addi %while3A_3, %while3A_8 : i32
    %while3A_10 = arith.constant 1 : i32
    scf.for %while3A_34 = %while3A_3 to %while3A_9 step %while3A_10  : i32 {
      %mul3A_35 = arith.constant 80 : i32
      %mul3A_36 = arith.muli %while3A_34, %mul3A_35 : i32
      %add3A_37 = arith.addi %mul3A_0, %mul3A_36 : i32
      "tpu.region"() ({
        %run_scoped3A = tpu.sem_alloc : memref<!tpu.dma_semaphore, #tpu.memory_space<semaphore_mem>>
        %dma_start3A = arith.constant 0 : i32
        %dma_start3A_38 = tpu.memref_slice %arg11[%add3A_37, %dma_start3A] : memref<10000x128xf32, #tpu.memory_space<vmem_shared>> -> memref<80x128xf32, #tpu.memory_space<vmem_shared>>
        %dma_start3A_39 = arith.constant 0 : i32
        %dma_start3A_40 = tpu.memref_slice %arg11[%add3A_37, %dma_start3A_39] : memref<10000x128xf32, #tpu.memory_space<vmem_shared>> -> memref<80x128xf32, #tpu.memory_space<vmem_shared>>
        tpu.enqueue_dma source(%arg10 : memref<80x128xf32, #tpu.memory_space<vmem>>) target(%dma_start3A_40 : memref<80x128xf32, #tpu.memory_space<vmem_shared>>) target_semaphore(%run_scoped3A : memref<!tpu.dma_semaphore, #tpu.memory_space<semaphore_mem>>)
        %dma_wait3A = arith.constant 0 : i32
        %dma_wait3A_41 = tpu.memref_slice %arg11[%add3A_37, %dma_wait3A] : memref<10000x128xf32, #tpu.memory_space<vmem_shared>> -> memref<80x128xf32, #tpu.memory_space<vmem_shared>>
        %dma_wait3A_42 = arith.constant 0 : i32
        %dma_wait3A_43 = tpu.memref_slice %arg11[%add3A_37, %dma_wait3A_42] : memref<10000x128xf32, #tpu.memory_space<vmem_shared>> -> memref<80x128xf32, #tpu.memory_space<vmem_shared>>
        tpu.wait_dma2 semaphore(%run_scoped3A : memref<!tpu.dma_semaphore, #tpu.memory_space<semaphore_mem>>) src(%arg10 : memref<80x128xf32, #tpu.memory_space<vmem>>) dst(%dma_wait3A_43 : memref<80x128xf32, #tpu.memory_space<vmem_shared>>)
        tpu.yield
      }) : () -> ()
    }
    %while3A_11 = arith.constant 1 : i32
    scf.for %while3A_34 = %while3A_9 to %while3A_5 step %while3A_11  : i32 {
      %mul3A_35 = arith.constant 80 : i32
      %mul3A_36 = arith.muli %while3A_34, %mul3A_35 : i32
      %add3A_37 = arith.addi %mul3A_0, %mul3A_36 : i32
      "tpu.region"() ({
        %run_scoped3A = tpu.sem_alloc : memref<!tpu.dma_semaphore, #tpu.memory_space<semaphore_mem>>
        %dma_start3A = arith.constant 0 : i32
        %dma_start3A_38 = tpu.memref_slice %arg11[%add3A_37, %dma_start3A] : memref<10000x128xf32, #tpu.memory_space<vmem_shared>> -> memref<80x128xf32, #tpu.memory_space<vmem_shared>>
        %dma_start3A_39 = arith.constant 0 : i32
        %dma_start3A_40 = tpu.memref_slice %arg11[%add3A_37, %dma_start3A_39] : memref<10000x128xf32, #tpu.memory_space<vmem_shared>> -> memref<80x128xf32, #tpu.memory_space<vmem_shared>>
        tpu.enqueue_dma source(%arg10 : memref<80x128xf32, #tpu.memory_space<vmem>>) target(%dma_start3A_40 : memref<80x128xf32, #tpu.memory_space<vmem_shared>>) target_semaphore(%run_scoped3A : memref<!tpu.dma_semaphore, #tpu.memory_space<semaphore_mem>>)
        %dma_wait3A = arith.constant 0 : i32
        %dma_wait3A_41 = tpu.memref_slice %arg11[%add3A_37, %dma_wait3A] : memref<10000x128xf32, #tpu.memory_space<vmem_shared>> -> memref<80x128xf32, #tpu.memory_space<vmem_shared>>
        %dma_wait3A_42 = arith.constant 0 : i32
        %dma_wait3A_43 = tpu.memref_slice %arg11[%add3A_37, %dma_wait3A_42] : memref<10000x128xf32, #tpu.memory_space<vmem_shared>> -> memref<80x128xf32, #tpu.memory_space<vmem_shared>>
        tpu.wait_dma2 semaphore(%run_scoped3A : memref<!tpu.dma_semaphore, #tpu.memory_space<semaphore_mem>>) src(%arg10 : memref<80x128xf32, #tpu.memory_space<vmem>>) dst(%dma_wait3A_43 : memref<80x128xf32, #tpu.memory_space<vmem_shared>>)
        tpu.yield
      }) : () -> ()
    }
    "tpu.region"() ({
      %run_scoped3A = tpu.sem_alloc : memref<!tpu.dma_semaphore, #tpu.memory_space<semaphore_mem>>
      tpu.enqueue_dma source(%arg4 : memref<80x128xf32, #tpu.memory_space<hbm>>) target(%arg10 : memref<80x128xf32, #tpu.memory_space<vmem>>) target_semaphore(%run_scoped3A : memref<!tpu.dma_semaphore, #tpu.memory_space<semaphore_mem>>)
      tpu.wait_dma2 semaphore(%run_scoped3A : memref<!tpu.dma_semaphore, #tpu.memory_space<semaphore_mem>>) src(%arg4 : memref<80x128xf32, #tpu.memory_space<hbm>>) dst(%arg10 : memref<80x128xf32, #tpu.memory_space<vmem>>)
      tpu.yield
    }) : () -> ()
    %barrier3A = arith.constant 0 : index
    tpu.barrier barrier_id(%barrier3A)
    %mul3A_12 = arith.constant 2 : i32
    %mul3A_13 = arith.muli %arg1, %mul3A_12 : i32
    %add3A = arith.addi %mul3A_13, %arg0 : i32
    %mul3A_14 = arith.constant 10000 : i32
    %mul3A_15 = arith.muli %add3A, %mul3A_14 : i32
    %scan3A = arith.constant 0 : i32
    %scan3A_16 = arith.constant 0 : i32
    %scan3A_17 = arith.constant 31 : i32
    %scan3A_18 = arith.addi %scan3A_16, %scan3A_17 : i32
    %scan3A_19 = arith.constant 1 : i32
    scf.for %scan3A_34 = %scan3A_16 to %scan3A_18 step %scan3A_19  : i32 {
      %mul3A_35 = arith.constant 4 : i32
      %mul3A_36 = arith.muli %mul3A_35, %scan3A_34 : i32
      %add3A_37 = arith.constant 0 : i32
      %add3A_38 = arith.addi %mul3A_36, %add3A_37 : i32
      %mul3A_39 = arith.constant 80 : i32
      %mul3A_40 = arith.muli %add3A_38, %mul3A_39 : i32
      %add3A_41 = arith.addi %mul3A_15, %mul3A_40 : i32
      %mul3A_42 = arith.constant 4 : i32
      %mul3A_43 = arith.muli %mul3A_42, %scan3A_34 : i32
      %add3A_44 = arith.constant 1 : i32
      %add3A_45 = arith.addi %mul3A_43, %add3A_44 : i32
      %mul3A_46 = arith.constant 80 : i32
      %mul3A_47 = arith.muli %add3A_45, %mul3A_46 : i32
      %add3A_48 = arith.addi %mul3A_15, %mul3A_47 : i32
      %mul3A_49 = arith.constant 4 : i32
      %mul3A_50 = arith.muli %mul3A_49, %scan3A_34 : i32
      %add3A_51 = arith.constant 2 : i32
      %add3A_52 = arith.addi %mul3A_50, %add3A_51 : i32
      %mul3A_53 = arith.constant 80 : i32
      %mul3A_54 = arith.muli %add3A_52, %mul3A_53 : i32
      %add3A_55 = arith.addi %mul3A_15, %mul3A_54 : i32
      %mul3A_56 = arith.constant 4 : i32
      %mul3A_57 = arith.muli %mul3A_56, %scan3A_34 : i32
      %add3A_58 = arith.constant 3 : i32
      %add3A_59 = arith.addi %mul3A_57, %add3A_58 : i32
      %mul3A_60 = arith.constant 80 : i32
      %mul3A_61 = arith.muli %add3A_59, %mul3A_60 : i32
      %add3A_62 = arith.addi %mul3A_15, %mul3A_61 : i32
      %dma_start3A = tpu.memref_slice %arg2[%add3A_41] : memref<320000xi32, #tpu.memory_space<hbm>> -> memref<80xi32, #tpu.memory_space<hbm>>
      %dma_start3A_63 = tpu.memref_slice %arg2[%add3A_41] : memref<320000xi32, #tpu.memory_space<hbm>> -> memref<80xi32, #tpu.memory_space<hbm>>
      tpu.enqueue_dma source(%dma_start3A_63 : memref<80xi32, #tpu.memory_space<hbm>>) target(%arg6 : memref<80xi32, #tpu.memory_space<vmem>>) target_semaphore(%arg12 : memref<!tpu.dma_semaphore, #tpu.memory_space<semaphore_mem>>)
      %dma_start3A_64 = tpu.memref_slice %arg2[%add3A_48] : memref<320000xi32, #tpu.memory_space<hbm>> -> memref<80xi32, #tpu.memory_space<hbm>>
      %dma_start3A_65 = tpu.memref_slice %arg2[%add3A_48] : memref<320000xi32, #tpu.memory_space<hbm>> -> memref<80xi32, #tpu.memory_space<hbm>>
      tpu.enqueue_dma source(%dma_start3A_65 : memref<80xi32, #tpu.memory_space<hbm>>) target(%arg7 : memref<80xi32, #tpu.memory_space<vmem>>) target_semaphore(%arg13 : memref<!tpu.dma_semaphore, #tpu.memory_space<semaphore_mem>>)
      %dma_start3A_66 = tpu.memref_slice %arg2[%add3A_55] : memref<320000xi32, #tpu.memory_space<hbm>> -> memref<80xi32, #tpu.memory_space<hbm>>
      %dma_start3A_67 = tpu.memref_slice %arg2[%add3A_55] : memref<320000xi32, #tpu.memory_space<hbm>> -> memref<80xi32, #tpu.memory_space<hbm>>
      tpu.enqueue_dma source(%dma_start3A_67 : memref<80xi32, #tpu.memory_space<hbm>>) target(%arg8 : memref<80xi32, #tpu.memory_space<vmem>>) target_semaphore(%arg14 : memref<!tpu.dma_semaphore, #tpu.memory_space<semaphore_mem>>)
      %dma_start3A_68 = tpu.memref_slice %arg2[%add3A_62] : memref<320000xi32, #tpu.memory_space<hbm>> -> memref<80xi32, #tpu.memory_space<hbm>>
      %dma_start3A_69 = tpu.memref_slice %arg2[%add3A_62] : memref<320000xi32, #tpu.memory_space<hbm>> -> memref<80xi32, #tpu.memory_space<hbm>>
      tpu.enqueue_dma source(%dma_start3A_69 : memref<80xi32, #tpu.memory_space<hbm>>) target(%arg9 : memref<80xi32, #tpu.memory_space<vmem>>) target_semaphore(%arg15 : memref<!tpu.dma_semaphore, #tpu.memory_space<semaphore_mem>>)
      %dma_wait3A = tpu.memref_slice %arg2[%add3A_41] : memref<320000xi32, #tpu.memory_space<hbm>> -> memref<80xi32, #tpu.memory_space<hbm>>
      %dma_wait3A_70 = tpu.memref_slice %arg2[%add3A_41] : memref<320000xi32, #tpu.memory_space<hbm>> -> memref<80xi32, #tpu.memory_space<hbm>>
      tpu.wait_dma2 semaphore(%arg12 : memref<!tpu.dma_semaphore, #tpu.memory_space<semaphore_mem>>) src(%dma_wait3A_70 : memref<80xi32, #tpu.memory_space<hbm>>) dst(%arg6 : memref<80xi32, #tpu.memory_space<vmem>>)
      %dma_start3A_71 = arith.constant 0 : i32
      %dma_start3A_72 = arith.constant 0 : i32
      %dma_start3A_73 = tpu.memref_slice %arg11[%dma_start3A_71, %dma_start3A_72] : memref<10000x128xf32, #tpu.memory_space<vmem_shared>> -> memref<10000x128xf32, #tpu.memory_space<vmem_shared>>
      tpu.enqueue_indirect_dma source(%arg10 : memref<80x128xf32, #tpu.memory_space<vmem>>) target(%dma_start3A_73 : memref<10000x128xf32, #tpu.memory_space<vmem_shared>>) offsets(%arg6 : memref<80xi32, #tpu.memory_space<vmem>>) semaphore(%arg16 : memref<!tpu.dma_semaphore, #tpu.memory_space<semaphore_mem>>) {add = true}
      %dma_wait3A_74 = tpu.memref_slice %arg2[%add3A_48] : memref<320000xi32, #tpu.memory_space<hbm>> -> memref<80xi32, #tpu.memory_space<hbm>>
      %dma_wait3A_75 = tpu.memref_slice %arg2[%add3A_48] : memref<320000xi32, #tpu.memory_space<hbm>> -> memref<80xi32, #tpu.memory_space<hbm>>
      tpu.wait_dma2 semaphore(%arg13 : memref<!tpu.dma_semaphore, #tpu.memory_space<semaphore_mem>>) src(%dma_wait3A_75 : memref<80xi32, #tpu.memory_space<hbm>>) dst(%arg7 : memref<80xi32, #tpu.memory_space<vmem>>)
      %dma_start3A_76 = arith.constant 0 : i32
      %dma_start3A_77 = arith.constant 0 : i32
      %dma_start3A_78 = tpu.memref_slice %arg11[%dma_start3A_76, %dma_start3A_77] : memref<10000x128xf32, #tpu.memory_space<vmem_shared>> -> memref<10000x128xf32, #tpu.memory_space<vmem_shared>>
      tpu.enqueue_indirect_dma source(%arg10 : memref<80x128xf32, #tpu.memory_space<vmem>>) target(%dma_start3A_78 : memref<10000x128xf32, #tpu.memory_space<vmem_shared>>) offsets(%arg7 : memref<80xi32, #tpu.memory_space<vmem>>) semaphore(%arg17 : memref<!tpu.dma_semaphore, #tpu.memory_space<semaphore_mem>>) {add = true}
      %dma_wait3A_79 = tpu.memref_slice %arg2[%add3A_55] : memref<320000xi32, #tpu.memory_space<hbm>> -> memref<80xi32, #tpu.memory_space<hbm>>
      %dma_wait3A_80 = tpu.memref_slice %arg2[%add3A_55] : memref<320000xi32, #tpu.memory_space<hbm>> -> memref<80xi32, #tpu.memory_space<hbm>>
      tpu.wait_dma2 semaphore(%arg14 : memref<!tpu.dma_semaphore, #tpu.memory_space<semaphore_mem>>) src(%dma_wait3A_80 : memref<80xi32, #tpu.memory_space<hbm>>) dst(%arg8 : memref<80xi32, #tpu.memory_space<vmem>>)
      %dma_start3A_81 = arith.constant 0 : i32
      %dma_start3A_82 = arith.constant 0 : i32
      %dma_start3A_83 = tpu.memref_slice %arg11[%dma_start3A_81, %dma_start3A_82] : memref<10000x128xf32, #tpu.memory_space<vmem_shared>> -> memref<10000x128xf32, #tpu.memory_space<vmem_shared>>
      tpu.enqueue_indirect_dma source(%arg10 : memref<80x128xf32, #tpu.memory_space<vmem>>) target(%dma_start3A_83 : memref<10000x128xf32, #tpu.memory_space<vmem_shared>>) offsets(%arg8 : memref<80xi32, #tpu.memory_space<vmem>>) semaphore(%arg18 : memref<!tpu.dma_semaphore, #tpu.memory_space<semaphore_mem>>) {add = true}
      %dma_wait3A_84 = tpu.memref_slice %arg2[%add3A_62] : memref<320000xi32, #tpu.memory_space<hbm>> -> memref<80xi32, #tpu.memory_space<hbm>>
      %dma_wait3A_85 = tpu.memref_slice %arg2[%add3A_62] : memref<320000xi32, #tpu.memory_space<hbm>> -> memref<80xi32, #tpu.memory_space<hbm>>
      tpu.wait_dma2 semaphore(%arg15 : memref<!tpu.dma_semaphore, #tpu.memory_space<semaphore_mem>>) src(%dma_wait3A_85 : memref<80xi32, #tpu.memory_space<hbm>>) dst(%arg9 : memref<80xi32, #tpu.memory_space<vmem>>)
      %dma_start3A_86 = arith.constant 0 : i32
      %dma_start3A_87 = arith.constant 0 : i32
      %dma_start3A_88 = tpu.memref_slice %arg11[%dma_start3A_86, %dma_start3A_87] : memref<10000x128xf32, #tpu.memory_space<vmem_shared>> -> memref<10000x128xf32, #tpu.memory_space<vmem_shared>>
      tpu.enqueue_indirect_dma source(%arg10 : memref<80x128xf32, #tpu.memory_space<vmem>>) target(%dma_start3A_88 : memref<10000x128xf32, #tpu.memory_space<vmem_shared>>) offsets(%arg9 : memref<80xi32, #tpu.memory_space<vmem>>) semaphore(%arg19 : memref<!tpu.dma_semaphore, #tpu.memory_space<semaphore_mem>>) {add = true}
      %dma_wait3A_89 = arith.constant 0 : i32
      %dma_wait3A_90 = arith.constant 0 : i32
      %dma_wait3A_91 = tpu.memref_slice %arg11[%dma_wait3A_89, %dma_wait3A_90] : memref<10000x128xf32, #tpu.memory_space<vmem_shared>> -> memref<10000x128xf32, #tpu.memory_space<vmem_shared>>
      tpu.wait_indirect_dma semaphore(%arg16 : memref<!tpu.dma_semaphore, #tpu.memory_space<semaphore_mem>>) src(%arg10 : memref<80x128xf32, #tpu.memory_space<vmem>>) dst(%dma_wait3A_91 : memref<10000x128xf32, #tpu.memory_space<vmem_shared>>)
      %dma_wait3A_92 = arith.constant 0 : i32
      %dma_wait3A_93 = arith.constant 0 : i32
      %dma_wait3A_94 = tpu.memref_slice %arg11[%dma_wait3A_92, %dma_wait3A_93] : memref<10000x128xf32, #tpu.memory_space<vmem_shared>> -> memref<10000x128xf32, #tpu.memory_space<vmem_shared>>
      tpu.wait_indirect_dma semaphore(%arg17 : memref<!tpu.dma_semaphore, #tpu.memory_space<semaphore_mem>>) src(%arg10 : memref<80x128xf32, #tpu.memory_space<vmem>>) dst(%dma_wait3A_94 : memref<10000x128xf32, #tpu.memory_space<vmem_shared>>)
      %dma_wait3A_95 = arith.constant 0 : i32
      %dma_wait3A_96 = arith.constant 0 : i32
      %dma_wait3A_97 = tpu.memref_slice %arg11[%dma_wait3A_95, %dma_wait3A_96] : memref<10000x128xf32, #tpu.memory_space<vmem_shared>> -> memref<10000x128xf32, #tpu.memory_space<vmem_shared>>
      tpu.wait_indirect_dma semaphore(%arg18 : memref<!tpu.dma_semaphore, #tpu.memory_space<semaphore_mem>>) src(%arg10 : memref<80x128xf32, #tpu.memory_space<vmem>>) dst(%dma_wait3A_97 : memref<10000x128xf32, #tpu.memory_space<vmem_shared>>)
      %dma_wait3A_98 = arith.constant 0 : i32
      %dma_wait3A_99 = arith.constant 0 : i32
      %dma_wait3A_100 = tpu.memref_slice %arg11[%dma_wait3A_98, %dma_wait3A_99] : memref<10000x128xf32, #tpu.memory_space<vmem_shared>> -> memref<10000x128xf32, #tpu.memory_space<vmem_shared>>
      tpu.wait_indirect_dma semaphore(%arg19 : memref<!tpu.dma_semaphore, #tpu.memory_space<semaphore_mem>>) src(%arg10 : memref<80x128xf32, #tpu.memory_space<vmem>>) dst(%dma_wait3A_100 : memref<10000x128xf32, #tpu.memory_space<vmem_shared>>)
    }
    %scan3A_20 = arith.constant 31 : i32
    %add3A_21 = arith.constant 9920 : i32
    %add3A_22 = arith.addi %mul3A_15, %add3A_21 : i32
    "tpu.region"() ({
      %run_scoped3A = tpu.sem_alloc : memref<!tpu.dma_semaphore, #tpu.memory_space<semaphore_mem>>
      %dma_start3A = tpu.memref_slice %arg2[%add3A_22] : memref<320000xi32, #tpu.memory_space<hbm>> -> memref<80xi32, #tpu.memory_space<hbm>>
      %dma_start3A_34 = tpu.memref_slice %arg2[%add3A_22] : memref<320000xi32, #tpu.memory_space<hbm>> -> memref<80xi32, #tpu.memory_space<hbm>>
      tpu.enqueue_dma source(%dma_start3A_34 : memref<80xi32, #tpu.memory_space<hbm>>) target(%arg6 : memref<80xi32, #tpu.memory_space<vmem>>) target_semaphore(%run_scoped3A : memref<!tpu.dma_semaphore, #tpu.memory_space<semaphore_mem>>)
      %dma_wait3A = tpu.memref_slice %arg2[%add3A_22] : memref<320000xi32, #tpu.memory_space<hbm>> -> memref<80xi32, #tpu.memory_space<hbm>>
      %dma_wait3A_35 = tpu.memref_slice %arg2[%add3A_22] : memref<320000xi32, #tpu.memory_space<hbm>> -> memref<80xi32, #tpu.memory_space<hbm>>
      tpu.wait_dma2 semaphore(%run_scoped3A : memref<!tpu.dma_semaphore, #tpu.memory_space<semaphore_mem>>) src(%dma_wait3A_35 : memref<80xi32, #tpu.memory_space<hbm>>) dst(%arg6 : memref<80xi32, #tpu.memory_space<vmem>>)
      tpu.yield
    }) : () -> ()
    "tpu.region"() ({
      %run_scoped3A = tpu.sem_alloc : memref<!tpu.dma_semaphore, #tpu.memory_space<semaphore_mem>>
      %dma_start3A = arith.constant 0 : i32
      %dma_start3A_34 = arith.constant 0 : i32
      %dma_start3A_35 = tpu.memref_slice %arg11[%dma_start3A, %dma_start3A_34] : memref<10000x128xf32, #tpu.memory_space<vmem_shared>> -> memref<10000x128xf32, #tpu.memory_space<vmem_shared>>
      tpu.enqueue_indirect_dma source(%arg10 : memref<80x128xf32, #tpu.memory_space<vmem>>) target(%dma_start3A_35 : memref<10000x128xf32, #tpu.memory_space<vmem_shared>>) offsets(%arg6 : memref<80xi32, #tpu.memory_space<vmem>>) semaphore(%run_scoped3A : memref<!tpu.dma_semaphore, #tpu.memory_space<semaphore_mem>>) {add = true}
      %dma_wait3A = arith.constant 0 : i32
      %dma_wait3A_36 = arith.constant 0 : i32
      %dma_wait3A_37 = tpu.memref_slice %arg11[%dma_wait3A, %dma_wait3A_36] : memref<10000x128xf32, #tpu.memory_space<vmem_shared>> -> memref<10000x128xf32, #tpu.memory_space<vmem_shared>>
      tpu.wait_indirect_dma semaphore(%run_scoped3A : memref<!tpu.dma_semaphore, #tpu.memory_space<semaphore_mem>>) src(%arg10 : memref<80x128xf32, #tpu.memory_space<vmem>>) dst(%dma_wait3A_37 : memref<10000x128xf32, #tpu.memory_space<vmem_shared>>)
      tpu.yield
    }) : () -> ()
    %barrier3A_23 = arith.constant 0 : index
    tpu.barrier barrier_id(%barrier3A_23)
    %while3A_24 = arith.constant 0 : i32
    %while3A_25 = arith.constant 0 : i32
    %while3A_26 = arith.subi %select_n3A, %while3A_25 : i32
    %while3A_27 = arith.addi %while3A_25, %while3A_26 : i32
    %while3A_28 = arith.constant 1 : i32
    %while3A_29 = arith.divsi %while3A_26, %while3A_28 : i32
    %while3A_30 = arith.muli %while3A_29, %while3A_28 : i32
    %while3A_31 = arith.addi %while3A_25, %while3A_30 : i32
    %while3A_32 = arith.constant 1 : i32
    scf.for %while3A_34 = %while3A_25 to %while3A_31 step %while3A_32  : i32 {
      %mul3A_35 = arith.constant 80 : i32
      %mul3A_36 = arith.muli %while3A_34, %mul3A_35 : i32
      %add3A_37 = arith.addi %mul3A_0, %mul3A_36 : i32
      "tpu.region"() ({
        %run_scoped3A = tpu.sem_alloc : memref<!tpu.dma_semaphore, #tpu.memory_space<semaphore_mem>>
        %dma_start3A = arith.constant 0 : i32
        %dma_start3A_38 = tpu.memref_slice %arg11[%add3A_37, %dma_start3A] : memref<10000x128xf32, #tpu.memory_space<vmem_shared>> -> memref<80x128xf32, #tpu.memory_space<vmem_shared>>
        %dma_start3A_39 = arith.constant 0 : i32
        %dma_start3A_40 = tpu.memref_slice %arg11[%add3A_37, %dma_start3A_39] : memref<10000x128xf32, #tpu.memory_space<vmem_shared>> -> memref<80x128xf32, #tpu.memory_space<vmem_shared>>
        tpu.enqueue_dma source(%dma_start3A_40 : memref<80x128xf32, #tpu.memory_space<vmem_shared>>) target(%arg10 : memref<80x128xf32, #tpu.memory_space<vmem>>) target_semaphore(%run_scoped3A : memref<!tpu.dma_semaphore, #tpu.memory_space<semaphore_mem>>)
        %dma_wait3A = arith.constant 0 : i32
        %dma_wait3A_41 = tpu.memref_slice %arg11[%add3A_37, %dma_wait3A] : memref<10000x128xf32, #tpu.memory_space<vmem_shared>> -> memref<80x128xf32, #tpu.memory_space<vmem_shared>>
        %dma_wait3A_42 = arith.constant 0 : i32
        %dma_wait3A_43 = tpu.memref_slice %arg11[%add3A_37, %dma_wait3A_42] : memref<10000x128xf32, #tpu.memory_space<vmem_shared>> -> memref<80x128xf32, #tpu.memory_space<vmem_shared>>
        tpu.wait_dma2 semaphore(%run_scoped3A : memref<!tpu.dma_semaphore, #tpu.memory_space<semaphore_mem>>) src(%dma_wait3A_43 : memref<80x128xf32, #tpu.memory_space<vmem_shared>>) dst(%arg10 : memref<80x128xf32, #tpu.memory_space<vmem>>)
        tpu.yield
      }) : () -> ()
      "tpu.region"() ({
        %run_scoped3A = tpu.sem_alloc : memref<!tpu.dma_semaphore, #tpu.memory_space<semaphore_mem>>
        %dma_start3A = arith.constant 0 : i32
        %dma_start3A_38 = tpu.memref_slice %arg5[%arg0, %add3A_37, %dma_start3A] : memref<2x10000x128xf32, #tpu.memory_space<hbm>> -> memref<1x80x128xf32, #tpu.memory_space<hbm>>
        %dma_start3A_39 = tpu.memref_squeeze %dma_start3A_38 : memref<1x80x128xf32, #tpu.memory_space<hbm>> -> memref<80x128xf32, #tpu.memory_space<hbm>>
        %dma_start3A_40 = arith.constant 0 : i32
        %dma_start3A_41 = tpu.memref_slice %arg5[%arg0, %add3A_37, %dma_start3A_40] : memref<2x10000x128xf32, #tpu.memory_space<hbm>> -> memref<1x80x128xf32, #tpu.memory_space<hbm>>
        %dma_start3A_42 = tpu.memref_squeeze %dma_start3A_41 : memref<1x80x128xf32, #tpu.memory_space<hbm>> -> memref<80x128xf32, #tpu.memory_space<hbm>>
        tpu.enqueue_dma source(%arg10 : memref<80x128xf32, #tpu.memory_space<vmem>>) target(%dma_start3A_42 : memref<80x128xf32, #tpu.memory_space<hbm>>) target_semaphore(%run_scoped3A : memref<!tpu.dma_semaphore, #tpu.memory_space<semaphore_mem>>)
        %dma_wait3A = arith.constant 0 : i32
        %dma_wait3A_43 = tpu.memref_slice %arg5[%arg0, %add3A_37, %dma_wait3A] : memref<2x10000x128xf32, #tpu.memory_space<hbm>> -> memref<1x80x128xf32, #tpu.memory_space<hbm>>
        %dma_wait3A_44 = tpu.memref_squeeze %dma_wait3A_43 : memref<1x80x128xf32, #tpu.memory_space<hbm>> -> memref<80x128xf32, #tpu.memory_space<hbm>>
        %dma_wait3A_45 = arith.constant 0 : i32
        %dma_wait3A_46 = tpu.memref_slice %arg5[%arg0, %add3A_37, %dma_wait3A_45] : memref<2x10000x128xf32, #tpu.memory_space<hbm>> -> memref<1x80x128xf32, #tpu.memory_space<hbm>>
        %dma_wait3A_47 = tpu.memref_squeeze %dma_wait3A_46 : memref<1x80x128xf32, #tpu.memory_space<hbm>> -> memref<80x128xf32, #tpu.memory_space<hbm>>
        tpu.wait_dma2 semaphore(%run_scoped3A : memref<!tpu.dma_semaphore, #tpu.memory_space<semaphore_mem>>) src(%arg10 : memref<80x128xf32, #tpu.memory_space<vmem>>) dst(%dma_wait3A_47 : memref<80x128xf32, #tpu.memory_space<hbm>>)
        tpu.yield
      }) : () -> ()
    }
    %while3A_33 = arith.constant 1 : i32
    scf.for %while3A_34 = %while3A_31 to %while3A_27 step %while3A_33  : i32 {
      %mul3A_35 = arith.constant 80 : i32
      %mul3A_36 = arith.muli %while3A_34, %mul3A_35 : i32
      %add3A_37 = arith.addi %mul3A_0, %mul3A_36 : i32
      "tpu.region"() ({
        %run_scoped3A = tpu.sem_alloc : memref<!tpu.dma_semaphore, #tpu.memory_space<semaphore_mem>>
        %dma_start3A = arith.constant 0 : i32
        %dma_start3A_38 = tpu.memref_slice %arg11[%add3A_37, %dma_start3A] : memref<10000x128xf32, #tpu.memory_space<vmem_shared>> -> memref<80x128xf32, #tpu.memory_space<vmem_shared>>
        %dma_start3A_39 = arith.constant 0 : i32
        %dma_start3A_40 = tpu.memref_slice %arg11[%add3A_37, %dma_start3A_39] : memref<10000x128xf32, #tpu.memory_space<vmem_shared>> -> memref<80x128xf32, #tpu.memory_space<vmem_shared>>
        tpu.enqueue_dma source(%dma_start3A_40 : memref<80x128xf32, #tpu.memory_space<vmem_shared>>) target(%arg10 : memref<80x128xf32, #tpu.memory_space<vmem>>) target_semaphore(%run_scoped3A : memref<!tpu.dma_semaphore, #tpu.memory_space<semaphore_mem>>)
        %dma_wait3A = arith.constant 0 : i32
        %dma_wait3A_41 = tpu.memref_slice %arg11[%add3A_37, %dma_wait3A] : memref<10000x128xf32, #tpu.memory_space<vmem_shared>> -> memref<80x128xf32, #tpu.memory_space<vmem_shared>>
        %dma_wait3A_42 = arith.constant 0 : i32
        %dma_wait3A_43 = tpu.memref_slice %arg11[%add3A_37, %dma_wait3A_42] : memref<10000x128xf32, #tpu.memory_space<vmem_shared>> -> memref<80x128xf32, #tpu.memory_space<vmem_shared>>
        tpu.wait_dma2 semaphore(%run_scoped3A : memref<!tpu.dma_semaphore, #tpu.memory_space<semaphore_mem>>) src(%dma_wait3A_43 : memref<80x128xf32, #tpu.memory_space<vmem_shared>>) dst(%arg10 : memref<80x128xf32, #tpu.memory_space<vmem>>)
        tpu.yield
      }) : () -> ()
      "tpu.region"() ({
        %run_scoped3A = tpu.sem_alloc : memref<!tpu.dma_semaphore, #tpu.memory_space<semaphore_mem>>
        %dma_start3A = arith.constant 0 : i32
        %dma_start3A_38 = tpu.memref_slice %arg5[%arg0, %add3A_37, %dma_start3A] : memref<2x10000x128xf32, #tpu.memory_space<hbm>> -> memref<1x80x128xf32, #tpu.memory_space<hbm>>
        %dma_start3A_39 = tpu.memref_squeeze %dma_start3A_38 : memref<1x80x128xf32, #tpu.memory_space<hbm>> -> memref<80x128xf32, #tpu.memory_space<hbm>>
        %dma_start3A_40 = arith.constant 0 : i32
        %dma_start3A_41 = tpu.memref_slice %arg5[%arg0, %add3A_37, %dma_start3A_40] : memref<2x10000x128xf32, #tpu.memory_space<hbm>> -> memref<1x80x128xf32, #tpu.memory_space<hbm>>
        %dma_start3A_42 = tpu.memref_squeeze %dma_start3A_41 : memref<1x80x128xf32, #tpu.memory_space<hbm>> -> memref<80x128xf32, #tpu.memory_space<hbm>>
        tpu.enqueue_dma source(%arg10 : memref<80x128xf32, #tpu.memory_space<vmem>>) target(%dma_start3A_42 : memref<80x128xf32, #tpu.memory_space<hbm>>) target_semaphore(%run_scoped3A : memref<!tpu.dma_semaphore, #tpu.memory_space<semaphore_mem>>)
        %dma_wait3A = arith.constant 0 : i32
        %dma_wait3A_43 = tpu.memref_slice %arg5[%arg0, %add3A_37, %dma_wait3A] : memref<2x10000x128xf32, #tpu.memory_space<hbm>> -> memref<1x80x128xf32, #tpu.memory_space<hbm>>
        %dma_wait3A_44 = tpu.memref_squeeze %dma_wait3A_43 : memref<1x80x128xf32, #tpu.memory_space<hbm>> -> memref<80x128xf32, #tpu.memory_space<hbm>>
        %dma_wait3A_45 = arith.constant 0 : i32
        %dma_wait3A_46 = tpu.memref_slice %arg5[%arg0, %add3A_37, %dma_wait3A_45] : memref<2x10000x128xf32, #tpu.memory_space<hbm>> -> memref<1x80x128xf32, #tpu.memory_space<hbm>>
        %dma_wait3A_47 = tpu.memref_squeeze %dma_wait3A_46 : memref<1x80x128xf32, #tpu.memory_space<hbm>> -> memref<80x128xf32, #tpu.memory_space<hbm>>
        tpu.wait_dma2 semaphore(%run_scoped3A : memref<!tpu.dma_semaphore, #tpu.memory_space<semaphore_mem>>) src(%arg10 : memref<80x128xf32, #tpu.memory_space<vmem>>) dst(%dma_wait3A_47 : memref<80x128xf32, #tpu.memory_space<hbm>>)
        tpu.yield
      }) : () -> ()
    }
    return
  }
}

#map = affine_map<(d0, d1) -> (0, 0)>
#map1 = affine_map<(d0, d1) -> (0)>
#map2 = affine_map<(d0, d1) -> (0, 0, 0)>
module attributes {stable_mosaic.version = 14 : i64} {
  func.func @agg(%arg0: i32, %arg1: i32, %arg2: memref<10000x128xf32, #tpu.memory_space<hbm>>, %arg3: memref<320000xi32, #tpu.memory_space<hbm>>, %arg4: memref<320000xi32, #tpu.memory_space<hbm>>, %arg5: memref<80x128xf32, #tpu.memory_space<hbm>>, %arg6: memref<2x10000x128xf32, #tpu.memory_space<hbm>>, %arg7: memref<80xi32, #tpu.memory_space<vmem>>, %arg8: memref<80xi32, #tpu.memory_space<vmem>>, %arg9: memref<80xi32, #tpu.memory_space<vmem>>, %arg10: memref<80xi32, #tpu.memory_space<vmem>>, %arg11: memref<80x128xf32, #tpu.memory_space<vmem>>, %arg12: memref<80x128xf32, #tpu.memory_space<vmem>>, %arg13: memref<10000x128xf32, #tpu.memory_space<vmem_shared>>, %arg14: memref<!tpu.dma_semaphore, #tpu.memory_space<semaphore_mem>>, %arg15: memref<!tpu.dma_semaphore, #tpu.memory_space<semaphore_mem>>, %arg16: memref<!tpu.dma_semaphore, #tpu.memory_space<semaphore_mem>>, %arg17: memref<!tpu.dma_semaphore, #tpu.memory_space<semaphore_mem>>, %arg18: memref<!tpu.dma_semaphore, #tpu.memory_space<semaphore_mem>>, %arg19: memref<!tpu.dma_semaphore, #tpu.memory_space<semaphore_mem>>) attributes {dimension_semantics = [#tpu.dimension_semantics<core_parallel>, #tpu.dimension_semantics<subcore_parallel>], iteration_bounds = array<i64: 2, 16>, scalar_prefetch = 0 : i64, scratch_operands = 13 : i64, tpu.core_type = #tpu.core_type<sc_vector_subcore>, window_params = [{transform_indices = #map}, {transform_indices = #map1}, {transform_indices = #map1}, {transform_indices = #map}, {transform_indices = #map2}]} {
    %mul3A = arith.constant 640 : i32
    %mul3A_0 = arith.muli %arg1, %mul3A : i32
    %eq3A = arith.constant 15 : i32
    %eq3A_1 = arith.cmpi eq, %arg1, %eq3A : i32
    %jit3A = arith.constant 5 : i32
    %jit3A_2 = arith.constant 8 : i32
    %select_n3A = arith.select %eq3A_1, %jit3A, %jit3A_2 : i32
    "tpu.region"() ({
      %run_scoped3A = tpu.sem_alloc : memref<!tpu.dma_semaphore, #tpu.memory_space<semaphore_mem>>
      tpu.enqueue_dma source(%arg5 : memref<80x128xf32, #tpu.memory_space<hbm>>) target(%arg11 : memref<80x128xf32, #tpu.memory_space<vmem>>) target_semaphore(%run_scoped3A : memref<!tpu.dma_semaphore, #tpu.memory_space<semaphore_mem>>)
      tpu.wait_dma2 semaphore(%run_scoped3A : memref<!tpu.dma_semaphore, #tpu.memory_space<semaphore_mem>>) src(%arg5 : memref<80x128xf32, #tpu.memory_space<hbm>>) dst(%arg11 : memref<80x128xf32, #tpu.memory_space<vmem>>)
      tpu.yield
    }) : () -> ()
    %while3A = arith.constant 0 : i32
    %while3A_3 = arith.constant 0 : i32
    %while3A_4 = arith.subi %select_n3A, %while3A_3 : i32
    %while3A_5 = arith.addi %while3A_3, %while3A_4 : i32
    %while3A_6 = arith.constant 1 : i32
    %while3A_7 = arith.divsi %while3A_4, %while3A_6 : i32
    %while3A_8 = arith.muli %while3A_7, %while3A_6 : i32
    %while3A_9 = arith.addi %while3A_3, %while3A_8 : i32
    %while3A_10 = arith.constant 1 : i32
    scf.for %while3A_38 = %while3A_3 to %while3A_9 step %while3A_10  : i32 {
      %mul3A_39 = arith.constant 80 : i32
      %mul3A_40 = arith.muli %while3A_38, %mul3A_39 : i32
      %add3A_41 = arith.addi %mul3A_0, %mul3A_40 : i32
      "tpu.region"() ({
        %run_scoped3A = tpu.sem_alloc : memref<!tpu.dma_semaphore, #tpu.memory_space<semaphore_mem>>
        %dma_start3A_42 = arith.constant 0 : i32
        %dma_start3A_43 = tpu.memref_slice %arg13[%add3A_41, %dma_start3A_42] : memref<10000x128xf32, #tpu.memory_space<vmem_shared>> -> memref<80x128xf32, #tpu.memory_space<vmem_shared>>
        %dma_start3A_44 = arith.constant 0 : i32
        %dma_start3A_45 = tpu.memref_slice %arg13[%add3A_41, %dma_start3A_44] : memref<10000x128xf32, #tpu.memory_space<vmem_shared>> -> memref<80x128xf32, #tpu.memory_space<vmem_shared>>
        tpu.enqueue_dma source(%arg11 : memref<80x128xf32, #tpu.memory_space<vmem>>) target(%dma_start3A_45 : memref<80x128xf32, #tpu.memory_space<vmem_shared>>) target_semaphore(%run_scoped3A : memref<!tpu.dma_semaphore, #tpu.memory_space<semaphore_mem>>)
        %dma_wait3A_46 = arith.constant 0 : i32
        %dma_wait3A_47 = tpu.memref_slice %arg13[%add3A_41, %dma_wait3A_46] : memref<10000x128xf32, #tpu.memory_space<vmem_shared>> -> memref<80x128xf32, #tpu.memory_space<vmem_shared>>
        %dma_wait3A_48 = arith.constant 0 : i32
        %dma_wait3A_49 = tpu.memref_slice %arg13[%add3A_41, %dma_wait3A_48] : memref<10000x128xf32, #tpu.memory_space<vmem_shared>> -> memref<80x128xf32, #tpu.memory_space<vmem_shared>>
        tpu.wait_dma2 semaphore(%run_scoped3A : memref<!tpu.dma_semaphore, #tpu.memory_space<semaphore_mem>>) src(%arg11 : memref<80x128xf32, #tpu.memory_space<vmem>>) dst(%dma_wait3A_49 : memref<80x128xf32, #tpu.memory_space<vmem_shared>>)
        tpu.yield
      }) : () -> ()
    }
    %while3A_11 = arith.constant 1 : i32
    scf.for %while3A_38 = %while3A_9 to %while3A_5 step %while3A_11  : i32 {
      %mul3A_39 = arith.constant 80 : i32
      %mul3A_40 = arith.muli %while3A_38, %mul3A_39 : i32
      %add3A_41 = arith.addi %mul3A_0, %mul3A_40 : i32
      "tpu.region"() ({
        %run_scoped3A = tpu.sem_alloc : memref<!tpu.dma_semaphore, #tpu.memory_space<semaphore_mem>>
        %dma_start3A_42 = arith.constant 0 : i32
        %dma_start3A_43 = tpu.memref_slice %arg13[%add3A_41, %dma_start3A_42] : memref<10000x128xf32, #tpu.memory_space<vmem_shared>> -> memref<80x128xf32, #tpu.memory_space<vmem_shared>>
        %dma_start3A_44 = arith.constant 0 : i32
        %dma_start3A_45 = tpu.memref_slice %arg13[%add3A_41, %dma_start3A_44] : memref<10000x128xf32, #tpu.memory_space<vmem_shared>> -> memref<80x128xf32, #tpu.memory_space<vmem_shared>>
        tpu.enqueue_dma source(%arg11 : memref<80x128xf32, #tpu.memory_space<vmem>>) target(%dma_start3A_45 : memref<80x128xf32, #tpu.memory_space<vmem_shared>>) target_semaphore(%run_scoped3A : memref<!tpu.dma_semaphore, #tpu.memory_space<semaphore_mem>>)
        %dma_wait3A_46 = arith.constant 0 : i32
        %dma_wait3A_47 = tpu.memref_slice %arg13[%add3A_41, %dma_wait3A_46] : memref<10000x128xf32, #tpu.memory_space<vmem_shared>> -> memref<80x128xf32, #tpu.memory_space<vmem_shared>>
        %dma_wait3A_48 = arith.constant 0 : i32
        %dma_wait3A_49 = tpu.memref_slice %arg13[%add3A_41, %dma_wait3A_48] : memref<10000x128xf32, #tpu.memory_space<vmem_shared>> -> memref<80x128xf32, #tpu.memory_space<vmem_shared>>
        tpu.wait_dma2 semaphore(%run_scoped3A : memref<!tpu.dma_semaphore, #tpu.memory_space<semaphore_mem>>) src(%arg11 : memref<80x128xf32, #tpu.memory_space<vmem>>) dst(%dma_wait3A_49 : memref<80x128xf32, #tpu.memory_space<vmem_shared>>)
        tpu.yield
      }) : () -> ()
    }
    %barrier3A = arith.constant 0 : index
    tpu.barrier barrier_id(%barrier3A)
    %mul3A_12 = arith.constant 2 : i32
    %mul3A_13 = arith.muli %arg1, %mul3A_12 : i32
    %add3A = arith.addi %mul3A_13, %arg0 : i32
    %mul3A_14 = arith.constant 10000 : i32
    %mul3A_15 = arith.muli %add3A, %mul3A_14 : i32
    %scan3A = arith.constant 0 : i32
    %scan3A_16 = arith.constant 0 : i32
    %scan3A_17 = arith.constant 62 : i32
    %scan3A_18 = arith.addi %scan3A_16, %scan3A_17 : i32
    %scan3A_19 = arith.constant 1 : i32
    scf.for %scan3A_38 = %scan3A_16 to %scan3A_18 step %scan3A_19  : i32 {
      %mul3A_39 = arith.constant 2 : i32
      %mul3A_40 = arith.muli %mul3A_39, %scan3A_38 : i32
      %mul3A_41 = arith.constant 80 : i32
      %mul3A_42 = arith.muli %mul3A_40, %mul3A_41 : i32
      %add3A_43 = arith.addi %mul3A_15, %mul3A_42 : i32
      %add3A_44 = arith.constant 80 : i32
      %add3A_45 = arith.addi %add3A_43, %add3A_44 : i32
      %dma_start3A_46 = tpu.memref_slice %arg3[%add3A_43] : memref<320000xi32, #tpu.memory_space<hbm>> -> memref<80xi32, #tpu.memory_space<hbm>>
      %dma_start3A_47 = tpu.memref_slice %arg3[%add3A_43] : memref<320000xi32, #tpu.memory_space<hbm>> -> memref<80xi32, #tpu.memory_space<hbm>>
      tpu.enqueue_dma source(%dma_start3A_47 : memref<80xi32, #tpu.memory_space<hbm>>) target(%arg7 : memref<80xi32, #tpu.memory_space<vmem>>) target_semaphore(%arg14 : memref<!tpu.dma_semaphore, #tpu.memory_space<semaphore_mem>>)
      %dma_start3A_48 = tpu.memref_slice %arg4[%add3A_43] : memref<320000xi32, #tpu.memory_space<hbm>> -> memref<80xi32, #tpu.memory_space<hbm>>
      %dma_start3A_49 = tpu.memref_slice %arg4[%add3A_43] : memref<320000xi32, #tpu.memory_space<hbm>> -> memref<80xi32, #tpu.memory_space<hbm>>
      tpu.enqueue_dma source(%dma_start3A_49 : memref<80xi32, #tpu.memory_space<hbm>>) target(%arg9 : memref<80xi32, #tpu.memory_space<vmem>>) target_semaphore(%arg14 : memref<!tpu.dma_semaphore, #tpu.memory_space<semaphore_mem>>)
      %dma_start3A_50 = tpu.memref_slice %arg3[%add3A_45] : memref<320000xi32, #tpu.memory_space<hbm>> -> memref<80xi32, #tpu.memory_space<hbm>>
      %dma_start3A_51 = tpu.memref_slice %arg3[%add3A_45] : memref<320000xi32, #tpu.memory_space<hbm>> -> memref<80xi32, #tpu.memory_space<hbm>>
      tpu.enqueue_dma source(%dma_start3A_51 : memref<80xi32, #tpu.memory_space<hbm>>) target(%arg8 : memref<80xi32, #tpu.memory_space<vmem>>) target_semaphore(%arg15 : memref<!tpu.dma_semaphore, #tpu.memory_space<semaphore_mem>>)
      %dma_start3A_52 = tpu.memref_slice %arg4[%add3A_45] : memref<320000xi32, #tpu.memory_space<hbm>> -> memref<80xi32, #tpu.memory_space<hbm>>
      %dma_start3A_53 = tpu.memref_slice %arg4[%add3A_45] : memref<320000xi32, #tpu.memory_space<hbm>> -> memref<80xi32, #tpu.memory_space<hbm>>
      tpu.enqueue_dma source(%dma_start3A_53 : memref<80xi32, #tpu.memory_space<hbm>>) target(%arg10 : memref<80xi32, #tpu.memory_space<vmem>>) target_semaphore(%arg15 : memref<!tpu.dma_semaphore, #tpu.memory_space<semaphore_mem>>)
      %dma_wait3A_54 = tpu.memref_slice %arg3[%add3A_43] : memref<320000xi32, #tpu.memory_space<hbm>> -> memref<80xi32, #tpu.memory_space<hbm>>
      %dma_wait3A_55 = tpu.memref_slice %arg3[%add3A_43] : memref<320000xi32, #tpu.memory_space<hbm>> -> memref<80xi32, #tpu.memory_space<hbm>>
      tpu.wait_dma2 semaphore(%arg14 : memref<!tpu.dma_semaphore, #tpu.memory_space<semaphore_mem>>) src(%dma_wait3A_55 : memref<80xi32, #tpu.memory_space<hbm>>) dst(%arg7 : memref<80xi32, #tpu.memory_space<vmem>>)
      %dma_wait3A_56 = tpu.memref_slice %arg4[%add3A_43] : memref<320000xi32, #tpu.memory_space<hbm>> -> memref<80xi32, #tpu.memory_space<hbm>>
      %dma_wait3A_57 = tpu.memref_slice %arg4[%add3A_43] : memref<320000xi32, #tpu.memory_space<hbm>> -> memref<80xi32, #tpu.memory_space<hbm>>
      tpu.wait_dma2 semaphore(%arg14 : memref<!tpu.dma_semaphore, #tpu.memory_space<semaphore_mem>>) src(%dma_wait3A_57 : memref<80xi32, #tpu.memory_space<hbm>>) dst(%arg9 : memref<80xi32, #tpu.memory_space<vmem>>)
      %dma_start3A_58 = arith.constant 0 : i32
      %dma_start3A_59 = arith.constant 0 : i32
      %dma_start3A_60 = tpu.memref_slice %arg2[%dma_start3A_58, %dma_start3A_59] : memref<10000x128xf32, #tpu.memory_space<hbm>> -> memref<10000x128xf32, #tpu.memory_space<hbm>>
      tpu.enqueue_indirect_dma source(%dma_start3A_60 : memref<10000x128xf32, #tpu.memory_space<hbm>>) target(%arg11 : memref<80x128xf32, #tpu.memory_space<vmem>>) offsets(%arg7 : memref<80xi32, #tpu.memory_space<vmem>>) semaphore(%arg16 : memref<!tpu.dma_semaphore, #tpu.memory_space<semaphore_mem>>)
      %dma_wait3A_61 = tpu.memref_slice %arg3[%add3A_45] : memref<320000xi32, #tpu.memory_space<hbm>> -> memref<80xi32, #tpu.memory_space<hbm>>
      %dma_wait3A_62 = tpu.memref_slice %arg3[%add3A_45] : memref<320000xi32, #tpu.memory_space<hbm>> -> memref<80xi32, #tpu.memory_space<hbm>>
      tpu.wait_dma2 semaphore(%arg15 : memref<!tpu.dma_semaphore, #tpu.memory_space<semaphore_mem>>) src(%dma_wait3A_62 : memref<80xi32, #tpu.memory_space<hbm>>) dst(%arg8 : memref<80xi32, #tpu.memory_space<vmem>>)
      %dma_wait3A_63 = tpu.memref_slice %arg4[%add3A_45] : memref<320000xi32, #tpu.memory_space<hbm>> -> memref<80xi32, #tpu.memory_space<hbm>>
      %dma_wait3A_64 = tpu.memref_slice %arg4[%add3A_45] : memref<320000xi32, #tpu.memory_space<hbm>> -> memref<80xi32, #tpu.memory_space<hbm>>
      tpu.wait_dma2 semaphore(%arg15 : memref<!tpu.dma_semaphore, #tpu.memory_space<semaphore_mem>>) src(%dma_wait3A_64 : memref<80xi32, #tpu.memory_space<hbm>>) dst(%arg10 : memref<80xi32, #tpu.memory_space<vmem>>)
      %dma_start3A_65 = arith.constant 0 : i32
      %dma_start3A_66 = arith.constant 0 : i32
      %dma_start3A_67 = tpu.memref_slice %arg2[%dma_start3A_65, %dma_start3A_66] : memref<10000x128xf32, #tpu.memory_space<hbm>> -> memref<10000x128xf32, #tpu.memory_space<hbm>>
      tpu.enqueue_indirect_dma source(%dma_start3A_67 : memref<10000x128xf32, #tpu.memory_space<hbm>>) target(%arg12 : memref<80x128xf32, #tpu.memory_space<vmem>>) offsets(%arg8 : memref<80xi32, #tpu.memory_space<vmem>>) semaphore(%arg17 : memref<!tpu.dma_semaphore, #tpu.memory_space<semaphore_mem>>)
      %dma_wait3A_68 = arith.constant 0 : i32
      %dma_wait3A_69 = arith.constant 0 : i32
      %dma_wait3A_70 = tpu.memref_slice %arg2[%dma_wait3A_68, %dma_wait3A_69] : memref<10000x128xf32, #tpu.memory_space<hbm>> -> memref<10000x128xf32, #tpu.memory_space<hbm>>
      tpu.wait_indirect_dma semaphore(%arg16 : memref<!tpu.dma_semaphore, #tpu.memory_space<semaphore_mem>>) src(%dma_wait3A_70 : memref<10000x128xf32, #tpu.memory_space<hbm>>) dst(%arg11 : memref<80x128xf32, #tpu.memory_space<vmem>>)
      %dma_start3A_71 = arith.constant 0 : i32
      %dma_start3A_72 = arith.constant 0 : i32
      %dma_start3A_73 = tpu.memref_slice %arg13[%dma_start3A_71, %dma_start3A_72] : memref<10000x128xf32, #tpu.memory_space<vmem_shared>> -> memref<10000x128xf32, #tpu.memory_space<vmem_shared>>
      tpu.enqueue_indirect_dma source(%arg11 : memref<80x128xf32, #tpu.memory_space<vmem>>) target(%dma_start3A_73 : memref<10000x128xf32, #tpu.memory_space<vmem_shared>>) offsets(%arg9 : memref<80xi32, #tpu.memory_space<vmem>>) semaphore(%arg18 : memref<!tpu.dma_semaphore, #tpu.memory_space<semaphore_mem>>) {add = true}
      %dma_wait3A_74 = arith.constant 0 : i32
      %dma_wait3A_75 = arith.constant 0 : i32
      %dma_wait3A_76 = tpu.memref_slice %arg2[%dma_wait3A_74, %dma_wait3A_75] : memref<10000x128xf32, #tpu.memory_space<hbm>> -> memref<10000x128xf32, #tpu.memory_space<hbm>>
      tpu.wait_indirect_dma semaphore(%arg17 : memref<!tpu.dma_semaphore, #tpu.memory_space<semaphore_mem>>) src(%dma_wait3A_76 : memref<10000x128xf32, #tpu.memory_space<hbm>>) dst(%arg12 : memref<80x128xf32, #tpu.memory_space<vmem>>)
      %dma_start3A_77 = arith.constant 0 : i32
      %dma_start3A_78 = arith.constant 0 : i32
      %dma_start3A_79 = tpu.memref_slice %arg13[%dma_start3A_77, %dma_start3A_78] : memref<10000x128xf32, #tpu.memory_space<vmem_shared>> -> memref<10000x128xf32, #tpu.memory_space<vmem_shared>>
      tpu.enqueue_indirect_dma source(%arg12 : memref<80x128xf32, #tpu.memory_space<vmem>>) target(%dma_start3A_79 : memref<10000x128xf32, #tpu.memory_space<vmem_shared>>) offsets(%arg10 : memref<80xi32, #tpu.memory_space<vmem>>) semaphore(%arg19 : memref<!tpu.dma_semaphore, #tpu.memory_space<semaphore_mem>>) {add = true}
      %dma_wait3A_80 = arith.constant 0 : i32
      %dma_wait3A_81 = arith.constant 0 : i32
      %dma_wait3A_82 = tpu.memref_slice %arg13[%dma_wait3A_80, %dma_wait3A_81] : memref<10000x128xf32, #tpu.memory_space<vmem_shared>> -> memref<10000x128xf32, #tpu.memory_space<vmem_shared>>
      tpu.wait_indirect_dma semaphore(%arg18 : memref<!tpu.dma_semaphore, #tpu.memory_space<semaphore_mem>>) src(%arg11 : memref<80x128xf32, #tpu.memory_space<vmem>>) dst(%dma_wait3A_82 : memref<10000x128xf32, #tpu.memory_space<vmem_shared>>)
      %dma_wait3A_83 = arith.constant 0 : i32
      %dma_wait3A_84 = arith.constant 0 : i32
      %dma_wait3A_85 = tpu.memref_slice %arg13[%dma_wait3A_83, %dma_wait3A_84] : memref<10000x128xf32, #tpu.memory_space<vmem_shared>> -> memref<10000x128xf32, #tpu.memory_space<vmem_shared>>
      tpu.wait_indirect_dma semaphore(%arg19 : memref<!tpu.dma_semaphore, #tpu.memory_space<semaphore_mem>>) src(%arg12 : memref<80x128xf32, #tpu.memory_space<vmem>>) dst(%dma_wait3A_85 : memref<10000x128xf32, #tpu.memory_space<vmem_shared>>)
    }
    %scan3A_20 = arith.constant 62 : i32
    %add3A_21 = arith.constant 9920 : i32
    %add3A_22 = arith.addi %mul3A_15, %add3A_21 : i32
    "tpu.region"() ({
      %run_scoped3A = tpu.sem_alloc : memref<!tpu.dma_semaphore, #tpu.memory_space<semaphore_mem>>
      %dma_start3A_38 = tpu.memref_slice %arg3[%add3A_22] : memref<320000xi32, #tpu.memory_space<hbm>> -> memref<80xi32, #tpu.memory_space<hbm>>
      %dma_start3A_39 = tpu.memref_slice %arg3[%add3A_22] : memref<320000xi32, #tpu.memory_space<hbm>> -> memref<80xi32, #tpu.memory_space<hbm>>
      tpu.enqueue_dma source(%dma_start3A_39 : memref<80xi32, #tpu.memory_space<hbm>>) target(%arg7 : memref<80xi32, #tpu.memory_space<vmem>>) target_semaphore(%run_scoped3A : memref<!tpu.dma_semaphore, #tpu.memory_space<semaphore_mem>>)
      %dma_wait3A_40 = tpu.memref_slice %arg3[%add3A_22] : memref<320000xi32, #tpu.memory_space<hbm>> -> memref<80xi32, #tpu.memory_space<hbm>>
      %dma_wait3A_41 = tpu.memref_slice %arg3[%add3A_22] : memref<320000xi32, #tpu.memory_space<hbm>> -> memref<80xi32, #tpu.memory_space<hbm>>
      tpu.wait_dma2 semaphore(%run_scoped3A : memref<!tpu.dma_semaphore, #tpu.memory_space<semaphore_mem>>) src(%dma_wait3A_41 : memref<80xi32, #tpu.memory_space<hbm>>) dst(%arg7 : memref<80xi32, #tpu.memory_space<vmem>>)
      tpu.yield
    }) : () -> ()
    "tpu.region"() ({
      %run_scoped3A = tpu.sem_alloc : memref<!tpu.dma_semaphore, #tpu.memory_space<semaphore_mem>>
      %dma_start3A_38 = tpu.memref_slice %arg4[%add3A_22] : memref<320000xi32, #tpu.memory_space<hbm>> -> memref<80xi32, #tpu.memory_space<hbm>>
      %dma_start3A_39 = tpu.memref_slice %arg4[%add3A_22] : memref<320000xi32, #tpu.memory_space<hbm>> -> memref<80xi32, #tpu.memory_space<hbm>>
      tpu.enqueue_dma source(%dma_start3A_39 : memref<80xi32, #tpu.memory_space<hbm>>) target(%arg9 : memref<80xi32, #tpu.memory_space<vmem>>) target_semaphore(%run_scoped3A : memref<!tpu.dma_semaphore, #tpu.memory_space<semaphore_mem>>)
      %dma_wait3A_40 = tpu.memref_slice %arg4[%add3A_22] : memref<320000xi32, #tpu.memory_space<hbm>> -> memref<80xi32, #tpu.memory_space<hbm>>
      %dma_wait3A_41 = tpu.memref_slice %arg4[%add3A_22] : memref<320000xi32, #tpu.memory_space<hbm>> -> memref<80xi32, #tpu.memory_space<hbm>>
      tpu.wait_dma2 semaphore(%run_scoped3A : memref<!tpu.dma_semaphore, #tpu.memory_space<semaphore_mem>>) src(%dma_wait3A_41 : memref<80xi32, #tpu.memory_space<hbm>>) dst(%arg9 : memref<80xi32, #tpu.memory_space<vmem>>)
      tpu.yield
    }) : () -> ()
    %dma_start3A = arith.constant 0 : i32
    %dma_start3A_23 = arith.constant 0 : i32
    %dma_start3A_24 = tpu.memref_slice %arg2[%dma_start3A, %dma_start3A_23] : memref<10000x128xf32, #tpu.memory_space<hbm>> -> memref<10000x128xf32, #tpu.memory_space<hbm>>
    tpu.enqueue_indirect_dma source(%dma_start3A_24 : memref<10000x128xf32, #tpu.memory_space<hbm>>) target(%arg11 : memref<80x128xf32, #tpu.memory_space<vmem>>) offsets(%arg7 : memref<80xi32, #tpu.memory_space<vmem>>) semaphore(%arg16 : memref<!tpu.dma_semaphore, #tpu.memory_space<semaphore_mem>>)
    %dma_wait3A = arith.constant 0 : i32
    %dma_wait3A_25 = arith.constant 0 : i32
    %dma_wait3A_26 = tpu.memref_slice %arg2[%dma_wait3A, %dma_wait3A_25] : memref<10000x128xf32, #tpu.memory_space<hbm>> -> memref<10000x128xf32, #tpu.memory_space<hbm>>
    tpu.wait_indirect_dma semaphore(%arg16 : memref<!tpu.dma_semaphore, #tpu.memory_space<semaphore_mem>>) src(%dma_wait3A_26 : memref<10000x128xf32, #tpu.memory_space<hbm>>) dst(%arg11 : memref<80x128xf32, #tpu.memory_space<vmem>>)
    "tpu.region"() ({
      %run_scoped3A = tpu.sem_alloc : memref<!tpu.dma_semaphore, #tpu.memory_space<semaphore_mem>>
      %dma_start3A_38 = arith.constant 0 : i32
      %dma_start3A_39 = arith.constant 0 : i32
      %dma_start3A_40 = tpu.memref_slice %arg13[%dma_start3A_38, %dma_start3A_39] : memref<10000x128xf32, #tpu.memory_space<vmem_shared>> -> memref<10000x128xf32, #tpu.memory_space<vmem_shared>>
      tpu.enqueue_indirect_dma source(%arg11 : memref<80x128xf32, #tpu.memory_space<vmem>>) target(%dma_start3A_40 : memref<10000x128xf32, #tpu.memory_space<vmem_shared>>) offsets(%arg9 : memref<80xi32, #tpu.memory_space<vmem>>) semaphore(%run_scoped3A : memref<!tpu.dma_semaphore, #tpu.memory_space<semaphore_mem>>) {add = true}
      %dma_wait3A_41 = arith.constant 0 : i32
      %dma_wait3A_42 = arith.constant 0 : i32
      %dma_wait3A_43 = tpu.memref_slice %arg13[%dma_wait3A_41, %dma_wait3A_42] : memref<10000x128xf32, #tpu.memory_space<vmem_shared>> -> memref<10000x128xf32, #tpu.memory_space<vmem_shared>>
      tpu.wait_indirect_dma semaphore(%run_scoped3A : memref<!tpu.dma_semaphore, #tpu.memory_space<semaphore_mem>>) src(%arg11 : memref<80x128xf32, #tpu.memory_space<vmem>>) dst(%dma_wait3A_43 : memref<10000x128xf32, #tpu.memory_space<vmem_shared>>)
      tpu.yield
    }) : () -> ()
    %barrier3A_27 = arith.constant 0 : index
    tpu.barrier barrier_id(%barrier3A_27)
    %while3A_28 = arith.constant 0 : i32
    %while3A_29 = arith.constant 0 : i32
    %while3A_30 = arith.subi %select_n3A, %while3A_29 : i32
    %while3A_31 = arith.addi %while3A_29, %while3A_30 : i32
    %while3A_32 = arith.constant 1 : i32
    %while3A_33 = arith.divsi %while3A_30, %while3A_32 : i32
    %while3A_34 = arith.muli %while3A_33, %while3A_32 : i32
    %while3A_35 = arith.addi %while3A_29, %while3A_34 : i32
    %while3A_36 = arith.constant 1 : i32
    scf.for %while3A_38 = %while3A_29 to %while3A_35 step %while3A_36  : i32 {
      %mul3A_39 = arith.constant 80 : i32
      %mul3A_40 = arith.muli %while3A_38, %mul3A_39 : i32
      %add3A_41 = arith.addi %mul3A_0, %mul3A_40 : i32
      "tpu.region"() ({
        %run_scoped3A = tpu.sem_alloc : memref<!tpu.dma_semaphore, #tpu.memory_space<semaphore_mem>>
        %dma_start3A_42 = arith.constant 0 : i32
        %dma_start3A_43 = tpu.memref_slice %arg13[%add3A_41, %dma_start3A_42] : memref<10000x128xf32, #tpu.memory_space<vmem_shared>> -> memref<80x128xf32, #tpu.memory_space<vmem_shared>>
        %dma_start3A_44 = arith.constant 0 : i32
        %dma_start3A_45 = tpu.memref_slice %arg13[%add3A_41, %dma_start3A_44] : memref<10000x128xf32, #tpu.memory_space<vmem_shared>> -> memref<80x128xf32, #tpu.memory_space<vmem_shared>>
        tpu.enqueue_dma source(%dma_start3A_45 : memref<80x128xf32, #tpu.memory_space<vmem_shared>>) target(%arg11 : memref<80x128xf32, #tpu.memory_space<vmem>>) target_semaphore(%run_scoped3A : memref<!tpu.dma_semaphore, #tpu.memory_space<semaphore_mem>>)
        %dma_wait3A_46 = arith.constant 0 : i32
        %dma_wait3A_47 = tpu.memref_slice %arg13[%add3A_41, %dma_wait3A_46] : memref<10000x128xf32, #tpu.memory_space<vmem_shared>> -> memref<80x128xf32, #tpu.memory_space<vmem_shared>>
        %dma_wait3A_48 = arith.constant 0 : i32
        %dma_wait3A_49 = tpu.memref_slice %arg13[%add3A_41, %dma_wait3A_48] : memref<10000x128xf32, #tpu.memory_space<vmem_shared>> -> memref<80x128xf32, #tpu.memory_space<vmem_shared>>
        tpu.wait_dma2 semaphore(%run_scoped3A : memref<!tpu.dma_semaphore, #tpu.memory_space<semaphore_mem>>) src(%dma_wait3A_49 : memref<80x128xf32, #tpu.memory_space<vmem_shared>>) dst(%arg11 : memref<80x128xf32, #tpu.memory_space<vmem>>)
        tpu.yield
      }) : () -> ()
      "tpu.region"() ({
        %run_scoped3A = tpu.sem_alloc : memref<!tpu.dma_semaphore, #tpu.memory_space<semaphore_mem>>
        %dma_start3A_42 = arith.constant 0 : i32
        %dma_start3A_43 = tpu.memref_slice %arg6[%arg0, %add3A_41, %dma_start3A_42] : memref<2x10000x128xf32, #tpu.memory_space<hbm>> -> memref<1x80x128xf32, #tpu.memory_space<hbm>>
        %dma_start3A_44 = tpu.memref_squeeze %dma_start3A_43 : memref<1x80x128xf32, #tpu.memory_space<hbm>> -> memref<80x128xf32, #tpu.memory_space<hbm>>
        %dma_start3A_45 = arith.constant 0 : i32
        %dma_start3A_46 = tpu.memref_slice %arg6[%arg0, %add3A_41, %dma_start3A_45] : memref<2x10000x128xf32, #tpu.memory_space<hbm>> -> memref<1x80x128xf32, #tpu.memory_space<hbm>>
        %dma_start3A_47 = tpu.memref_squeeze %dma_start3A_46 : memref<1x80x128xf32, #tpu.memory_space<hbm>> -> memref<80x128xf32, #tpu.memory_space<hbm>>
        tpu.enqueue_dma source(%arg11 : memref<80x128xf32, #tpu.memory_space<vmem>>) target(%dma_start3A_47 : memref<80x128xf32, #tpu.memory_space<hbm>>) target_semaphore(%run_scoped3A : memref<!tpu.dma_semaphore, #tpu.memory_space<semaphore_mem>>)
        %dma_wait3A_48 = arith.constant 0 : i32
        %dma_wait3A_49 = tpu.memref_slice %arg6[%arg0, %add3A_41, %dma_wait3A_48] : memref<2x10000x128xf32, #tpu.memory_space<hbm>> -> memref<1x80x128xf32, #tpu.memory_space<hbm>>
        %dma_wait3A_50 = tpu.memref_squeeze %dma_wait3A_49 : memref<1x80x128xf32, #tpu.memory_space<hbm>> -> memref<80x128xf32, #tpu.memory_space<hbm>>
        %dma_wait3A_51 = arith.constant 0 : i32
        %dma_wait3A_52 = tpu.memref_slice %arg6[%arg0, %add3A_41, %dma_wait3A_51] : memref<2x10000x128xf32, #tpu.memory_space<hbm>> -> memref<1x80x128xf32, #tpu.memory_space<hbm>>
        %dma_wait3A_53 = tpu.memref_squeeze %dma_wait3A_52 : memref<1x80x128xf32, #tpu.memory_space<hbm>> -> memref<80x128xf32, #tpu.memory_space<hbm>>
        tpu.wait_dma2 semaphore(%run_scoped3A : memref<!tpu.dma_semaphore, #tpu.memory_space<semaphore_mem>>) src(%arg11 : memref<80x128xf32, #tpu.memory_space<vmem>>) dst(%dma_wait3A_53 : memref<80x128xf32, #tpu.memory_space<hbm>>)
        tpu.yield
      }) : () -> ()
    }
    %while3A_37 = arith.constant 1 : i32
    scf.for %while3A_38 = %while3A_35 to %while3A_31 step %while3A_37  : i32 {
      %mul3A_39 = arith.constant 80 : i32
      %mul3A_40 = arith.muli %while3A_38, %mul3A_39 : i32
      %add3A_41 = arith.addi %mul3A_0, %mul3A_40 : i32
      "tpu.region"() ({
        %run_scoped3A = tpu.sem_alloc : memref<!tpu.dma_semaphore, #tpu.memory_space<semaphore_mem>>
        %dma_start3A_42 = arith.constant 0 : i32
        %dma_start3A_43 = tpu.memref_slice %arg13[%add3A_41, %dma_start3A_42] : memref<10000x128xf32, #tpu.memory_space<vmem_shared>> -> memref<80x128xf32, #tpu.memory_space<vmem_shared>>
        %dma_start3A_44 = arith.constant 0 : i32
        %dma_start3A_45 = tpu.memref_slice %arg13[%add3A_41, %dma_start3A_44] : memref<10000x128xf32, #tpu.memory_space<vmem_shared>> -> memref<80x128xf32, #tpu.memory_space<vmem_shared>>
        tpu.enqueue_dma source(%dma_start3A_45 : memref<80x128xf32, #tpu.memory_space<vmem_shared>>) target(%arg11 : memref<80x128xf32, #tpu.memory_space<vmem>>) target_semaphore(%run_scoped3A : memref<!tpu.dma_semaphore, #tpu.memory_space<semaphore_mem>>)
        %dma_wait3A_46 = arith.constant 0 : i32
        %dma_wait3A_47 = tpu.memref_slice %arg13[%add3A_41, %dma_wait3A_46] : memref<10000x128xf32, #tpu.memory_space<vmem_shared>> -> memref<80x128xf32, #tpu.memory_space<vmem_shared>>
        %dma_wait3A_48 = arith.constant 0 : i32
        %dma_wait3A_49 = tpu.memref_slice %arg13[%add3A_41, %dma_wait3A_48] : memref<10000x128xf32, #tpu.memory_space<vmem_shared>> -> memref<80x128xf32, #tpu.memory_space<vmem_shared>>
        tpu.wait_dma2 semaphore(%run_scoped3A : memref<!tpu.dma_semaphore, #tpu.memory_space<semaphore_mem>>) src(%dma_wait3A_49 : memref<80x128xf32, #tpu.memory_space<vmem_shared>>) dst(%arg11 : memref<80x128xf32, #tpu.memory_space<vmem>>)
        tpu.yield
      }) : () -> ()
      "tpu.region"() ({
        %run_scoped3A = tpu.sem_alloc : memref<!tpu.dma_semaphore, #tpu.memory_space<semaphore_mem>>
        %dma_start3A_42 = arith.constant 0 : i32
        %dma_start3A_43 = tpu.memref_slice %arg6[%arg0, %add3A_41, %dma_start3A_42] : memref<2x10000x128xf32, #tpu.memory_space<hbm>> -> memref<1x80x128xf32, #tpu.memory_space<hbm>>
        %dma_start3A_44 = tpu.memref_squeeze %dma_start3A_43 : memref<1x80x128xf32, #tpu.memory_space<hbm>> -> memref<80x128xf32, #tpu.memory_space<hbm>>
        %dma_start3A_45 = arith.constant 0 : i32
        %dma_start3A_46 = tpu.memref_slice %arg6[%arg0, %add3A_41, %dma_start3A_45] : memref<2x10000x128xf32, #tpu.memory_space<hbm>> -> memref<1x80x128xf32, #tpu.memory_space<hbm>>
        %dma_start3A_47 = tpu.memref_squeeze %dma_start3A_46 : memref<1x80x128xf32, #tpu.memory_space<hbm>> -> memref<80x128xf32, #tpu.memory_space<hbm>>
        tpu.enqueue_dma source(%arg11 : memref<80x128xf32, #tpu.memory_space<vmem>>) target(%dma_start3A_47 : memref<80x128xf32, #tpu.memory_space<hbm>>) target_semaphore(%run_scoped3A : memref<!tpu.dma_semaphore, #tpu.memory_space<semaphore_mem>>)
        %dma_wait3A_48 = arith.constant 0 : i32
        %dma_wait3A_49 = tpu.memref_slice %arg6[%arg0, %add3A_41, %dma_wait3A_48] : memref<2x10000x128xf32, #tpu.memory_space<hbm>> -> memref<1x80x128xf32, #tpu.memory_space<hbm>>
        %dma_wait3A_50 = tpu.memref_squeeze %dma_wait3A_49 : memref<1x80x128xf32, #tpu.memory_space<hbm>> -> memref<80x128xf32, #tpu.memory_space<hbm>>
        %dma_wait3A_51 = arith.constant 0 : i32
        %dma_wait3A_52 = tpu.memref_slice %arg6[%arg0, %add3A_41, %dma_wait3A_51] : memref<2x10000x128xf32, #tpu.memory_space<hbm>> -> memref<1x80x128xf32, #tpu.memory_space<hbm>>
        %dma_wait3A_53 = tpu.memref_squeeze %dma_wait3A_52 : memref<1x80x128xf32, #tpu.memory_space<hbm>> -> memref<80x128xf32, #tpu.memory_space<hbm>>
        tpu.wait_dma2 semaphore(%run_scoped3A : memref<!tpu.dma_semaphore, #tpu.memory_space<semaphore_mem>>) src(%arg11 : memref<80x128xf32, #tpu.memory_space<vmem>>) dst(%dma_wait3A_53 : memref<80x128xf32, #tpu.memory_space<hbm>>)
        tpu.yield
      }) : () -> ()
    }
    return
  }
}

module attributes {stable_mosaic.version = 14 : i64} {
  func.func @body(%arg0: i32, %arg1: memref<2000x128xf32, #tpu.memory_space<vmem>>, %arg2: memref<128x128xf32, #tpu.memory_space<vmem>>, %arg3: memref<128x128xf32, #tpu.memory_space<vmem>>, %arg4: memref<1x128xf32, #tpu.memory_space<vmem>>, %arg5: memref<2000x128xf32, #tpu.memory_space<vmem>>, %arg6: memref<2000x128xf32, #tpu.memory_space<vmem>>) attributes {dimension_semantics = [#tpu.dimension_semantics<arbitrary>], iteration_bounds = array<i64: 5>, scalar_prefetch = 0 : i64, scratch_operands = 0 : i64, tpu.core_type = #tpu.core_type<tc>, window_params = [{transform_indices = @transform_0, window_bounds = array<i64: 2000, 128>}, {pipeline_mode = #tpu.pipeline_mode<synchronous>, transform_indices = @transform_1, window_bounds = array<i64: 128, 128>}, {pipeline_mode = #tpu.pipeline_mode<synchronous>, transform_indices = @transform_2, window_bounds = array<i64: 128, 128>}, {pipeline_mode = #tpu.pipeline_mode<synchronous>, transform_indices = @transform_3, window_bounds = array<i64: 1, 128>}, {transform_indices = @transform_4, window_bounds = array<i64: 2000, 128>}, {transform_indices = @transform_5, window_bounds = array<i64: 2000, 128>}]} {
    %get3A = arith.constant 0 : index
    %get3A_0 = arith.constant 0 : index
    %get3A_1 = vector.load %arg1[%get3A, %get3A_0] : memref<2000x128xf32, #tpu.memory_space<vmem>>, vector<2000x128xf32>
    %get3A_2 = arith.constant 0 : index
    %get3A_3 = arith.constant 0 : index
    %get3A_4 = vector.load %arg2[%get3A_2, %get3A_3] : memref<128x128xf32, #tpu.memory_space<vmem>>, vector<128x128xf32>
    %dot_general3A = arith.constant dense<0.000000e+00> : vector<2000x128xf32>
    %dot_general3A_5 = tpu.matmul %get3A_1, %get3A_4, %dot_general3A {dimension_numbers = #tpu.dot_dimension_numbers<[1], [0], [0], [1], [0, 0, 1, 1], [], []>, transpose_lhs_hint = false} : vector<2000x128xf32>, vector<128x128xf32>, vector<2000x128xf32> -> vector<2000x128xf32>
    %swap3A = arith.constant 0 : index
    %swap3A_6 = arith.constant 0 : index
    %swap3A_7 = vector.load %arg5[%swap3A, %swap3A_6] : memref<2000x128xf32, #tpu.memory_space<vmem>>, vector<2000x128xf32>
    tpu.vector_store %arg5[%swap3A, %swap3A_6], %dot_general3A_5 {strides = array<i32>} : memref<2000x128xf32, #tpu.memory_space<vmem>>, vector<2000x128xf32>,
    %get3A_8 = arith.constant 0 : index
    %get3A_9 = arith.constant 0 : index
    %get3A_10 = vector.load %arg3[%get3A_8, %get3A_9] : memref<128x128xf32, #tpu.memory_space<vmem>>, vector<128x128xf32>
    %dot_general3A_11 = arith.constant dense<0.000000e+00> : vector<2000x128xf32>
    %dot_general3A_12 = tpu.matmul %get3A_1, %get3A_10, %dot_general3A_11 {dimension_numbers = #tpu.dot_dimension_numbers<[1], [0], [0], [1], [0, 0, 1, 1], [], []>, transpose_lhs_hint = false} : vector<2000x128xf32>, vector<128x128xf32>, vector<2000x128xf32> -> vector<2000x128xf32>
    %get3A_13 = arith.constant 0 : index
    %get3A_14 = arith.constant 0 : index
    %get3A_15 = vector.load %arg4[%get3A_13, %get3A_14] : memref<1x128xf32, #tpu.memory_space<vmem>>, vector<1x128xf32>
    %add3A = vector.broadcast %get3A_15 : vector<1x128xf32> to vector<2000x128xf32>
    %add3A_16 = arith.addf %dot_general3A_12, %add3A : vector<2000x128xf32>
    %swap3A_17 = arith.constant 0 : index
    %swap3A_18 = arith.constant 0 : index
    %swap3A_19 = vector.load %arg6[%swap3A_17, %swap3A_18] : memref<2000x128xf32, #tpu.memory_space<vmem>>, vector<2000x128xf32>
    tpu.vector_store %arg6[%swap3A_17, %swap3A_18], %add3A_16 {strides = array<i32>} : memref<2000x128xf32, #tpu.memory_space<vmem>>, vector<2000x128xf32>,
    return
  }
  func.func @transform_0(%arg0: i32) -> (i32, i32) {
    %c0_i32 = arith.constant 0 : i32
    %c0_i32_0 = arith.constant 0 : i32
    return %arg0, %c0_i32 : i32, i32
  }
  func.func @transform_1(%arg0: i32) -> (i32, i32) {
    %c0_i32 = arith.constant 0 : i32
    %c0_i32_0 = arith.constant 0 : i32
    %c0_i32_1 = arith.constant 0 : i32
    return %c0_i32, %c0_i32_0 : i32, i32
  }
  func.func @transform_2(%arg0: i32) -> (i32, i32) {
    %c0_i32 = arith.constant 0 : i32
    %c0_i32_0 = arith.constant 0 : i32
    %c0_i32_1 = arith.constant 0 : i32
    return %c0_i32, %c0_i32_0 : i32, i32
  }
  func.func @transform_3(%arg0: i32) -> (i32, i32) {
    %c0_i32 = arith.constant 0 : i32
    %c0_i32_0 = arith.constant 0 : i32
    %c0_i32_1 = arith.constant 0 : i32
    return %c0_i32, %c0_i32_0 : i32, i32
  }
  func.func @transform_4(%arg0: i32) -> (i32, i32) {
    %c0_i32 = arith.constant 0 : i32
    %c0_i32_0 = arith.constant 0 : i32
    return %arg0, %c0_i32 : i32, i32
  }
  func.func @transform_5(%arg0: i32) -> (i32, i32) {
    %c0_i32 = arith.constant 0 : i32
    %c0_i32_0 = arith.constant 0 : i32
    return %arg0, %c0_i32 : i32, i32
  }
}

module attributes {stable_mosaic.version = 14 : i64} {
  func.func @body(%arg0: i32, %arg1: memref<2000x128xf32, #tpu.memory_space<vmem>>, %arg2: memref<2x2000x128xf32, #tpu.memory_space<vmem>>, %arg3: memref<2x2000x128xf32, #tpu.memory_space<vmem>>, %arg4: memref<128x128xf32, #tpu.memory_space<vmem>>, %arg5: memref<128x128xf32, #tpu.memory_space<vmem>>, %arg6: memref<1x128xf32, #tpu.memory_space<vmem>>, %arg7: memref<2000x128xf32, #tpu.memory_space<vmem>>, %arg8: memref<2000x128xf32, #tpu.memory_space<vmem>>) attributes {dimension_semantics = [#tpu.dimension_semantics<arbitrary>], iteration_bounds = array<i64: 5>, scalar_prefetch = 0 : i64, scratch_operands = 0 : i64, tpu.core_type = #tpu.core_type<tc>, window_params = [{transform_indices = @transform_0, window_bounds = array<i64: 2000, 128>}, {transform_indices = @transform_1, window_bounds = array<i64: 2, 2000, 128>}, {transform_indices = @transform_2, window_bounds = array<i64: 2, 2000, 128>}, {pipeline_mode = #tpu.pipeline_mode<synchronous>, transform_indices = @transform_3, window_bounds = array<i64: 128, 128>}, {pipeline_mode = #tpu.pipeline_mode<synchronous>, transform_indices = @transform_4, window_bounds = array<i64: 128, 128>}, {pipeline_mode = #tpu.pipeline_mode<synchronous>, transform_indices = @transform_5, window_bounds = array<i64: 1, 128>}, {transform_indices = @transform_6, window_bounds = array<i64: 2000, 128>}, {transform_indices = @transform_7, window_bounds = array<i64: 2000, 128>}]} {
    %get3A = arith.constant 0 : index
    %get3A_0 = arith.constant 0 : index
    %get3A_1 = arith.constant 0 : index
    %get3A_2 = vector.load %arg2[%get3A, %get3A_0, %get3A_1] : memref<2x2000x128xf32, #tpu.memory_space<vmem>>, vector<1x2000x128xf32>
    %get3A_3 = vector.shape_cast %get3A_2 : vector<1x2000x128xf32> to vector<2000x128xf32>
    %get3A_4 = arith.constant 1 : index
    %get3A_5 = arith.constant 0 : index
    %get3A_6 = arith.constant 0 : index
    %get3A_7 = vector.load %arg2[%get3A_4, %get3A_5, %get3A_6] : memref<2x2000x128xf32, #tpu.memory_space<vmem>>, vector<1x2000x128xf32>
    %get3A_8 = vector.shape_cast %get3A_7 : vector<1x2000x128xf32> to vector<2000x128xf32>
    %add3A = arith.addf %get3A_3, %get3A_8 : vector<2000x128xf32>
    %get3A_9 = arith.constant 0 : index
    %get3A_10 = arith.constant 0 : index
    %get3A_11 = arith.constant 0 : index
    %get3A_12 = vector.load %arg3[%get3A_9, %get3A_10, %get3A_11] : memref<2x2000x128xf32, #tpu.memory_space<vmem>>, vector<1x2000x1xf32>
    %get3A_13 = vector.shape_cast %get3A_12 : vector<1x2000x1xf32> to vector<2000x1xf32>
    %get3A_14 = arith.constant 1 : index
    %get3A_15 = arith.constant 0 : index
    %get3A_16 = arith.constant 0 : index
    %get3A_17 = vector.load %arg3[%get3A_14, %get3A_15, %get3A_16] : memref<2x2000x128xf32, #tpu.memory_space<vmem>>, vector<1x2000x1xf32>
    %get3A_18 = vector.shape_cast %get3A_17 : vector<1x2000x1xf32> to vector<2000x1xf32>
    %add3A_19 = arith.addf %get3A_13, %get3A_18 : vector<2000x1xf32>
    %get3A_20 = arith.constant 0 : index
    %get3A_21 = arith.constant 0 : index
    %get3A_22 = vector.load %arg1[%get3A_20, %get3A_21] : memref<2000x128xf32, #tpu.memory_space<vmem>>, vector<2000x128xf32>
    %max3A = arith.constant 1.000000e+00 : f32
    %max3A_23 = vector.broadcast %max3A : f32 to vector<2000x1xf32>
    %max3A_24 = arith.maximumf %add3A_19, %max3A_23 : vector<2000x1xf32>
    %div3A = vector.broadcast %max3A_24 : vector<2000x1xf32> to vector<2000x128xf32>
    %div3A_25 = arith.divf %add3A, %div3A : vector<2000x128xf32>
    %add3A_26 = arith.addf %get3A_22, %div3A_25 : vector<2000x128xf32>
    %max3A_27 = arith.constant 0.000000e+00 : f32
    %max3A_28 = vector.broadcast %max3A_27 : f32 to vector<2000x128xf32>
    %max3A_29 = arith.maximumf %add3A_26, %max3A_28 : vector<2000x128xf32>
    %get3A_30 = arith.constant 0 : index
    %get3A_31 = arith.constant 0 : index
    %get3A_32 = vector.load %arg4[%get3A_30, %get3A_31] : memref<128x128xf32, #tpu.memory_space<vmem>>, vector<128x128xf32>
    %dot_general3A = arith.constant dense<0.000000e+00> : vector<2000x128xf32>
    %dot_general3A_33 = tpu.matmul %max3A_29, %get3A_32, %dot_general3A {dimension_numbers = #tpu.dot_dimension_numbers<[1], [0], [0], [1], [0, 0, 1, 1], [], []>, transpose_lhs_hint = false} : vector<2000x128xf32>, vector<128x128xf32>, vector<2000x128xf32> -> vector<2000x128xf32>
    %swap3A = arith.constant 0 : index
    %swap3A_34 = arith.constant 0 : index
    %swap3A_35 = vector.load %arg7[%swap3A, %swap3A_34] : memref<2000x128xf32, #tpu.memory_space<vmem>>, vector<2000x128xf32>
    tpu.vector_store %arg7[%swap3A, %swap3A_34], %dot_general3A_33 {strides = array<i32>} : memref<2000x128xf32, #tpu.memory_space<vmem>>, vector<2000x128xf32>,
    %get3A_36 = arith.constant 0 : index
    %get3A_37 = arith.constant 0 : index
    %get3A_38 = vector.load %arg5[%get3A_36, %get3A_37] : memref<128x128xf32, #tpu.memory_space<vmem>>, vector<128x128xf32>
    %dot_general3A_39 = arith.constant dense<0.000000e+00> : vector<2000x128xf32>
    %dot_general3A_40 = tpu.matmul %max3A_29, %get3A_38, %dot_general3A_39 {dimension_numbers = #tpu.dot_dimension_numbers<[1], [0], [0], [1], [0, 0, 1, 1], [], []>, transpose_lhs_hint = false} : vector<2000x128xf32>, vector<128x128xf32>, vector<2000x128xf32> -> vector<2000x128xf32>
    %get3A_41 = arith.constant 0 : index
    %get3A_42 = arith.constant 0 : index
    %get3A_43 = vector.load %arg6[%get3A_41, %get3A_42] : memref<1x128xf32, #tpu.memory_space<vmem>>, vector<1x128xf32>
    %add3A_44 = vector.broadcast %get3A_43 : vector<1x128xf32> to vector<2000x128xf32>
    %add3A_45 = arith.addf %dot_general3A_40, %add3A_44 : vector<2000x128xf32>
    %swap3A_46 = arith.constant 0 : index
    %swap3A_47 = arith.constant 0 : index
    %swap3A_48 = vector.load %arg8[%swap3A_46, %swap3A_47] : memref<2000x128xf32, #tpu.memory_space<vmem>>, vector<2000x128xf32>
    tpu.vector_store %arg8[%swap3A_46, %swap3A_47], %add3A_45 {strides = array<i32>} : memref<2000x128xf32, #tpu.memory_space<vmem>>, vector<2000x128xf32>,
    return
  }
  func.func @transform_0(%arg0: i32) -> (i32, i32) {
    %c0_i32 = arith.constant 0 : i32
    %c0_i32_0 = arith.constant 0 : i32
    return %arg0, %c0_i32 : i32, i32
  }
  func.func @transform_1(%arg0: i32) -> (i32, i32, i32) {
    %c0_i32 = arith.constant 0 : i32
    %c0_i32_0 = arith.constant 0 : i32
    %c0_i32_1 = arith.constant 0 : i32
    return %c0_i32, %arg0, %c0_i32_0 : i32, i32, i32
  }
  func.func @transform_2(%arg0: i32) -> (i32, i32, i32) {
    %c0_i32 = arith.constant 0 : i32
    %c0_i32_0 = arith.constant 0 : i32
    %c0_i32_1 = arith.constant 0 : i32
    return %c0_i32, %arg0, %c0_i32_0 : i32, i32, i32
  }
  func.func @transform_3(%arg0: i32) -> (i32, i32) {
    %c0_i32 = arith.constant 0 : i32
    %c0_i32_0 = arith.constant 0 : i32
    %c0_i32_1 = arith.constant 0 : i32
    return %c0_i32, %c0_i32_0 : i32, i32
  }
  func.func @transform_4(%arg0: i32) -> (i32, i32) {
    %c0_i32 = arith.constant 0 : i32
    %c0_i32_0 = arith.constant 0 : i32
    %c0_i32_1 = arith.constant 0 : i32
    return %c0_i32, %c0_i32_0 : i32, i32
  }
  func.func @transform_5(%arg0: i32) -> (i32, i32) {
    %c0_i32 = arith.constant 0 : i32
    %c0_i32_0 = arith.constant 0 : i32
    %c0_i32_1 = arith.constant 0 : i32
    return %c0_i32, %c0_i32_0 : i32, i32
  }
  func.func @transform_6(%arg0: i32) -> (i32, i32) {
    %c0_i32 = arith.constant 0 : i32
    %c0_i32_0 = arith.constant 0 : i32
    return %arg0, %c0_i32 : i32, i32
  }
  func.func @transform_7(%arg0: i32) -> (i32, i32) {
    %c0_i32 = arith.constant 0 : i32
    %c0_i32_0 = arith.constant 0 : i32
    return %arg0, %c0_i32 : i32, i32
  }
}

module attributes {stable_mosaic.version = 14 : i64} {
  func.func @body(%arg0: i32, %arg1: memref<2000x128xf32, #tpu.memory_space<vmem>>, %arg2: memref<2x2000x128xf32, #tpu.memory_space<vmem>>, %arg3: memref<2x2000x128xf32, #tpu.memory_space<vmem>>, %arg4: memref<128x64xf32, #tpu.memory_space<vmem>>, %arg5: memref<1x64xf32, #tpu.memory_space<vmem>>, %arg6: memref<2000x128xf32, #tpu.memory_space<vmem>>, %arg7: memref<2000x64xf32, #tpu.memory_space<vmem>>) attributes {dimension_semantics = [#tpu.dimension_semantics<arbitrary>], iteration_bounds = array<i64: 5>, scalar_prefetch = 0 : i64, scratch_operands = 0 : i64, tpu.core_type = #tpu.core_type<tc>, window_params = [{transform_indices = @transform_0, window_bounds = array<i64: 2000, 128>}, {transform_indices = @transform_1, window_bounds = array<i64: 2, 2000, 128>}, {transform_indices = @transform_2, window_bounds = array<i64: 2, 2000, 128>}, {pipeline_mode = #tpu.pipeline_mode<synchronous>, transform_indices = @transform_3, window_bounds = array<i64: 128, 64>}, {pipeline_mode = #tpu.pipeline_mode<synchronous>, transform_indices = @transform_4, window_bounds = array<i64: 1, 64>}, {transform_indices = @transform_5, window_bounds = array<i64: 2000, 128>}, {transform_indices = @transform_6, window_bounds = array<i64: 2000, 64>}]} {
    %get3A = arith.constant 0 : index
    %get3A_0 = arith.constant 0 : index
    %get3A_1 = arith.constant 0 : index
    %get3A_2 = vector.load %arg2[%get3A, %get3A_0, %get3A_1] : memref<2x2000x128xf32, #tpu.memory_space<vmem>>, vector<1x2000x128xf32>
    %get3A_3 = vector.shape_cast %get3A_2 : vector<1x2000x128xf32> to vector<2000x128xf32>
    %get3A_4 = arith.constant 1 : index
    %get3A_5 = arith.constant 0 : index
    %get3A_6 = arith.constant 0 : index
    %get3A_7 = vector.load %arg2[%get3A_4, %get3A_5, %get3A_6] : memref<2x2000x128xf32, #tpu.memory_space<vmem>>, vector<1x2000x128xf32>
    %get3A_8 = vector.shape_cast %get3A_7 : vector<1x2000x128xf32> to vector<2000x128xf32>
    %add3A = arith.addf %get3A_3, %get3A_8 : vector<2000x128xf32>
    %get3A_9 = arith.constant 0 : index
    %get3A_10 = arith.constant 0 : index
    %get3A_11 = arith.constant 0 : index
    %get3A_12 = vector.load %arg3[%get3A_9, %get3A_10, %get3A_11] : memref<2x2000x128xf32, #tpu.memory_space<vmem>>, vector<1x2000x1xf32>
    %get3A_13 = vector.shape_cast %get3A_12 : vector<1x2000x1xf32> to vector<2000x1xf32>
    %get3A_14 = arith.constant 1 : index
    %get3A_15 = arith.constant 0 : index
    %get3A_16 = arith.constant 0 : index
    %get3A_17 = vector.load %arg3[%get3A_14, %get3A_15, %get3A_16] : memref<2x2000x128xf32, #tpu.memory_space<vmem>>, vector<1x2000x1xf32>
    %get3A_18 = vector.shape_cast %get3A_17 : vector<1x2000x1xf32> to vector<2000x1xf32>
    %add3A_19 = arith.addf %get3A_13, %get3A_18 : vector<2000x1xf32>
    %get3A_20 = arith.constant 0 : index
    %get3A_21 = arith.constant 0 : index
    %get3A_22 = vector.load %arg1[%get3A_20, %get3A_21] : memref<2000x128xf32, #tpu.memory_space<vmem>>, vector<2000x128xf32>
    %max3A = arith.constant 1.000000e+00 : f32
    %max3A_23 = vector.broadcast %max3A : f32 to vector<2000x1xf32>
    %max3A_24 = arith.maximumf %add3A_19, %max3A_23 : vector<2000x1xf32>
    %div3A = vector.broadcast %max3A_24 : vector<2000x1xf32> to vector<2000x128xf32>
    %div3A_25 = arith.divf %add3A, %div3A : vector<2000x128xf32>
    %add3A_26 = arith.addf %get3A_22, %div3A_25 : vector<2000x128xf32>
    %max3A_27 = arith.constant 0.000000e+00 : f32
    %max3A_28 = vector.broadcast %max3A_27 : f32 to vector<2000x128xf32>
    %max3A_29 = arith.maximumf %add3A_26, %max3A_28 : vector<2000x128xf32>
    %swap3A = arith.constant 0 : index
    %swap3A_30 = arith.constant 0 : index
    %swap3A_31 = vector.load %arg6[%swap3A, %swap3A_30] : memref<2000x128xf32, #tpu.memory_space<vmem>>, vector<2000x128xf32>
    tpu.vector_store %arg6[%swap3A, %swap3A_30], %max3A_29 {strides = array<i32>} : memref<2000x128xf32, #tpu.memory_space<vmem>>, vector<2000x128xf32>,
    %get3A_32 = arith.constant 0 : index
    %get3A_33 = arith.constant 0 : index
    %get3A_34 = vector.load %arg4[%get3A_32, %get3A_33] : memref<128x64xf32, #tpu.memory_space<vmem>>, vector<128x64xf32>
    %dot_general3A = arith.constant dense<0.000000e+00> : vector<2000x64xf32>
    %dot_general3A_35 = tpu.matmul %max3A_29, %get3A_34, %dot_general3A {dimension_numbers = #tpu.dot_dimension_numbers<[1], [0], [0], [1], [0, 0, 1, 1], [], []>, transpose_lhs_hint = false} : vector<2000x128xf32>, vector<128x64xf32>, vector<2000x64xf32> -> vector<2000x64xf32>
    %get3A_36 = arith.constant 0 : index
    %get3A_37 = arith.constant 0 : index
    %get3A_38 = vector.load %arg5[%get3A_36, %get3A_37] : memref<1x64xf32, #tpu.memory_space<vmem>>, vector<1x64xf32>
    %add3A_39 = vector.broadcast %get3A_38 : vector<1x64xf32> to vector<2000x64xf32>
    %add3A_40 = arith.addf %dot_general3A_35, %add3A_39 : vector<2000x64xf32>
    %swap3A_41 = arith.constant 0 : index
    %swap3A_42 = arith.constant 0 : index
    %swap3A_43 = vector.load %arg7[%swap3A_41, %swap3A_42] : memref<2000x64xf32, #tpu.memory_space<vmem>>, vector<2000x64xf32>
    tpu.vector_store %arg7[%swap3A_41, %swap3A_42], %add3A_40 {strides = array<i32>} : memref<2000x64xf32, #tpu.memory_space<vmem>>, vector<2000x64xf32>,
    return
  }
  func.func @transform_0(%arg0: i32) -> (i32, i32) {
    %c0_i32 = arith.constant 0 : i32
    %c0_i32_0 = arith.constant 0 : i32
    return %arg0, %c0_i32 : i32, i32
  }
  func.func @transform_1(%arg0: i32) -> (i32, i32, i32) {
    %c0_i32 = arith.constant 0 : i32
    %c0_i32_0 = arith.constant 0 : i32
    %c0_i32_1 = arith.constant 0 : i32
    return %c0_i32, %arg0, %c0_i32_0 : i32, i32, i32
  }
  func.func @transform_2(%arg0: i32) -> (i32, i32, i32) {
    %c0_i32 = arith.constant 0 : i32
    %c0_i32_0 = arith.constant 0 : i32
    %c0_i32_1 = arith.constant 0 : i32
    return %c0_i32, %arg0, %c0_i32_0 : i32, i32, i32
  }
  func.func @transform_3(%arg0: i32) -> (i32, i32) {
    %c0_i32 = arith.constant 0 : i32
    %c0_i32_0 = arith.constant 0 : i32
    %c0_i32_1 = arith.constant 0 : i32
    return %c0_i32, %c0_i32_0 : i32, i32
  }
  func.func @transform_4(%arg0: i32) -> (i32, i32) {
    %c0_i32 = arith.constant 0 : i32
    %c0_i32_0 = arith.constant 0 : i32
    %c0_i32_1 = arith.constant 0 : i32
    return %c0_i32, %c0_i32_0 : i32, i32
  }
  func.func @transform_5(%arg0: i32) -> (i32, i32) {
    %c0_i32 = arith.constant 0 : i32
    %c0_i32_0 = arith.constant 0 : i32
    return %arg0, %c0_i32 : i32, i32
  }
  func.func @transform_6(%arg0: i32) -> (i32, i32) {
    %c0_i32 = arith.constant 0 : i32
    %c0_i32_0 = arith.constant 0 : i32
    return %arg0, %c0_i32 : i32, i32
  }
}

module attributes {stable_mosaic.version = 14 : i64} {
  func.func @body(%arg0: i32, %arg1: memref<2000x64xf32, #tpu.memory_space<vmem>>, %arg2: memref<2x2000x128xf32, #tpu.memory_space<vmem>>, %arg3: memref<2x2000x128xf32, #tpu.memory_space<vmem>>, %arg4: memref<128x64xf32, #tpu.memory_space<vmem>>, %arg5: memref<2000x64xf32, #tpu.memory_space<vmem>>) attributes {dimension_semantics = [#tpu.dimension_semantics<arbitrary>], iteration_bounds = array<i64: 5>, scalar_prefetch = 0 : i64, scratch_operands = 0 : i64, tpu.core_type = #tpu.core_type<tc>, window_params = [{transform_indices = @transform_0, window_bounds = array<i64: 2000, 64>}, {transform_indices = @transform_1, window_bounds = array<i64: 2, 2000, 128>}, {transform_indices = @transform_2, window_bounds = array<i64: 2, 2000, 128>}, {pipeline_mode = #tpu.pipeline_mode<synchronous>, transform_indices = @transform_3, window_bounds = array<i64: 128, 64>}, {transform_indices = @transform_4, window_bounds = array<i64: 2000, 64>}]} {
    %get3A = arith.constant 0 : index
    %get3A_0 = arith.constant 0 : index
    %get3A_1 = arith.constant 0 : index
    %get3A_2 = vector.load %arg2[%get3A, %get3A_0, %get3A_1] : memref<2x2000x128xf32, #tpu.memory_space<vmem>>, vector<1x2000x128xf32>
    %get3A_3 = vector.shape_cast %get3A_2 : vector<1x2000x128xf32> to vector<2000x128xf32>
    %get3A_4 = arith.constant 1 : index
    %get3A_5 = arith.constant 0 : index
    %get3A_6 = arith.constant 0 : index
    %get3A_7 = vector.load %arg2[%get3A_4, %get3A_5, %get3A_6] : memref<2x2000x128xf32, #tpu.memory_space<vmem>>, vector<1x2000x128xf32>
    %get3A_8 = vector.shape_cast %get3A_7 : vector<1x2000x128xf32> to vector<2000x128xf32>
    %add3A = arith.addf %get3A_3, %get3A_8 : vector<2000x128xf32>
    %get3A_9 = arith.constant 0 : index
    %get3A_10 = arith.constant 0 : index
    %get3A_11 = arith.constant 0 : index
    %get3A_12 = vector.load %arg3[%get3A_9, %get3A_10, %get3A_11] : memref<2x2000x128xf32, #tpu.memory_space<vmem>>, vector<1x2000x1xf32>
    %get3A_13 = vector.shape_cast %get3A_12 : vector<1x2000x1xf32> to vector<2000x1xf32>
    %get3A_14 = arith.constant 1 : index
    %get3A_15 = arith.constant 0 : index
    %get3A_16 = arith.constant 0 : index
    %get3A_17 = vector.load %arg3[%get3A_14, %get3A_15, %get3A_16] : memref<2x2000x128xf32, #tpu.memory_space<vmem>>, vector<1x2000x1xf32>
    %get3A_18 = vector.shape_cast %get3A_17 : vector<1x2000x1xf32> to vector<2000x1xf32>
    %add3A_19 = arith.addf %get3A_13, %get3A_18 : vector<2000x1xf32>
    %max3A = arith.constant 1.000000e+00 : f32
    %max3A_20 = vector.broadcast %max3A : f32 to vector<2000x1xf32>
    %max3A_21 = arith.maximumf %add3A_19, %max3A_20 : vector<2000x1xf32>
    %div3A = vector.broadcast %max3A_21 : vector<2000x1xf32> to vector<2000x128xf32>
    %div3A_22 = arith.divf %add3A, %div3A : vector<2000x128xf32>
    %get3A_23 = arith.constant 0 : index
    %get3A_24 = arith.constant 0 : index
    %get3A_25 = vector.load %arg1[%get3A_23, %get3A_24] : memref<2000x64xf32, #tpu.memory_space<vmem>>, vector<2000x64xf32>
    %get3A_26 = arith.constant 0 : index
    %get3A_27 = arith.constant 0 : index
    %get3A_28 = vector.load %arg4[%get3A_26, %get3A_27] : memref<128x64xf32, #tpu.memory_space<vmem>>, vector<128x64xf32>
    %dot_general3A = arith.constant dense<0.000000e+00> : vector<2000x64xf32>
    %dot_general3A_29 = tpu.matmul %div3A_22, %get3A_28, %dot_general3A {dimension_numbers = #tpu.dot_dimension_numbers<[1], [0], [0], [1], [0, 0, 1, 1], [], []>, transpose_lhs_hint = false} : vector<2000x128xf32>, vector<128x64xf32>, vector<2000x64xf32> -> vector<2000x64xf32>
    %add3A_30 = arith.addf %get3A_25, %dot_general3A_29 : vector<2000x64xf32>
    %swap3A = arith.constant 0 : index
    %swap3A_31 = arith.constant 0 : index
    %swap3A_32 = vector.load %arg5[%swap3A, %swap3A_31] : memref<2000x64xf32, #tpu.memory_space<vmem>>, vector<2000x64xf32>
    tpu.vector_store %arg5[%swap3A, %swap3A_31], %add3A_30 {strides = array<i32>} : memref<2000x64xf32, #tpu.memory_space<vmem>>, vector<2000x64xf32>,
    return
  }
  func.func @transform_0(%arg0: i32) -> (i32, i32) {
    %c0_i32 = arith.constant 0 : i32
    %c0_i32_0 = arith.constant 0 : i32
    return %arg0, %c0_i32 : i32, i32
  }
  func.func @transform_1(%arg0: i32) -> (i32, i32, i32) {
    %c0_i32 = arith.constant 0 : i32
    %c0_i32_0 = arith.constant 0 : i32
    %c0_i32_1 = arith.constant 0 : i32
    return %c0_i32, %arg0, %c0_i32_0 : i32, i32, i32
  }
  func.func @transform_2(%arg0: i32) -> (i32, i32, i32) {
    %c0_i32 = arith.constant 0 : i32
    %c0_i32_0 = arith.constant 0 : i32
    %c0_i32_1 = arith.constant 0 : i32
    return %c0_i32, %arg0, %c0_i32_0 : i32, i32, i32
  }
  func.func @transform_3(%arg0: i32) -> (i32, i32) {
    %c0_i32 = arith.constant 0 : i32
    %c0_i32_0 = arith.constant 0 : i32
    %c0_i32_1 = arith.constant 0 : i32
    return %c0_i32, %c0_i32_0 : i32, i32
  }
  func.func @transform_4(%arg0: i32) -> (i32, i32) {
    %c0_i32 = arith.constant 0 : i32
    %c0_i32_0 = arith.constant 0 : i32
    return %arg0, %c0_i32 : i32, i32
  }
}

</mosaic_0001>

<sc_bundles>
// kernel: kernel.12.cloned.1.call-start
scs
__scs_entry_jumppad:
0x0: {  	(pc) =	sbr.rel $0x88, $3  }
0x1: {  	(tag) =	ssettag $0x0;
	lr =	simm.s32 $0x1  }
0x2: {  	[smem:$0x3F94] =	sst lr;
	_ =	strace $0xD0000000  }
0x3: {  	_ = 	snop  }
0x4: {  	_ = 	snop  }
0x5: {  	_ = 	snop  }
0x6: {  	_ = 	snop  }
0x7: {  	_ = 	snop  }
__scs_overlays_trampoline_lowered:
0x8: {  	[smem:$0x3FA3] =	sst s0  }
0x9: {  	[smem:$0x3FA4] =	sst s1  }
0xa: {  	[smem:$0x3FA5] =	sst s2  }
0xb: {  	[smem:$0x3FA6] =	sst s3  }
0xc: {  	[smem:$0x3FA7] =	sst s4  }
0xd: {  	[smem:$0x3FA8] =	sst s5  }
0xe: {  	[smem:$0x3FA9] =	sst s6  }
0xf: {  	[smem:$0x3FAA] =	sst s7  }
0x10: {  	[smem:$0x3FAB] =	sst s8  }
0x11: {  	[smem:$0x3FAC] =	sst s9;
	s0 =	simm.s32 @!p0 $0x0  }
0x12: {  	s1 =	sld [smem:$0x3F92];
	s0 =	simm.s32 @p0 $0x1  }
0x13: {  	[smem:$0x3FAD] =	sst s0;
	s0 =	simm.s32 @!p1 $0x0  }
0x14: {  	s2 =	sld [smem:$0x3F91];
	s0 =	simm.s32 @p1 $0x1  }
0x15: {  	[smem:$0x3FAE] =	sst s0;
	s0 =	simm.s32 @!p2 $0x0  }
0x16: {  	s3 =	sld [smem:$0x3FDB];
	s0 =	simm.s32 @p2 $0x1  }
0x17: {  	s4 =	simm.s32 $0x1BF5;
	[smem:$0x3FB0] =	sst s0  }
0x18: {  	s0 =	sld [smem:$0x3F93];
	_ =	swait.ge [sflag:s4], $0x0  }
0x19: {  	s7 =	sld [smem:$0x3F94]  }
0x1a: {  	s8 =	sadd.s32 $0xFFFFE003, lr  }
0x1b: {  	s9 =	sadd.s32 $0xFFFFFEF7, lr;
	s5 =	simm.s32 $0xFFFFFFFF;
	p2 =	slt.u32 s8, $0xFFFFF086  }
0x1c: {  	p1 =	slt.u32 s9, $0xF7A;
	s5 =	simm.s32 @!p2 $0x0  }
0x1d: {  	s5 =	simm.s32 @p1 $0x1;
	p0 =	seq.s32 s7, s2  }
0x1e: {  	s7 =	smul.u32 @!p0 $0xF7A, s2;
	p2 =	seq.s32 @!p0 s5, $0x0  }
0x1f: {  	s9 =	smul.u32 $0xF7A, s1;
	s8 =	simm.s32 @!p0 $0x1BF5;
	p2 =	por !p2, p0  }
0x20: {  	[sflag:s8] =	ssyncset.s32 @!p0 $0xFFFFF086;
	s6 =	sadd.s32 @!p0 s3, s7;
	s7 =	simm.s32 @!p0 $0x108  }
0x21: {  	s3 =	sadd.s32 s3, s9;
	s6 =	sadd.s32 @!p0 $0x88, s6;
	s7 =	simm.s32 @p2 $0x1082  }
0x22: {  	[simem:s7], [sflag:s8] =	dma.local @!p0 [hbm:s6], $0xF7A  }
0x23: {  	s9 =	sor.u32 $0xD0000000, s2;
	s6 =	simm.s32 $0x108;
	_ =	swait.ge @!p0 [sflag:s8], $0x0  }
0x24: {  	s3 =	sadd.s32 $0x88, s3;
	s6 =	simm.s32 @!p1 $0x1082;
	[sflag:s4] =	ssyncset.s32 $0xFFFFF086  }
0x25: {  	[simem:s6], [sflag:s4] =	dma.local [hbm:s3], $0xF7A  }
0x26: {  	[smem:$0x3F94] =	sst s1;
	(tag) =	ssettag s2;
	_ =	strace s9  }
0x27: {  	s1 =	sld [smem:$0x3FA4]  }
0x28: {  	s2 =	sld [smem:$0x3FA5]  }
0x29: {  	s4 =	sld [smem:$0x3FA7]  }
0x2a: {  	p0 =	seq.s32 s5, $0x0;
	s5 =	sld [smem:$0x3FA8]  }
0x2b: {  	s6 =	sld [smem:$0x3FA9]  }
0x2c: {  	s7 =	sld [smem:$0x3FAA]  }
0x2d: {  	s3 =	simm.s32 $0x108;
	s8 =	sld [smem:$0x3FAB]  }
0x2e: {  	s3 =	simm.s32 @!p0 $0x1082;
	s9 =	sld [smem:$0x3FAC]  }
0x2f: {  	lr =	sadd.s32 s0, s3;
	s0 =	sld [smem:$0x3FA3]  }
0x30: {  	s3 =	sld [smem:$0x3FA6]  }
0x31: {  	[smem:$0x3FAF] =	sst s10  }
0x32: {  	s10 =	sld [smem:$0x3FAD];
	_ =	sdelay $0x3  }
0x33: {  	p0 =	seq.s32 s10, $0x1;
	s10 =	sld [smem:$0x3FAF];
	_ =	sdelay $0x3  }
0x34: {  	[smem:$0x3FAF] =	sst s10  }
0x35: {  	s10 =	sld [smem:$0x3FAE];
	_ =	sdelay $0x3  }
0x36: {  	p1 =	seq.s32 s10, $0x1;
	s10 =	sld [smem:$0x3FAF];
	_ =	sdelay $0x3  }
0x37: {  	[smem:$0x3FAF] =	sst s10  }
0x38: {  	s10 =	sld [smem:$0x3FB0]  }
0x39: {  	_ = 	snop;
	(pc) =	sbr.ind lr, $3  }
0x3a: {  	_ = 	snop  }
0x3b: {  	_ = 	snop  }
0x3c: {  	p2 =	seq.s32 s10, $0x1;
	s10 =	sld [smem:$0x3FAF]  }
0x3d: {  	_ =	shalt  }
0x3e: {  	_ =	shalt  }
0x3f: {  	_ =	shalt  }
0x40: {  	_ =	shalt  }
0x41: {  	_ =	shalt  }
0x42: {  	_ =	shalt  }
0x43: {  	_ =	shalt  }
0x44: {  	_ =	shalt  }
0x45: {  	_ =	shalt  }
0x46: {  	_ =	shalt  }
0x47: {  	_ =	shalt  }
0x48: {  	_ =	shalt  }
0x49: {  	_ =	shalt  }
0x4a: {  	_ =	shalt  }
0x4b: {  	_ =	shalt  }
0x4c: {  	_ =	shalt  }
0x4d: {  	_ =	shalt  }
0x4e: {  	_ =	shalt  }
0x4f: {  	_ =	shalt  }
0x50: {  	_ =	shalt  }
0x51: {  	_ =	shalt  }
0x52: {  	_ =	shalt  }
0x53: {  	_ =	shalt  }
0x54: {  	_ =	shalt  }
0x55: {  	_ =	shalt  }
0x56: {  	_ =	shalt  }
0x57: {  	_ =	shalt  }
0x58: {  	_ =	shalt  }
0x59: {  	_ =	shalt  }
0x5a: {  	_ =	shalt  }
0x5b: {  	_ =	shalt  }
0x5c: {  	_ =	shalt  }
0x5d: {  	_ =	shalt  }
0x5e: {  	_ =	shalt  }
0x5f: {  	_ =	shalt  }
0x60: {  	_ =	shalt  }
0x61: {  	_ =	shalt  }
0x62: {  	_ =	shalt  }
0x63: {  	_ =	shalt  }
0x64: {  	_ =	shalt  }
0x65: {  	_ =	shalt  }
0x66: {  	_ =	shalt  }
0x67: {  	_ =	shalt  }
0x68: {  	_ =	shalt  }
0x69: {  	_ =	shalt  }
0x6a: {  	_ =	shalt  }
0x6b: {  	_ =	shalt  }
0x6c: {  	_ =	shalt  }
0x6d: {  	_ =	shalt  }
0x6e: {  	_ =	shalt  }
0x6f: {  	_ =	shalt  }
0x70: {  	_ =	shalt  }
0x71: {  	_ =	shalt  }
0x72: {  	_ =	shalt  }
0x73: {  	_ =	shalt  }
0x74: {  	_ =	shalt  }
0x75: {  	_ =	shalt  }
0x76: {  	_ =	shalt  }
0x77: {  	_ =	shalt  }
0x78: {  	_ =	shalt  }
0x79: {  	_ =	shalt  }
0x7a: {  	_ =	shalt  }
0x7b: {  	_ =	shalt  }
0x7c: {  	_ =	shalt  }
0x7d: {  	_ =	shalt  }
0x7e: {  	_ =	shalt  }
0x7f: {  	_ =	shalt  }
0x80: {  	_ =	shalt  }
0x81: {  	_ =	shalt  }
0x82: {  	_ =	shalt  }
0x83: {  	_ =	shalt  }
0x84: {  	_ =	shalt  }
0x85: {  	_ =	shalt  }
0x86: {  	_ =	shalt  }
0x87: {  	_ =	shalt  }
.Lfunc_end0:
.L_simem_size_0:
called_computation_lowered:
.L_overlay_start_0:
0x88: {  	s2 =	sld [smem:$0x3FD9]  }
0x89: {  	s3 =	sld [smem:$0x3FFE];
	_ =	sdelay $0x1  }
0x8a: {  	s1 =	srdreg.scid  }
0x8b: {  	s0 =	sand.u32 $0x1, s1  }
0x8c: {  	s17 =	sshll.u32 s0, $0xA;
	s2 =	sadd.s32 s3, s2  }
0x8d: {  	s2 =	sadd.s32 s2, s17  }
0x8e: {  	[smem:$0x3FBB] =	sst s2  }
0x8f: {  	_ = 	snop  }
0x90: {  	s2 =	sld [smem:$0x3FD0];
	(tm) =	ssettm $0x1  }
0x91: {  	s18 =	sld [smem:$0x3FFB];
	_ =	sdelay $0x3  }
0x92: {  	_ =	strace s18  }
0x93: {  	s3 =	sld [smem:$0x3FFC];
	_ =	sdelay $0x3  }
0x94: {  	_ =	strace s3  }
0x95: {  	s3 =	sld [smem:$0x3FFD];
	_ =	sdelay $0x3  }
0x96: {  	_ =	strace s3  }
0x97: {  	_ =	strace $0x8FFFFFFF  }
0x98: {  	s19 =	sld [smem:$0x3FDB];
	_ =	sdelay $0x1  }
0x99: {  	s4 =	simm.s32 $_scs_section_size  }
0x9a: {  	s5 =	simm.s32 $_size__tile_overlayer_lowered;
	s6 =	simm.s32 $_tile_overlayer_lowered  }
0x9b: {  	s22 =	simm.s32 $0x1BFF;
	s21 =	sshll.u32 s6, $0x1;
	s3 =	sadd.s32 s4, s19  }
0x9c: {  	s7 =	simm.s32 $0x0;
	s20 =	sshll.u32 s5, $0x1;
	s5 =	sadd.s32 s21, s3  }
0x9d: {  	[timem:s7], [sflag:s22] =	dma.local [hbm:s5], s20  }
0x9e: {  	_ =	swait.ge [sflag:s22], s20  }
0x9f: {  	s4 =	ssub.s32 $0x0, s20;
	[sflag:s22] =	ssyncset.done $0x0  }
0xa0: {  	[sflag:s22] =	ssyncadd.s32 s4;
	_ =	sdelay $0x1  }
0xa1: {  	s23 =	simm.s32 $0x1B8B  }
0xa2: {  	_ =	swait.ge [sflag:s23], $0x1  }
0xa3: {  	[sflag:s23] =	ssyncset.done $0x0  }
0xa4: {  	s25 =	simm.s32 $0x1B8E;
	s24 =	sld [smem:$0x3FFE];
	[sflag:s23] =	ssyncadd.s32 $0xFFFFFFFF  }
0xa5: {  	s26 =	simm.s32 $execute0_lowered;
	[smem:$0x3FD2] =	sst s25  }
0xa6: {  	s5 =	sshll.u32 s26, $0x1;
	_ =	strace $0x80000046;
	[dreg:$0x1] =	wrdreg $0xFFFFFFFF  }
0xa7: {  	s28 =	simm.s32 $_size_execute0_lowered;
	s3 =	sadd.s32 s3, s5;
	[dreg:$0x0] =	wrdreg $0x0  }
0xa8: {  	s5 =	sshll.u32 s28, $0x1;
	[dreg:$0x2] =	wrdreg s3  }
0xa9: {  	[dreg:$0x3] =	wrdreg s5  }
0xaa: {  	[dreg:$0x4] =	wrdreg $0xC0  }
0xab: {  	_ =	task [dreg:s7], $0x5FFFF  }
0xac: {  	[dreg:$0x1] =	wrdreg $0xFFFFFFFF  }
0xad: {  	[dreg:$0x0] =	wrdreg $0x60  }
0xae: {  	[dreg:$0x2] =	wrdreg s24  }
0xaf: {  	[dreg:$0x3] =	wrdreg s2  }
0xb0: {  	[dreg:$0x4] =	wrdreg $0x52000  }
0xb1: {  	[dreg:$0x5] =	wrdreg $0xA  }
0xb2: {  	_ =	task.clear_ibuf [dreg:s7], $0x6FFFF;
	_ =	strace $0x90000046  }
0xb3: {  	s29 =	simm.s32 $0xA;
	_ =	strace $0x80000048  }
0xb4: {  	_ =	swait.ge [sflag:s29], $0x1  }
0xb5: {  	[sflag:s29] =	ssyncadd.s32 $0xFFFFFFFF  }
0xb6: {  	_ =	strace $0x90000048  }
0xb7: {  	_ =	sfence  }
0xb8: {  	s30 =	sld [smem:$0x0];
	_ =	sdelay $0x2  }
0xb9: {  	s31 =	sshll.u32 s1, $0xD;
	s1 =	sshrl.u32 s1, $0x2  }
0xba: {  	s3 =	sand.u32 $0x4000, s31;
	s1 =	sadd.s32 s1, s30  }
0xbb: {  	s0 =	sor.u32 s3, s0;
	s1 =	sshll.u32 s1, $0x11  }
0xbc: {  	s0 =	sor.u32 s1, s0  }
0xbd: {  	s0 =	sadd.s32 $0x8F2B, s0  }
0xbe: {  	[sflag:s0] =	ssyncadd.remote.s32 $0x1  }
0xbf: {  	_ =	sfence.sel $0xFFFF  }
0xc0: {  	[dreg:$0x0] =	wrdreg $0xFFFFFFFF;
	(pc) =	sbr.abs _section_cstart, $3  }
0xc1: {  	[dreg:$0x1] =	wrdreg $0xFFFFFFFF  }
0xc2: {  	_ =	task.clear_ibuf [dreg:s7], $0x2FFFF;
	_ =	strace $0x9FFFFFFF  }
0xc3: {  	(tm) =	ssettm $0x7FFFFFFF  }
tec
execute0_lowered:
.L_overlay_start_1:
0x0: {  	(tag) =	ssettag $0x1  }
0x1: {  	s0 =	rddreg [dreg:$0x0]  }
0x2: {  	s3 =	rddreg [dreg:$0x1]  }
0x3: {  	s1 =	rddreg [dreg:$0x2]  }
0x4: {  	s2 =	simm.s32 $0x0;
	s5 =	srdreg.scid;
	s15 =	stileid.u32  }
0x5: {  	s19 =	simm.s32 $0x7;
	s20 =	simm.s32 $0x100;
	s21 =	simm.s32 $0x80  }
0x6: {  	s28 =	simm.s32 $0x3;
	s29 =	simm.s32 $0x4;
	s30 =	simm.s32 $0x6  }
0x7: {  	s31 =	simm.s32 $0x0;
	[smem:$0x7FF] =	sst s2;
	s4 =	sadd.s32 $0xC000, s0  }
0x8: {  	s12 =	sadd.s32 $0x2200, s0;
	s5 =	sand.u32 $0x1, s5;
	s11 =	smul.u32 $0x50000, s15  }
0x9: {  	s6 =	sshll.u32 s15, $0x1;
	s7 =	sadd.s32 $0x33200, s0;
	s13 =	smul.u32 $0x4E20, s15  }
0xa: {  	p0 =	seq.s32 s15, $0xF;
	s18 =	smul.u32 $0x14000, s15;
	_ =	strace $0x80000047  }
0xb: {  	[dreg:$0x4] =	wrdreg s7;
	s22 =	ssub.s32 $0x2, s5;
	s14 =	smul.u32 $0x2710, s5  }
0xc: {  	s8 =	sor.u32 s5, s6;
	s6 =	sadd.s32 $0x33800, s0;
	s17 =	smul.u32 $0x138800, s5  }
0xd: {  	s7 =	simm.s32 $0x5;
	s23 =	sshrl.u32 s22, $0x1;
	s8 =	smul.u32 $0x2710, s8  }
0xe: {  	s25 =	sshrl.u32 s11, $0x2;
	s0 =	ssub.s32 s22, s23;
	s13 =	sadd.s32 s14, s13  }
0xf: {  	s5 =	sadd.s32 s25, s1;
	s17 =	sadd.s32 s18, s17;
	s18 =	simm.s32 $0x200  }
0x10: {  	s22 =	simm.s32 $0x180;
	s23 =	simm.s32 $0x1;
	s25 =	simm.s32 $0x2  }
0x11: {  	s9 =	sshrl.u32 s8, $0x3;
	s8 =	simm.s32 $0x5;
	s11 =	smax.u32 s0, $0x1  }
0x12: {  	s26 =	sadd.s32 $0x50, s13;
	s14 =	sshrl.u32 s13, $0x3;
	s10 =	sadd.s32 $0x4D8, s9  }
0x13: {  	s8 =	simm.s32 @!p0 $0x8;
	s0 =	sshrl.u32 s26, $0x3;
	s13 =	sadd.s32 s14, s3  }
0x14: {  	s14 =	sadd.s32 s14, s12;
	s26 =	simm.s32 $0x2A00;
	s9 =	sadd.s32 s12, s10  }
0x15: {  	s24 =	sadd.s32 s3, s10;
	s15 =	sadd.s32 s0, s3;
	[dreg:$0x5] =	wrdreg s9  }
0x16: {  	s16 =	sadd.s32 s0, s12;
	[dreg:$0x6] =	wrdreg s24;
	s24 =	simm.s32 $0x50  }
.LBB2_1:
0x17: {  	s0 =	rddreg [dreg:$0x4]  }
0x18: {  	[tilespmem:s18], [sflag:$0x7] =	stream.linear.gather [hbm4b:s0+s2], $0x2800, $0x38;
	[tilespmem:$0x18A80] =	vst v63  }
0x19: {  	p0 =	sne.s32 s8, $0x1;
	_ =	swait.ge [sflag:s19], $0x2800  }
.Ltmp0:
0x1a: {  	[sflag:s19] =	ssyncset.done $0x0;
	(pc) =	sbr.rel @!p0 .LBB2_3-.Ltmp0, $4  }
0x1b: {  	[sflag:s19] =	ssyncadd.s32 $0xFFFFD800  }
0x1c: {  	[spmem:s5] =	stream.linear.scatter [tilespmem:s18], [sflag:$0x7], $0x2800, $0x38;
	[tilespmem:$0x18A80] =	vst v63  }
0x1d: {  	_ =	swait.ge [sflag:s19], $0x2800  }
0x1e: {  	s3 =	smov.u32 s5;
	s0 =	sadd.s32 $0xFFFFFFFF, s8;
	[sflag:s19] =	ssyncset.done $0x0  }
.LBB2_2:
0x1f: {  	p1 =	sne.s32 s0, $0x1;
	[sflag:s19] =	ssyncadd.s32 $0xFFFFD800;
	s3 =	sadd.s32 $0x2800, s3  }
.Ltmp1:
0x20: {  	s0 =	sadd.s32 $0xFFFFFFFF, s0;
	(pc) =	sbr.rel @p1 .LBB2_2-.Ltmp1, $4  }
0x21: {  	_ = 	snop  }
0x22: {  	[spmem:s3] =	stream.linear.scatter [tilespmem:s18], [sflag:$0x7], $0x2800, $0x38;
	[tilespmem:$0x18A80] =	vst v63  }
0x23: {  	_ =	swait.ge [sflag:s19], $0x2800  }
0x24: {  	[sflag:s19] =	ssyncset.done $0x0  }
.LBB2_3:
0x25: {  	[sflag:s19] =	ssyncadd.s32 $0xFFFFD800  }
0x26: {  	s0 =	sadd.s32 $0x0, s14;
	[bflag:$0x0] =	sbarrier.arrive $0xFFFF  }
0x27: {  	[tilespmem:s2], [sflag:$0x1] =	stream.linear.gather [hbm4b:s0+s2], $0x50, $0x38;
	[tilespmem:$0x18A80] =	vst v63  }
0x28: {  	s9 =	sadd.s32 $0x0, s13  }
0x29: {  	[tilespmem:s20], [sflag:$0x1] =	stream.linear.gather [hbm4b:s9+s2], $0x50, $0x38;
	[tilespmem:$0x18A80] =	vst v63  }
0x2a: {  	s10 =	sadd.s32 $0x0, s16  }
0x2b: {  	[tilespmem:s21], [sflag:$0x2] =	stream.linear.gather [hbm4b:s10+s2], $0x50, $0x38;
	[tilespmem:$0x18A80] =	vst v63  }
0x2c: {  	s12 =	sadd.s32 $0x0, s15  }
0x2d: {  	[tilespmem:s22], [sflag:$0x2] =	stream.linear.gather [hbm4b:s12+s2], $0x50, $0x38;
	[tilespmem:$0x18A80] =	vst v63  }
0x2e: {  	_ =	swait.ge [sflag:s23], $0x50  }
0x2f: {  	[sflag:s23] =	ssyncset.done $0x0  }
0x30: {  	[sflag:s23] =	ssyncadd.s32 $0xFFFFFFB0  }
0x31: {  	_ =	swait.ge [sflag:s23], $0x50  }
0x32: {  	[sflag:s23] =	ssyncset.done $0x0  }
0x33: {  	[sflag:s23] =	ssyncadd.s32 $0xFFFFFFB0  }
0x34: {  	[tilespmem:s18], [sflag:$0x3] =	stream.indirect.gather [hbm4b:s4+s24], $0x80, s2, s24, $0xb8;
	[tilespmem:$0x18A80] =	vst v63  }
0x35: {  	_ =	swait.ge [sflag:s25], $0x50  }
0x36: {  	[sflag:s25] =	ssyncset.done $0x0  }
0x37: {  	[sflag:s25] =	ssyncadd.s32 $0xFFFFFFB0  }
0x38: {  	_ =	swait.ge [sflag:s25], $0x50  }
0x39: {  	[sflag:s25] =	ssyncset.done $0x0  }
0x3a: {  	[sflag:s25] =	ssyncadd.s32 $0xFFFFFFB0  }
0x3b: {  	[tilespmem:s26], [sflag:$0x4] =	stream.indirect.gather [hbm4b:s4+s24], $0x80, s21, s24, $0xb8;
	[tilespmem:$0x18A80] =	vst v63  }
0x3c: {  	_ =	swait.ge [sflag:s28], $0x2800  }
0x3d: {  	[sflag:s28] =	ssyncset.done $0x0  }
0x3e: {  	[sflag:s28] =	ssyncadd.s32 $0xFFFFD800  }
0x3f: {  	[spmem:s1] =	stream.indirect.scatter.add.f32 [tilespmem:s18], [sflag:$0x5], $0x80, s20, s24, $0xb8;
	[tilespmem:$0x18A80] =	vst v63  }
0x40: {  	_ =	swait.ge [sflag:s29], $0x2800  }
0x41: {  	[sflag:s29] =	ssyncset.done $0x0  }
0x42: {  	[sflag:s29] =	ssyncadd.s32 $0xFFFFD800  }
0x43: {  	[spmem:s1] =	stream.indirect.scatter.add.f32 [tilespmem:s26], [sflag:$0x6], $0x80, s22, s24, $0xb8;
	[tilespmem:$0x18A80] =	vst v63  }
0x44: {  	_ =	swait.ge [sflag:s7], $0x2800  }
0x45: {  	[sflag:s7] =	ssyncset.done $0x0  }
0x46: {  	[sflag:s7] =	ssyncadd.s32 $0xFFFFD800  }
0x47: {  	_ =	swait.ge [sflag:s30], $0x2800  }
0x48: {  	s0 =	simm.s32 $0x14;
	s12 =	simm.s32 $0x28;
	[sflag:s30] =	ssyncset.done $0x0  }
.LBB2_4:
0x49: {  	s9 =	sadd.s32 s0, s14  }
0x4a: {  	[sflag:s30] =	ssyncadd.s32 $0xFFFFD800;
	s10 =	smov.u32 s12;
	s3 =	sadd.s32 $0x14, s12  }
0x4b: {  	[tilespmem:s2], [sflag:$0x1] =	stream.linear.gather [hbm4b:s9+s2], $0x50, $0x38;
	[tilespmem:$0x18A80] =	vst v63  }
0x4c: {  	p1 =	sne.s32 s12, $0x4C4;
	s9 =	sadd.s32 s0, s13  }
0x4d: {  	[tilespmem:s20], [sflag:$0x1] =	stream.linear.gather [hbm4b:s9+s2], $0x50, $0x38;
	[tilespmem:$0x18A80] =	vst v63  }
0x4e: {  	s9 =	sadd.s32 s0, s16  }
0x4f: {  	[tilespmem:s21], [sflag:$0x2] =	stream.linear.gather [hbm4b:s9+s2], $0x50, $0x38;
	[tilespmem:$0x18A80] =	vst v63  }
0x50: {  	s9 =	sadd.s32 s0, s15;
	s0 =	smov.u32 s10  }
0x51: {  	[tilespmem:s22], [sflag:$0x2] =	stream.linear.gather [hbm4b:s9+s2], $0x50, $0x38;
	[tilespmem:$0x18A80] =	vst v63  }
0x52: {  	_ =	swait.ge [sflag:s23], $0x50  }
0x53: {  	[sflag:s23] =	ssyncset.done $0x0  }
0x54: {  	[sflag:s23] =	ssyncadd.s32 $0xFFFFFFB0  }
0x55: {  	_ =	swait.ge [sflag:s23], $0x50  }
0x56: {  	[sflag:s23] =	ssyncset.done $0x0  }
0x57: {  	[sflag:s23] =	ssyncadd.s32 $0xFFFFFFB0  }
0x58: {  	[tilespmem:s18], [sflag:$0x3] =	stream.indirect.gather [hbm4b:s4+s24], $0x80, s2, s24, $0xb8;
	[tilespmem:$0x18A80] =	vst v63  }
0x59: {  	_ =	swait.ge [sflag:s25], $0x50  }
0x5a: {  	[sflag:s25] =	ssyncset.done $0x0  }
0x5b: {  	[sflag:s25] =	ssyncadd.s32 $0xFFFFFFB0  }
0x5c: {  	_ =	swait.ge [sflag:s25], $0x50  }
0x5d: {  	[sflag:s25] =	ssyncset.done $0x0  }
0x5e: {  	[sflag:s25] =	ssyncadd.s32 $0xFFFFFFB0  }
0x5f: {  	[tilespmem:s26], [sflag:$0x4] =	stream.indirect.gather [hbm4b:s4+s24], $0x80, s21, s24, $0xb8;
	[tilespmem:$0x18A80] =	vst v63  }
0x60: {  	_ =	swait.ge [sflag:s28], $0x2800  }
0x61: {  	[sflag:s28] =	ssyncset.done $0x0  }
0x62: {  	[sflag:s28] =	ssyncadd.s32 $0xFFFFD800  }
0x63: {  	[spmem:s1] =	stream.indirect.scatter.add.f32 [tilespmem:s18], [sflag:$0x5], $0x80, s20, s24, $0xb8;
	[tilespmem:$0x18A80] =	vst v63  }
0x64: {  	_ =	swait.ge [sflag:s29], $0x2800  }
0x65: {  	[sflag:s29] =	ssyncset.done $0x0  }
0x66: {  	[sflag:s29] =	ssyncadd.s32 $0xFFFFD800  }
0x67: {  	[spmem:s1] =	stream.indirect.scatter.add.f32 [tilespmem:s26], [sflag:$0x6], $0x80, s22, s24, $0xb8;
	[tilespmem:$0x18A80] =	vst v63  }
.Ltmp2:
0x68: {  	_ =	swait.ge [sflag:s7], $0x2800;
	(pc) =	sbr.rel @p1 .LBB2_4-.Ltmp2, $4  }
0x69: {  	[sflag:s7] =	ssyncset.done $0x0  }
0x6a: {  	[sflag:s7] =	ssyncadd.s32 $0xFFFFD800  }
0x6b: {  	_ =	swait.ge [sflag:s30], $0x2800  }
0x6c: {  	s12 =	smov.u32 s3;
	[sflag:s30] =	ssyncset.done $0x0  }
0x6d: {  	s3 =	sadd.s32 s0, s14;
	[sflag:s30] =	ssyncadd.s32 $0xFFFFD800  }
0x6e: {  	[tilespmem:s2], [sflag:$0x1] =	stream.linear.gather [hbm4b:s3+s2], $0x50, $0x38;
	[tilespmem:$0x18A80] =	vst v63  }
0x6f: {  	s10 =	sadd.s32 s0, s13  }
0x70: {  	[tilespmem:s20], [sflag:$0x1] =	stream.linear.gather [hbm4b:s10+s2], $0x50, $0x38;
	[tilespmem:$0x18A80] =	vst v63  }
0x71: {  	s12 =	sadd.s32 s0, s16  }
0x72: {  	[tilespmem:s21], [sflag:$0x2] =	stream.linear.gather [hbm4b:s12+s2], $0x50, $0x38;
	[tilespmem:$0x18A80] =	vst v63  }
0x73: {  	s3 =	sadd.s32 s0, s15  }
0x74: {  	[tilespmem:s22], [sflag:$0x2] =	stream.linear.gather [hbm4b:s3+s2], $0x50, $0x38;
	[tilespmem:$0x18A80] =	vst v63  }
0x75: {  	_ =	swait.ge [sflag:s23], $0x50  }
0x76: {  	[sflag:s23] =	ssyncset.done $0x0  }
0x77: {  	[sflag:s23] =	ssyncadd.s32 $0xFFFFFFB0  }
0x78: {  	_ =	swait.ge [sflag:s23], $0x50  }
0x79: {  	[sflag:s23] =	ssyncset.done $0x0  }
0x7a: {  	[sflag:s23] =	ssyncadd.s32 $0xFFFFFFB0  }
0x7b: {  	[tilespmem:s18], [sflag:$0x3] =	stream.indirect.gather [hbm4b:s4+s24], $0x80, s2, s24, $0xb8;
	[tilespmem:$0x18A80] =	vst v63  }
0x7c: {  	_ =	swait.ge [sflag:s25], $0x50  }
0x7d: {  	[sflag:s25] =	ssyncset.done $0x0  }
0x7e: {  	[sflag:s25] =	ssyncadd.s32 $0xFFFFFFB0  }
0x7f: {  	_ =	swait.ge [sflag:s25], $0x50  }
0x80: {  	[sflag:s25] =	ssyncset.done $0x0  }
0x81: {  	[sflag:s25] =	ssyncadd.s32 $0xFFFFFFB0  }
0x82: {  	[tilespmem:s26], [sflag:$0x4] =	stream.indirect.gather [hbm4b:s4+s24], $0x80, s21, s24, $0xb8;
	[tilespmem:$0x18A80] =	vst v63  }
0x83: {  	_ =	swait.ge [sflag:s28], $0x2800  }
0x84: {  	[sflag:s28] =	ssyncset.done $0x0  }
0x85: {  	[sflag:s28] =	ssyncadd.s32 $0xFFFFD800  }
0x86: {  	[spmem:s1] =	stream.indirect.scatter.add.f32 [tilespmem:s18], [sflag:$0x5], $0x80, s20, s24, $0xb8;
	[tilespmem:$0x18A80] =	vst v63  }
0x87: {  	_ =	swait.ge [sflag:s29], $0x2800  }
0x88: {  	[sflag:s29] =	ssyncset.done $0x0  }
0x89: {  	[sflag:s29] =	ssyncadd.s32 $0xFFFFD800  }
0x8a: {  	[spmem:s1] =	stream.indirect.scatter.add.f32 [tilespmem:s26], [sflag:$0x6], $0x80, s22, s24, $0xb8;
	[tilespmem:$0x18A80] =	vst v63  }
0x8b: {  	_ =	swait.ge [sflag:s7], $0x2800  }
0x8c: {  	[sflag:s7] =	ssyncset.done $0x0  }
0x8d: {  	[sflag:s7] =	ssyncadd.s32 $0xFFFFD800  }
0x8e: {  	_ =	swait.ge [sflag:s30], $0x2800  }
0x8f: {  	[sflag:s30] =	ssyncset.done $0x0  }
0x90: {  	s9 =	rddreg [dreg:$0x5];
	[sflag:s30] =	ssyncadd.s32 $0xFFFFD800  }
0x91: {  	[tilespmem:s2], [sflag:$0x7] =	stream.linear.gather [hbm4b:s9+s2], $0x50, $0x38;
	[tilespmem:$0x18A80] =	vst v63  }
0x92: {  	_ =	swait.ge [sflag:s19], $0x50  }
0x93: {  	[sflag:s19] =	ssyncset.done $0x0  }
0x94: {  	s10 =	rddreg [dreg:$0x6];
	[sflag:s19] =	ssyncadd.s32 $0xFFFFFFB0  }
0x95: {  	[tilespmem:s20], [sflag:$0x7] =	stream.linear.gather [hbm4b:s10+s2], $0x50, $0x38;
	[tilespmem:$0x18A80] =	vst v63  }
0x96: {  	_ =	swait.ge [sflag:s19], $0x50  }
0x97: {  	[sflag:s19] =	ssyncset.done $0x0  }
0x98: {  	[sflag:s19] =	ssyncadd.s32 $0xFFFFFFB0  }
0x99: {  	[tilespmem:s18], [sflag:$0x3] =	stream.indirect.gather [hbm4b:s4+s24], $0x80, s2, s24, $0xb8;
	[tilespmem:$0x18A80] =	vst v63  }
0x9a: {  	_ =	swait.ge [sflag:s28], $0x2800  }
0x9b: {  	[sflag:s28] =	ssyncset.done $0x0  }
0x9c: {  	[sflag:s28] =	ssyncadd.s32 $0xFFFFD800  }
0x9d: {  	[spmem:s1] =	stream.indirect.scatter.add.f32 [tilespmem:s18], [sflag:$0x7], $0x80, s20, s24, $0xb8;
	[tilespmem:$0x18A80] =	vst v63  }
0x9e: {  	_ =	swait.ge [sflag:s19], $0x2800  }
0x9f: {  	[sflag:s19] =	ssyncset.done $0x0  }
0xa0: {  	[sflag:s19] =	ssyncadd.s32 $0xFFFFD800  }
0xa1: {  	[bflag:$0x0] =	sbarrier.arrive $0xFFFF  }
0xa2: {  	[tilespmem:s18], [sflag:$0x7] =	stream.linear.gather [spmem:s5], $0x2800, $0x38;
	[tilespmem:$0x18A80] =	vst v63  }
0xa3: {  	_ =	swait.ge [sflag:s19], $0x2800  }
.Ltmp3:
0xa4: {  	s12 =	sshrl.u32 s17, $0x3;
	[sflag:s19] =	ssyncset.done $0x0;
	(pc) =	sbr.rel @!p0 .LBB2_7-.Ltmp3, $4  }
0xa5: {  	s0 =	sadd.s32 s6, s12;
	[sflag:s19] =	ssyncadd.s32 $0xFFFFD800  }
0xa6: {  	[hbm4b:s0+s2] =	stream.linear.scatter [tilespmem:s18], [sflag:$0x7], $0x2800, $0x38;
	[tilespmem:$0x18A80] =	vst v63  }
0xa7: {  	s12 =	smov.u32 s5;
	_ =	swait.ge [sflag:s19], $0x2800  }
0xa8: {  	s3 =	smov.u32 s17;
	s0 =	sadd.s32 $0xFFFFFFFF, s8;
	[sflag:s19] =	ssyncset.done $0x0  }
.LBB2_6:
0xa9: {  	[sflag:s19] =	ssyncadd.s32 $0xFFFFD800;
	s3 =	sadd.s32 $0x2800, s3;
	s12 =	sadd.s32 $0x2800, s12  }
0xaa: {  	[tilespmem:s18], [sflag:$0x7] =	stream.linear.gather [spmem:s12], $0x2800, $0x38;
	[tilespmem:$0x18A80] =	vst v63  }
0xab: {  	p0 =	sne.s32 s0, $0x1;
	s0 =	sadd.s32 $0xFFFFFFFF, s0;
	_ =	swait.ge [sflag:s19], $0x2800  }
.Ltmp4:
0xac: {  	s9 =	sshrl.u32 s3, $0x3;
	[sflag:s19] =	ssyncset.done $0x0;
	(pc) =	sbr.rel @p0 .LBB2_6-.Ltmp4, $4  }
0xad: {  	s9 =	sadd.s32 s6, s9;
	[sflag:s19] =	ssyncadd.s32 $0xFFFFD800  }
0xae: {  	[hbm4b:s9+s2] =	stream.linear.scatter [tilespmem:s18], [sflag:$0x7], $0x2800, $0x38;
	[tilespmem:$0x18A80] =	vst v63  }
0xaf: {  	_ =	swait.ge [sflag:s19], $0x2800  }
0xb0: {  	[sflag:s19] =	ssyncset.done $0x0  }
.LBB2_7:
0xb1: {  	s31 =	sadd.s32 $0x1, s31  }
0xb2: {  	p0 =	sne.s32 s31, s11  }
.Ltmp5:
0xb3: {  	_ = 	snop;
	(pc) =	sbr.rel @p0 .LBB2_1-.Ltmp5, $2  }
0xb4: {  	_ =	sdelay $0x2  }
0xb5: {  	[sflag:s19] =	ssyncadd.s32 $0xFFFFD800  }
0xb6: {  	_ =	sfence.sel $0x180000  }
0xb7: {  	[bflag:$0x0] =	sbarrier.arrive $0xFFFF  }
0xb8: {  	_ =	strace $0x90000047  }
0xb9: {  	s0 =	stileid.u32;
	[bflag:$0x2] =	sbarrier.arrive $0xFFFF  }
0xba: {  	p0 =	sne.s32 s0, $0x0;
	s0 =	rddreg [dreg:$0x3]  }
0xbb: {  	s0 =	sadd.s32 @!p0 $0x100000, s0  }
0xbc: {  	[sflag:s0] =	ssyncadd.tile.s32 @!p0 $0x1;
	_ =	shalt  }
.Lfunc_end2:
_tile_overlayer_lowered:
.L_overlay_start_2:
0xbd: {  	(tag) =	ssettag $0x2  }
0xbe: {  	s0 =	rddreg [dreg:$0x0];
	s2 =	stileid.u32  }
0xbf: {  	s1 =	rddreg [dreg:$0x1];
	p0 =	sne.s32 s2, $0x0  }
0xc0: {  	s3 =	rddreg [dreg:$0x2];
	[bflag:$0x3] =	sbarrier.arrive $0xFFFF;
	s2 =	simm.s32 @!p0 $0x1C07  }
0xc1: {  	[timem:s3], [sflag:s2] =	dma.local @!p0 [hbm:s0], s1  }
0xc2: {  	s0 =	simm.s32 @!p0 $0x7  }
0xc3: {  	_ =	swait.ge @!p0 [sflag:s0], s1  }
0xc4: {  	s1 =	ssub.s32 @!p0 $0x0, s1;
	[sflag:s0] =	ssyncset.done @!p0 $0x0  }
0xc5: {  	[sflag:s0] =	ssyncadd.s32 @!p0 s1  }
0xc6: {  	[bflag:$0x3] =	sbarrier.arrive $0xFFFF  }
0xc7: {  	_ =	shalt  }

// kernel: kernel.15.cloned.1.call-start
scs
__scs_entry_jumppad:
0x0: {  	(pc) =	sbr.rel $0x88, $3  }
0x1: {  	(tag) =	ssettag $0x0;
	lr =	simm.s32 $0x1  }
0x2: {  	[smem:$0x3F94] =	sst lr;
	_ =	strace $0xD0000000  }
0x3: {  	_ = 	snop  }
0x4: {  	_ = 	snop  }
0x5: {  	_ = 	snop  }
0x6: {  	_ = 	snop  }
0x7: {  	_ = 	snop  }
__scs_overlays_trampoline_lowered:
0x8: {  	[smem:$0x3FA3] =	sst s0  }
0x9: {  	[smem:$0x3FA4] =	sst s1  }
0xa: {  	[smem:$0x3FA5] =	sst s2  }
0xb: {  	[smem:$0x3FA6] =	sst s3  }
0xc: {  	[smem:$0x3FA7] =	sst s4  }
0xd: {  	[smem:$0x3FA8] =	sst s5  }
0xe: {  	[smem:$0x3FA9] =	sst s6  }
0xf: {  	[smem:$0x3FAA] =	sst s7  }
0x10: {  	[smem:$0x3FAB] =	sst s8  }
0x11: {  	[smem:$0x3FAC] =	sst s9;
	s0 =	simm.s32 @!p0 $0x0  }
0x12: {  	s1 =	sld [smem:$0x3F92];
	s0 =	simm.s32 @p0 $0x1  }
0x13: {  	[smem:$0x3FAD] =	sst s0;
	s0 =	simm.s32 @!p1 $0x0  }
0x14: {  	s2 =	sld [smem:$0x3F91];
	s0 =	simm.s32 @p1 $0x1  }
0x15: {  	[smem:$0x3FAE] =	sst s0;
	s0 =	simm.s32 @!p2 $0x0  }
0x16: {  	s3 =	sld [smem:$0x3FDB];
	s0 =	simm.s32 @p2 $0x1  }
0x17: {  	s4 =	simm.s32 $0x1BF5;
	[smem:$0x3FB0] =	sst s0  }
0x18: {  	s0 =	sld [smem:$0x3F93];
	_ =	swait.ge [sflag:s4], $0x0  }
0x19: {  	s7 =	sld [smem:$0x3F94]  }
0x1a: {  	s8 =	sadd.s32 $0xFFFFE003, lr  }
0x1b: {  	s9 =	sadd.s32 $0xFFFFFEF7, lr;
	s5 =	simm.s32 $0xFFFFFFFF;
	p2 =	slt.u32 s8, $0xFFFFF086  }
0x1c: {  	p1 =	slt.u32 s9, $0xF7A;
	s5 =	simm.s32 @!p2 $0x0  }
0x1d: {  	s5 =	simm.s32 @p1 $0x1;
	p0 =	seq.s32 s7, s2  }
0x1e: {  	s7 =	smul.u32 @!p0 $0xF7A, s2;
	p2 =	seq.s32 @!p0 s5, $0x0  }
0x1f: {  	s9 =	smul.u32 $0xF7A, s1;
	s8 =	simm.s32 @!p0 $0x1BF5;
	p2 =	por !p2, p0  }
0x20: {  	[sflag:s8] =	ssyncset.s32 @!p0 $0xFFFFF086;
	s6 =	sadd.s32 @!p0 s3, s7;
	s7 =	simm.s32 @!p0 $0x108  }
0x21: {  	s3 =	sadd.s32 s3, s9;
	s6 =	sadd.s32 @!p0 $0x88, s6;
	s7 =	simm.s32 @p2 $0x1082  }
0x22: {  	[simem:s7], [sflag:s8] =	dma.local @!p0 [hbm:s6], $0xF7A  }
0x23: {  	s9 =	sor.u32 $0xD0000000, s2;
	s6 =	simm.s32 $0x108;
	_ =	swait.ge @!p0 [sflag:s8], $0x0  }
0x24: {  	s3 =	sadd.s32 $0x88, s3;
	s6 =	simm.s32 @!p1 $0x1082;
	[sflag:s4] =	ssyncset.s32 $0xFFFFF086  }
0x25: {  	[simem:s6], [sflag:s4] =	dma.local [hbm:s3], $0xF7A  }
0x26: {  	[smem:$0x3F94] =	sst s1;
	(tag) =	ssettag s2;
	_ =	strace s9  }
0x27: {  	s1 =	sld [smem:$0x3FA4]  }
0x28: {  	s2 =	sld [smem:$0x3FA5]  }
0x29: {  	s4 =	sld [smem:$0x3FA7]  }
0x2a: {  	p0 =	seq.s32 s5, $0x0;
	s5 =	sld [smem:$0x3FA8]  }
0x2b: {  	s6 =	sld [smem:$0x3FA9]  }
0x2c: {  	s7 =	sld [smem:$0x3FAA]  }
0x2d: {  	s3 =	simm.s32 $0x108;
	s8 =	sld [smem:$0x3FAB]  }
0x2e: {  	s3 =	simm.s32 @!p0 $0x1082;
	s9 =	sld [smem:$0x3FAC]  }
0x2f: {  	lr =	sadd.s32 s0, s3;
	s0 =	sld [smem:$0x3FA3]  }
0x30: {  	s3 =	sld [smem:$0x3FA6]  }
0x31: {  	[smem:$0x3FAF] =	sst s10  }
0x32: {  	s10 =	sld [smem:$0x3FAD];
	_ =	sdelay $0x3  }
0x33: {  	p0 =	seq.s32 s10, $0x1;
	s10 =	sld [smem:$0x3FAF];
	_ =	sdelay $0x3  }
0x34: {  	[smem:$0x3FAF] =	sst s10  }
0x35: {  	s10 =	sld [smem:$0x3FAE];
	_ =	sdelay $0x3  }
0x36: {  	p1 =	seq.s32 s10, $0x1;
	s10 =	sld [smem:$0x3FAF];
	_ =	sdelay $0x3  }
0x37: {  	[smem:$0x3FAF] =	sst s10  }
0x38: {  	s10 =	sld [smem:$0x3FB0]  }
0x39: {  	_ = 	snop;
	(pc) =	sbr.ind lr, $3  }
0x3a: {  	_ = 	snop  }
0x3b: {  	_ = 	snop  }
0x3c: {  	p2 =	seq.s32 s10, $0x1;
	s10 =	sld [smem:$0x3FAF]  }
0x3d: {  	_ =	shalt  }
0x3e: {  	_ =	shalt  }
0x3f: {  	_ =	shalt  }
0x40: {  	_ =	shalt  }
0x41: {  	_ =	shalt  }
0x42: {  	_ =	shalt  }
0x43: {  	_ =	shalt  }
0x44: {  	_ =	shalt  }
0x45: {  	_ =	shalt  }
0x46: {  	_ =	shalt  }
0x47: {  	_ =	shalt  }
0x48: {  	_ =	shalt  }
0x49: {  	_ =	shalt  }
0x4a: {  	_ =	shalt  }
0x4b: {  	_ =	shalt  }
0x4c: {  	_ =	shalt  }
0x4d: {  	_ =	shalt  }
0x4e: {  	_ =	shalt  }
0x4f: {  	_ =	shalt  }
0x50: {  	_ =	shalt  }
0x51: {  	_ =	shalt  }
0x52: {  	_ =	shalt  }
0x53: {  	_ =	shalt  }
0x54: {  	_ =	shalt  }
0x55: {  	_ =	shalt  }
0x56: {  	_ =	shalt  }
0x57: {  	_ =	shalt  }
0x58: {  	_ =	shalt  }
0x59: {  	_ =	shalt  }
0x5a: {  	_ =	shalt  }
0x5b: {  	_ =	shalt  }
0x5c: {  	_ =	shalt  }
0x5d: {  	_ =	shalt  }
0x5e: {  	_ =	shalt  }
0x5f: {  	_ =	shalt  }
0x60: {  	_ =	shalt  }
0x61: {  	_ =	shalt  }
0x62: {  	_ =	shalt  }
0x63: {  	_ =	shalt  }
0x64: {  	_ =	shalt  }
0x65: {  	_ =	shalt  }
0x66: {  	_ =	shalt  }
0x67: {  	_ =	shalt  }
0x68: {  	_ =	shalt  }
0x69: {  	_ =	shalt  }
0x6a: {  	_ =	shalt  }
0x6b: {  	_ =	shalt  }
0x6c: {  	_ =	shalt  }
0x6d: {  	_ =	shalt  }
0x6e: {  	_ =	shalt  }
0x6f: {  	_ =	shalt  }
0x70: {  	_ =	shalt  }
0x71: {  	_ =	shalt  }
0x72: {  	_ =	shalt  }
0x73: {  	_ =	shalt  }
0x74: {  	_ =	shalt  }
0x75: {  	_ =	shalt  }
0x76: {  	_ =	shalt  }
0x77: {  	_ =	shalt  }
0x78: {  	_ =	shalt  }
0x79: {  	_ =	shalt  }
0x7a: {  	_ =	shalt  }
0x7b: {  	_ =	shalt  }
0x7c: {  	_ =	shalt  }
0x7d: {  	_ =	shalt  }
0x7e: {  	_ =	shalt  }
0x7f: {  	_ =	shalt  }
0x80: {  	_ =	shalt  }
0x81: {  	_ =	shalt  }
0x82: {  	_ =	shalt  }
0x83: {  	_ =	shalt  }
0x84: {  	_ =	shalt  }
0x85: {  	_ =	shalt  }
0x86: {  	_ =	shalt  }
0x87: {  	_ =	shalt  }
.Lfunc_end0:
.L_simem_size_0:
called_computation.1_lowered:
.L_overlay_start_0:
0x88: {  	s2 =	sld [smem:$0x3FD9]  }
0x89: {  	s3 =	sld [smem:$0x3FFE];
	_ =	sdelay $0x1  }
0x8a: {  	s1 =	srdreg.scid  }
0x8b: {  	s0 =	sand.u32 $0x1, s1  }
0x8c: {  	s17 =	sshll.u32 s0, $0xA;
	s2 =	sadd.s32 s3, s2  }
0x8d: {  	s2 =	sadd.s32 s2, s17  }
0x8e: {  	[smem:$0x3FBB] =	sst s2  }
0x8f: {  	_ = 	snop  }
0x90: {  	s18 =	sld [smem:$0x3FD0];
	(tm) =	ssettm $0x1  }
0x91: {  	s19 =	sld [smem:$0x3FFB];
	_ =	sdelay $0x3  }
0x92: {  	_ =	strace s19  }
0x93: {  	s2 =	sld [smem:$0x3FFC];
	_ =	sdelay $0x3  }
0x94: {  	_ =	strace s2  }
0x95: {  	s2 =	sld [smem:$0x3FFD];
	_ =	sdelay $0x3  }
0x96: {  	_ =	strace s2  }
0x97: {  	_ =	strace $0x8FFFFFFF  }
0x98: {  	s20 =	sld [smem:$0x3FDB];
	_ =	sdelay $0x1  }
0x99: {  	s4 =	simm.s32 $_scs_section_size  }
0x9a: {  	s5 =	simm.s32 $_size__tile_overlayer_lowered;
	s6 =	simm.s32 $_tile_overlayer_lowered  }
0x9b: {  	s7 =	simm.s32 $0x1BFF;
	s21 =	sshll.u32 s6, $0x1;
	s4 =	sadd.s32 s4, s20  }
0x9c: {  	s22 =	simm.s32 $0x0;
	s5 =	sshll.u32 s5, $0x1;
	s6 =	sadd.s32 s21, s4  }
0x9d: {  	[timem:s22], [sflag:s7] =	dma.local [hbm:s6], s5  }
0x9e: {  	_ =	swait.ge [sflag:s7], s5  }
0x9f: {  	s5 =	ssub.s32 $0x0, s5;
	[sflag:s7] =	ssyncset.done $0x0  }
0xa0: {  	[sflag:s7] =	ssyncadd.s32 s5;
	_ =	sdelay $0x1  }
0xa1: {  	s23 =	simm.s32 $0x1B8B  }
0xa2: {  	_ =	swait.ge [sflag:s23], $0x1  }
0xa3: {  	[sflag:s23] =	ssyncset.done $0x0  }
0xa4: {  	[sflag:s23] =	ssyncadd.s32 $0xFFFFFFFF  }
0xa5: {  	s5 =	sld [smem:$0x0]  }
0xa6: {  	s6 =	sand.u32 $0xFFFFFFFE, s1  }
0xa7: {  	p0 =	sne.s32 s1, s6  }
0xa8: {  	s6 =	sshll.u32 @p0 s6, $0xE  }
0xa9: {  	s6 =	sadd.s32 @p0 $0x11B8D, s6;
	s7 =	sshll.u32 @p0 s5, $0x11  }
0xaa: {  	s6 =	sor.u32 @p0 s7, s6  }
0xab: {  	[sflag:s6] =	ssyncadd.remote.s32 @p0 $0x1;
	_ =	sdelay $0x1  }
0xac: {  	s6 =	simm.s32 @p0 $0x1B8D  }
0xad: {  	_ =	swait.eq @p0 [sflag:s6], $0x1  }
0xae: {  	[sflag:s6] =	ssyncadd.s32 @p0 $0xFFFFFFFF  }
0xaf: {  	s7 =	sshll.u32 @!p0 s1, $0xE  }
0xb0: {  	s7 =	sor.u32 @!p0 $0x4000, s7;
	s6 =	simm.s32 @!p0 $0x1B8D  }
0xb1: {  	s5 =	sshll.u32 @!p0 s5, $0x11;
	s7 =	sadd.s32 @!p0 $0x11B8D, s7;
	_ =	swait.eq @!p0 [sflag:s6], $0x1  }
0xb2: {  	s5 =	sor.u32 @!p0 s5, s7;
	[sflag:s6] =	ssyncadd.s32 @!p0 $0xFFFFFFFF  }
0xb3: {  	s25 =	simm.s32 $0x1B8E;
	s24 =	sld [smem:$0x3FFE];
	[sflag:s5] =	ssyncadd.remote.s32 @!p0 $0x1  }
0xb4: {  	s26 =	simm.s32 $execute0_lowered;
	[smem:$0x3FD2] =	sst s25  }
0xb5: {  	s6 =	sshll.u32 s26, $0x1;
	_ =	strace $0x80000049;
	[dreg:$0x1] =	wrdreg $0xFFFFFFFF  }
0xb6: {  	s28 =	simm.s32 $_size_execute0_lowered;
	s4 =	sadd.s32 s4, s6;
	[dreg:$0x0] =	wrdreg $0x0  }
0xb7: {  	s6 =	sshll.u32 s28, $0x1;
	[dreg:$0x2] =	wrdreg s4  }
0xb8: {  	[dreg:$0x3] =	wrdreg s6  }
0xb9: {  	[dreg:$0x4] =	wrdreg $0xC0  }
0xba: {  	_ =	task [dreg:s22], $0x5FFFF  }
0xbb: {  	[dreg:$0x1] =	wrdreg $0xFFFFFFFF  }
0xbc: {  	[dreg:$0x0] =	wrdreg $0x60  }
0xbd: {  	[dreg:$0x2] =	wrdreg s18  }
0xbe: {  	[dreg:$0x3] =	wrdreg s24  }
0xbf: {  	[dreg:$0x4] =	wrdreg $0x2A000  }
0xc0: {  	[dreg:$0x5] =	wrdreg $0xB  }
0xc1: {  	_ =	task.clear_ibuf [dreg:s22], $0x6FFFF;
	_ =	strace $0x90000049  }
0xc2: {  	s29 =	simm.s32 $0xB;
	_ =	strace $0x8000004B  }
0xc3: {  	_ =	swait.ge [sflag:s29], $0x1  }
0xc4: {  	[sflag:s29] =	ssyncadd.s32 $0xFFFFFFFF  }
0xc5: {  	_ =	strace $0x9000004B  }
0xc6: {  	_ =	sfence  }
0xc7: {  	s30 =	sld [smem:$0x0];
	_ =	sdelay $0x2  }
0xc8: {  	s31 =	sshll.u32 s1, $0xD;
	s1 =	sshrl.u32 s1, $0x2  }
0xc9: {  	s4 =	sand.u32 $0x4000, s31;
	s1 =	sadd.s32 s1, s30  }
0xca: {  	s0 =	sor.u32 s4, s0;
	s1 =	sshll.u32 s1, $0x11  }
0xcb: {  	s0 =	sor.u32 s1, s0  }
0xcc: {  	s0 =	sadd.s32 $0x8F2B, s0  }
0xcd: {  	[sflag:s0] =	ssyncadd.remote.s32 $0x1  }
0xce: {  	_ =	sfence.sel $0xFFFF  }
0xcf: {  	[dreg:$0x0] =	wrdreg $0xFFFFFFFF;
	(pc) =	sbr.abs _section_cstart, $3  }
0xd0: {  	[dreg:$0x1] =	wrdreg $0xFFFFFFFF  }
0xd1: {  	_ =	task.clear_ibuf [dreg:s22], $0x2FFFF;
	_ =	strace $0x9FFFFFFF  }
0xd2: {  	(tm) =	ssettm $0x7FFFFFFF  }
0xd3: {  	_ =	shalt  }
tec
execute0_lowered:
.L_overlay_start_1:
0x0: {  	(tag) =	ssettag $0x1  }
0x1: {  	s0 =	rddreg [dreg:$0x0]  }
0x2: {  	s2 =	rddreg [dreg:$0x1]  }
0x3: {  	s1 =	rddreg [dreg:$0x2]  }
0x4: {  	s3 =	simm.s32 $0x0;
	s4 =	srdreg.scid;
	s5 =	stileid.u32  }
0x5: {  	s18 =	simm.s32 $0x9;
	s28 =	simm.s32 $0x6;
	s29 =	simm.s32 $0x7  }
0x6: {  	s30 =	simm.s32 $0x8;
	s31 =	simm.s32 $0x0;
	[smem:$0x7FF] =	sst s3  }
0x7: {  	s4 =	sand.u32 $0x1, s4;
	s6 =	sadd.s32 $0x33200, s2;
	s19 =	sshll.u32 s5, $0x1  }
0x8: {  	s8 =	sadd.s32 $0x81A00, s2;
	p0 =	seq.s32 s5, $0xF;
	s10 =	smul.u32 $0x4E20, s5  }
0x9: {  	s12 =	smul.u32 $0x50000, s5;
	_ =	strace $0x8000004A;
	[dreg:$0x4] =	wrdreg s6  }
0xa: {  	s17 =	smul.u32 $0x14000, s5;
	s7 =	ssub.s32 $0x2, s4;
	[dreg:$0x5] =	wrdreg s8  }
0xb: {  	s9 =	sor.u32 s4, s19;
	s6 =	sadd.s32 $0x82000, s2;
	s11 =	smul.u32 $0x2710, s4  }
0xc: {  	s8 =	simm.s32 $0x5;
	s16 =	smul.u32 $0x138800, s4;
	s19 =	simm.s32 $0x80  }
0xd: {  	s20 =	sshrl.u32 s7, $0x1;
	s9 =	smul.u32 $0x2710, s9;
	s8 =	simm.s32 @!p0 $0x8  }
0xe: {  	s22 =	sshrl.u32 s12, $0x2;
	s21 =	ssub.s32 s7, s20;
	s7 =	simm.s32 $0x5  }
0xf: {  	s11 =	sadd.s32 s11, s10;
	s4 =	sadd.s32 s22, s1;
	s16 =	sadd.s32 s17, s16  }
0x10: {  	s17 =	simm.s32 $0x200;
	s20 =	simm.s32 $0x100;
	s22 =	simm.s32 $0x1  }
0x11: {  	s9 =	sshrl.u32 s9, $0x3;
	s10 =	smax.u32 s21, $0x1;
	s23 =	sadd.s32 $0xF0, s11  }
0x12: {  	s13 =	sadd.s32 $0xA0, s11;
	s26 =	sadd.s32 $0x50, s11;
	s11 =	sshrl.u32 s11, $0x3  }
0x13: {  	s21 =	simm.s32 $0x180;
	s9 =	sadd.s32 s0, s9;
	s24 =	sshrl.u32 s23, $0x3  }
0x14: {  	s25 =	sshrl.u32 s13, $0x3;
	s14 =	sshrl.u32 s26, $0x3;
	s15 =	sadd.s32 s11, s0  }
0x15: {  	s23 =	simm.s32 $0x50;
	s26 =	simm.s32 $0x4;
	s9 =	sadd.s32 $0x4D8, s9  }
0x16: {  	s12 =	sadd.s32 s24, s0;
	s13 =	sadd.s32 s25, s0;
	s14 =	sadd.s32 s14, s0  }
0x17: {  	s24 =	simm.s32 $0x2;
	s25 =	simm.s32 $0x3;
	[dreg:$0x6] =	wrdreg s9  }
.LBB2_1:
0x18: {  	s0 =	rddreg [dreg:$0x4]  }
0x19: {  	[tilespmem:s17], [sflag:$0x9] =	stream.linear.gather [hbm4b:s0+s3], $0x2800, $0x38;
	[tilespmem:$0x16280] =	vst v63  }
0x1a: {  	p0 =	sne.s32 s8, $0x1;
	_ =	swait.ge [sflag:s18], $0x2800  }
.Ltmp0:
0x1b: {  	[sflag:s18] =	ssyncset.done $0x0;
	(pc) =	sbr.rel @!p0 .LBB2_3-.Ltmp0, $4  }
0x1c: {  	[sflag:s18] =	ssyncadd.s32 $0xFFFFD800  }
0x1d: {  	[spmem:s4] =	stream.linear.scatter [tilespmem:s17], [sflag:$0x9], $0x2800, $0x38;
	[tilespmem:$0x16280] =	vst v63  }
0x1e: {  	_ =	swait.ge [sflag:s18], $0x2800  }
0x1f: {  	s2 =	smov.u32 s4;
	s0 =	sadd.s32 $0xFFFFFFFF, s8;
	[sflag:s18] =	ssyncset.done $0x0  }
.LBB2_2:
0x20: {  	p1 =	sne.s32 s0, $0x1;
	[sflag:s18] =	ssyncadd.s32 $0xFFFFD800;
	s2 =	sadd.s32 $0x2800, s2  }
.Ltmp1:
0x21: {  	s0 =	sadd.s32 $0xFFFFFFFF, s0;
	(pc) =	sbr.rel @p1 .LBB2_2-.Ltmp1, $4  }
0x22: {  	_ = 	snop  }
0x23: {  	[spmem:s2] =	stream.linear.scatter [tilespmem:s17], [sflag:$0x9], $0x2800, $0x38;
	[tilespmem:$0x16280] =	vst v63  }
0x24: {  	_ =	swait.ge [sflag:s18], $0x2800  }
0x25: {  	[sflag:s18] =	ssyncset.done $0x0  }
.LBB2_3:
0x26: {  	[sflag:s18] =	ssyncadd.s32 $0xFFFFD800;
	s0 =	simm.s32 $0x0;
	s2 =	rddreg [dreg:$0x5]  }
0x27: {  	[tilespmem:s17], [sflag:$0x9] =	stream.linear.gather [hbm4b:s2+s0], $0x2800, $0x38;
	[tilespmem:$0x16280] =	vst v63  }
0x28: {  	_ =	swait.ge [sflag:s18], $0x2800  }
0x29: {  	[sflag:s18] =	ssyncset.done $0x0  }
0x2a: {  	[sflag:s18] =	ssyncadd.s32 $0xFFFFD800  }
0x2b: {  	s2 =	sadd.s32 $0x0, s15;
	[bflag:$0x0] =	sbarrier.arrive $0xFFFF  }
0x2c: {  	[tilespmem:s3], [sflag:$0x1] =	stream.linear.gather [hbm4b:s2+s3], $0x50, $0x38;
	[tilespmem:$0x16280] =	vst v63  }
0x2d: {  	s5 =	sadd.s32 $0x0, s14  }
0x2e: {  	[tilespmem:s19], [sflag:$0x2] =	stream.linear.gather [hbm4b:s5+s3], $0x50, $0x38;
	[tilespmem:$0x16280] =	vst v63  }
0x2f: {  	s9 =	sadd.s32 $0x0, s13  }
0x30: {  	[tilespmem:s20], [sflag:$0x3] =	stream.linear.gather [hbm4b:s9+s3], $0x50, $0x38;
	[tilespmem:$0x16280] =	vst v63  }
0x31: {  	s11 =	sadd.s32 $0x0, s12  }
0x32: {  	[tilespmem:s21], [sflag:$0x4] =	stream.linear.gather [hbm4b:s11+s3], $0x50, $0x38;
	[tilespmem:$0x16280] =	vst v63  }
0x33: {  	_ =	swait.ge [sflag:s22], $0x50  }
0x34: {  	[sflag:s22] =	ssyncset.done $0x0  }
0x35: {  	[sflag:s22] =	ssyncadd.s32 $0xFFFFFFB0  }
0x36: {  	[spmem:s1] =	stream.indirect.scatter.add.f32 [tilespmem:s17], [sflag:$0x5], $0x80, s3, s23, $0xb8;
	[tilespmem:$0x16280] =	vst v63  }
0x37: {  	_ =	swait.ge [sflag:s24], $0x50  }
0x38: {  	[sflag:s24] =	ssyncset.done $0x0  }
0x39: {  	[sflag:s24] =	ssyncadd.s32 $0xFFFFFFB0  }
0x3a: {  	[spmem:s1] =	stream.indirect.scatter.add.f32 [tilespmem:s17], [sflag:$0x6], $0x80, s19, s23, $0xb8;
	[tilespmem:$0x16280] =	vst v63  }
0x3b: {  	_ =	swait.ge [sflag:s25], $0x50  }
0x3c: {  	[sflag:s25] =	ssyncset.done $0x0  }
0x3d: {  	[sflag:s25] =	ssyncadd.s32 $0xFFFFFFB0  }
0x3e: {  	[spmem:s1] =	stream.indirect.scatter.add.f32 [tilespmem:s17], [sflag:$0x7], $0x80, s20, s23, $0xb8;
	[tilespmem:$0x16280] =	vst v63  }
0x3f: {  	_ =	swait.ge [sflag:s26], $0x50  }
0x40: {  	[sflag:s26] =	ssyncset.done $0x0  }
0x41: {  	[sflag:s26] =	ssyncadd.s32 $0xFFFFFFB0  }
0x42: {  	[spmem:s1] =	stream.indirect.scatter.add.f32 [tilespmem:s17], [sflag:$0x8], $0x80, s21, s23, $0xb8;
	[tilespmem:$0x16280] =	vst v63  }
0x43: {  	_ =	swait.ge [sflag:s7], $0x2800  }
0x44: {  	[sflag:s7] =	ssyncset.done $0x0  }
0x45: {  	[sflag:s7] =	ssyncadd.s32 $0xFFFFD800  }
0x46: {  	_ =	swait.ge [sflag:s28], $0x2800  }
0x47: {  	[sflag:s28] =	ssyncset.done $0x0  }
0x48: {  	[sflag:s28] =	ssyncadd.s32 $0xFFFFD800  }
0x49: {  	_ =	swait.ge [sflag:s29], $0x2800  }
0x4a: {  	[sflag:s29] =	ssyncset.done $0x0  }
0x4b: {  	[sflag:s29] =	ssyncadd.s32 $0xFFFFD800  }
0x4c: {  	_ =	swait.ge [sflag:s30], $0x2800  }
0x4d: {  	s0 =	simm.s32 $0x28;
	s11 =	simm.s32 $0x50;
	[sflag:s30] =	ssyncset.done $0x0  }
.LBB2_4:
0x4e: {  	s5 =	sadd.s32 s0, s15  }
0x4f: {  	[sflag:s30] =	ssyncadd.s32 $0xFFFFD800;
	s9 =	smov.u32 s11;
	s2 =	sadd.s32 $0x28, s11  }
0x50: {  	[tilespmem:s3], [sflag:$0x1] =	stream.linear.gather [hbm4b:s5+s3], $0x50, $0x38;
	[tilespmem:$0x16280] =	vst v63  }
0x51: {  	p1 =	sne.s32 s11, $0x4B0;
	s5 =	sadd.s32 s0, s14  }
0x52: {  	[tilespmem:s19], [sflag:$0x2] =	stream.linear.gather [hbm4b:s5+s3], $0x50, $0x38;
	[tilespmem:$0x16280] =	vst v63  }
0x53: {  	s5 =	sadd.s32 s0, s13  }
0x54: {  	[tilespmem:s20], [sflag:$0x3] =	stream.linear.gather [hbm4b:s5+s3], $0x50, $0x38;
	[tilespmem:$0x16280] =	vst v63  }
0x55: {  	s5 =	sadd.s32 s0, s12;
	s0 =	smov.u32 s9  }
0x56: {  	[tilespmem:s21], [sflag:$0x4] =	stream.linear.gather [hbm4b:s5+s3], $0x50, $0x38;
	[tilespmem:$0x16280] =	vst v63  }
0x57: {  	_ =	swait.ge [sflag:s22], $0x50  }
0x58: {  	[sflag:s22] =	ssyncset.done $0x0  }
0x59: {  	[sflag:s22] =	ssyncadd.s32 $0xFFFFFFB0  }
0x5a: {  	[spmem:s1] =	stream.indirect.scatter.add.f32 [tilespmem:s17], [sflag:$0x5], $0x80, s3, s23, $0xb8;
	[tilespmem:$0x16280] =	vst v63  }
0x5b: {  	_ =	swait.ge [sflag:s24], $0x50  }
0x5c: {  	[sflag:s24] =	ssyncset.done $0x0  }
0x5d: {  	[sflag:s24] =	ssyncadd.s32 $0xFFFFFFB0  }
0x5e: {  	[spmem:s1] =	stream.indirect.scatter.add.f32 [tilespmem:s17], [sflag:$0x6], $0x80, s19, s23, $0xb8;
	[tilespmem:$0x16280] =	vst v63  }
0x5f: {  	_ =	swait.ge [sflag:s25], $0x50  }
0x60: {  	[sflag:s25] =	ssyncset.done $0x0  }
0x61: {  	[sflag:s25] =	ssyncadd.s32 $0xFFFFFFB0  }
0x62: {  	[spmem:s1] =	stream.indirect.scatter.add.f32 [tilespmem:s17], [sflag:$0x7], $0x80, s20, s23, $0xb8;
	[tilespmem:$0x16280] =	vst v63  }
0x63: {  	_ =	swait.ge [sflag:s26], $0x50  }
0x64: {  	[sflag:s26] =	ssyncset.done $0x0  }
0x65: {  	[sflag:s26] =	ssyncadd.s32 $0xFFFFFFB0  }
0x66: {  	[spmem:s1] =	stream.indirect.scatter.add.f32 [tilespmem:s17], [sflag:$0x8], $0x80, s21, s23, $0xb8;
	[tilespmem:$0x16280] =	vst v63  }
0x67: {  	_ =	swait.ge [sflag:s7], $0x2800  }
0x68: {  	[sflag:s7] =	ssyncset.done $0x0  }
0x69: {  	[sflag:s7] =	ssyncadd.s32 $0xFFFFD800  }
0x6a: {  	_ =	swait.ge [sflag:s28], $0x2800  }
0x6b: {  	[sflag:s28] =	ssyncset.done $0x0  }
0x6c: {  	[sflag:s28] =	ssyncadd.s32 $0xFFFFD800  }
.Ltmp2:
0x6d: {  	_ =	swait.ge [sflag:s29], $0x2800;
	(pc) =	sbr.rel @p1 .LBB2_4-.Ltmp2, $4  }
0x6e: {  	[sflag:s29] =	ssyncset.done $0x0  }
0x6f: {  	[sflag:s29] =	ssyncadd.s32 $0xFFFFD800  }
0x70: {  	_ =	swait.ge [sflag:s30], $0x2800  }
0x71: {  	s11 =	smov.u32 s2;
	[sflag:s30] =	ssyncset.done $0x0  }
0x72: {  	s2 =	sadd.s32 s0, s15;
	[sflag:s30] =	ssyncadd.s32 $0xFFFFD800  }
0x73: {  	[tilespmem:s3], [sflag:$0x1] =	stream.linear.gather [hbm4b:s2+s3], $0x50, $0x38;
	[tilespmem:$0x16280] =	vst v63  }
0x74: {  	s9 =	sadd.s32 s0, s14  }
0x75: {  	[tilespmem:s19], [sflag:$0x2] =	stream.linear.gather [hbm4b:s9+s3], $0x50, $0x38;
	[tilespmem:$0x16280] =	vst v63  }
0x76: {  	s11 =	sadd.s32 s0, s13  }
0x77: {  	[tilespmem:s20], [sflag:$0x3] =	stream.linear.gather [hbm4b:s11+s3], $0x50, $0x38;
	[tilespmem:$0x16280] =	vst v63  }
0x78: {  	s5 =	sadd.s32 s0, s12  }
0x79: {  	[tilespmem:s21], [sflag:$0x4] =	stream.linear.gather [hbm4b:s5+s3], $0x50, $0x38;
	[tilespmem:$0x16280] =	vst v63  }
0x7a: {  	_ =	swait.ge [sflag:s22], $0x50  }
0x7b: {  	[sflag:s22] =	ssyncset.done $0x0  }
0x7c: {  	[sflag:s22] =	ssyncadd.s32 $0xFFFFFFB0  }
0x7d: {  	[spmem:s1] =	stream.indirect.scatter.add.f32 [tilespmem:s17], [sflag:$0x5], $0x80, s3, s23, $0xb8;
	[tilespmem:$0x16280] =	vst v63  }
0x7e: {  	_ =	swait.ge [sflag:s24], $0x50  }
0x7f: {  	[sflag:s24] =	ssyncset.done $0x0  }
0x80: {  	[sflag:s24] =	ssyncadd.s32 $0xFFFFFFB0  }
0x81: {  	[spmem:s1] =	stream.indirect.scatter.add.f32 [tilespmem:s17], [sflag:$0x6], $0x80, s19, s23, $0xb8;
	[tilespmem:$0x16280] =	vst v63  }
0x82: {  	_ =	swait.ge [sflag:s25], $0x50  }
0x83: {  	[sflag:s25] =	ssyncset.done $0x0  }
0x84: {  	[sflag:s25] =	ssyncadd.s32 $0xFFFFFFB0  }
0x85: {  	[spmem:s1] =	stream.indirect.scatter.add.f32 [tilespmem:s17], [sflag:$0x7], $0x80, s20, s23, $0xb8;
	[tilespmem:$0x16280] =	vst v63  }
0x86: {  	_ =	swait.ge [sflag:s26], $0x50  }
0x87: {  	[sflag:s26] =	ssyncset.done $0x0  }
0x88: {  	[sflag:s26] =	ssyncadd.s32 $0xFFFFFFB0  }
0x89: {  	[spmem:s1] =	stream.indirect.scatter.add.f32 [tilespmem:s17], [sflag:$0x8], $0x80, s21, s23, $0xb8;
	[tilespmem:$0x16280] =	vst v63  }
0x8a: {  	_ =	swait.ge [sflag:s7], $0x2800  }
0x8b: {  	[sflag:s7] =	ssyncset.done $0x0  }
0x8c: {  	[sflag:s7] =	ssyncadd.s32 $0xFFFFD800  }
0x8d: {  	_ =	swait.ge [sflag:s28], $0x2800  }
0x8e: {  	[sflag:s28] =	ssyncset.done $0x0  }
0x8f: {  	[sflag:s28] =	ssyncadd.s32 $0xFFFFD800  }
0x90: {  	_ =	swait.ge [sflag:s29], $0x2800  }
0x91: {  	[sflag:s29] =	ssyncset.done $0x0  }
0x92: {  	[sflag:s29] =	ssyncadd.s32 $0xFFFFD800  }
0x93: {  	_ =	swait.ge [sflag:s30], $0x2800  }
0x94: {  	[sflag:s30] =	ssyncset.done $0x0  }
0x95: {  	s9 =	rddreg [dreg:$0x6];
	[sflag:s30] =	ssyncadd.s32 $0xFFFFD800  }
0x96: {  	[tilespmem:s3], [sflag:$0x9] =	stream.linear.gather [hbm4b:s9+s3], $0x50, $0x38;
	[tilespmem:$0x16280] =	vst v63  }
0x97: {  	_ =	swait.ge [sflag:s18], $0x50  }
0x98: {  	[sflag:s18] =	ssyncset.done $0x0  }
0x99: {  	[sflag:s18] =	ssyncadd.s32 $0xFFFFFFB0  }
0x9a: {  	[spmem:s1] =	stream.indirect.scatter.add.f32 [tilespmem:s17], [sflag:$0x9], $0x80, s3, s23, $0xb8;
	[tilespmem:$0x16280] =	vst v63  }
0x9b: {  	_ =	swait.ge [sflag:s18], $0x2800  }
0x9c: {  	[sflag:s18] =	ssyncset.done $0x0  }
0x9d: {  	[sflag:s18] =	ssyncadd.s32 $0xFFFFD800  }
0x9e: {  	[bflag:$0x0] =	sbarrier.arrive $0xFFFF  }
0x9f: {  	[tilespmem:s17], [sflag:$0x9] =	stream.linear.gather [spmem:s4], $0x2800, $0x38;
	[tilespmem:$0x16280] =	vst v63  }
0xa0: {  	_ =	swait.ge [sflag:s18], $0x2800  }
.Ltmp3:
0xa1: {  	s11 =	sshrl.u32 s16, $0x3;
	[sflag:s18] =	ssyncset.done $0x0;
	(pc) =	sbr.rel @!p0 .LBB2_7-.Ltmp3, $4  }
0xa2: {  	s0 =	sadd.s32 s6, s11;
	[sflag:s18] =	ssyncadd.s32 $0xFFFFD800  }
0xa3: {  	[hbm4b:s0+s3] =	stream.linear.scatter [tilespmem:s17], [sflag:$0x9], $0x2800, $0x38;
	[tilespmem:$0x16280] =	vst v63  }
0xa4: {  	s2 =	smov.u32 s16;
	_ =	swait.ge [sflag:s18], $0x2800  }
0xa5: {  	s11 =	smov.u32 s4;
	s0 =	sadd.s32 $0xFFFFFFFF, s8;
	[sflag:s18] =	ssyncset.done $0x0  }
.LBB2_6:
0xa6: {  	[sflag:s18] =	ssyncadd.s32 $0xFFFFD800;
	s2 =	sadd.s32 $0x2800, s2;
	s11 =	sadd.s32 $0x2800, s11  }
0xa7: {  	[tilespmem:s17], [sflag:$0x9] =	stream.linear.gather [spmem:s11], $0x2800, $0x38;
	[tilespmem:$0x16280] =	vst v63  }
0xa8: {  	p0 =	sne.s32 s0, $0x1;
	s0 =	sadd.s32 $0xFFFFFFFF, s0;
	_ =	swait.ge [sflag:s18], $0x2800  }
.Ltmp4:
0xa9: {  	s5 =	sshrl.u32 s2, $0x3;
	[sflag:s18] =	ssyncset.done $0x0;
	(pc) =	sbr.rel @p0 .LBB2_6-.Ltmp4, $4  }
0xaa: {  	s5 =	sadd.s32 s6, s5;
	[sflag:s18] =	ssyncadd.s32 $0xFFFFD800  }
0xab: {  	[hbm4b:s5+s3] =	stream.linear.scatter [tilespmem:s17], [sflag:$0x9], $0x2800, $0x38;
	[tilespmem:$0x16280] =	vst v63  }
0xac: {  	_ =	swait.ge [sflag:s18], $0x2800  }
0xad: {  	[sflag:s18] =	ssyncset.done $0x0  }
.LBB2_7:
0xae: {  	s31 =	sadd.s32 $0x1, s31  }
0xaf: {  	p0 =	sne.s32 s31, s10  }
.Ltmp5:
0xb0: {  	_ = 	snop;
	(pc) =	sbr.rel @p0 .LBB2_1-.Ltmp5, $2  }
0xb1: {  	_ =	sdelay $0x2  }
0xb2: {  	[sflag:s18] =	ssyncadd.s32 $0xFFFFD800  }
0xb3: {  	_ =	sfence.sel $0x180000  }
0xb4: {  	[bflag:$0x0] =	sbarrier.arrive $0xFFFF  }
0xb5: {  	_ =	strace $0x9000004A  }
0xb6: {  	s0 =	stileid.u32;
	[bflag:$0x2] =	sbarrier.arrive $0xFFFF  }
0xb7: {  	p0 =	sne.s32 s0, $0x0;
	s0 =	rddreg [dreg:$0x3]  }
0xb8: {  	s0 =	sadd.s32 @!p0 $0x100000, s0  }
0xb9: {  	[sflag:s0] =	ssyncadd.tile.s32 @!p0 $0x1;
	_ =	shalt  }
.Lfunc_end2:
_tile_overlayer_lowered:
.L_overlay_start_2:
0xba: {  	(tag) =	ssettag $0x2  }
0xbb: {  	s0 =	rddreg [dreg:$0x0];
	s2 =	stileid.u32  }
0xbc: {  	s1 =	rddreg [dreg:$0x1];
	p0 =	sne.s32 s2, $0x0  }
0xbd: {  	s3 =	rddreg [dreg:$0x2];
	[bflag:$0x3] =	sbarrier.arrive $0xFFFF;
	s2 =	simm.s32 @!p0 $0x1C09  }
0xbe: {  	[timem:s3], [sflag:s2] =	dma.local @!p0 [hbm:s0], s1  }
0xbf: {  	s0 =	simm.s32 @!p0 $0x9  }
0xc0: {  	_ =	swait.ge @!p0 [sflag:s0], s1  }
0xc1: {  	s1 =	ssub.s32 @!p0 $0x0, s1;
	[sflag:s0] =	ssyncset.done @!p0 $0x0  }
0xc2: {  	[sflag:s0] =	ssyncadd.s32 @!p0 s1  }
0xc3: {  	[bflag:$0x3] =	sbarrier.arrive $0xFFFF  }
0xc4: {  	_ =	shalt  }

// kernel: kernel.18.cloned.1.call-start
scs
__scs_entry_jumppad:
0x0: {  	(pc) =	sbr.rel $0x88, $3  }
0x1: {  	(tag) =	ssettag $0x0;
	lr =	simm.s32 $0x1  }
0x2: {  	[smem:$0x3F94] =	sst lr;
	_ =	strace $0xD0000000  }
0x3: {  	_ = 	snop  }
0x4: {  	_ = 	snop  }
0x5: {  	_ = 	snop  }
0x6: {  	_ = 	snop  }
0x7: {  	_ = 	snop  }
__scs_overlays_trampoline_lowered:
0x8: {  	[smem:$0x3FA3] =	sst s0  }
0x9: {  	[smem:$0x3FA4] =	sst s1  }
0xa: {  	[smem:$0x3FA5] =	sst s2  }
0xb: {  	[smem:$0x3FA6] =	sst s3  }
0xc: {  	[smem:$0x3FA7] =	sst s4  }
0xd: {  	[smem:$0x3FA8] =	sst s5  }
0xe: {  	[smem:$0x3FA9] =	sst s6  }
0xf: {  	[smem:$0x3FAA] =	sst s7  }
0x10: {  	[smem:$0x3FAB] =	sst s8  }
0x11: {  	[smem:$0x3FAC] =	sst s9;
	s0 =	simm.s32 @!p0 $0x0  }
0x12: {  	s1 =	sld [smem:$0x3F92];
	s0 =	simm.s32 @p0 $0x1  }
0x13: {  	[smem:$0x3FAD] =	sst s0;
	s0 =	simm.s32 @!p1 $0x0  }
0x14: {  	s2 =	sld [smem:$0x3F91];
	s0 =	simm.s32 @p1 $0x1  }
0x15: {  	[smem:$0x3FAE] =	sst s0;
	s0 =	simm.s32 @!p2 $0x0  }
0x16: {  	s3 =	sld [smem:$0x3FDB];
	s0 =	simm.s32 @p2 $0x1  }
0x17: {  	s4 =	simm.s32 $0x1BF5;
	[smem:$0x3FB0] =	sst s0  }
0x18: {  	s0 =	sld [smem:$0x3F93];
	_ =	swait.ge [sflag:s4], $0x0  }
0x19: {  	s7 =	sld [smem:$0x3F94]  }
0x1a: {  	s8 =	sadd.s32 $0xFFFFE003, lr  }
0x1b: {  	s9 =	sadd.s32 $0xFFFFFEF7, lr;
	s5 =	simm.s32 $0xFFFFFFFF;
	p2 =	slt.u32 s8, $0xFFFFF086  }
0x1c: {  	p1 =	slt.u32 s9, $0xF7A;
	s5 =	simm.s32 @!p2 $0x0  }
0x1d: {  	s5 =	simm.s32 @p1 $0x1;
	p0 =	seq.s32 s7, s2  }
0x1e: {  	s7 =	smul.u32 @!p0 $0xF7A, s2;
	p2 =	seq.s32 @!p0 s5, $0x0  }
0x1f: {  	s9 =	smul.u32 $0xF7A, s1;
	s8 =	simm.s32 @!p0 $0x1BF5;
	p2 =	por !p2, p0  }
0x20: {  	[sflag:s8] =	ssyncset.s32 @!p0 $0xFFFFF086;
	s6 =	sadd.s32 @!p0 s3, s7;
	s7 =	simm.s32 @!p0 $0x108  }
0x21: {  	s3 =	sadd.s32 s3, s9;
	s6 =	sadd.s32 @!p0 $0x88, s6;
	s7 =	simm.s32 @p2 $0x1082  }
0x22: {  	[simem:s7], [sflag:s8] =	dma.local @!p0 [hbm:s6], $0xF7A  }
0x23: {  	s9 =	sor.u32 $0xD0000000, s2;
	s6 =	simm.s32 $0x108;
	_ =	swait.ge @!p0 [sflag:s8], $0x0  }
0x24: {  	s3 =	sadd.s32 $0x88, s3;
	s6 =	simm.s32 @!p1 $0x1082;
	[sflag:s4] =	ssyncset.s32 $0xFFFFF086  }
0x25: {  	[simem:s6], [sflag:s4] =	dma.local [hbm:s3], $0xF7A  }
0x26: {  	[smem:$0x3F94] =	sst s1;
	(tag) =	ssettag s2;
	_ =	strace s9  }
0x27: {  	s1 =	sld [smem:$0x3FA4]  }
0x28: {  	s2 =	sld [smem:$0x3FA5]  }
0x29: {  	s4 =	sld [smem:$0x3FA7]  }
0x2a: {  	p0 =	seq.s32 s5, $0x0;
	s5 =	sld [smem:$0x3FA8]  }
0x2b: {  	s6 =	sld [smem:$0x3FA9]  }
0x2c: {  	s7 =	sld [smem:$0x3FAA]  }
0x2d: {  	s3 =	simm.s32 $0x108;
	s8 =	sld [smem:$0x3FAB]  }
0x2e: {  	s3 =	simm.s32 @!p0 $0x1082;
	s9 =	sld [smem:$0x3FAC]  }
0x2f: {  	lr =	sadd.s32 s0, s3;
	s0 =	sld [smem:$0x3FA3]  }
0x30: {  	s3 =	sld [smem:$0x3FA6]  }
0x31: {  	[smem:$0x3FAF] =	sst s10  }
0x32: {  	s10 =	sld [smem:$0x3FAD];
	_ =	sdelay $0x3  }
0x33: {  	p0 =	seq.s32 s10, $0x1;
	s10 =	sld [smem:$0x3FAF];
	_ =	sdelay $0x3  }
0x34: {  	[smem:$0x3FAF] =	sst s10  }
0x35: {  	s10 =	sld [smem:$0x3FAE];
	_ =	sdelay $0x3  }
0x36: {  	p1 =	seq.s32 s10, $0x1;
	s10 =	sld [smem:$0x3FAF];
	_ =	sdelay $0x3  }
0x37: {  	[smem:$0x3FAF] =	sst s10  }
0x38: {  	s10 =	sld [smem:$0x3FB0]  }
0x39: {  	_ = 	snop;
	(pc) =	sbr.ind lr, $3  }
0x3a: {  	_ = 	snop  }
0x3b: {  	_ = 	snop  }
0x3c: {  	p2 =	seq.s32 s10, $0x1;
	s10 =	sld [smem:$0x3FAF]  }
0x3d: {  	_ =	shalt  }
0x3e: {  	_ =	shalt  }
0x3f: {  	_ =	shalt  }
0x40: {  	_ =	shalt  }
0x41: {  	_ =	shalt  }
0x42: {  	_ =	shalt  }
0x43: {  	_ =	shalt  }
0x44: {  	_ =	shalt  }
0x45: {  	_ =	shalt  }
0x46: {  	_ =	shalt  }
0x47: {  	_ =	shalt  }
0x48: {  	_ =	shalt  }
0x49: {  	_ =	shalt  }
0x4a: {  	_ =	shalt  }
0x4b: {  	_ =	shalt  }
0x4c: {  	_ =	shalt  }
0x4d: {  	_ =	shalt  }
0x4e: {  	_ =	shalt  }
0x4f: {  	_ =	shalt  }
0x50: {  	_ =	shalt  }
0x51: {  	_ =	shalt  }
0x52: {  	_ =	shalt  }
0x53: {  	_ =	shalt  }
0x54: {  	_ =	shalt  }
0x55: {  	_ =	shalt  }
0x56: {  	_ =	shalt  }
0x57: {  	_ =	shalt  }
0x58: {  	_ =	shalt  }
0x59: {  	_ =	shalt  }
0x5a: {  	_ =	shalt  }
0x5b: {  	_ =	shalt  }
0x5c: {  	_ =	shalt  }
0x5d: {  	_ =	shalt  }
0x5e: {  	_ =	shalt  }
0x5f: {  	_ =	shalt  }
0x60: {  	_ =	shalt  }
0x61: {  	_ =	shalt  }
0x62: {  	_ =	shalt  }
0x63: {  	_ =	shalt  }
0x64: {  	_ =	shalt  }
0x65: {  	_ =	shalt  }
0x66: {  	_ =	shalt  }
0x67: {  	_ =	shalt  }
0x68: {  	_ =	shalt  }
0x69: {  	_ =	shalt  }
0x6a: {  	_ =	shalt  }
0x6b: {  	_ =	shalt  }
0x6c: {  	_ =	shalt  }
0x6d: {  	_ =	shalt  }
0x6e: {  	_ =	shalt  }
0x6f: {  	_ =	shalt  }
0x70: {  	_ =	shalt  }
0x71: {  	_ =	shalt  }
0x72: {  	_ =	shalt  }
0x73: {  	_ =	shalt  }
0x74: {  	_ =	shalt  }
0x75: {  	_ =	shalt  }
0x76: {  	_ =	shalt  }
0x77: {  	_ =	shalt  }
0x78: {  	_ =	shalt  }
0x79: {  	_ =	shalt  }
0x7a: {  	_ =	shalt  }
0x7b: {  	_ =	shalt  }
0x7c: {  	_ =	shalt  }
0x7d: {  	_ =	shalt  }
0x7e: {  	_ =	shalt  }
0x7f: {  	_ =	shalt  }
0x80: {  	_ =	shalt  }
0x81: {  	_ =	shalt  }
0x82: {  	_ =	shalt  }
0x83: {  	_ =	shalt  }
0x84: {  	_ =	shalt  }
0x85: {  	_ =	shalt  }
0x86: {  	_ =	shalt  }
0x87: {  	_ =	shalt  }
.Lfunc_end0:
.L_simem_size_0:
called_computation.2_lowered:
.L_overlay_start_0:
0x88: {  	s2 =	sld [smem:$0x3FD9]  }
0x89: {  	s3 =	sld [smem:$0x3FFE];
	_ =	sdelay $0x1  }
0x8a: {  	s1 =	srdreg.scid  }
0x8b: {  	s0 =	sand.u32 $0x1, s1  }
0x8c: {  	s17 =	sshll.u32 s0, $0xA;
	s2 =	sadd.s32 s3, s2  }
0x8d: {  	s2 =	sadd.s32 s2, s17  }
0x8e: {  	[smem:$0x3FBB] =	sst s2  }
0x8f: {  	_ = 	snop  }
0x90: {  	(tm) =	ssettm $0x1  }
0x91: {  	s18 =	sld [smem:$0x3FFB];
	_ =	sdelay $0x3  }
0x92: {  	_ =	strace s18  }
0x93: {  	s2 =	sld [smem:$0x3FFC];
	_ =	sdelay $0x3  }
0x94: {  	_ =	strace s2  }
0x95: {  	s2 =	sld [smem:$0x3FFD];
	_ =	sdelay $0x3  }
0x96: {  	_ =	strace s2  }
0x97: {  	_ =	strace $0x8FFFFFFF  }
0x98: {  	s19 =	sld [smem:$0x3FDB];
	_ =	sdelay $0x1  }
0x99: {  	s20 =	simm.s32 $_scs_section_size  }
0x9a: {  	s4 =	simm.s32 $_size__tile_overlayer_lowered;
	s5 =	simm.s32 $_tile_overlayer_lowered  }
0x9b: {  	s6 =	simm.s32 $0x1BFF;
	s21 =	sshll.u32 s5, $0x1;
	s3 =	sadd.s32 s20, s19  }
0x9c: {  	s22 =	simm.s32 $0x0;
	s4 =	sshll.u32 s4, $0x1;
	s5 =	sadd.s32 s21, s3  }
0x9d: {  	[timem:s22], [sflag:s6] =	dma.local [hbm:s5], s4  }
0x9e: {  	_ =	swait.ge [sflag:s6], s4  }
0x9f: {  	s4 =	ssub.s32 $0x0, s4;
	[sflag:s6] =	ssyncset.done $0x0  }
0xa0: {  	[sflag:s6] =	ssyncadd.s32 s4;
	_ =	sdelay $0x1  }
0xa1: {  	s23 =	simm.s32 $0x1B8B  }
0xa2: {  	_ =	swait.ge [sflag:s23], $0x1  }
0xa3: {  	[sflag:s23] =	ssyncset.done $0x0  }
0xa4: {  	[sflag:s23] =	ssyncadd.s32 $0xFFFFFFFF  }
0xa5: {  	s4 =	sld [smem:$0x0]  }
0xa6: {  	s5 =	sand.u32 $0xFFFFFFFE, s1  }
0xa7: {  	p0 =	sne.s32 s1, s5  }
0xa8: {  	s5 =	sshll.u32 @p0 s5, $0xE  }
0xa9: {  	s5 =	sadd.s32 @p0 $0x11B8D, s5;
	s6 =	sshll.u32 @p0 s4, $0x11  }
0xaa: {  	s5 =	sor.u32 @p0 s6, s5  }
0xab: {  	[sflag:s5] =	ssyncadd.remote.s32 @p0 $0x1;
	_ =	sdelay $0x1  }
0xac: {  	s5 =	simm.s32 @p0 $0x1B8D  }
0xad: {  	_ =	swait.eq @p0 [sflag:s5], $0x1  }
0xae: {  	[sflag:s5] =	ssyncadd.s32 @p0 $0xFFFFFFFF  }
0xaf: {  	s6 =	sshll.u32 @!p0 s1, $0xE  }
0xb0: {  	s6 =	sor.u32 @!p0 $0x4000, s6;
	s5 =	simm.s32 @!p0 $0x1B8D  }
0xb1: {  	s4 =	sshll.u32 @!p0 s4, $0x11;
	s6 =	sadd.s32 @!p0 $0x11B8D, s6;
	_ =	swait.eq @!p0 [sflag:s5], $0x1  }
0xb2: {  	s4 =	sor.u32 @!p0 s4, s6;
	[sflag:s5] =	ssyncadd.s32 @!p0 $0xFFFFFFFF  }
0xb3: {  	s25 =	simm.s32 $0x1B8E;
	s24 =	sld [smem:$0x3FFE];
	[sflag:s4] =	ssyncadd.remote.s32 @!p0 $0x1  }
0xb4: {  	s26 =	simm.s32 $execute0_lowered;
	[smem:$0x3FD2] =	sst s25  }
0xb5: {  	s5 =	sshll.u32 s26, $0x1;
	_ =	strace $0x8000004F;
	[dreg:$0x1] =	wrdreg $0xFFFFFFFF  }
0xb6: {  	s28 =	simm.s32 $_size_execute0_lowered;
	s3 =	sadd.s32 s3, s5;
	[dreg:$0x0] =	wrdreg $0x0  }
0xb7: {  	s5 =	sshll.u32 s28, $0x1;
	[dreg:$0x2] =	wrdreg s3  }
0xb8: {  	[dreg:$0x3] =	wrdreg s5  }
0xb9: {  	[dreg:$0x4] =	wrdreg $0xC0  }
0xba: {  	_ =	task [dreg:s22], $0x5FFFF  }
0xbb: {  	[dreg:$0x1] =	wrdreg $0xFFFFFFFF  }
0xbc: {  	[dreg:$0x0] =	wrdreg $0x60  }
0xbd: {  	[dreg:$0x2] =	wrdreg s24  }
0xbe: {  	[dreg:$0x3] =	wrdreg $0x52000  }
0xbf: {  	[dreg:$0x4] =	wrdreg $0xB  }
0xc0: {  	_ =	task.clear_ibuf [dreg:s22], $0x5FFFF;
	_ =	strace $0x9000004F  }
0xc1: {  	s29 =	simm.s32 $0xB;
	_ =	strace $0x80000051  }
0xc2: {  	_ =	swait.ge [sflag:s29], $0x1  }
0xc3: {  	[sflag:s29] =	ssyncadd.s32 $0xFFFFFFFF  }
0xc4: {  	_ =	strace $0x90000051  }
0xc5: {  	_ =	sfence  }
0xc6: {  	s30 =	sld [smem:$0x0];
	_ =	sdelay $0x2  }
0xc7: {  	s31 =	sshll.u32 s1, $0xD;
	s1 =	sshrl.u32 s1, $0x2  }
0xc8: {  	s4 =	sand.u32 $0x4000, s31;
	s1 =	sadd.s32 s1, s30  }
0xc9: {  	s0 =	sor.u32 s4, s0;
	s1 =	sshll.u32 s1, $0x11  }
0xca: {  	s0 =	sor.u32 s1, s0  }
0xcb: {  	s0 =	sadd.s32 $0x8F2B, s0  }
0xcc: {  	[sflag:s0] =	ssyncadd.remote.s32 $0x1  }
0xcd: {  	_ =	sfence.sel $0xFFFF  }
0xce: {  	[dreg:$0x0] =	wrdreg $0xFFFFFFFF;
	(pc) =	sbr.abs _section_cstart, $3  }
0xcf: {  	[dreg:$0x1] =	wrdreg $0xFFFFFFFF  }
0xd0: {  	_ =	task.clear_ibuf [dreg:s22], $0x2FFFF;
	_ =	strace $0x9FFFFFFF  }
0xd1: {  	(tm) =	ssettm $0x7FFFFFFF  }
tec
execute0_lowered:
.L_overlay_start_1:
0x0: {  	(tag) =	ssettag $0x1  }
0x1: {  	s0 =	rddreg [dreg:$0x0]  }
0x2: {  	s1 =	rddreg [dreg:$0x1];
	s2 =	simm.s32 $0x0  }
0x3: {  	s5 =	srdreg.scid;
	s15 =	stileid.u32;
	s19 =	simm.s32 $0x7  }
0x4: {  	s20 =	simm.s32 $0x100;
	s21 =	simm.s32 $0x80;
	s28 =	simm.s32 $0x3  }
0x5: {  	s29 =	simm.s32 $0x4;
	s30 =	simm.s32 $0x6;
	s31 =	simm.s32 $0x0  }
0x6: {  	[smem:$0x7FF] =	sst s2;
	s4 =	sadd.s32 $0x2200, s0;
	s3 =	sadd.s32 $0xDA000, s0  }
0x7: {  	s12 =	sadd.s32 $0xD0200, s0;
	s5 =	sand.u32 $0x1, s5;
	s11 =	smul.u32 $0x50000, s15  }
0x8: {  	s6 =	sshll.u32 s15, $0x1;
	s7 =	sadd.s32 $0x33200, s0;
	s13 =	smul.u32 $0x4E20, s15  }
0x9: {  	p0 =	seq.s32 s15, $0xF;
	s18 =	smul.u32 $0x14000, s15;
	_ =	strace $0x80000050  }
0xa: {  	[dreg:$0x3] =	wrdreg s7;
	s22 =	ssub.s32 $0x2, s5;
	s14 =	smul.u32 $0x2710, s5  }
0xb: {  	s8 =	sor.u32 s5, s6;
	s6 =	sadd.s32 $0x33800, s0;
	s17 =	smul.u32 $0x138800, s5  }
0xc: {  	s7 =	simm.s32 $0x5;
	s23 =	sshrl.u32 s22, $0x1;
	s8 =	smul.u32 $0x2710, s8  }
0xd: {  	s25 =	sshrl.u32 s11, $0x2;
	s0 =	ssub.s32 s22, s23;
	s13 =	sadd.s32 s14, s13  }
0xe: {  	s5 =	sadd.s32 s25, s1;
	s17 =	sadd.s32 s18, s17;
	s18 =	simm.s32 $0x200  }
0xf: {  	s22 =	simm.s32 $0x180;
	s23 =	simm.s32 $0x1;
	s25 =	simm.s32 $0x2  }
0x10: {  	s9 =	sshrl.u32 s8, $0x3;
	s8 =	simm.s32 $0x5;
	s11 =	smax.u32 s0, $0x1  }
0x11: {  	s26 =	sadd.s32 $0x50, s13;
	s14 =	sshrl.u32 s13, $0x3;
	s10 =	sadd.s32 $0x4D8, s9  }
0x12: {  	s8 =	simm.s32 @!p0 $0x8;
	s0 =	sshrl.u32 s26, $0x3;
	s13 =	sadd.s32 s14, s12  }
0x13: {  	s14 =	sadd.s32 s14, s3;
	s26 =	simm.s32 $0x2A00;
	s9 =	sadd.s32 s3, s10  }
0x14: {  	s24 =	sadd.s32 s12, s10;
	s15 =	sadd.s32 s0, s12;
	[dreg:$0x4] =	wrdreg s9  }
0x15: {  	s16 =	sadd.s32 s0, s3;
	[dreg:$0x5] =	wrdreg s24;
	s24 =	simm.s32 $0x50  }
.LBB2_1:
0x16: {  	s0 =	rddreg [dreg:$0x3]  }
0x17: {  	[tilespmem:s18], [sflag:$0x7] =	stream.linear.gather [hbm4b:s0+s2], $0x2800, $0x38;
	[tilespmem:$0x18A80] =	vst v63  }
0x18: {  	p0 =	sne.s32 s8, $0x1;
	_ =	swait.ge [sflag:s19], $0x2800  }
.Ltmp0:
0x19: {  	[sflag:s19] =	ssyncset.done $0x0;
	(pc) =	sbr.rel @!p0 .LBB2_3-.Ltmp0, $4  }
0x1a: {  	[sflag:s19] =	ssyncadd.s32 $0xFFFFD800  }
0x1b: {  	[spmem:s5] =	stream.linear.scatter [tilespmem:s18], [sflag:$0x7], $0x2800, $0x38;
	[tilespmem:$0x18A80] =	vst v63  }
0x1c: {  	_ =	swait.ge [sflag:s19], $0x2800  }
0x1d: {  	s3 =	smov.u32 s5;
	s0 =	sadd.s32 $0xFFFFFFFF, s8;
	[sflag:s19] =	ssyncset.done $0x0  }
.LBB2_2:
0x1e: {  	p1 =	sne.s32 s0, $0x1;
	[sflag:s19] =	ssyncadd.s32 $0xFFFFD800;
	s3 =	sadd.s32 $0x2800, s3  }
.Ltmp1:
0x1f: {  	s0 =	sadd.s32 $0xFFFFFFFF, s0;
	(pc) =	sbr.rel @p1 .LBB2_2-.Ltmp1, $4  }
0x20: {  	_ = 	snop  }
0x21: {  	[spmem:s3] =	stream.linear.scatter [tilespmem:s18], [sflag:$0x7], $0x2800, $0x38;
	[tilespmem:$0x18A80] =	vst v63  }
0x22: {  	_ =	swait.ge [sflag:s19], $0x2800  }
0x23: {  	[sflag:s19] =	ssyncset.done $0x0  }
.LBB2_3:
0x24: {  	[sflag:s19] =	ssyncadd.s32 $0xFFFFD800  }
0x25: {  	s0 =	sadd.s32 $0x0, s14;
	[bflag:$0x0] =	sbarrier.arrive $0xFFFF  }
0x26: {  	[tilespmem:s2], [sflag:$0x1] =	stream.linear.gather [hbm4b:s0+s2], $0x50, $0x38;
	[tilespmem:$0x18A80] =	vst v63  }
0x27: {  	s9 =	sadd.s32 $0x0, s13  }
0x28: {  	[tilespmem:s20], [sflag:$0x1] =	stream.linear.gather [hbm4b:s9+s2], $0x50, $0x38;
	[tilespmem:$0x18A80] =	vst v63  }
0x29: {  	s10 =	sadd.s32 $0x0, s16  }
0x2a: {  	[tilespmem:s21], [sflag:$0x2] =	stream.linear.gather [hbm4b:s10+s2], $0x50, $0x38;
	[tilespmem:$0x18A80] =	vst v63  }
0x2b: {  	s12 =	sadd.s32 $0x0, s15  }
0x2c: {  	[tilespmem:s22], [sflag:$0x2] =	stream.linear.gather [hbm4b:s12+s2], $0x50, $0x38;
	[tilespmem:$0x18A80] =	vst v63  }
0x2d: {  	_ =	swait.ge [sflag:s23], $0x50  }
0x2e: {  	[sflag:s23] =	ssyncset.done $0x0  }
0x2f: {  	[sflag:s23] =	ssyncadd.s32 $0xFFFFFFB0  }
0x30: {  	_ =	swait.ge [sflag:s23], $0x50  }
0x31: {  	[sflag:s23] =	ssyncset.done $0x0  }
0x32: {  	[sflag:s23] =	ssyncadd.s32 $0xFFFFFFB0  }
0x33: {  	[tilespmem:s18], [sflag:$0x3] =	stream.indirect.gather [hbm4b:s4+s24], $0x80, s2, s24, $0xb8;
	[tilespmem:$0x18A80] =	vst v63  }
0x34: {  	_ =	swait.ge [sflag:s25], $0x50  }
0x35: {  	[sflag:s25] =	ssyncset.done $0x0  }
0x36: {  	[sflag:s25] =	ssyncadd.s32 $0xFFFFFFB0  }
0x37: {  	_ =	swait.ge [sflag:s25], $0x50  }
0x38: {  	[sflag:s25] =	ssyncset.done $0x0  }
0x39: {  	[sflag:s25] =	ssyncadd.s32 $0xFFFFFFB0  }
0x3a: {  	[tilespmem:s26], [sflag:$0x4] =	stream.indirect.gather [hbm4b:s4+s24], $0x80, s21, s24, $0xb8;
	[tilespmem:$0x18A80] =	vst v63  }
0x3b: {  	_ =	swait.ge [sflag:s28], $0x2800  }
0x3c: {  	[sflag:s28] =	ssyncset.done $0x0  }
0x3d: {  	[sflag:s28] =	ssyncadd.s32 $0xFFFFD800  }
0x3e: {  	[spmem:s1] =	stream.indirect.scatter.add.f32 [tilespmem:s18], [sflag:$0x5], $0x80, s20, s24, $0xb8;
	[tilespmem:$0x18A80] =	vst v63  }
0x3f: {  	_ =	swait.ge [sflag:s29], $0x2800  }
0x40: {  	[sflag:s29] =	ssyncset.done $0x0  }
0x41: {  	[sflag:s29] =	ssyncadd.s32 $0xFFFFD800  }
0x42: {  	[spmem:s1] =	stream.indirect.scatter.add.f32 [tilespmem:s26], [sflag:$0x6], $0x80, s22, s24, $0xb8;
	[tilespmem:$0x18A80] =	vst v63  }
0x43: {  	_ =	swait.ge [sflag:s7], $0x2800  }
0x44: {  	[sflag:s7] =	ssyncset.done $0x0  }
0x45: {  	[sflag:s7] =	ssyncadd.s32 $0xFFFFD800  }
0x46: {  	_ =	swait.ge [sflag:s30], $0x2800  }
0x47: {  	s0 =	simm.s32 $0x14;
	s12 =	simm.s32 $0x28;
	[sflag:s30] =	ssyncset.done $0x0  }
.LBB2_4:
0x48: {  	s9 =	sadd.s32 s0, s14  }
0x49: {  	[sflag:s30] =	ssyncadd.s32 $0xFFFFD800;
	s10 =	smov.u32 s12;
	s3 =	sadd.s32 $0x14, s12  }
0x4a: {  	[tilespmem:s2], [sflag:$0x1] =	stream.linear.gather [hbm4b:s9+s2], $0x50, $0x38;
	[tilespmem:$0x18A80] =	vst v63  }
0x4b: {  	p1 =	sne.s32 s12, $0x4C4;
	s9 =	sadd.s32 s0, s13  }
0x4c: {  	[tilespmem:s20], [sflag:$0x1] =	stream.linear.gather [hbm4b:s9+s2], $0x50, $0x38;
	[tilespmem:$0x18A80] =	vst v63  }
0x4d: {  	s9 =	sadd.s32 s0, s16  }
0x4e: {  	[tilespmem:s21], [sflag:$0x2] =	stream.linear.gather [hbm4b:s9+s2], $0x50, $0x38;
	[tilespmem:$0x18A80] =	vst v63  }
0x4f: {  	s9 =	sadd.s32 s0, s15;
	s0 =	smov.u32 s10  }
0x50: {  	[tilespmem:s22], [sflag:$0x2] =	stream.linear.gather [hbm4b:s9+s2], $0x50, $0x38;
	[tilespmem:$0x18A80] =	vst v63  }
0x51: {  	_ =	swait.ge [sflag:s23], $0x50  }
0x52: {  	[sflag:s23] =	ssyncset.done $0x0  }
0x53: {  	[sflag:s23] =	ssyncadd.s32 $0xFFFFFFB0  }
0x54: {  	_ =	swait.ge [sflag:s23], $0x50  }
0x55: {  	[sflag:s23] =	ssyncset.done $0x0  }
0x56: {  	[sflag:s23] =	ssyncadd.s32 $0xFFFFFFB0  }
0x57: {  	[tilespmem:s18], [sflag:$0x3] =	stream.indirect.gather [hbm4b:s4+s24], $0x80, s2, s24, $0xb8;
	[tilespmem:$0x18A80] =	vst v63  }
0x58: {  	_ =	swait.ge [sflag:s25], $0x50  }
0x59: {  	[sflag:s25] =	ssyncset.done $0x0  }
0x5a: {  	[sflag:s25] =	ssyncadd.s32 $0xFFFFFFB0  }
0x5b: {  	_ =	swait.ge [sflag:s25], $0x50  }
0x5c: {  	[sflag:s25] =	ssyncset.done $0x0  }
0x5d: {  	[sflag:s25] =	ssyncadd.s32 $0xFFFFFFB0  }
0x5e: {  	[tilespmem:s26], [sflag:$0x4] =	stream.indirect.gather [hbm4b:s4+s24], $0x80, s21, s24, $0xb8;
	[tilespmem:$0x18A80] =	vst v63  }
0x5f: {  	_ =	swait.ge [sflag:s28], $0x2800  }
0x60: {  	[sflag:s28] =	ssyncset.done $0x0  }
0x61: {  	[sflag:s28] =	ssyncadd.s32 $0xFFFFD800  }
0x62: {  	[spmem:s1] =	stream.indirect.scatter.add.f32 [tilespmem:s18], [sflag:$0x5], $0x80, s20, s24, $0xb8;
	[tilespmem:$0x18A80] =	vst v63  }
0x63: {  	_ =	swait.ge [sflag:s29], $0x2800  }
0x64: {  	[sflag:s29] =	ssyncset.done $0x0  }
0x65: {  	[sflag:s29] =	ssyncadd.s32 $0xFFFFD800  }
0x66: {  	[spmem:s1] =	stream.indirect.scatter.add.f32 [tilespmem:s26], [sflag:$0x6], $0x80, s22, s24, $0xb8;
	[tilespmem:$0x18A80] =	vst v63  }
.Ltmp2:
0x67: {  	_ =	swait.ge [sflag:s7], $0x2800;
	(pc) =	sbr.rel @p1 .LBB2_4-.Ltmp2, $4  }
0x68: {  	[sflag:s7] =	ssyncset.done $0x0  }
0x69: {  	[sflag:s7] =	ssyncadd.s32 $0xFFFFD800  }
0x6a: {  	_ =	swait.ge [sflag:s30], $0x2800  }
0x6b: {  	s12 =	smov.u32 s3;
	[sflag:s30] =	ssyncset.done $0x0  }
0x6c: {  	s3 =	sadd.s32 s0, s14;
	[sflag:s30] =	ssyncadd.s32 $0xFFFFD800  }
0x6d: {  	[tilespmem:s2], [sflag:$0x1] =	stream.linear.gather [hbm4b:s3+s2], $0x50, $0x38;
	[tilespmem:$0x18A80] =	vst v63  }
0x6e: {  	s10 =	sadd.s32 s0, s13  }
0x6f: {  	[tilespmem:s20], [sflag:$0x1] =	stream.linear.gather [hbm4b:s10+s2], $0x50, $0x38;
	[tilespmem:$0x18A80] =	vst v63  }
0x70: {  	s12 =	sadd.s32 s0, s16  }
0x71: {  	[tilespmem:s21], [sflag:$0x2] =	stream.linear.gather [hbm4b:s12+s2], $0x50, $0x38;
	[tilespmem:$0x18A80] =	vst v63  }
0x72: {  	s3 =	sadd.s32 s0, s15  }
0x73: {  	[tilespmem:s22], [sflag:$0x2] =	stream.linear.gather [hbm4b:s3+s2], $0x50, $0x38;
	[tilespmem:$0x18A80] =	vst v63  }
0x74: {  	_ =	swait.ge [sflag:s23], $0x50  }
0x75: {  	[sflag:s23] =	ssyncset.done $0x0  }
0x76: {  	[sflag:s23] =	ssyncadd.s32 $0xFFFFFFB0  }
0x77: {  	_ =	swait.ge [sflag:s23], $0x50  }
0x78: {  	[sflag:s23] =	ssyncset.done $0x0  }
0x79: {  	[sflag:s23] =	ssyncadd.s32 $0xFFFFFFB0  }
0x7a: {  	[tilespmem:s18], [sflag:$0x3] =	stream.indirect.gather [hbm4b:s4+s24], $0x80, s2, s24, $0xb8;
	[tilespmem:$0x18A80] =	vst v63  }
0x7b: {  	_ =	swait.ge [sflag:s25], $0x50  }
0x7c: {  	[sflag:s25] =	ssyncset.done $0x0  }
0x7d: {  	[sflag:s25] =	ssyncadd.s32 $0xFFFFFFB0  }
0x7e: {  	_ =	swait.ge [sflag:s25], $0x50  }
0x7f: {  	[sflag:s25] =	ssyncset.done $0x0  }
0x80: {  	[sflag:s25] =	ssyncadd.s32 $0xFFFFFFB0  }
0x81: {  	[tilespmem:s26], [sflag:$0x4] =	stream.indirect.gather [hbm4b:s4+s24], $0x80, s21, s24, $0xb8;
	[tilespmem:$0x18A80] =	vst v63  }
0x82: {  	_ =	swait.ge [sflag:s28], $0x2800  }
0x83: {  	[sflag:s28] =	ssyncset.done $0x0  }
0x84: {  	[sflag:s28] =	ssyncadd.s32 $0xFFFFD800  }
0x85: {  	[spmem:s1] =	stream.indirect.scatter.add.f32 [tilespmem:s18], [sflag:$0x5], $0x80, s20, s24, $0xb8;
	[tilespmem:$0x18A80] =	vst v63  }
0x86: {  	_ =	swait.ge [sflag:s29], $0x2800  }
0x87: {  	[sflag:s29] =	ssyncset.done $0x0  }
0x88: {  	[sflag:s29] =	ssyncadd.s32 $0xFFFFD800  }
0x89: {  	[spmem:s1] =	stream.indirect.scatter.add.f32 [tilespmem:s26], [sflag:$0x6], $0x80, s22, s24, $0xb8;
	[tilespmem:$0x18A80] =	vst v63  }
0x8a: {  	_ =	swait.ge [sflag:s7], $0x2800  }
0x8b: {  	[sflag:s7] =	ssyncset.done $0x0  }
0x8c: {  	[sflag:s7] =	ssyncadd.s32 $0xFFFFD800  }
0x8d: {  	_ =	swait.ge [sflag:s30], $0x2800  }
0x8e: {  	[sflag:s30] =	ssyncset.done $0x0  }
0x8f: {  	s9 =	rddreg [dreg:$0x4];
	[sflag:s30] =	ssyncadd.s32 $0xFFFFD800  }
0x90: {  	[tilespmem:s2], [sflag:$0x7] =	stream.linear.gather [hbm4b:s9+s2], $0x50, $0x38;
	[tilespmem:$0x18A80] =	vst v63  }
0x91: {  	_ =	swait.ge [sflag:s19], $0x50  }
0x92: {  	[sflag:s19] =	ssyncset.done $0x0  }
0x93: {  	s10 =	rddreg [dreg:$0x5];
	[sflag:s19] =	ssyncadd.s32 $0xFFFFFFB0  }
0x94: {  	[tilespmem:s20], [sflag:$0x7] =	stream.linear.gather [hbm4b:s10+s2], $0x50, $0x38;
	[tilespmem:$0x18A80] =	vst v63  }
0x95: {  	_ =	swait.ge [sflag:s19], $0x50  }
0x96: {  	[sflag:s19] =	ssyncset.done $0x0  }
0x97: {  	[sflag:s19] =	ssyncadd.s32 $0xFFFFFFB0  }
0x98: {  	[tilespmem:s18], [sflag:$0x3] =	stream.indirect.gather [hbm4b:s4+s24], $0x80, s2, s24, $0xb8;
	[tilespmem:$0x18A80] =	vst v63  }
0x99: {  	_ =	swait.ge [sflag:s28], $0x2800  }
0x9a: {  	[sflag:s28] =	ssyncset.done $0x0  }
0x9b: {  	[sflag:s28] =	ssyncadd.s32 $0xFFFFD800  }
0x9c: {  	[spmem:s1] =	stream.indirect.scatter.add.f32 [tilespmem:s18], [sflag:$0x7], $0x80, s20, s24, $0xb8;
	[tilespmem:$0x18A80] =	vst v63  }
0x9d: {  	_ =	swait.ge [sflag:s19], $0x2800  }
0x9e: {  	[sflag:s19] =	ssyncset.done $0x0  }
0x9f: {  	[sflag:s19] =	ssyncadd.s32 $0xFFFFD800  }
0xa0: {  	[bflag:$0x0] =	sbarrier.arrive $0xFFFF  }
0xa1: {  	[tilespmem:s18], [sflag:$0x7] =	stream.linear.gather [spmem:s5], $0x2800, $0x38;
	[tilespmem:$0x18A80] =	vst v63  }
0xa2: {  	_ =	swait.ge [sflag:s19], $0x2800  }
.Ltmp3:
0xa3: {  	s12 =	sshrl.u32 s17, $0x3;
	[sflag:s19] =	ssyncset.done $0x0;
	(pc) =	sbr.rel @!p0 .LBB2_7-.Ltmp3, $4  }
0xa4: {  	s0 =	sadd.s32 s6, s12;
	[sflag:s19] =	ssyncadd.s32 $0xFFFFD800  }
0xa5: {  	[hbm4b:s0+s2] =	stream.linear.scatter [tilespmem:s18], [sflag:$0x7], $0x2800, $0x38;
	[tilespmem:$0x18A80] =	vst v63  }
0xa6: {  	s12 =	smov.u32 s5;
	_ =	swait.ge [sflag:s19], $0x2800  }
0xa7: {  	s3 =	smov.u32 s17;
	s0 =	sadd.s32 $0xFFFFFFFF, s8;
	[sflag:s19] =	ssyncset.done $0x0  }
.LBB2_6:
0xa8: {  	[sflag:s19] =	ssyncadd.s32 $0xFFFFD800;
	s3 =	sadd.s32 $0x2800, s3;
	s12 =	sadd.s32 $0x2800, s12  }
0xa9: {  	[tilespmem:s18], [sflag:$0x7] =	stream.linear.gather [spmem:s12], $0x2800, $0x38;
	[tilespmem:$0x18A80] =	vst v63  }
0xaa: {  	p0 =	sne.s32 s0, $0x1;
	s0 =	sadd.s32 $0xFFFFFFFF, s0;
	_ =	swait.ge [sflag:s19], $0x2800  }
.Ltmp4:
0xab: {  	s9 =	sshrl.u32 s3, $0x3;
	[sflag:s19] =	ssyncset.done $0x0;
	(pc) =	sbr.rel @p0 .LBB2_6-.Ltmp4, $4  }
0xac: {  	s9 =	sadd.s32 s6, s9;
	[sflag:s19] =	ssyncadd.s32 $0xFFFFD800  }
0xad: {  	[hbm4b:s9+s2] =	stream.linear.scatter [tilespmem:s18], [sflag:$0x7], $0x2800, $0x38;
	[tilespmem:$0x18A80] =	vst v63  }
0xae: {  	_ =	swait.ge [sflag:s19], $0x2800  }
0xaf: {  	[sflag:s19] =	ssyncset.done $0x0  }
.LBB2_7:
0xb0: {  	s31 =	sadd.s32 $0x1, s31  }
0xb1: {  	p0 =	sne.s32 s31, s11  }
.Ltmp5:
0xb2: {  	_ = 	snop;
	(pc) =	sbr.rel @p0 .LBB2_1-.Ltmp5, $2  }
0xb3: {  	_ =	sdelay $0x2  }
0xb4: {  	[sflag:s19] =	ssyncadd.s32 $0xFFFFD800  }
0xb5: {  	_ =	sfence.sel $0x180000  }
0xb6: {  	[bflag:$0x0] =	sbarrier.arrive $0xFFFF  }
0xb7: {  	_ =	strace $0x90000050  }
0xb8: {  	s0 =	stileid.u32;
	[bflag:$0x2] =	sbarrier.arrive $0xFFFF  }
0xb9: {  	p0 =	sne.s32 s0, $0x0;
	s0 =	rddreg [dreg:$0x2]  }
0xba: {  	s0 =	sadd.s32 @!p0 $0x100000, s0  }
0xbb: {  	[sflag:s0] =	ssyncadd.tile.s32 @!p0 $0x1;
	_ =	shalt  }
.Lfunc_end2:
_tile_overlayer_lowered:
.L_overlay_start_2:
0xbc: {  	(tag) =	ssettag $0x2  }
0xbd: {  	s0 =	rddreg [dreg:$0x0];
	s2 =	stileid.u32  }
0xbe: {  	s1 =	rddreg [dreg:$0x1];
	p0 =	sne.s32 s2, $0x0  }
0xbf: {  	s3 =	rddreg [dreg:$0x2];
	[bflag:$0x3] =	sbarrier.arrive $0xFFFF;
	s2 =	simm.s32 @!p0 $0x1C07  }
0xc0: {  	[timem:s3], [sflag:s2] =	dma.local @!p0 [hbm:s0], s1  }
0xc1: {  	s0 =	simm.s32 @!p0 $0x7  }
0xc2: {  	_ =	swait.ge @!p0 [sflag:s0], s1  }
0xc3: {  	s1 =	ssub.s32 @!p0 $0x0, s1;
	[sflag:s0] =	ssyncset.done @!p0 $0x0  }
0xc4: {  	[sflag:s0] =	ssyncadd.s32 @!p0 s1  }
0xc5: {  	[bflag:$0x3] =	sbarrier.arrive $0xFFFF  }
0xc6: {  	_ =	shalt  }

// kernel: kernel.21.cloned.1.call-start
scs
__scs_entry_jumppad:
0x0: {  	(pc) =	sbr.rel $0x88, $3  }
0x1: {  	(tag) =	ssettag $0x0;
	lr =	simm.s32 $0x1  }
0x2: {  	[smem:$0x3F94] =	sst lr;
	_ =	strace $0xD0000000  }
0x3: {  	_ = 	snop  }
0x4: {  	_ = 	snop  }
0x5: {  	_ = 	snop  }
0x6: {  	_ = 	snop  }
0x7: {  	_ = 	snop  }
__scs_overlays_trampoline_lowered:
0x8: {  	[smem:$0x3FA3] =	sst s0  }
0x9: {  	[smem:$0x3FA4] =	sst s1  }
0xa: {  	[smem:$0x3FA5] =	sst s2  }
0xb: {  	[smem:$0x3FA6] =	sst s3  }
0xc: {  	[smem:$0x3FA7] =	sst s4  }
0xd: {  	[smem:$0x3FA8] =	sst s5  }
0xe: {  	[smem:$0x3FA9] =	sst s6  }
0xf: {  	[smem:$0x3FAA] =	sst s7  }
0x10: {  	[smem:$0x3FAB] =	sst s8  }
0x11: {  	[smem:$0x3FAC] =	sst s9;
	s0 =	simm.s32 @!p0 $0x0  }
0x12: {  	s1 =	sld [smem:$0x3F92];
	s0 =	simm.s32 @p0 $0x1  }
0x13: {  	[smem:$0x3FAD] =	sst s0;
	s0 =	simm.s32 @!p1 $0x0  }
0x14: {  	s2 =	sld [smem:$0x3F91];
	s0 =	simm.s32 @p1 $0x1  }
0x15: {  	[smem:$0x3FAE] =	sst s0;
	s0 =	simm.s32 @!p2 $0x0  }
0x16: {  	s3 =	sld [smem:$0x3FDB];
	s0 =	simm.s32 @p2 $0x1  }
0x17: {  	s4 =	simm.s32 $0x1BF5;
	[smem:$0x3FB0] =	sst s0  }
0x18: {  	s0 =	sld [smem:$0x3F93];
	_ =	swait.ge [sflag:s4], $0x0  }
0x19: {  	s7 =	sld [smem:$0x3F94]  }
0x1a: {  	s8 =	sadd.s32 $0xFFFFE003, lr  }
0x1b: {  	s9 =	sadd.s32 $0xFFFFFEF7, lr;
	s5 =	simm.s32 $0xFFFFFFFF;
	p2 =	slt.u32 s8, $0xFFFFF086  }
0x1c: {  	p1 =	slt.u32 s9, $0xF7A;
	s5 =	simm.s32 @!p2 $0x0  }
0x1d: {  	s5 =	simm.s32 @p1 $0x1;
	p0 =	seq.s32 s7, s2  }
0x1e: {  	s7 =	smul.u32 @!p0 $0xF7A, s2;
	p2 =	seq.s32 @!p0 s5, $0x0  }
0x1f: {  	s9 =	smul.u32 $0xF7A, s1;
	s8 =	simm.s32 @!p0 $0x1BF5;
	p2 =	por !p2, p0  }
0x20: {  	[sflag:s8] =	ssyncset.s32 @!p0 $0xFFFFF086;
	s6 =	sadd.s32 @!p0 s3, s7;
	s7 =	simm.s32 @!p0 $0x108  }
0x21: {  	s3 =	sadd.s32 s3, s9;
	s6 =	sadd.s32 @!p0 $0x88, s6;
	s7 =	simm.s32 @p2 $0x1082  }
0x22: {  	[simem:s7], [sflag:s8] =	dma.local @!p0 [hbm:s6], $0xF7A  }
0x23: {  	s9 =	sor.u32 $0xD0000000, s2;
	s6 =	simm.s32 $0x108;
	_ =	swait.ge @!p0 [sflag:s8], $0x0  }
0x24: {  	s3 =	sadd.s32 $0x88, s3;
	s6 =	simm.s32 @!p1 $0x1082;
	[sflag:s4] =	ssyncset.s32 $0xFFFFF086  }
0x25: {  	[simem:s6], [sflag:s4] =	dma.local [hbm:s3], $0xF7A  }
0x26: {  	[smem:$0x3F94] =	sst s1;
	(tag) =	ssettag s2;
	_ =	strace s9  }
0x27: {  	s1 =	sld [smem:$0x3FA4]  }
0x28: {  	s2 =	sld [smem:$0x3FA5]  }
0x29: {  	s4 =	sld [smem:$0x3FA7]  }
0x2a: {  	p0 =	seq.s32 s5, $0x0;
	s5 =	sld [smem:$0x3FA8]  }
0x2b: {  	s6 =	sld [smem:$0x3FA9]  }
0x2c: {  	s7 =	sld [smem:$0x3FAA]  }
0x2d: {  	s3 =	simm.s32 $0x108;
	s8 =	sld [smem:$0x3FAB]  }
0x2e: {  	s3 =	simm.s32 @!p0 $0x1082;
	s9 =	sld [smem:$0x3FAC]  }
0x2f: {  	lr =	sadd.s32 s0, s3;
	s0 =	sld [smem:$0x3FA3]  }
0x30: {  	s3 =	sld [smem:$0x3FA6]  }
0x31: {  	[smem:$0x3FAF] =	sst s10  }
0x32: {  	s10 =	sld [smem:$0x3FAD];
	_ =	sdelay $0x3  }
0x33: {  	p0 =	seq.s32 s10, $0x1;
	s10 =	sld [smem:$0x3FAF];
	_ =	sdelay $0x3  }
0x34: {  	[smem:$0x3FAF] =	sst s10  }
0x35: {  	s10 =	sld [smem:$0x3FAE];
	_ =	sdelay $0x3  }
0x36: {  	p1 =	seq.s32 s10, $0x1;
	s10 =	sld [smem:$0x3FAF];
	_ =	sdelay $0x3  }
0x37: {  	[smem:$0x3FAF] =	sst s10  }
0x38: {  	s10 =	sld [smem:$0x3FB0]  }
0x39: {  	_ = 	snop;
	(pc) =	sbr.ind lr, $3  }
0x3a: {  	_ = 	snop  }
0x3b: {  	_ = 	snop  }
0x3c: {  	p2 =	seq.s32 s10, $0x1;
	s10 =	sld [smem:$0x3FAF]  }
0x3d: {  	_ =	shalt  }
0x3e: {  	_ =	shalt  }
0x3f: {  	_ =	shalt  }
0x40: {  	_ =	shalt  }
0x41: {  	_ =	shalt  }
0x42: {  	_ =	shalt  }
0x43: {  	_ =	shalt  }
0x44: {  	_ =	shalt  }
0x45: {  	_ =	shalt  }
0x46: {  	_ =	shalt  }
0x47: {  	_ =	shalt  }
0x48: {  	_ =	shalt  }
0x49: {  	_ =	shalt  }
0x4a: {  	_ =	shalt  }
0x4b: {  	_ =	shalt  }
0x4c: {  	_ =	shalt  }
0x4d: {  	_ =	shalt  }
0x4e: {  	_ =	shalt  }
0x4f: {  	_ =	shalt  }
0x50: {  	_ =	shalt  }
0x51: {  	_ =	shalt  }
0x52: {  	_ =	shalt  }
0x53: {  	_ =	shalt  }
0x54: {  	_ =	shalt  }
0x55: {  	_ =	shalt  }
0x56: {  	_ =	shalt  }
0x57: {  	_ =	shalt  }
0x58: {  	_ =	shalt  }
0x59: {  	_ =	shalt  }
0x5a: {  	_ =	shalt  }
0x5b: {  	_ =	shalt  }
0x5c: {  	_ =	shalt  }
0x5d: {  	_ =	shalt  }
0x5e: {  	_ =	shalt  }
0x5f: {  	_ =	shalt  }
0x60: {  	_ =	shalt  }
0x61: {  	_ =	shalt  }
0x62: {  	_ =	shalt  }
0x63: {  	_ =	shalt  }
0x64: {  	_ =	shalt  }
0x65: {  	_ =	shalt  }
0x66: {  	_ =	shalt  }
0x67: {  	_ =	shalt  }
0x68: {  	_ =	shalt  }
0x69: {  	_ =	shalt  }
0x6a: {  	_ =	shalt  }
0x6b: {  	_ =	shalt  }
0x6c: {  	_ =	shalt  }
0x6d: {  	_ =	shalt  }
0x6e: {  	_ =	shalt  }
0x6f: {  	_ =	shalt  }
0x70: {  	_ =	shalt  }
0x71: {  	_ =	shalt  }
0x72: {  	_ =	shalt  }
0x73: {  	_ =	shalt  }
0x74: {  	_ =	shalt  }
0x75: {  	_ =	shalt  }
0x76: {  	_ =	shalt  }
0x77: {  	_ =	shalt  }
0x78: {  	_ =	shalt  }
0x79: {  	_ =	shalt  }
0x7a: {  	_ =	shalt  }
0x7b: {  	_ =	shalt  }
0x7c: {  	_ =	shalt  }
0x7d: {  	_ =	shalt  }
0x7e: {  	_ =	shalt  }
0x7f: {  	_ =	shalt  }
0x80: {  	_ =	shalt  }
0x81: {  	_ =	shalt  }
0x82: {  	_ =	shalt  }
0x83: {  	_ =	shalt  }
0x84: {  	_ =	shalt  }
0x85: {  	_ =	shalt  }
0x86: {  	_ =	shalt  }
0x87: {  	_ =	shalt  }
.Lfunc_end0:
.L_simem_size_0:
called_computation.3_lowered:
.L_overlay_start_0:
0x88: {  	s2 =	sld [smem:$0x3FD9]  }
0x89: {  	s3 =	sld [smem:$0x3FFE];
	_ =	sdelay $0x1  }
0x8a: {  	s1 =	srdreg.scid  }
0x8b: {  	s0 =	sand.u32 $0x1, s1  }
0x8c: {  	s17 =	sshll.u32 s0, $0xA;
	s2 =	sadd.s32 s3, s2  }
0x8d: {  	s2 =	sadd.s32 s2, s17  }
0x8e: {  	[smem:$0x3FBB] =	sst s2  }
0x8f: {  	_ = 	snop  }
0x90: {  	(tm) =	ssettm $0x1  }
0x91: {  	s18 =	sld [smem:$0x3FFB];
	_ =	sdelay $0x3  }
0x92: {  	_ =	strace s18  }
0x93: {  	s2 =	sld [smem:$0x3FFC];
	_ =	sdelay $0x3  }
0x94: {  	_ =	strace s2  }
0x95: {  	s2 =	sld [smem:$0x3FFD];
	_ =	sdelay $0x3  }
0x96: {  	_ =	strace s2  }
0x97: {  	_ =	strace $0x8FFFFFFF  }
0x98: {  	s19 =	sld [smem:$0x3FDB];
	_ =	sdelay $0x1  }
0x99: {  	s20 =	simm.s32 $_scs_section_size  }
0x9a: {  	s4 =	simm.s32 $_size__tile_overlayer_lowered;
	s5 =	simm.s32 $_tile_overlayer_lowered  }
0x9b: {  	s6 =	simm.s32 $0x1BFF;
	s21 =	sshll.u32 s5, $0x1;
	s3 =	sadd.s32 s20, s19  }
0x9c: {  	s22 =	simm.s32 $0x0;
	s4 =	sshll.u32 s4, $0x1;
	s5 =	sadd.s32 s21, s3  }
0x9d: {  	[timem:s22], [sflag:s6] =	dma.local [hbm:s5], s4  }
0x9e: {  	_ =	swait.ge [sflag:s6], s4  }
0x9f: {  	s4 =	ssub.s32 $0x0, s4;
	[sflag:s6] =	ssyncset.done $0x0  }
0xa0: {  	[sflag:s6] =	ssyncadd.s32 s4;
	_ =	sdelay $0x1  }
0xa1: {  	s23 =	simm.s32 $0x1B8B  }
0xa2: {  	_ =	swait.ge [sflag:s23], $0x1  }
0xa3: {  	[sflag:s23] =	ssyncset.done $0x0  }
0xa4: {  	[sflag:s23] =	ssyncadd.s32 $0xFFFFFFFF  }
0xa5: {  	s4 =	sld [smem:$0x0]  }
0xa6: {  	s5 =	sand.u32 $0xFFFFFFFE, s1  }
0xa7: {  	p0 =	sne.s32 s1, s5  }
0xa8: {  	s5 =	sshll.u32 @p0 s5, $0xE  }
0xa9: {  	s5 =	sadd.s32 @p0 $0x11B8D, s5;
	s6 =	sshll.u32 @p0 s4, $0x11  }
0xaa: {  	s5 =	sor.u32 @p0 s6, s5  }
0xab: {  	[sflag:s5] =	ssyncadd.remote.s32 @p0 $0x1;
	_ =	sdelay $0x1  }
0xac: {  	s5 =	simm.s32 @p0 $0x1B8D  }
0xad: {  	_ =	swait.eq @p0 [sflag:s5], $0x1  }
0xae: {  	[sflag:s5] =	ssyncadd.s32 @p0 $0xFFFFFFFF  }
0xaf: {  	s6 =	sshll.u32 @!p0 s1, $0xE  }
0xb0: {  	s6 =	sor.u32 @!p0 $0x4000, s6;
	s5 =	simm.s32 @!p0 $0x1B8D  }
0xb1: {  	s4 =	sshll.u32 @!p0 s4, $0x11;
	s6 =	sadd.s32 @!p0 $0x11B8D, s6;
	_ =	swait.eq @!p0 [sflag:s5], $0x1  }
0xb2: {  	s4 =	sor.u32 @!p0 s4, s6;
	[sflag:s5] =	ssyncadd.s32 @!p0 $0xFFFFFFFF  }
0xb3: {  	s25 =	simm.s32 $0x1B8E;
	s24 =	sld [smem:$0x3FFE];
	[sflag:s4] =	ssyncadd.remote.s32 @!p0 $0x1  }
0xb4: {  	s26 =	simm.s32 $execute0_lowered;
	[smem:$0x3FD2] =	sst s25  }
0xb5: {  	s5 =	sshll.u32 s26, $0x1;
	_ =	strace $0x8000004C;
	[dreg:$0x1] =	wrdreg $0xFFFFFFFF  }
0xb6: {  	s28 =	simm.s32 $_size_execute0_lowered;
	s3 =	sadd.s32 s3, s5;
	[dreg:$0x0] =	wrdreg $0x0  }
0xb7: {  	s5 =	sshll.u32 s28, $0x1;
	[dreg:$0x2] =	wrdreg s3  }
0xb8: {  	[dreg:$0x3] =	wrdreg s5  }
0xb9: {  	[dreg:$0x4] =	wrdreg $0xC0  }
0xba: {  	_ =	task [dreg:s22], $0x5FFFF  }
0xbb: {  	[dreg:$0x1] =	wrdreg $0xFFFFFFFF  }
0xbc: {  	[dreg:$0x0] =	wrdreg $0x60  }
0xbd: {  	[dreg:$0x2] =	wrdreg s24  }
0xbe: {  	[dreg:$0x3] =	wrdreg $0x2A000  }
0xbf: {  	[dreg:$0x4] =	wrdreg $0x9  }
0xc0: {  	_ =	task.clear_ibuf [dreg:s22], $0x5FFFF;
	_ =	strace $0x9000004C  }
0xc1: {  	s29 =	simm.s32 $0x9;
	_ =	strace $0x8000004E  }
0xc2: {  	_ =	swait.ge [sflag:s29], $0x1  }
0xc3: {  	[sflag:s29] =	ssyncadd.s32 $0xFFFFFFFF  }
0xc4: {  	_ =	strace $0x9000004E  }
0xc5: {  	_ =	sfence  }
0xc6: {  	s30 =	sld [smem:$0x0];
	_ =	sdelay $0x2  }
0xc7: {  	s31 =	sshll.u32 s1, $0xD;
	s1 =	sshrl.u32 s1, $0x2  }
0xc8: {  	s4 =	sand.u32 $0x4000, s31;
	s1 =	sadd.s32 s1, s30  }
0xc9: {  	s0 =	sor.u32 s4, s0;
	s1 =	sshll.u32 s1, $0x11  }
0xca: {  	s0 =	sor.u32 s1, s0  }
0xcb: {  	s0 =	sadd.s32 $0x8F2B, s0  }
0xcc: {  	[sflag:s0] =	ssyncadd.remote.s32 $0x1  }
0xcd: {  	_ =	sfence.sel $0xFFFF  }
0xce: {  	[dreg:$0x0] =	wrdreg $0xFFFFFFFF;
	(pc) =	sbr.abs _section_cstart, $3  }
0xcf: {  	[dreg:$0x1] =	wrdreg $0xFFFFFFFF  }
0xd0: {  	_ =	task.clear_ibuf [dreg:s22], $0x2FFFF;
	_ =	strace $0x9FFFFFFF  }
0xd1: {  	(tm) =	ssettm $0x7FFFFFFF  }
tec
execute0_lowered:
.L_overlay_start_1:
0x0: {  	(tag) =	ssettag $0x1  }
0x1: {  	s0 =	rddreg [dreg:$0x0]  }
0x2: {  	s1 =	rddreg [dreg:$0x1];
	s2 =	simm.s32 $0x0  }
0x3: {  	s3 =	srdreg.scid;
	s5 =	stileid.u32;
	s28 =	simm.s32 $0x6  }
0x4: {  	s29 =	simm.s32 $0x7;
	s30 =	simm.s32 $0x8;
	s31 =	simm.s32 $0x0  }
0x5: {  	[smem:$0x7FF] =	sst s2;
	s11 =	sadd.s32 $0xD0200, s0;
	s3 =	sand.u32 $0x1, s3  }
0x6: {  	s4 =	sadd.s32 $0x33200, s0;
	s6 =	sshll.u32 s5, $0x1;
	s10 =	smul.u32 $0x4E20, s5  }
0x7: {  	s7 =	sadd.s32 $0x81A00, s0;
	p0 =	seq.s32 s5, $0xF;
	s13 =	smul.u32 $0x50000, s5  }
0x8: {  	s17 =	smul.u32 $0x14000, s5;
	_ =	strace $0x8000004D;
	[dreg:$0x3] =	wrdreg s4  }
0x9: {  	s18 =	ssub.s32 $0x2, s3;
	[dreg:$0x4] =	wrdreg s7;
	s12 =	smul.u32 $0x2710, s3  }
0xa: {  	s8 =	sor.u32 s3, s6;
	s6 =	sadd.s32 $0xE3E00, s0;
	s3 =	smul.u32 $0x138800, s3  }
0xb: {  	s7 =	simm.s32 $0x5;
	s19 =	sshrl.u32 s18, $0x1;
	s21 =	smul.u32 $0x2710, s8  }
0xc: {  	s8 =	simm.s32 $0x5;
	s22 =	sshrl.u32 s13, $0x2;
	s20 =	ssub.s32 s18, s19  }
0xd: {  	s8 =	simm.s32 @!p0 $0x8;
	s14 =	sadd.s32 s12, s10;
	s18 =	simm.s32 $0x9  }
0xe: {  	s19 =	simm.s32 $0x80;
	s4 =	sshrl.u32 s21, $0x3;
	s10 =	smax.u32 s20, $0x1  }
0xf: {  	s12 =	sadd.s32 $0xF0, s14;
	s24 =	sadd.s32 $0xA0, s14;
	s26 =	sadd.s32 $0x50, s14  }
0x10: {  	s16 =	sshrl.u32 s14, $0x3;
	s20 =	simm.s32 $0x100;
	s21 =	simm.s32 $0x180  }
0x11: {  	s4 =	sadd.s32 s11, s4;
	s23 =	sshrl.u32 s12, $0x3;
	s25 =	sshrl.u32 s24, $0x3  }
0x12: {  	s15 =	sshrl.u32 s26, $0x3;
	s24 =	simm.s32 $0x2;
	s26 =	simm.s32 $0x4  }
0x13: {  	s4 =	sadd.s32 $0x4D8, s4;
	s12 =	sadd.s32 s23, s11;
	s13 =	sadd.s32 s25, s11  }
0x14: {  	s14 =	sadd.s32 s15, s11;
	s15 =	sadd.s32 s16, s11;
	s16 =	sadd.s32 s17, s3  }
0x15: {  	s17 =	simm.s32 $0x200;
	s23 =	simm.s32 $0x50;
	s25 =	simm.s32 $0x3  }
0x16: {  	[dreg:$0x5] =	wrdreg s4;
	s4 =	sadd.s32 s22, s1;
	s22 =	simm.s32 $0x1  }
.LBB2_1:
0x17: {  	s0 =	rddreg [dreg:$0x3]  }
0x18: {  	[tilespmem:s17], [sflag:$0x9] =	stream.linear.gather [hbm4b:s0+s2], $0x2800, $0x38;
	[tilespmem:$0x16280] =	vst v63  }
0x19: {  	p0 =	sne.s32 s8, $0x1;
	_ =	swait.ge [sflag:s18], $0x2800  }
.Ltmp0:
0x1a: {  	[sflag:s18] =	ssyncset.done $0x0;
	(pc) =	sbr.rel @!p0 .LBB2_3-.Ltmp0, $4  }
0x1b: {  	[sflag:s18] =	ssyncadd.s32 $0xFFFFD800  }
0x1c: {  	[spmem:s4] =	stream.linear.scatter [tilespmem:s17], [sflag:$0x9], $0x2800, $0x38;
	[tilespmem:$0x16280] =	vst v63  }
0x1d: {  	_ =	swait.ge [sflag:s18], $0x2800  }
0x1e: {  	s3 =	smov.u32 s4;
	s0 =	sadd.s32 $0xFFFFFFFF, s8;
	[sflag:s18] =	ssyncset.done $0x0  }
.LBB2_2:
0x1f: {  	p1 =	sne.s32 s0, $0x1;
	[sflag:s18] =	ssyncadd.s32 $0xFFFFD800;
	s3 =	sadd.s32 $0x2800, s3  }
.Ltmp1:
0x20: {  	s0 =	sadd.s32 $0xFFFFFFFF, s0;
	(pc) =	sbr.rel @p1 .LBB2_2-.Ltmp1, $4  }
0x21: {  	_ = 	snop  }
0x22: {  	[spmem:s3] =	stream.linear.scatter [tilespmem:s17], [sflag:$0x9], $0x2800, $0x38;
	[tilespmem:$0x16280] =	vst v63  }
0x23: {  	_ =	swait.ge [sflag:s18], $0x2800  }
0x24: {  	[sflag:s18] =	ssyncset.done $0x0  }
.LBB2_3:
0x25: {  	[sflag:s18] =	ssyncadd.s32 $0xFFFFD800;
	s0 =	simm.s32 $0x0;
	s3 =	rddreg [dreg:$0x4]  }
0x26: {  	[tilespmem:s17], [sflag:$0x9] =	stream.linear.gather [hbm4b:s3+s0], $0x2800, $0x38;
	[tilespmem:$0x16280] =	vst v63  }
0x27: {  	_ =	swait.ge [sflag:s18], $0x2800  }
0x28: {  	[sflag:s18] =	ssyncset.done $0x0  }
0x29: {  	[sflag:s18] =	ssyncadd.s32 $0xFFFFD800  }
0x2a: {  	s3 =	sadd.s32 $0x0, s15;
	[bflag:$0x0] =	sbarrier.arrive $0xFFFF  }
0x2b: {  	[tilespmem:s2], [sflag:$0x1] =	stream.linear.gather [hbm4b:s3+s2], $0x50, $0x38;
	[tilespmem:$0x16280] =	vst v63  }
0x2c: {  	s5 =	sadd.s32 $0x0, s14  }
0x2d: {  	[tilespmem:s19], [sflag:$0x2] =	stream.linear.gather [hbm4b:s5+s2], $0x50, $0x38;
	[tilespmem:$0x16280] =	vst v63  }
0x2e: {  	s9 =	sadd.s32 $0x0, s13  }
0x2f: {  	[tilespmem:s20], [sflag:$0x3] =	stream.linear.gather [hbm4b:s9+s2], $0x50, $0x38;
	[tilespmem:$0x16280] =	vst v63  }
0x30: {  	s11 =	sadd.s32 $0x0, s12  }
0x31: {  	[tilespmem:s21], [sflag:$0x4] =	stream.linear.gather [hbm4b:s11+s2], $0x50, $0x38;
	[tilespmem:$0x16280] =	vst v63  }
0x32: {  	_ =	swait.ge [sflag:s22], $0x50  }
0x33: {  	[sflag:s22] =	ssyncset.done $0x0  }
0x34: {  	[sflag:s22] =	ssyncadd.s32 $0xFFFFFFB0  }
0x35: {  	[spmem:s1] =	stream.indirect.scatter.add.f32 [tilespmem:s17], [sflag:$0x5], $0x80, s2, s23, $0xb8;
	[tilespmem:$0x16280] =	vst v63  }
0x36: {  	_ =	swait.ge [sflag:s24], $0x50  }
0x37: {  	[sflag:s24] =	ssyncset.done $0x0  }
0x38: {  	[sflag:s24] =	ssyncadd.s32 $0xFFFFFFB0  }
0x39: {  	[spmem:s1] =	stream.indirect.scatter.add.f32 [tilespmem:s17], [sflag:$0x6], $0x80, s19, s23, $0xb8;
	[tilespmem:$0x16280] =	vst v63  }
0x3a: {  	_ =	swait.ge [sflag:s25], $0x50  }
0x3b: {  	[sflag:s25] =	ssyncset.done $0x0  }
0x3c: {  	[sflag:s25] =	ssyncadd.s32 $0xFFFFFFB0  }
0x3d: {  	[spmem:s1] =	stream.indirect.scatter.add.f32 [tilespmem:s17], [sflag:$0x7], $0x80, s20, s23, $0xb8;
	[tilespmem:$0x16280] =	vst v63  }
0x3e: {  	_ =	swait.ge [sflag:s26], $0x50  }
0x3f: {  	[sflag:s26] =	ssyncset.done $0x0  }
0x40: {  	[sflag:s26] =	ssyncadd.s32 $0xFFFFFFB0  }
0x41: {  	[spmem:s1] =	stream.indirect.scatter.add.f32 [tilespmem:s17], [sflag:$0x8], $0x80, s21, s23, $0xb8;
	[tilespmem:$0x16280] =	vst v63  }
0x42: {  	_ =	swait.ge [sflag:s7], $0x2800  }
0x43: {  	[sflag:s7] =	ssyncset.done $0x0  }
0x44: {  	[sflag:s7] =	ssyncadd.s32 $0xFFFFD800  }
0x45: {  	_ =	swait.ge [sflag:s28], $0x2800  }
0x46: {  	[sflag:s28] =	ssyncset.done $0x0  }
0x47: {  	[sflag:s28] =	ssyncadd.s32 $0xFFFFD800  }
0x48: {  	_ =	swait.ge [sflag:s29], $0x2800  }
0x49: {  	[sflag:s29] =	ssyncset.done $0x0  }
0x4a: {  	[sflag:s29] =	ssyncadd.s32 $0xFFFFD800  }
0x4b: {  	_ =	swait.ge [sflag:s30], $0x2800  }
0x4c: {  	s0 =	simm.s32 $0x28;
	s11 =	simm.s32 $0x50;
	[sflag:s30] =	ssyncset.done $0x0  }
.LBB2_4:
0x4d: {  	s5 =	sadd.s32 s0, s15  }
0x4e: {  	[sflag:s30] =	ssyncadd.s32 $0xFFFFD800;
	s9 =	smov.u32 s11;
	s3 =	sadd.s32 $0x28, s11  }
0x4f: {  	[tilespmem:s2], [sflag:$0x1] =	stream.linear.gather [hbm4b:s5+s2], $0x50, $0x38;
	[tilespmem:$0x16280] =	vst v63  }
0x50: {  	p1 =	sne.s32 s11, $0x4B0;
	s5 =	sadd.s32 s0, s14  }
0x51: {  	[tilespmem:s19], [sflag:$0x2] =	stream.linear.gather [hbm4b:s5+s2], $0x50, $0x38;
	[tilespmem:$0x16280] =	vst v63  }
0x52: {  	s5 =	sadd.s32 s0, s13  }
0x53: {  	[tilespmem:s20], [sflag:$0x3] =	stream.linear.gather [hbm4b:s5+s2], $0x50, $0x38;
	[tilespmem:$0x16280] =	vst v63  }
0x54: {  	s5 =	sadd.s32 s0, s12;
	s0 =	smov.u32 s9  }
0x55: {  	[tilespmem:s21], [sflag:$0x4] =	stream.linear.gather [hbm4b:s5+s2], $0x50, $0x38;
	[tilespmem:$0x16280] =	vst v63  }
0x56: {  	_ =	swait.ge [sflag:s22], $0x50  }
0x57: {  	[sflag:s22] =	ssyncset.done $0x0  }
0x58: {  	[sflag:s22] =	ssyncadd.s32 $0xFFFFFFB0  }
0x59: {  	[spmem:s1] =	stream.indirect.scatter.add.f32 [tilespmem:s17], [sflag:$0x5], $0x80, s2, s23, $0xb8;
	[tilespmem:$0x16280] =	vst v63  }
0x5a: {  	_ =	swait.ge [sflag:s24], $0x50  }
0x5b: {  	[sflag:s24] =	ssyncset.done $0x0  }
0x5c: {  	[sflag:s24] =	ssyncadd.s32 $0xFFFFFFB0  }
0x5d: {  	[spmem:s1] =	stream.indirect.scatter.add.f32 [tilespmem:s17], [sflag:$0x6], $0x80, s19, s23, $0xb8;
	[tilespmem:$0x16280] =	vst v63  }
0x5e: {  	_ =	swait.ge [sflag:s25], $0x50  }
0x5f: {  	[sflag:s25] =	ssyncset.done $0x0  }
0x60: {  	[sflag:s25] =	ssyncadd.s32 $0xFFFFFFB0  }
0x61: {  	[spmem:s1] =	stream.indirect.scatter.add.f32 [tilespmem:s17], [sflag:$0x7], $0x80, s20, s23, $0xb8;
	[tilespmem:$0x16280] =	vst v63  }
0x62: {  	_ =	swait.ge [sflag:s26], $0x50  }
0x63: {  	[sflag:s26] =	ssyncset.done $0x0  }
0x64: {  	[sflag:s26] =	ssyncadd.s32 $0xFFFFFFB0  }
0x65: {  	[spmem:s1] =	stream.indirect.scatter.add.f32 [tilespmem:s17], [sflag:$0x8], $0x80, s21, s23, $0xb8;
	[tilespmem:$0x16280] =	vst v63  }
0x66: {  	_ =	swait.ge [sflag:s7], $0x2800  }
0x67: {  	[sflag:s7] =	ssyncset.done $0x0  }
0x68: {  	[sflag:s7] =	ssyncadd.s32 $0xFFFFD800  }
0x69: {  	_ =	swait.ge [sflag:s28], $0x2800  }
0x6a: {  	[sflag:s28] =	ssyncset.done $0x0  }
0x6b: {  	[sflag:s28] =	ssyncadd.s32 $0xFFFFD800  }
.Ltmp2:
0x6c: {  	_ =	swait.ge [sflag:s29], $0x2800;
	(pc) =	sbr.rel @p1 .LBB2_4-.Ltmp2, $4  }
0x6d: {  	[sflag:s29] =	ssyncset.done $0x0  }
0x6e: {  	[sflag:s29] =	ssyncadd.s32 $0xFFFFD800  }
0x6f: {  	_ =	swait.ge [sflag:s30], $0x2800  }
0x70: {  	s11 =	smov.u32 s3;
	[sflag:s30] =	ssyncset.done $0x0  }
0x71: {  	s3 =	sadd.s32 s0, s15;
	[sflag:s30] =	ssyncadd.s32 $0xFFFFD800  }
0x72: {  	[tilespmem:s2], [sflag:$0x1] =	stream.linear.gather [hbm4b:s3+s2], $0x50, $0x38;
	[tilespmem:$0x16280] =	vst v63  }
0x73: {  	s9 =	sadd.s32 s0, s14  }
0x74: {  	[tilespmem:s19], [sflag:$0x2] =	stream.linear.gather [hbm4b:s9+s2], $0x50, $0x38;
	[tilespmem:$0x16280] =	vst v63  }
0x75: {  	s11 =	sadd.s32 s0, s13  }
0x76: {  	[tilespmem:s20], [sflag:$0x3] =	stream.linear.gather [hbm4b:s11+s2], $0x50, $0x38;
	[tilespmem:$0x16280] =	vst v63  }
0x77: {  	s5 =	sadd.s32 s0, s12  }
0x78: {  	[tilespmem:s21], [sflag:$0x4] =	stream.linear.gather [hbm4b:s5+s2], $0x50, $0x38;
	[tilespmem:$0x16280] =	vst v63  }
0x79: {  	_ =	swait.ge [sflag:s22], $0x50  }
0x7a: {  	[sflag:s22] =	ssyncset.done $0x0  }
0x7b: {  	[sflag:s22] =	ssyncadd.s32 $0xFFFFFFB0  }
0x7c: {  	[spmem:s1] =	stream.indirect.scatter.add.f32 [tilespmem:s17], [sflag:$0x5], $0x80, s2, s23, $0xb8;
	[tilespmem:$0x16280] =	vst v63  }
0x7d: {  	_ =	swait.ge [sflag:s24], $0x50  }
0x7e: {  	[sflag:s24] =	ssyncset.done $0x0  }
0x7f: {  	[sflag:s24] =	ssyncadd.s32 $0xFFFFFFB0  }
0x80: {  	[spmem:s1] =	stream.indirect.scatter.add.f32 [tilespmem:s17], [sflag:$0x6], $0x80, s19, s23, $0xb8;
	[tilespmem:$0x16280] =	vst v63  }
0x81: {  	_ =	swait.ge [sflag:s25], $0x50  }
0x82: {  	[sflag:s25] =	ssyncset.done $0x0  }
0x83: {  	[sflag:s25] =	ssyncadd.s32 $0xFFFFFFB0  }
0x84: {  	[spmem:s1] =	stream.indirect.scatter.add.f32 [tilespmem:s17], [sflag:$0x7], $0x80, s20, s23, $0xb8;
	[tilespmem:$0x16280] =	vst v63  }
0x85: {  	_ =	swait.ge [sflag:s26], $0x50  }
0x86: {  	[sflag:s26] =	ssyncset.done $0x0  }
0x87: {  	[sflag:s26] =	ssyncadd.s32 $0xFFFFFFB0  }
0x88: {  	[spmem:s1] =	stream.indirect.scatter.add.f32 [tilespmem:s17], [sflag:$0x8], $0x80, s21, s23, $0xb8;
	[tilespmem:$0x16280] =	vst v63  }
0x89: {  	_ =	swait.ge [sflag:s7], $0x2800  }
0x8a: {  	[sflag:s7] =	ssyncset.done $0x0  }
0x8b: {  	[sflag:s7] =	ssyncadd.s32 $0xFFFFD800  }
0x8c: {  	_ =	swait.ge [sflag:s28], $0x2800  }
0x8d: {  	[sflag:s28] =	ssyncset.done $0x0  }
0x8e: {  	[sflag:s28] =	ssyncadd.s32 $0xFFFFD800  }
0x8f: {  	_ =	swait.ge [sflag:s29], $0x2800  }
0x90: {  	[sflag:s29] =	ssyncset.done $0x0  }
0x91: {  	[sflag:s29] =	ssyncadd.s32 $0xFFFFD800  }
0x92: {  	_ =	swait.ge [sflag:s30], $0x2800  }
0x93: {  	[sflag:s30] =	ssyncset.done $0x0  }
0x94: {  	s9 =	rddreg [dreg:$0x5];
	[sflag:s30] =	ssyncadd.s32 $0xFFFFD800  }
0x95: {  	[tilespmem:s2], [sflag:$0x9] =	stream.linear.gather [hbm4b:s9+s2], $0x50, $0x38;
	[tilespmem:$0x16280] =	vst v63  }
0x96: {  	_ =	swait.ge [sflag:s18], $0x50  }
0x97: {  	[sflag:s18] =	ssyncset.done $0x0  }
0x98: {  	[sflag:s18] =	ssyncadd.s32 $0xFFFFFFB0  }
0x99: {  	[spmem:s1] =	stream.indirect.scatter.add.f32 [tilespmem:s17], [sflag:$0x9], $0x80, s2, s23, $0xb8;
	[tilespmem:$0x16280] =	vst v63  }
0x9a: {  	_ =	swait.ge [sflag:s18], $0x2800  }
0x9b: {  	[sflag:s18] =	ssyncset.done $0x0  }
0x9c: {  	[sflag:s18] =	ssyncadd.s32 $0xFFFFD800  }
0x9d: {  	[bflag:$0x0] =	sbarrier.arrive $0xFFFF  }
0x9e: {  	[tilespmem:s17], [sflag:$0x9] =	stream.linear.gather [spmem:s4], $0x2800, $0x38;
	[tilespmem:$0x16280] =	vst v63  }
0x9f: {  	_ =	swait.ge [sflag:s18], $0x2800  }
.Ltmp3:
0xa0: {  	s11 =	sshrl.u32 s16, $0x3;
	[sflag:s18] =	ssyncset.done $0x0;
	(pc) =	sbr.rel @!p0 .LBB2_7-.Ltmp3, $4  }
0xa1: {  	s0 =	sadd.s32 s6, s11;
	[sflag:s18] =	ssyncadd.s32 $0xFFFFD800  }
0xa2: {  	[hbm4b:s0+s2] =	stream.linear.scatter [tilespmem:s17], [sflag:$0x9], $0x2800, $0x38;
	[tilespmem:$0x16280] =	vst v63  }
0xa3: {  	s3 =	smov.u32 s16;
	_ =	swait.ge [sflag:s18], $0x2800  }
0xa4: {  	s11 =	smov.u32 s4;
	s0 =	sadd.s32 $0xFFFFFFFF, s8;
	[sflag:s18] =	ssyncset.done $0x0  }
.LBB2_6:
0xa5: {  	[sflag:s18] =	ssyncadd.s32 $0xFFFFD800;
	s3 =	sadd.s32 $0x2800, s3;
	s11 =	sadd.s32 $0x2800, s11  }
0xa6: {  	[tilespmem:s17], [sflag:$0x9] =	stream.linear.gather [spmem:s11], $0x2800, $0x38;
	[tilespmem:$0x16280] =	vst v63  }
0xa7: {  	p0 =	sne.s32 s0, $0x1;
	s0 =	sadd.s32 $0xFFFFFFFF, s0;
	_ =	swait.ge [sflag:s18], $0x2800  }
.Ltmp4:
0xa8: {  	s5 =	sshrl.u32 s3, $0x3;
	[sflag:s18] =	ssyncset.done $0x0;
	(pc) =	sbr.rel @p0 .LBB2_6-.Ltmp4, $4  }
0xa9: {  	s5 =	sadd.s32 s6, s5;
	[sflag:s18] =	ssyncadd.s32 $0xFFFFD800  }
0xaa: {  	[hbm4b:s5+s2] =	stream.linear.scatter [tilespmem:s17], [sflag:$0x9], $0x2800, $0x38;
	[tilespmem:$0x16280] =	vst v63  }
0xab: {  	_ =	swait.ge [sflag:s18], $0x2800  }
0xac: {  	[sflag:s18] =	ssyncset.done $0x0  }
.LBB2_7:
0xad: {  	s31 =	sadd.s32 $0x1, s31  }
0xae: {  	p0 =	sne.s32 s31, s10  }
.Ltmp5:
0xaf: {  	_ = 	snop;
	(pc) =	sbr.rel @p0 .LBB2_1-.Ltmp5, $2  }
0xb0: {  	_ =	sdelay $0x2  }
0xb1: {  	[sflag:s18] =	ssyncadd.s32 $0xFFFFD800  }
0xb2: {  	_ =	sfence.sel $0x180000  }
0xb3: {  	[bflag:$0x0] =	sbarrier.arrive $0xFFFF  }
0xb4: {  	_ =	strace $0x9000004D  }
0xb5: {  	s0 =	stileid.u32;
	[bflag:$0x2] =	sbarrier.arrive $0xFFFF  }
0xb6: {  	p0 =	sne.s32 s0, $0x0;
	s0 =	rddreg [dreg:$0x2]  }
0xb7: {  	s0 =	sadd.s32 @!p0 $0x100000, s0  }
0xb8: {  	[sflag:s0] =	ssyncadd.tile.s32 @!p0 $0x1;
	_ =	shalt  }
.Lfunc_end2:
_tile_overlayer_lowered:
.L_overlay_start_2:
0xb9: {  	(tag) =	ssettag $0x2  }
0xba: {  	s0 =	rddreg [dreg:$0x0];
	s2 =	stileid.u32  }
0xbb: {  	s1 =	rddreg [dreg:$0x1];
	p0 =	sne.s32 s2, $0x0  }
0xbc: {  	s3 =	rddreg [dreg:$0x2];
	[bflag:$0x3] =	sbarrier.arrive $0xFFFF;
	s2 =	simm.s32 @!p0 $0x1C09  }
0xbd: {  	[timem:s3], [sflag:s2] =	dma.local @!p0 [hbm:s0], s1  }
0xbe: {  	s0 =	simm.s32 @!p0 $0x9  }
0xbf: {  	_ =	swait.ge @!p0 [sflag:s0], s1  }
0xc0: {  	s1 =	ssub.s32 @!p0 $0x0, s1;
	[sflag:s0] =	ssyncset.done @!p0 $0x0  }
0xc1: {  	[sflag:s0] =	ssyncadd.s32 @!p0 s1  }
0xc2: {  	[bflag:$0x3] =	sbarrier.arrive $0xFFFF  }
0xc3: {  	_ =	shalt  }

// kernel: kernel.24.cloned.1.call-start
scs
__scs_entry_jumppad:
0x0: {  	(pc) =	sbr.rel $0x88, $3  }
0x1: {  	(tag) =	ssettag $0x0;
	lr =	simm.s32 $0x1  }
0x2: {  	[smem:$0x3F94] =	sst lr;
	_ =	strace $0xD0000000  }
0x3: {  	_ = 	snop  }
0x4: {  	_ = 	snop  }
0x5: {  	_ = 	snop  }
0x6: {  	_ = 	snop  }
0x7: {  	_ = 	snop  }
__scs_overlays_trampoline_lowered:
0x8: {  	[smem:$0x3FA3] =	sst s0  }
0x9: {  	[smem:$0x3FA4] =	sst s1  }
0xa: {  	[smem:$0x3FA5] =	sst s2  }
0xb: {  	[smem:$0x3FA6] =	sst s3  }
0xc: {  	[smem:$0x3FA7] =	sst s4  }
0xd: {  	[smem:$0x3FA8] =	sst s5  }
0xe: {  	[smem:$0x3FA9] =	sst s6  }
0xf: {  	[smem:$0x3FAA] =	sst s7  }
0x10: {  	[smem:$0x3FAB] =	sst s8  }
0x11: {  	[smem:$0x3FAC] =	sst s9;
	s0 =	simm.s32 @!p0 $0x0  }
0x12: {  	s1 =	sld [smem:$0x3F92];
	s0 =	simm.s32 @p0 $0x1  }
0x13: {  	[smem:$0x3FAD] =	sst s0;
	s0 =	simm.s32 @!p1 $0x0  }
0x14: {  	s2 =	sld [smem:$0x3F91];
	s0 =	simm.s32 @p1 $0x1  }
0x15: {  	[smem:$0x3FAE] =	sst s0;
	s0 =	simm.s32 @!p2 $0x0  }
0x16: {  	s3 =	sld [smem:$0x3FDB];
	s0 =	simm.s32 @p2 $0x1  }
0x17: {  	s4 =	simm.s32 $0x1BF5;
	[smem:$0x3FB0] =	sst s0  }
0x18: {  	s0 =	sld [smem:$0x3F93];
	_ =	swait.ge [sflag:s4], $0x0  }
0x19: {  	s7 =	sld [smem:$0x3F94]  }
0x1a: {  	s8 =	sadd.s32 $0xFFFFE003, lr  }
0x1b: {  	s9 =	sadd.s32 $0xFFFFFEF7, lr;
	s5 =	simm.s32 $0xFFFFFFFF;
	p2 =	slt.u32 s8, $0xFFFFF086  }
0x1c: {  	p1 =	slt.u32 s9, $0xF7A;
	s5 =	simm.s32 @!p2 $0x0  }
0x1d: {  	s5 =	simm.s32 @p1 $0x1;
	p0 =	seq.s32 s7, s2  }
0x1e: {  	s7 =	smul.u32 @!p0 $0xF7A, s2;
	p2 =	seq.s32 @!p0 s5, $0x0  }
0x1f: {  	s9 =	smul.u32 $0xF7A, s1;
	s8 =	simm.s32 @!p0 $0x1BF5;
	p2 =	por !p2, p0  }
0x20: {  	[sflag:s8] =	ssyncset.s32 @!p0 $0xFFFFF086;
	s6 =	sadd.s32 @!p0 s3, s7;
	s7 =	simm.s32 @!p0 $0x108  }
0x21: {  	s3 =	sadd.s32 s3, s9;
	s6 =	sadd.s32 @!p0 $0x88, s6;
	s7 =	simm.s32 @p2 $0x1082  }
0x22: {  	[simem:s7], [sflag:s8] =	dma.local @!p0 [hbm:s6], $0xF7A  }
0x23: {  	s9 =	sor.u32 $0xD0000000, s2;
	s6 =	simm.s32 $0x108;
	_ =	swait.ge @!p0 [sflag:s8], $0x0  }
0x24: {  	s3 =	sadd.s32 $0x88, s3;
	s6 =	simm.s32 @!p1 $0x1082;
	[sflag:s4] =	ssyncset.s32 $0xFFFFF086  }
0x25: {  	[simem:s6], [sflag:s4] =	dma.local [hbm:s3], $0xF7A  }
0x26: {  	[smem:$0x3F94] =	sst s1;
	(tag) =	ssettag s2;
	_ =	strace s9  }
0x27: {  	s1 =	sld [smem:$0x3FA4]  }
0x28: {  	s2 =	sld [smem:$0x3FA5]  }
0x29: {  	s4 =	sld [smem:$0x3FA7]  }
0x2a: {  	p0 =	seq.s32 s5, $0x0;
	s5 =	sld [smem:$0x3FA8]  }
0x2b: {  	s6 =	sld [smem:$0x3FA9]  }
0x2c: {  	s7 =	sld [smem:$0x3FAA]  }
0x2d: {  	s3 =	simm.s32 $0x108;
	s8 =	sld [smem:$0x3FAB]  }
0x2e: {  	s3 =	simm.s32 @!p0 $0x1082;
	s9 =	sld [smem:$0x3FAC]  }
0x2f: {  	lr =	sadd.s32 s0, s3;
	s0 =	sld [smem:$0x3FA3]  }
0x30: {  	s3 =	sld [smem:$0x3FA6]  }
0x31: {  	[smem:$0x3FAF] =	sst s10  }
0x32: {  	s10 =	sld [smem:$0x3FAD];
	_ =	sdelay $0x3  }
0x33: {  	p0 =	seq.s32 s10, $0x1;
	s10 =	sld [smem:$0x3FAF];
	_ =	sdelay $0x3  }
0x34: {  	[smem:$0x3FAF] =	sst s10  }
0x35: {  	s10 =	sld [smem:$0x3FAE];
	_ =	sdelay $0x3  }
0x36: {  	p1 =	seq.s32 s10, $0x1;
	s10 =	sld [smem:$0x3FAF];
	_ =	sdelay $0x3  }
0x37: {  	[smem:$0x3FAF] =	sst s10  }
0x38: {  	s10 =	sld [smem:$0x3FB0]  }
0x39: {  	_ = 	snop;
	(pc) =	sbr.ind lr, $3  }
0x3a: {  	_ = 	snop  }
0x3b: {  	_ = 	snop  }
0x3c: {  	p2 =	seq.s32 s10, $0x1;
	s10 =	sld [smem:$0x3FAF]  }
0x3d: {  	_ =	shalt  }
0x3e: {  	_ =	shalt  }
0x3f: {  	_ =	shalt  }
0x40: {  	_ =	shalt  }
0x41: {  	_ =	shalt  }
0x42: {  	_ =	shalt  }
0x43: {  	_ =	shalt  }
0x44: {  	_ =	shalt  }
0x45: {  	_ =	shalt  }
0x46: {  	_ =	shalt  }
0x47: {  	_ =	shalt  }
0x48: {  	_ =	shalt  }
0x49: {  	_ =	shalt  }
0x4a: {  	_ =	shalt  }
0x4b: {  	_ =	shalt  }
0x4c: {  	_ =	shalt  }
0x4d: {  	_ =	shalt  }
0x4e: {  	_ =	shalt  }
0x4f: {  	_ =	shalt  }
0x50: {  	_ =	shalt  }
0x51: {  	_ =	shalt  }
0x52: {  	_ =	shalt  }
0x53: {  	_ =	shalt  }
0x54: {  	_ =	shalt  }
0x55: {  	_ =	shalt  }
0x56: {  	_ =	shalt  }
0x57: {  	_ =	shalt  }
0x58: {  	_ =	shalt  }
0x59: {  	_ =	shalt  }
0x5a: {  	_ =	shalt  }
0x5b: {  	_ =	shalt  }
0x5c: {  	_ =	shalt  }
0x5d: {  	_ =	shalt  }
0x5e: {  	_ =	shalt  }
0x5f: {  	_ =	shalt  }
0x60: {  	_ =	shalt  }
0x61: {  	_ =	shalt  }
0x62: {  	_ =	shalt  }
0x63: {  	_ =	shalt  }
0x64: {  	_ =	shalt  }
0x65: {  	_ =	shalt  }
0x66: {  	_ =	shalt  }
0x67: {  	_ =	shalt  }
0x68: {  	_ =	shalt  }
0x69: {  	_ =	shalt  }
0x6a: {  	_ =	shalt  }
0x6b: {  	_ =	shalt  }
0x6c: {  	_ =	shalt  }
0x6d: {  	_ =	shalt  }
0x6e: {  	_ =	shalt  }
0x6f: {  	_ =	shalt  }
0x70: {  	_ =	shalt  }
0x71: {  	_ =	shalt  }
0x72: {  	_ =	shalt  }
0x73: {  	_ =	shalt  }
0x74: {  	_ =	shalt  }
0x75: {  	_ =	shalt  }
0x76: {  	_ =	shalt  }
0x77: {  	_ =	shalt  }
0x78: {  	_ =	shalt  }
0x79: {  	_ =	shalt  }
0x7a: {  	_ =	shalt  }
0x7b: {  	_ =	shalt  }
0x7c: {  	_ =	shalt  }
0x7d: {  	_ =	shalt  }
0x7e: {  	_ =	shalt  }
0x7f: {  	_ =	shalt  }
0x80: {  	_ =	shalt  }
0x81: {  	_ =	shalt  }
0x82: {  	_ =	shalt  }
0x83: {  	_ =	shalt  }
0x84: {  	_ =	shalt  }
0x85: {  	_ =	shalt  }
0x86: {  	_ =	shalt  }
0x87: {  	_ =	shalt  }
.Lfunc_end0:
.L_simem_size_0:
called_computation.4_lowered:
.L_overlay_start_0:
0x88: {  	s2 =	sld [smem:$0x3FD9]  }
0x89: {  	s3 =	sld [smem:$0x3FFE];
	_ =	sdelay $0x1  }
0x8a: {  	s1 =	srdreg.scid  }
0x8b: {  	s0 =	sand.u32 $0x1, s1  }
0x8c: {  	s17 =	sshll.u32 s0, $0xA;
	s2 =	sadd.s32 s3, s2  }
0x8d: {  	s2 =	sadd.s32 s2, s17  }
0x8e: {  	[smem:$0x3FBB] =	sst s2  }
0x8f: {  	_ = 	snop  }
0x90: {  	s18 =	sld [smem:$0x3FD0];
	(tm) =	ssettm $0x1  }
0x91: {  	s19 =	sld [smem:$0x3FFB];
	_ =	sdelay $0x3  }
0x92: {  	_ =	strace s19  }
0x93: {  	s2 =	sld [smem:$0x3FFC];
	_ =	sdelay $0x3  }
0x94: {  	_ =	strace s2  }
0x95: {  	s2 =	sld [smem:$0x3FFD];
	_ =	sdelay $0x3  }
0x96: {  	_ =	strace s2  }
0x97: {  	_ =	strace $0x8FFFFFFF  }
0x98: {  	s20 =	sld [smem:$0x3FDB];
	_ =	sdelay $0x1  }
0x99: {  	s4 =	simm.s32 $_scs_section_size  }
0x9a: {  	s5 =	simm.s32 $_size__tile_overlayer_lowered;
	s6 =	simm.s32 $_tile_overlayer_lowered  }
0x9b: {  	s7 =	simm.s32 $0x1BFF;
	s21 =	sshll.u32 s6, $0x1;
	s4 =	sadd.s32 s4, s20  }
0x9c: {  	s22 =	simm.s32 $0x0;
	s5 =	sshll.u32 s5, $0x1;
	s6 =	sadd.s32 s21, s4  }
0x9d: {  	[timem:s22], [sflag:s7] =	dma.local [hbm:s6], s5  }
0x9e: {  	_ =	swait.ge [sflag:s7], s5  }
0x9f: {  	s5 =	ssub.s32 $0x0, s5;
	[sflag:s7] =	ssyncset.done $0x0  }
0xa0: {  	[sflag:s7] =	ssyncadd.s32 s5;
	_ =	sdelay $0x1  }
0xa1: {  	s23 =	simm.s32 $0x1B8B  }
0xa2: {  	_ =	swait.ge [sflag:s23], $0x1  }
0xa3: {  	[sflag:s23] =	ssyncset.done $0x0  }
0xa4: {  	[sflag:s23] =	ssyncadd.s32 $0xFFFFFFFF  }
0xa5: {  	s5 =	sld [smem:$0x0]  }
0xa6: {  	s6 =	sand.u32 $0xFFFFFFFE, s1  }
0xa7: {  	p0 =	sne.s32 s1, s6  }
0xa8: {  	s6 =	sshll.u32 @p0 s6, $0xE  }
0xa9: {  	s6 =	sadd.s32 @p0 $0x11B8D, s6;
	s7 =	sshll.u32 @p0 s5, $0x11  }
0xaa: {  	s6 =	sor.u32 @p0 s7, s6  }
0xab: {  	[sflag:s6] =	ssyncadd.remote.s32 @p0 $0x1;
	_ =	sdelay $0x1  }
0xac: {  	s6 =	simm.s32 @p0 $0x1B8D  }
0xad: {  	_ =	swait.eq @p0 [sflag:s6], $0x1  }
0xae: {  	[sflag:s6] =	ssyncadd.s32 @p0 $0xFFFFFFFF  }
0xaf: {  	s7 =	sshll.u32 @!p0 s1, $0xE  }
0xb0: {  	s7 =	sor.u32 @!p0 $0x4000, s7;
	s6 =	simm.s32 @!p0 $0x1B8D  }
0xb1: {  	s5 =	sshll.u32 @!p0 s5, $0x11;
	s7 =	sadd.s32 @!p0 $0x11B8D, s7;
	_ =	swait.eq @!p0 [sflag:s6], $0x1  }
0xb2: {  	s5 =	sor.u32 @!p0 s5, s7;
	[sflag:s6] =	ssyncadd.s32 @!p0 $0xFFFFFFFF  }
0xb3: {  	s25 =	simm.s32 $0x1B8E;
	s24 =	sld [smem:$0x3FFE];
	[sflag:s5] =	ssyncadd.remote.s32 @!p0 $0x1  }
0xb4: {  	s26 =	simm.s32 $execute0_lowered;
	[smem:$0x3FD2] =	sst s25  }
0xb5: {  	s6 =	sshll.u32 s26, $0x1;
	_ =	strace $0x80000055;
	[dreg:$0x1] =	wrdreg $0xFFFFFFFF  }
0xb6: {  	s28 =	simm.s32 $_size_execute0_lowered;
	s4 =	sadd.s32 s4, s6;
	[dreg:$0x0] =	wrdreg $0x0  }
0xb7: {  	s6 =	sshll.u32 s28, $0x1;
	[dreg:$0x2] =	wrdreg s4  }
0xb8: {  	[dreg:$0x3] =	wrdreg s6  }
0xb9: {  	[dreg:$0x4] =	wrdreg $0xC0  }
0xba: {  	_ =	task [dreg:s22], $0x5FFFF  }
0xbb: {  	[dreg:$0x1] =	wrdreg $0xFFFFFFFF  }
0xbc: {  	[dreg:$0x0] =	wrdreg $0x60  }
0xbd: {  	[dreg:$0x2] =	wrdreg s24  }
0xbe: {  	[dreg:$0x3] =	wrdreg s18  }
0xbf: {  	[dreg:$0x4] =	wrdreg $0x52000  }
0xc0: {  	[dreg:$0x5] =	wrdreg $0x9  }
0xc1: {  	_ =	task.clear_ibuf [dreg:s22], $0x6FFFF;
	_ =	strace $0x90000055  }
0xc2: {  	s29 =	simm.s32 $0x9;
	_ =	strace $0x80000057  }
0xc3: {  	_ =	swait.ge [sflag:s29], $0x1  }
0xc4: {  	[sflag:s29] =	ssyncadd.s32 $0xFFFFFFFF  }
0xc5: {  	_ =	strace $0x90000057  }
0xc6: {  	_ =	sfence  }
0xc7: {  	s30 =	sld [smem:$0x0];
	_ =	sdelay $0x2  }
0xc8: {  	s31 =	sshll.u32 s1, $0xD;
	s1 =	sshrl.u32 s1, $0x2  }
0xc9: {  	s4 =	sand.u32 $0x4000, s31;
	s1 =	sadd.s32 s1, s30  }
0xca: {  	s0 =	sor.u32 s4, s0;
	s1 =	sshll.u32 s1, $0x11  }
0xcb: {  	s0 =	sor.u32 s1, s0  }
0xcc: {  	s0 =	sadd.s32 $0x8F2B, s0  }
0xcd: {  	[sflag:s0] =	ssyncadd.remote.s32 $0x1  }
0xce: {  	_ =	sfence.sel $0xFFFF  }
0xcf: {  	[dreg:$0x0] =	wrdreg $0xFFFFFFFF;
	(pc) =	sbr.abs _section_cstart, $3  }
0xd0: {  	[dreg:$0x1] =	wrdreg $0xFFFFFFFF  }
0xd1: {  	_ =	task.clear_ibuf [dreg:s22], $0x2FFFF;
	_ =	strace $0x9FFFFFFF  }
0xd2: {  	(tm) =	ssettm $0x7FFFFFFF  }
0xd3: {  	_ =	shalt  }
tec
execute0_lowered:
.L_overlay_start_1:
0x0: {  	(tag) =	ssettag $0x1  }
0x1: {  	s0 =	rddreg [dreg:$0x0]  }
0x2: {  	s3 =	rddreg [dreg:$0x1]  }
0x3: {  	s1 =	rddreg [dreg:$0x2]  }
0x4: {  	s2 =	simm.s32 $0x0;
	s5 =	srdreg.scid;
	s15 =	stileid.u32  }
0x5: {  	s19 =	simm.s32 $0x7;
	s20 =	simm.s32 $0x100;
	s21 =	simm.s32 $0x80  }
0x6: {  	s28 =	simm.s32 $0x3;
	s29 =	simm.s32 $0x4;
	s30 =	simm.s32 $0x6  }
0x7: {  	s31 =	simm.s32 $0x0;
	[smem:$0x7FF] =	sst s2;
	s4 =	sadd.s32 $0x2200, s0  }
0x8: {  	s12 =	sadd.s32 $0x29400, s0;
	s5 =	sand.u32 $0x1, s5;
	s11 =	smul.u32 $0x50000, s15  }
0x9: {  	s6 =	sshll.u32 s15, $0x1;
	s7 =	sadd.s32 $0x33200, s0;
	s13 =	smul.u32 $0x4E20, s15  }
0xa: {  	p0 =	seq.s32 s15, $0xF;
	s18 =	smul.u32 $0x14000, s15;
	_ =	strace $0x80000056  }
0xb: {  	[dreg:$0x4] =	wrdreg s7;
	s22 =	ssub.s32 $0x2, s5;
	s14 =	smul.u32 $0x2710, s5  }
0xc: {  	s8 =	sor.u32 s5, s6;
	s6 =	sadd.s32 $0x33800, s0;
	s17 =	smul.u32 $0x138800, s5  }
0xd: {  	s7 =	simm.s32 $0x5;
	s23 =	sshrl.u32 s22, $0x1;
	s8 =	smul.u32 $0x2710, s8  }
0xe: {  	s25 =	sshrl.u32 s11, $0x2;
	s0 =	ssub.s32 s22, s23;
	s13 =	sadd.s32 s14, s13  }
0xf: {  	s5 =	sadd.s32 s25, s1;
	s17 =	sadd.s32 s18, s17;
	s18 =	simm.s32 $0x200  }
0x10: {  	s22 =	simm.s32 $0x180;
	s23 =	simm.s32 $0x1;
	s25 =	simm.s32 $0x2  }
0x11: {  	s9 =	sshrl.u32 s8, $0x3;
	s8 =	simm.s32 $0x5;
	s11 =	smax.u32 s0, $0x1  }
0x12: {  	s26 =	sadd.s32 $0x50, s13;
	s14 =	sshrl.u32 s13, $0x3;
	s10 =	sadd.s32 $0x4D8, s9  }
0x13: {  	s8 =	simm.s32 @!p0 $0x8;
	s0 =	sshrl.u32 s26, $0x3;
	s13 =	sadd.s32 s14, s3  }
0x14: {  	s14 =	sadd.s32 s14, s12;
	s26 =	simm.s32 $0x2A00;
	s9 =	sadd.s32 s12, s10  }
0x15: {  	s24 =	sadd.s32 s3, s10;
	s15 =	sadd.s32 s0, s3;
	[dreg:$0x5] =	wrdreg s9  }
0x16: {  	s16 =	sadd.s32 s0, s12;
	[dreg:$0x6] =	wrdreg s24;
	s24 =	simm.s32 $0x50  }
.LBB2_1:
0x17: {  	s0 =	rddreg [dreg:$0x4]  }
0x18: {  	[tilespmem:s18], [sflag:$0x7] =	stream.linear.gather [hbm4b:s0+s2], $0x2800, $0x38;
	[tilespmem:$0x18A80] =	vst v63  }
0x19: {  	p0 =	sne.s32 s8, $0x1;
	_ =	swait.ge [sflag:s19], $0x2800  }
.Ltmp0:
0x1a: {  	[sflag:s19] =	ssyncset.done $0x0;
	(pc) =	sbr.rel @!p0 .LBB2_3-.Ltmp0, $4  }
0x1b: {  	[sflag:s19] =	ssyncadd.s32 $0xFFFFD800  }
0x1c: {  	[spmem:s5] =	stream.linear.scatter [tilespmem:s18], [sflag:$0x7], $0x2800, $0x38;
	[tilespmem:$0x18A80] =	vst v63  }
0x1d: {  	_ =	swait.ge [sflag:s19], $0x2800  }
0x1e: {  	s3 =	smov.u32 s5;
	s0 =	sadd.s32 $0xFFFFFFFF, s8;
	[sflag:s19] =	ssyncset.done $0x0  }
.LBB2_2:
0x1f: {  	p1 =	sne.s32 s0, $0x1;
	[sflag:s19] =	ssyncadd.s32 $0xFFFFD800;
	s3 =	sadd.s32 $0x2800, s3  }
.Ltmp1:
0x20: {  	s0 =	sadd.s32 $0xFFFFFFFF, s0;
	(pc) =	sbr.rel @p1 .LBB2_2-.Ltmp1, $4  }
0x21: {  	_ = 	snop  }
0x22: {  	[spmem:s3] =	stream.linear.scatter [tilespmem:s18], [sflag:$0x7], $0x2800, $0x38;
	[tilespmem:$0x18A80] =	vst v63  }
0x23: {  	_ =	swait.ge [sflag:s19], $0x2800  }
0x24: {  	[sflag:s19] =	ssyncset.done $0x0  }
.LBB2_3:
0x25: {  	[sflag:s19] =	ssyncadd.s32 $0xFFFFD800  }
0x26: {  	s0 =	sadd.s32 $0x0, s14;
	[bflag:$0x0] =	sbarrier.arrive $0xFFFF  }
0x27: {  	[tilespmem:s2], [sflag:$0x1] =	stream.linear.gather [hbm4b:s0+s2], $0x50, $0x38;
	[tilespmem:$0x18A80] =	vst v63  }
0x28: {  	s9 =	sadd.s32 $0x0, s13  }
0x29: {  	[tilespmem:s20], [sflag:$0x1] =	stream.linear.gather [hbm4b:s9+s2], $0x50, $0x38;
	[tilespmem:$0x18A80] =	vst v63  }
0x2a: {  	s10 =	sadd.s32 $0x0, s16  }
0x2b: {  	[tilespmem:s21], [sflag:$0x2] =	stream.linear.gather [hbm4b:s10+s2], $0x50, $0x38;
	[tilespmem:$0x18A80] =	vst v63  }
0x2c: {  	s12 =	sadd.s32 $0x0, s15  }
0x2d: {  	[tilespmem:s22], [sflag:$0x2] =	stream.linear.gather [hbm4b:s12+s2], $0x50, $0x38;
	[tilespmem:$0x18A80] =	vst v63  }
0x2e: {  	_ =	swait.ge [sflag:s23], $0x50  }
0x2f: {  	[sflag:s23] =	ssyncset.done $0x0  }
0x30: {  	[sflag:s23] =	ssyncadd.s32 $0xFFFFFFB0  }
0x31: {  	_ =	swait.ge [sflag:s23], $0x50  }
0x32: {  	[sflag:s23] =	ssyncset.done $0x0  }
0x33: {  	[sflag:s23] =	ssyncadd.s32 $0xFFFFFFB0  }
0x34: {  	[tilespmem:s18], [sflag:$0x3] =	stream.indirect.gather [hbm4b:s4+s24], $0x80, s2, s24, $0xb8;
	[tilespmem:$0x18A80] =	vst v63  }
0x35: {  	_ =	swait.ge [sflag:s25], $0x50  }
0x36: {  	[sflag:s25] =	ssyncset.done $0x0  }
0x37: {  	[sflag:s25] =	ssyncadd.s32 $0xFFFFFFB0  }
0x38: {  	_ =	swait.ge [sflag:s25], $0x50  }
0x39: {  	[sflag:s25] =	ssyncset.done $0x0  }
0x3a: {  	[sflag:s25] =	ssyncadd.s32 $0xFFFFFFB0  }
0x3b: {  	[tilespmem:s26], [sflag:$0x4] =	stream.indirect.gather [hbm4b:s4+s24], $0x80, s21, s24, $0xb8;
	[tilespmem:$0x18A80] =	vst v63  }
0x3c: {  	_ =	swait.ge [sflag:s28], $0x2800  }
0x3d: {  	[sflag:s28] =	ssyncset.done $0x0  }
0x3e: {  	[sflag:s28] =	ssyncadd.s32 $0xFFFFD800  }
0x3f: {  	[spmem:s1] =	stream.indirect.scatter.add.f32 [tilespmem:s18], [sflag:$0x5], $0x80, s20, s24, $0xb8;
	[tilespmem:$0x18A80] =	vst v63  }
0x40: {  	_ =	swait.ge [sflag:s29], $0x2800  }
0x41: {  	[sflag:s29] =	ssyncset.done $0x0  }
0x42: {  	[sflag:s29] =	ssyncadd.s32 $0xFFFFD800  }
0x43: {  	[spmem:s1] =	stream.indirect.scatter.add.f32 [tilespmem:s26], [sflag:$0x6], $0x80, s22, s24, $0xb8;
	[tilespmem:$0x18A80] =	vst v63  }
0x44: {  	_ =	swait.ge [sflag:s7], $0x2800  }
0x45: {  	[sflag:s7] =	ssyncset.done $0x0  }
0x46: {  	[sflag:s7] =	ssyncadd.s32 $0xFFFFD800  }
0x47: {  	_ =	swait.ge [sflag:s30], $0x2800  }
0x48: {  	s0 =	simm.s32 $0x14;
	s12 =	simm.s32 $0x28;
	[sflag:s30] =	ssyncset.done $0x0  }
.LBB2_4:
0x49: {  	s9 =	sadd.s32 s0, s14  }
0x4a: {  	[sflag:s30] =	ssyncadd.s32 $0xFFFFD800;
	s10 =	smov.u32 s12;
	s3 =	sadd.s32 $0x14, s12  }
0x4b: {  	[tilespmem:s2], [sflag:$0x1] =	stream.linear.gather [hbm4b:s9+s2], $0x50, $0x38;
	[tilespmem:$0x18A80] =	vst v63  }
0x4c: {  	p1 =	sne.s32 s12, $0x4C4;
	s9 =	sadd.s32 s0, s13  }
0x4d: {  	[tilespmem:s20], [sflag:$0x1] =	stream.linear.gather [hbm4b:s9+s2], $0x50, $0x38;
	[tilespmem:$0x18A80] =	vst v63  }
0x4e: {  	s9 =	sadd.s32 s0, s16  }
0x4f: {  	[tilespmem:s21], [sflag:$0x2] =	stream.linear.gather [hbm4b:s9+s2], $0x50, $0x38;
	[tilespmem:$0x18A80] =	vst v63  }
0x50: {  	s9 =	sadd.s32 s0, s15;
	s0 =	smov.u32 s10  }
0x51: {  	[tilespmem:s22], [sflag:$0x2] =	stream.linear.gather [hbm4b:s9+s2], $0x50, $0x38;
	[tilespmem:$0x18A80] =	vst v63  }
0x52: {  	_ =	swait.ge [sflag:s23], $0x50  }
0x53: {  	[sflag:s23] =	ssyncset.done $0x0  }
0x54: {  	[sflag:s23] =	ssyncadd.s32 $0xFFFFFFB0  }
0x55: {  	_ =	swait.ge [sflag:s23], $0x50  }
0x56: {  	[sflag:s23] =	ssyncset.done $0x0  }
0x57: {  	[sflag:s23] =	ssyncadd.s32 $0xFFFFFFB0  }
0x58: {  	[tilespmem:s18], [sflag:$0x3] =	stream.indirect.gather [hbm4b:s4+s24], $0x80, s2, s24, $0xb8;
	[tilespmem:$0x18A80] =	vst v63  }
0x59: {  	_ =	swait.ge [sflag:s25], $0x50  }
0x5a: {  	[sflag:s25] =	ssyncset.done $0x0  }
0x5b: {  	[sflag:s25] =	ssyncadd.s32 $0xFFFFFFB0  }
0x5c: {  	_ =	swait.ge [sflag:s25], $0x50  }
0x5d: {  	[sflag:s25] =	ssyncset.done $0x0  }
0x5e: {  	[sflag:s25] =	ssyncadd.s32 $0xFFFFFFB0  }
0x5f: {  	[tilespmem:s26], [sflag:$0x4] =	stream.indirect.gather [hbm4b:s4+s24], $0x80, s21, s24, $0xb8;
	[tilespmem:$0x18A80] =	vst v63  }
0x60: {  	_ =	swait.ge [sflag:s28], $0x2800  }
0x61: {  	[sflag:s28] =	ssyncset.done $0x0  }
0x62: {  	[sflag:s28] =	ssyncadd.s32 $0xFFFFD800  }
0x63: {  	[spmem:s1] =	stream.indirect.scatter.add.f32 [tilespmem:s18], [sflag:$0x5], $0x80, s20, s24, $0xb8;
	[tilespmem:$0x18A80] =	vst v63  }
0x64: {  	_ =	swait.ge [sflag:s29], $0x2800  }
0x65: {  	[sflag:s29] =	ssyncset.done $0x0  }
0x66: {  	[sflag:s29] =	ssyncadd.s32 $0xFFFFD800  }
0x67: {  	[spmem:s1] =	stream.indirect.scatter.add.f32 [tilespmem:s26], [sflag:$0x6], $0x80, s22, s24, $0xb8;
	[tilespmem:$0x18A80] =	vst v63  }
.Ltmp2:
0x68: {  	_ =	swait.ge [sflag:s7], $0x2800;
	(pc) =	sbr.rel @p1 .LBB2_4-.Ltmp2, $4  }
0x69: {  	[sflag:s7] =	ssyncset.done $0x0  }
0x6a: {  	[sflag:s7] =	ssyncadd.s32 $0xFFFFD800  }
0x6b: {  	_ =	swait.ge [sflag:s30], $0x2800  }
0x6c: {  	s12 =	smov.u32 s3;
	[sflag:s30] =	ssyncset.done $0x0  }
0x6d: {  	s3 =	sadd.s32 s0, s14;
	[sflag:s30] =	ssyncadd.s32 $0xFFFFD800  }
0x6e: {  	[tilespmem:s2], [sflag:$0x1] =	stream.linear.gather [hbm4b:s3+s2], $0x50, $0x38;
	[tilespmem:$0x18A80] =	vst v63  }
0x6f: {  	s10 =	sadd.s32 s0, s13  }
0x70: {  	[tilespmem:s20], [sflag:$0x1] =	stream.linear.gather [hbm4b:s10+s2], $0x50, $0x38;
	[tilespmem:$0x18A80] =	vst v63  }
0x71: {  	s12 =	sadd.s32 s0, s16  }
0x72: {  	[tilespmem:s21], [sflag:$0x2] =	stream.linear.gather [hbm4b:s12+s2], $0x50, $0x38;
	[tilespmem:$0x18A80] =	vst v63  }
0x73: {  	s3 =	sadd.s32 s0, s15  }
0x74: {  	[tilespmem:s22], [sflag:$0x2] =	stream.linear.gather [hbm4b:s3+s2], $0x50, $0x38;
	[tilespmem:$0x18A80] =	vst v63  }
0x75: {  	_ =	swait.ge [sflag:s23], $0x50  }
0x76: {  	[sflag:s23] =	ssyncset.done $0x0  }
0x77: {  	[sflag:s23] =	ssyncadd.s32 $0xFFFFFFB0  }
0x78: {  	_ =	swait.ge [sflag:s23], $0x50  }
0x79: {  	[sflag:s23] =	ssyncset.done $0x0  }
0x7a: {  	[sflag:s23] =	ssyncadd.s32 $0xFFFFFFB0  }
0x7b: {  	[tilespmem:s18], [sflag:$0x3] =	stream.indirect.gather [hbm4b:s4+s24], $0x80, s2, s24, $0xb8;
	[tilespmem:$0x18A80] =	vst v63  }
0x7c: {  	_ =	swait.ge [sflag:s25], $0x50  }
0x7d: {  	[sflag:s25] =	ssyncset.done $0x0  }
0x7e: {  	[sflag:s25] =	ssyncadd.s32 $0xFFFFFFB0  }
0x7f: {  	_ =	swait.ge [sflag:s25], $0x50  }
0x80: {  	[sflag:s25] =	ssyncset.done $0x0  }
0x81: {  	[sflag:s25] =	ssyncadd.s32 $0xFFFFFFB0  }
0x82: {  	[tilespmem:s26], [sflag:$0x4] =	stream.indirect.gather [hbm4b:s4+s24], $0x80, s21, s24, $0xb8;
	[tilespmem:$0x18A80] =	vst v63  }
0x83: {  	_ =	swait.ge [sflag:s28], $0x2800  }
0x84: {  	[sflag:s28] =	ssyncset.done $0x0  }
0x85: {  	[sflag:s28] =	ssyncadd.s32 $0xFFFFD800  }
0x86: {  	[spmem:s1] =	stream.indirect.scatter.add.f32 [tilespmem:s18], [sflag:$0x5], $0x80, s20, s24, $0xb8;
	[tilespmem:$0x18A80] =	vst v63  }
0x87: {  	_ =	swait.ge [sflag:s29], $0x2800  }
0x88: {  	[sflag:s29] =	ssyncset.done $0x0  }
0x89: {  	[sflag:s29] =	ssyncadd.s32 $0xFFFFD800  }
0x8a: {  	[spmem:s1] =	stream.indirect.scatter.add.f32 [tilespmem:s26], [sflag:$0x6], $0x80, s22, s24, $0xb8;
	[tilespmem:$0x18A80] =	vst v63  }
0x8b: {  	_ =	swait.ge [sflag:s7], $0x2800  }
0x8c: {  	[sflag:s7] =	ssyncset.done $0x0  }
0x8d: {  	[sflag:s7] =	ssyncadd.s32 $0xFFFFD800  }
0x8e: {  	_ =	swait.ge [sflag:s30], $0x2800  }
0x8f: {  	[sflag:s30] =	ssyncset.done $0x0  }
0x90: {  	s9 =	rddreg [dreg:$0x5];
	[sflag:s30] =	ssyncadd.s32 $0xFFFFD800  }
0x91: {  	[tilespmem:s2], [sflag:$0x7] =	stream.linear.gather [hbm4b:s9+s2], $0x50, $0x38;
	[tilespmem:$0x18A80] =	vst v63  }
0x92: {  	_ =	swait.ge [sflag:s19], $0x50  }
0x93: {  	[sflag:s19] =	ssyncset.done $0x0  }
0x94: {  	s10 =	rddreg [dreg:$0x6];
	[sflag:s19] =	ssyncadd.s32 $0xFFFFFFB0  }
0x95: {  	[tilespmem:s20], [sflag:$0x7] =	stream.linear.gather [hbm4b:s10+s2], $0x50, $0x38;
	[tilespmem:$0x18A80] =	vst v63  }
0x96: {  	_ =	swait.ge [sflag:s19], $0x50  }
0x97: {  	[sflag:s19] =	ssyncset.done $0x0  }
0x98: {  	[sflag:s19] =	ssyncadd.s32 $0xFFFFFFB0  }
0x99: {  	[tilespmem:s18], [sflag:$0x3] =	stream.indirect.gather [hbm4b:s4+s24], $0x80, s2, s24, $0xb8;
	[tilespmem:$0x18A80] =	vst v63  }
0x9a: {  	_ =	swait.ge [sflag:s28], $0x2800  }
0x9b: {  	[sflag:s28] =	ssyncset.done $0x0  }
0x9c: {  	[sflag:s28] =	ssyncadd.s32 $0xFFFFD800  }
0x9d: {  	[spmem:s1] =	stream.indirect.scatter.add.f32 [tilespmem:s18], [sflag:$0x7], $0x80, s20, s24, $0xb8;
	[tilespmem:$0x18A80] =	vst v63  }
0x9e: {  	_ =	swait.ge [sflag:s19], $0x2800  }
0x9f: {  	[sflag:s19] =	ssyncset.done $0x0  }
0xa0: {  	[sflag:s19] =	ssyncadd.s32 $0xFFFFD800  }
0xa1: {  	[bflag:$0x0] =	sbarrier.arrive $0xFFFF  }
0xa2: {  	[tilespmem:s18], [sflag:$0x7] =	stream.linear.gather [spmem:s5], $0x2800, $0x38;
	[tilespmem:$0x18A80] =	vst v63  }
0xa3: {  	_ =	swait.ge [sflag:s19], $0x2800  }
.Ltmp3:
0xa4: {  	s12 =	sshrl.u32 s17, $0x3;
	[sflag:s19] =	ssyncset.done $0x0;
	(pc) =	sbr.rel @!p0 .LBB2_7-.Ltmp3, $4  }
0xa5: {  	s0 =	sadd.s32 s6, s12;
	[sflag:s19] =	ssyncadd.s32 $0xFFFFD800  }
0xa6: {  	[hbm4b:s0+s2] =	stream.linear.scatter [tilespmem:s18], [sflag:$0x7], $0x2800, $0x38;
	[tilespmem:$0x18A80] =	vst v63  }
0xa7: {  	s12 =	smov.u32 s5;
	_ =	swait.ge [sflag:s19], $0x2800  }
0xa8: {  	s3 =	smov.u32 s17;
	s0 =	sadd.s32 $0xFFFFFFFF, s8;
	[sflag:s19] =	ssyncset.done $0x0  }
.LBB2_6:
0xa9: {  	[sflag:s19] =	ssyncadd.s32 $0xFFFFD800;
	s3 =	sadd.s32 $0x2800, s3;
	s12 =	sadd.s32 $0x2800, s12  }
0xaa: {  	[tilespmem:s18], [sflag:$0x7] =	stream.linear.gather [spmem:s12], $0x2800, $0x38;
	[tilespmem:$0x18A80] =	vst v63  }
0xab: {  	p0 =	sne.s32 s0, $0x1;
	s0 =	sadd.s32 $0xFFFFFFFF, s0;
	_ =	swait.ge [sflag:s19], $0x2800  }
.Ltmp4:
0xac: {  	s9 =	sshrl.u32 s3, $0x3;
	[sflag:s19] =	ssyncset.done $0x0;
	(pc) =	sbr.rel @p0 .LBB2_6-.Ltmp4, $4  }
0xad: {  	s9 =	sadd.s32 s6, s9;
	[sflag:s19] =	ssyncadd.s32 $0xFFFFD800  }
0xae: {  	[hbm4b:s9+s2] =	stream.linear.scatter [tilespmem:s18], [sflag:$0x7], $0x2800, $0x38;
	[tilespmem:$0x18A80] =	vst v63  }
0xaf: {  	_ =	swait.ge [sflag:s19], $0x2800  }
0xb0: {  	[sflag:s19] =	ssyncset.done $0x0  }
.LBB2_7:
0xb1: {  	s31 =	sadd.s32 $0x1, s31  }
0xb2: {  	p0 =	sne.s32 s31, s11  }
.Ltmp5:
0xb3: {  	_ = 	snop;
	(pc) =	sbr.rel @p0 .LBB2_1-.Ltmp5, $2  }
0xb4: {  	_ =	sdelay $0x2  }
0xb5: {  	[sflag:s19] =	ssyncadd.s32 $0xFFFFD800  }
0xb6: {  	_ =	sfence.sel $0x180000  }
0xb7: {  	[bflag:$0x0] =	sbarrier.arrive $0xFFFF  }
0xb8: {  	_ =	strace $0x90000056  }
0xb9: {  	s0 =	stileid.u32;
	[bflag:$0x2] =	sbarrier.arrive $0xFFFF  }
0xba: {  	p0 =	sne.s32 s0, $0x0;
	s0 =	rddreg [dreg:$0x3]  }
0xbb: {  	s0 =	sadd.s32 @!p0 $0x100000, s0  }
0xbc: {  	[sflag:s0] =	ssyncadd.tile.s32 @!p0 $0x1;
	_ =	shalt  }
.Lfunc_end2:
_tile_overlayer_lowered:
.L_overlay_start_2:
0xbd: {  	(tag) =	ssettag $0x2  }
0xbe: {  	s0 =	rddreg [dreg:$0x0];
	s2 =	stileid.u32  }
0xbf: {  	s1 =	rddreg [dreg:$0x1];
	p0 =	sne.s32 s2, $0x0  }
0xc0: {  	s3 =	rddreg [dreg:$0x2];
	[bflag:$0x3] =	sbarrier.arrive $0xFFFF;
	s2 =	simm.s32 @!p0 $0x1C07  }
0xc1: {  	[timem:s3], [sflag:s2] =	dma.local @!p0 [hbm:s0], s1  }
0xc2: {  	s0 =	simm.s32 @!p0 $0x7  }
0xc3: {  	_ =	swait.ge @!p0 [sflag:s0], s1  }
0xc4: {  	s1 =	ssub.s32 @!p0 $0x0, s1;
	[sflag:s0] =	ssyncset.done @!p0 $0x0  }
0xc5: {  	[sflag:s0] =	ssyncadd.s32 @!p0 s1  }
0xc6: {  	[bflag:$0x3] =	sbarrier.arrive $0xFFFF  }
0xc7: {  	_ =	shalt  }

// kernel: kernel.27.cloned.1.call-start
scs
__scs_entry_jumppad:
0x0: {  	(pc) =	sbr.rel $0x88, $3  }
0x1: {  	(tag) =	ssettag $0x0;
	lr =	simm.s32 $0x1  }
0x2: {  	[smem:$0x3F94] =	sst lr;
	_ =	strace $0xD0000000  }
0x3: {  	_ = 	snop  }
0x4: {  	_ = 	snop  }
0x5: {  	_ = 	snop  }
0x6: {  	_ = 	snop  }
0x7: {  	_ = 	snop  }
__scs_overlays_trampoline_lowered:
0x8: {  	[smem:$0x3FA3] =	sst s0  }
0x9: {  	[smem:$0x3FA4] =	sst s1  }
0xa: {  	[smem:$0x3FA5] =	sst s2  }
0xb: {  	[smem:$0x3FA6] =	sst s3  }
0xc: {  	[smem:$0x3FA7] =	sst s4  }
0xd: {  	[smem:$0x3FA8] =	sst s5  }
0xe: {  	[smem:$0x3FA9] =	sst s6  }
0xf: {  	[smem:$0x3FAA] =	sst s7  }
0x10: {  	[smem:$0x3FAB] =	sst s8  }
0x11: {  	[smem:$0x3FAC] =	sst s9;
	s0 =	simm.s32 @!p0 $0x0  }
0x12: {  	s1 =	sld [smem:$0x3F92];
	s0 =	simm.s32 @p0 $0x1  }
0x13: {  	[smem:$0x3FAD] =	sst s0;
	s0 =	simm.s32 @!p1 $0x0  }
0x14: {  	s2 =	sld [smem:$0x3F91];
	s0 =	simm.s32 @p1 $0x1  }
0x15: {  	[smem:$0x3FAE] =	sst s0;
	s0 =	simm.s32 @!p2 $0x0  }
0x16: {  	s3 =	sld [smem:$0x3FDB];
	s0 =	simm.s32 @p2 $0x1  }
0x17: {  	s4 =	simm.s32 $0x1BF5;
	[smem:$0x3FB0] =	sst s0  }
0x18: {  	s0 =	sld [smem:$0x3F93];
	_ =	swait.ge [sflag:s4], $0x0  }
0x19: {  	s7 =	sld [smem:$0x3F94]  }
0x1a: {  	s8 =	sadd.s32 $0xFFFFE003, lr  }
0x1b: {  	s9 =	sadd.s32 $0xFFFFFEF7, lr;
	s5 =	simm.s32 $0xFFFFFFFF;
	p2 =	slt.u32 s8, $0xFFFFF086  }
0x1c: {  	p1 =	slt.u32 s9, $0xF7A;
	s5 =	simm.s32 @!p2 $0x0  }
0x1d: {  	s5 =	simm.s32 @p1 $0x1;
	p0 =	seq.s32 s7, s2  }
0x1e: {  	s7 =	smul.u32 @!p0 $0xF7A, s2;
	p2 =	seq.s32 @!p0 s5, $0x0  }
0x1f: {  	s9 =	smul.u32 $0xF7A, s1;
	s8 =	simm.s32 @!p0 $0x1BF5;
	p2 =	por !p2, p0  }
0x20: {  	[sflag:s8] =	ssyncset.s32 @!p0 $0xFFFFF086;
	s6 =	sadd.s32 @!p0 s3, s7;
	s7 =	simm.s32 @!p0 $0x108  }
0x21: {  	s3 =	sadd.s32 s3, s9;
	s6 =	sadd.s32 @!p0 $0x88, s6;
	s7 =	simm.s32 @p2 $0x1082  }
0x22: {  	[simem:s7], [sflag:s8] =	dma.local @!p0 [hbm:s6], $0xF7A  }
0x23: {  	s9 =	sor.u32 $0xD0000000, s2;
	s6 =	simm.s32 $0x108;
	_ =	swait.ge @!p0 [sflag:s8], $0x0  }
0x24: {  	s3 =	sadd.s32 $0x88, s3;
	s6 =	simm.s32 @!p1 $0x1082;
	[sflag:s4] =	ssyncset.s32 $0xFFFFF086  }
0x25: {  	[simem:s6], [sflag:s4] =	dma.local [hbm:s3], $0xF7A  }
0x26: {  	[smem:$0x3F94] =	sst s1;
	(tag) =	ssettag s2;
	_ =	strace s9  }
0x27: {  	s1 =	sld [smem:$0x3FA4]  }
0x28: {  	s2 =	sld [smem:$0x3FA5]  }
0x29: {  	s4 =	sld [smem:$0x3FA7]  }
0x2a: {  	p0 =	seq.s32 s5, $0x0;
	s5 =	sld [smem:$0x3FA8]  }
0x2b: {  	s6 =	sld [smem:$0x3FA9]  }
0x2c: {  	s7 =	sld [smem:$0x3FAA]  }
0x2d: {  	s3 =	simm.s32 $0x108;
	s8 =	sld [smem:$0x3FAB]  }
0x2e: {  	s3 =	simm.s32 @!p0 $0x1082;
	s9 =	sld [smem:$0x3FAC]  }
0x2f: {  	lr =	sadd.s32 s0, s3;
	s0 =	sld [smem:$0x3FA3]  }
0x30: {  	s3 =	sld [smem:$0x3FA6]  }
0x31: {  	[smem:$0x3FAF] =	sst s10  }
0x32: {  	s10 =	sld [smem:$0x3FAD];
	_ =	sdelay $0x3  }
0x33: {  	p0 =	seq.s32 s10, $0x1;
	s10 =	sld [smem:$0x3FAF];
	_ =	sdelay $0x3  }
0x34: {  	[smem:$0x3FAF] =	sst s10  }
0x35: {  	s10 =	sld [smem:$0x3FAE];
	_ =	sdelay $0x3  }
0x36: {  	p1 =	seq.s32 s10, $0x1;
	s10 =	sld [smem:$0x3FAF];
	_ =	sdelay $0x3  }
0x37: {  	[smem:$0x3FAF] =	sst s10  }
0x38: {  	s10 =	sld [smem:$0x3FB0]  }
0x39: {  	_ = 	snop;
	(pc) =	sbr.ind lr, $3  }
0x3a: {  	_ = 	snop  }
0x3b: {  	_ = 	snop  }
0x3c: {  	p2 =	seq.s32 s10, $0x1;
	s10 =	sld [smem:$0x3FAF]  }
0x3d: {  	_ =	shalt  }
0x3e: {  	_ =	shalt  }
0x3f: {  	_ =	shalt  }
0x40: {  	_ =	shalt  }
0x41: {  	_ =	shalt  }
0x42: {  	_ =	shalt  }
0x43: {  	_ =	shalt  }
0x44: {  	_ =	shalt  }
0x45: {  	_ =	shalt  }
0x46: {  	_ =	shalt  }
0x47: {  	_ =	shalt  }
0x48: {  	_ =	shalt  }
0x49: {  	_ =	shalt  }
0x4a: {  	_ =	shalt  }
0x4b: {  	_ =	shalt  }
0x4c: {  	_ =	shalt  }
0x4d: {  	_ =	shalt  }
0x4e: {  	_ =	shalt  }
0x4f: {  	_ =	shalt  }
0x50: {  	_ =	shalt  }
0x51: {  	_ =	shalt  }
0x52: {  	_ =	shalt  }
0x53: {  	_ =	shalt  }
0x54: {  	_ =	shalt  }
0x55: {  	_ =	shalt  }
0x56: {  	_ =	shalt  }
0x57: {  	_ =	shalt  }
0x58: {  	_ =	shalt  }
0x59: {  	_ =	shalt  }
0x5a: {  	_ =	shalt  }
0x5b: {  	_ =	shalt  }
0x5c: {  	_ =	shalt  }
0x5d: {  	_ =	shalt  }
0x5e: {  	_ =	shalt  }
0x5f: {  	_ =	shalt  }
0x60: {  	_ =	shalt  }
0x61: {  	_ =	shalt  }
0x62: {  	_ =	shalt  }
0x63: {  	_ =	shalt  }
0x64: {  	_ =	shalt  }
0x65: {  	_ =	shalt  }
0x66: {  	_ =	shalt  }
0x67: {  	_ =	shalt  }
0x68: {  	_ =	shalt  }
0x69: {  	_ =	shalt  }
0x6a: {  	_ =	shalt  }
0x6b: {  	_ =	shalt  }
0x6c: {  	_ =	shalt  }
0x6d: {  	_ =	shalt  }
0x6e: {  	_ =	shalt  }
0x6f: {  	_ =	shalt  }
0x70: {  	_ =	shalt  }
0x71: {  	_ =	shalt  }
0x72: {  	_ =	shalt  }
0x73: {  	_ =	shalt  }
0x74: {  	_ =	shalt  }
0x75: {  	_ =	shalt  }
0x76: {  	_ =	shalt  }
0x77: {  	_ =	shalt  }
0x78: {  	_ =	shalt  }
0x79: {  	_ =	shalt  }
0x7a: {  	_ =	shalt  }
0x7b: {  	_ =	shalt  }
0x7c: {  	_ =	shalt  }
0x7d: {  	_ =	shalt  }
0x7e: {  	_ =	shalt  }
0x7f: {  	_ =	shalt  }
0x80: {  	_ =	shalt  }
0x81: {  	_ =	shalt  }
0x82: {  	_ =	shalt  }
0x83: {  	_ =	shalt  }
0x84: {  	_ =	shalt  }
0x85: {  	_ =	shalt  }
0x86: {  	_ =	shalt  }
0x87: {  	_ =	shalt  }
.Lfunc_end0:
.L_simem_size_0:
called_computation.5_lowered:
.L_overlay_start_0:
0x88: {  	s2 =	sld [smem:$0x3FD9]  }
0x89: {  	s3 =	sld [smem:$0x3FFE];
	_ =	sdelay $0x1  }
0x8a: {  	s1 =	srdreg.scid  }
0x8b: {  	s0 =	sand.u32 $0x1, s1  }
0x8c: {  	s17 =	sshll.u32 s0, $0xA;
	s2 =	sadd.s32 s3, s2  }
0x8d: {  	s2 =	sadd.s32 s2, s17  }
0x8e: {  	[smem:$0x3FBB] =	sst s2  }
0x8f: {  	_ = 	snop  }
0x90: {  	s18 =	sld [smem:$0x3FD0];
	(tm) =	ssettm $0x1  }
0x91: {  	s19 =	sld [smem:$0x3FFB];
	_ =	sdelay $0x3  }
0x92: {  	_ =	strace s19  }
0x93: {  	s2 =	sld [smem:$0x3FFC];
	_ =	sdelay $0x3  }
0x94: {  	_ =	strace s2  }
0x95: {  	s2 =	sld [smem:$0x3FFD];
	_ =	sdelay $0x3  }
0x96: {  	_ =	strace s2  }
0x97: {  	_ =	strace $0x8FFFFFFF  }
0x98: {  	s20 =	sld [smem:$0x3FDB];
	_ =	sdelay $0x1  }
0x99: {  	s4 =	simm.s32 $_scs_section_size  }
0x9a: {  	s5 =	simm.s32 $_size__tile_overlayer_lowered;
	s6 =	simm.s32 $_tile_overlayer_lowered  }
0x9b: {  	s7 =	simm.s32 $0x1BFF;
	s21 =	sshll.u32 s6, $0x1;
	s4 =	sadd.s32 s4, s20  }
0x9c: {  	s22 =	simm.s32 $0x0;
	s5 =	sshll.u32 s5, $0x1;
	s6 =	sadd.s32 s21, s4  }
0x9d: {  	[timem:s22], [sflag:s7] =	dma.local [hbm:s6], s5  }
0x9e: {  	_ =	swait.ge [sflag:s7], s5  }
0x9f: {  	s5 =	ssub.s32 $0x0, s5;
	[sflag:s7] =	ssyncset.done $0x0  }
0xa0: {  	[sflag:s7] =	ssyncadd.s32 s5;
	_ =	sdelay $0x1  }
0xa1: {  	s23 =	simm.s32 $0x1B8B  }
0xa2: {  	_ =	swait.ge [sflag:s23], $0x1  }
0xa3: {  	[sflag:s23] =	ssyncset.done $0x0  }
0xa4: {  	[sflag:s23] =	ssyncadd.s32 $0xFFFFFFFF  }
0xa5: {  	s5 =	sld [smem:$0x0]  }
0xa6: {  	s6 =	sand.u32 $0xFFFFFFFE, s1  }
0xa7: {  	p0 =	sne.s32 s1, s6  }
0xa8: {  	s6 =	sshll.u32 @p0 s6, $0xE  }
0xa9: {  	s6 =	sadd.s32 @p0 $0x11B8D, s6;
	s7 =	sshll.u32 @p0 s5, $0x11  }
0xaa: {  	s6 =	sor.u32 @p0 s7, s6  }
0xab: {  	[sflag:s6] =	ssyncadd.remote.s32 @p0 $0x1;
	_ =	sdelay $0x1  }
0xac: {  	s6 =	simm.s32 @p0 $0x1B8D  }
0xad: {  	_ =	swait.eq @p0 [sflag:s6], $0x1  }
0xae: {  	[sflag:s6] =	ssyncadd.s32 @p0 $0xFFFFFFFF  }
0xaf: {  	s7 =	sshll.u32 @!p0 s1, $0xE  }
0xb0: {  	s7 =	sor.u32 @!p0 $0x4000, s7;
	s6 =	simm.s32 @!p0 $0x1B8D  }
0xb1: {  	s5 =	sshll.u32 @!p0 s5, $0x11;
	s7 =	sadd.s32 @!p0 $0x11B8D, s7;
	_ =	swait.eq @!p0 [sflag:s6], $0x1  }
0xb2: {  	s5 =	sor.u32 @!p0 s5, s7;
	[sflag:s6] =	ssyncadd.s32 @!p0 $0xFFFFFFFF  }
0xb3: {  	s25 =	simm.s32 $0x1B8E;
	s24 =	sld [smem:$0x3FFE];
	[sflag:s5] =	ssyncadd.remote.s32 @!p0 $0x1  }
0xb4: {  	s26 =	simm.s32 $execute0_lowered;
	[smem:$0x3FD2] =	sst s25  }
0xb5: {  	s6 =	sshll.u32 s26, $0x1;
	_ =	strace $0x80000052;
	[dreg:$0x1] =	wrdreg $0xFFFFFFFF  }
0xb6: {  	s28 =	simm.s32 $_size_execute0_lowered;
	s4 =	sadd.s32 s4, s6;
	[dreg:$0x0] =	wrdreg $0x0  }
0xb7: {  	s6 =	sshll.u32 s28, $0x1;
	[dreg:$0x2] =	wrdreg s4  }
0xb8: {  	[dreg:$0x3] =	wrdreg s6  }
0xb9: {  	[dreg:$0x4] =	wrdreg $0xC0  }
0xba: {  	_ =	task [dreg:s22], $0x5FFFF  }
0xbb: {  	[dreg:$0x1] =	wrdreg $0xFFFFFFFF  }
0xbc: {  	[dreg:$0x0] =	wrdreg $0x60  }
0xbd: {  	[dreg:$0x2] =	wrdreg s18  }
0xbe: {  	[dreg:$0x3] =	wrdreg s24  }
0xbf: {  	[dreg:$0x4] =	wrdreg $0x2A000  }
0xc0: {  	[dreg:$0x5] =	wrdreg $0xA  }
0xc1: {  	_ =	task.clear_ibuf [dreg:s22], $0x6FFFF;
	_ =	strace $0x90000052  }
0xc2: {  	s29 =	simm.s32 $0xA;
	_ =	strace $0x80000054  }
0xc3: {  	_ =	swait.ge [sflag:s29], $0x1  }
0xc4: {  	[sflag:s29] =	ssyncadd.s32 $0xFFFFFFFF  }
0xc5: {  	_ =	strace $0x90000054  }
0xc6: {  	_ =	sfence  }
0xc7: {  	s30 =	sld [smem:$0x0];
	_ =	sdelay $0x2  }
0xc8: {  	s31 =	sshll.u32 s1, $0xD;
	s1 =	sshrl.u32 s1, $0x2  }
0xc9: {  	s4 =	sand.u32 $0x4000, s31;
	s1 =	sadd.s32 s1, s30  }
0xca: {  	s0 =	sor.u32 s4, s0;
	s1 =	sshll.u32 s1, $0x11  }
0xcb: {  	s0 =	sor.u32 s1, s0  }
0xcc: {  	s0 =	sadd.s32 $0x8F2B, s0  }
0xcd: {  	[sflag:s0] =	ssyncadd.remote.s32 $0x1  }
0xce: {  	_ =	sfence.sel $0xFFFF  }
0xcf: {  	[dreg:$0x0] =	wrdreg $0xFFFFFFFF;
	(pc) =	sbr.abs _section_cstart, $3  }
0xd0: {  	[dreg:$0x1] =	wrdreg $0xFFFFFFFF  }
0xd1: {  	_ =	task.clear_ibuf [dreg:s22], $0x2FFFF;
	_ =	strace $0x9FFFFFFF  }
0xd2: {  	(tm) =	ssettm $0x7FFFFFFF  }
0xd3: {  	_ =	shalt  }
tec
execute0_lowered:
.L_overlay_start_1:
0x0: {  	(tag) =	ssettag $0x1  }
0x1: {  	s0 =	rddreg [dreg:$0x0]  }
0x2: {  	s2 =	rddreg [dreg:$0x1]  }
0x3: {  	s1 =	rddreg [dreg:$0x2]  }
0x4: {  	s3 =	simm.s32 $0x0;
	s4 =	srdreg.scid;
	s5 =	stileid.u32  }
0x5: {  	s18 =	simm.s32 $0x9;
	s28 =	simm.s32 $0x6;
	s29 =	simm.s32 $0x7  }
0x6: {  	s30 =	simm.s32 $0x8;
	s31 =	simm.s32 $0x0;
	[smem:$0x7FF] =	sst s3  }
0x7: {  	s4 =	sand.u32 $0x1, s4;
	s6 =	sadd.s32 $0x33200, s2;
	s19 =	sshll.u32 s5, $0x1  }
0x8: {  	s8 =	sadd.s32 $0x81A00, s2;
	p0 =	seq.s32 s5, $0xF;
	s10 =	smul.u32 $0x4E20, s5  }
0x9: {  	s12 =	smul.u32 $0x50000, s5;
	_ =	strace $0x80000053;
	[dreg:$0x4] =	wrdreg s6  }
0xa: {  	s17 =	smul.u32 $0x14000, s5;
	s7 =	ssub.s32 $0x2, s4;
	[dreg:$0x5] =	wrdreg s8  }
0xb: {  	s9 =	sor.u32 s4, s19;
	s6 =	sadd.s32 $0x82000, s2;
	s11 =	smul.u32 $0x2710, s4  }
0xc: {  	s8 =	simm.s32 $0x5;
	s16 =	smul.u32 $0x138800, s4;
	s19 =	simm.s32 $0x80  }
0xd: {  	s20 =	sshrl.u32 s7, $0x1;
	s9 =	smul.u32 $0x2710, s9;
	s8 =	simm.s32 @!p0 $0x8  }
0xe: {  	s22 =	sshrl.u32 s12, $0x2;
	s21 =	ssub.s32 s7, s20;
	s7 =	simm.s32 $0x5  }
0xf: {  	s11 =	sadd.s32 s11, s10;
	s4 =	sadd.s32 s22, s1;
	s16 =	sadd.s32 s17, s16  }
0x10: {  	s17 =	simm.s32 $0x200;
	s20 =	simm.s32 $0x100;
	s22 =	simm.s32 $0x1  }
0x11: {  	s9 =	sshrl.u32 s9, $0x3;
	s10 =	smax.u32 s21, $0x1;
	s23 =	sadd.s32 $0xF0, s11  }
0x12: {  	s13 =	sadd.s32 $0xA0, s11;
	s26 =	sadd.s32 $0x50, s11;
	s11 =	sshrl.u32 s11, $0x3  }
0x13: {  	s21 =	simm.s32 $0x180;
	s9 =	sadd.s32 s0, s9;
	s24 =	sshrl.u32 s23, $0x3  }
0x14: {  	s25 =	sshrl.u32 s13, $0x3;
	s14 =	sshrl.u32 s26, $0x3;
	s15 =	sadd.s32 s11, s0  }
0x15: {  	s23 =	simm.s32 $0x50;
	s26 =	simm.s32 $0x4;
	s9 =	sadd.s32 $0x4D8, s9  }
0x16: {  	s12 =	sadd.s32 s24, s0;
	s13 =	sadd.s32 s25, s0;
	s14 =	sadd.s32 s14, s0  }
0x17: {  	s24 =	simm.s32 $0x2;
	s25 =	simm.s32 $0x3;
	[dreg:$0x6] =	wrdreg s9  }
.LBB2_1:
0x18: {  	s0 =	rddreg [dreg:$0x4]  }
0x19: {  	[tilespmem:s17], [sflag:$0x9] =	stream.linear.gather [hbm4b:s0+s3], $0x2800, $0x38;
	[tilespmem:$0x16280] =	vst v63  }
0x1a: {  	p0 =	sne.s32 s8, $0x1;
	_ =	swait.ge [sflag:s18], $0x2800  }
.Ltmp0:
0x1b: {  	[sflag:s18] =	ssyncset.done $0x0;
	(pc) =	sbr.rel @!p0 .LBB2_3-.Ltmp0, $4  }
0x1c: {  	[sflag:s18] =	ssyncadd.s32 $0xFFFFD800  }
0x1d: {  	[spmem:s4] =	stream.linear.scatter [tilespmem:s17], [sflag:$0x9], $0x2800, $0x38;
	[tilespmem:$0x16280] =	vst v63  }
0x1e: {  	_ =	swait.ge [sflag:s18], $0x2800  }
0x1f: {  	s2 =	smov.u32 s4;
	s0 =	sadd.s32 $0xFFFFFFFF, s8;
	[sflag:s18] =	ssyncset.done $0x0  }
.LBB2_2:
0x20: {  	p1 =	sne.s32 s0, $0x1;
	[sflag:s18] =	ssyncadd.s32 $0xFFFFD800;
	s2 =	sadd.s32 $0x2800, s2  }
.Ltmp1:
0x21: {  	s0 =	sadd.s32 $0xFFFFFFFF, s0;
	(pc) =	sbr.rel @p1 .LBB2_2-.Ltmp1, $4  }
0x22: {  	_ = 	snop  }
0x23: {  	[spmem:s2] =	stream.linear.scatter [tilespmem:s17], [sflag:$0x9], $0x2800, $0x38;
	[tilespmem:$0x16280] =	vst v63  }
0x24: {  	_ =	swait.ge [sflag:s18], $0x2800  }
0x25: {  	[sflag:s18] =	ssyncset.done $0x0  }
.LBB2_3:
0x26: {  	[sflag:s18] =	ssyncadd.s32 $0xFFFFD800;
	s0 =	simm.s32 $0x0;
	s2 =	rddreg [dreg:$0x5]  }
0x27: {  	[tilespmem:s17], [sflag:$0x9] =	stream.linear.gather [hbm4b:s2+s0], $0x2800, $0x38;
	[tilespmem:$0x16280] =	vst v63  }
0x28: {  	_ =	swait.ge [sflag:s18], $0x2800  }
0x29: {  	[sflag:s18] =	ssyncset.done $0x0  }
0x2a: {  	[sflag:s18] =	ssyncadd.s32 $0xFFFFD800  }
0x2b: {  	s2 =	sadd.s32 $0x0, s15;
	[bflag:$0x0] =	sbarrier.arrive $0xFFFF  }
0x2c: {  	[tilespmem:s3], [sflag:$0x1] =	stream.linear.gather [hbm4b:s2+s3], $0x50, $0x38;
	[tilespmem:$0x16280] =	vst v63  }
0x2d: {  	s5 =	sadd.s32 $0x0, s14  }
0x2e: {  	[tilespmem:s19], [sflag:$0x2] =	stream.linear.gather [hbm4b:s5+s3], $0x50, $0x38;
	[tilespmem:$0x16280] =	vst v63  }
0x2f: {  	s9 =	sadd.s32 $0x0, s13  }
0x30: {  	[tilespmem:s20], [sflag:$0x3] =	stream.linear.gather [hbm4b:s9+s3], $0x50, $0x38;
	[tilespmem:$0x16280] =	vst v63  }
0x31: {  	s11 =	sadd.s32 $0x0, s12  }
0x32: {  	[tilespmem:s21], [sflag:$0x4] =	stream.linear.gather [hbm4b:s11+s3], $0x50, $0x38;
	[tilespmem:$0x16280] =	vst v63  }
0x33: {  	_ =	swait.ge [sflag:s22], $0x50  }
0x34: {  	[sflag:s22] =	ssyncset.done $0x0  }
0x35: {  	[sflag:s22] =	ssyncadd.s32 $0xFFFFFFB0  }
0x36: {  	[spmem:s1] =	stream.indirect.scatter.add.f32 [tilespmem:s17], [sflag:$0x5], $0x80, s3, s23, $0xb8;
	[tilespmem:$0x16280] =	vst v63  }
0x37: {  	_ =	swait.ge [sflag:s24], $0x50  }
0x38: {  	[sflag:s24] =	ssyncset.done $0x0  }
0x39: {  	[sflag:s24] =	ssyncadd.s32 $0xFFFFFFB0  }
0x3a: {  	[spmem:s1] =	stream.indirect.scatter.add.f32 [tilespmem:s17], [sflag:$0x6], $0x80, s19, s23, $0xb8;
	[tilespmem:$0x16280] =	vst v63  }
0x3b: {  	_ =	swait.ge [sflag:s25], $0x50  }
0x3c: {  	[sflag:s25] =	ssyncset.done $0x0  }
0x3d: {  	[sflag:s25] =	ssyncadd.s32 $0xFFFFFFB0  }
0x3e: {  	[spmem:s1] =	stream.indirect.scatter.add.f32 [tilespmem:s17], [sflag:$0x7], $0x80, s20, s23, $0xb8;
	[tilespmem:$0x16280] =	vst v63  }
0x3f: {  	_ =	swait.ge [sflag:s26], $0x50  }
0x40: {  	[sflag:s26] =	ssyncset.done $0x0  }
0x41: {  	[sflag:s26] =	ssyncadd.s32 $0xFFFFFFB0  }
0x42: {  	[spmem:s1] =	stream.indirect.scatter.add.f32 [tilespmem:s17], [sflag:$0x8], $0x80, s21, s23, $0xb8;
	[tilespmem:$0x16280] =	vst v63  }
0x43: {  	_ =	swait.ge [sflag:s7], $0x2800  }
0x44: {  	[sflag:s7] =	ssyncset.done $0x0  }
0x45: {  	[sflag:s7] =	ssyncadd.s32 $0xFFFFD800  }
0x46: {  	_ =	swait.ge [sflag:s28], $0x2800  }
0x47: {  	[sflag:s28] =	ssyncset.done $0x0  }
0x48: {  	[sflag:s28] =	ssyncadd.s32 $0xFFFFD800  }
0x49: {  	_ =	swait.ge [sflag:s29], $0x2800  }
0x4a: {  	[sflag:s29] =	ssyncset.done $0x0  }
0x4b: {  	[sflag:s29] =	ssyncadd.s32 $0xFFFFD800  }
0x4c: {  	_ =	swait.ge [sflag:s30], $0x2800  }
0x4d: {  	s0 =	simm.s32 $0x28;
	s11 =	simm.s32 $0x50;
	[sflag:s30] =	ssyncset.done $0x0  }
.LBB2_4:
0x4e: {  	s5 =	sadd.s32 s0, s15  }
0x4f: {  	[sflag:s30] =	ssyncadd.s32 $0xFFFFD800;
	s9 =	smov.u32 s11;
	s2 =	sadd.s32 $0x28, s11  }
0x50: {  	[tilespmem:s3], [sflag:$0x1] =	stream.linear.gather [hbm4b:s5+s3], $0x50, $0x38;
	[tilespmem:$0x16280] =	vst v63  }
0x51: {  	p1 =	sne.s32 s11, $0x4B0;
	s5 =	sadd.s32 s0, s14  }
0x52: {  	[tilespmem:s19], [sflag:$0x2] =	stream.linear.gather [hbm4b:s5+s3], $0x50, $0x38;
	[tilespmem:$0x16280] =	vst v63  }
0x53: {  	s5 =	sadd.s32 s0, s13  }
0x54: {  	[tilespmem:s20], [sflag:$0x3] =	stream.linear.gather [hbm4b:s5+s3], $0x50, $0x38;
	[tilespmem:$0x16280] =	vst v63  }
0x55: {  	s5 =	sadd.s32 s0, s12;
	s0 =	smov.u32 s9  }
0x56: {  	[tilespmem:s21], [sflag:$0x4] =	stream.linear.gather [hbm4b:s5+s3], $0x50, $0x38;
	[tilespmem:$0x16280] =	vst v63  }
0x57: {  	_ =	swait.ge [sflag:s22], $0x50  }
0x58: {  	[sflag:s22] =	ssyncset.done $0x0  }
0x59: {  	[sflag:s22] =	ssyncadd.s32 $0xFFFFFFB0  }
0x5a: {  	[spmem:s1] =	stream.indirect.scatter.add.f32 [tilespmem:s17], [sflag:$0x5], $0x80, s3, s23, $0xb8;
	[tilespmem:$0x16280] =	vst v63  }
0x5b: {  	_ =	swait.ge [sflag:s24], $0x50  }
0x5c: {  	[sflag:s24] =	ssyncset.done $0x0  }
0x5d: {  	[sflag:s24] =	ssyncadd.s32 $0xFFFFFFB0  }
0x5e: {  	[spmem:s1] =	stream.indirect.scatter.add.f32 [tilespmem:s17], [sflag:$0x6], $0x80, s19, s23, $0xb8;
	[tilespmem:$0x16280] =	vst v63  }
0x5f: {  	_ =	swait.ge [sflag:s25], $0x50  }
0x60: {  	[sflag:s25] =	ssyncset.done $0x0  }
0x61: {  	[sflag:s25] =	ssyncadd.s32 $0xFFFFFFB0  }
0x62: {  	[spmem:s1] =	stream.indirect.scatter.add.f32 [tilespmem:s17], [sflag:$0x7], $0x80, s20, s23, $0xb8;
	[tilespmem:$0x16280] =	vst v63  }
0x63: {  	_ =	swait.ge [sflag:s26], $0x50  }
0x64: {  	[sflag:s26] =	ssyncset.done $0x0  }
0x65: {  	[sflag:s26] =	ssyncadd.s32 $0xFFFFFFB0  }
0x66: {  	[spmem:s1] =	stream.indirect.scatter.add.f32 [tilespmem:s17], [sflag:$0x8], $0x80, s21, s23, $0xb8;
	[tilespmem:$0x16280] =	vst v63  }
0x67: {  	_ =	swait.ge [sflag:s7], $0x2800  }
0x68: {  	[sflag:s7] =	ssyncset.done $0x0  }
0x69: {  	[sflag:s7] =	ssyncadd.s32 $0xFFFFD800  }
0x6a: {  	_ =	swait.ge [sflag:s28], $0x2800  }
0x6b: {  	[sflag:s28] =	ssyncset.done $0x0  }
0x6c: {  	[sflag:s28] =	ssyncadd.s32 $0xFFFFD800  }
.Ltmp2:
0x6d: {  	_ =	swait.ge [sflag:s29], $0x2800;
	(pc) =	sbr.rel @p1 .LBB2_4-.Ltmp2, $4  }
0x6e: {  	[sflag:s29] =	ssyncset.done $0x0  }
0x6f: {  	[sflag:s29] =	ssyncadd.s32 $0xFFFFD800  }
0x70: {  	_ =	swait.ge [sflag:s30], $0x2800  }
0x71: {  	s11 =	smov.u32 s2;
	[sflag:s30] =	ssyncset.done $0x0  }
0x72: {  	s2 =	sadd.s32 s0, s15;
	[sflag:s30] =	ssyncadd.s32 $0xFFFFD800  }
0x73: {  	[tilespmem:s3], [sflag:$0x1] =	stream.linear.gather [hbm4b:s2+s3], $0x50, $0x38;
	[tilespmem:$0x16280] =	vst v63  }
0x74: {  	s9 =	sadd.s32 s0, s14  }
0x75: {  	[tilespmem:s19], [sflag:$0x2] =	stream.linear.gather [hbm4b:s9+s3], $0x50, $0x38;
	[tilespmem:$0x16280] =	vst v63  }
0x76: {  	s11 =	sadd.s32 s0, s13  }
0x77: {  	[tilespmem:s20], [sflag:$0x3] =	stream.linear.gather [hbm4b:s11+s3], $0x50, $0x38;
	[tilespmem:$0x16280] =	vst v63  }
0x78: {  	s5 =	sadd.s32 s0, s12  }
0x79: {  	[tilespmem:s21], [sflag:$0x4] =	stream.linear.gather [hbm4b:s5+s3], $0x50, $0x38;
	[tilespmem:$0x16280] =	vst v63  }
0x7a: {  	_ =	swait.ge [sflag:s22], $0x50  }
0x7b: {  	[sflag:s22] =	ssyncset.done $0x0  }
0x7c: {  	[sflag:s22] =	ssyncadd.s32 $0xFFFFFFB0  }
0x7d: {  	[spmem:s1] =	stream.indirect.scatter.add.f32 [tilespmem:s17], [sflag:$0x5], $0x80, s3, s23, $0xb8;
	[tilespmem:$0x16280] =	vst v63  }
0x7e: {  	_ =	swait.ge [sflag:s24], $0x50  }
0x7f: {  	[sflag:s24] =	ssyncset.done $0x0  }
0x80: {  	[sflag:s24] =	ssyncadd.s32 $0xFFFFFFB0  }
0x81: {  	[spmem:s1] =	stream.indirect.scatter.add.f32 [tilespmem:s17], [sflag:$0x6], $0x80, s19, s23, $0xb8;
	[tilespmem:$0x16280] =	vst v63  }
0x82: {  	_ =	swait.ge [sflag:s25], $0x50  }
0x83: {  	[sflag:s25] =	ssyncset.done $0x0  }
0x84: {  	[sflag:s25] =	ssyncadd.s32 $0xFFFFFFB0  }
0x85: {  	[spmem:s1] =	stream.indirect.scatter.add.f32 [tilespmem:s17], [sflag:$0x7], $0x80, s20, s23, $0xb8;
	[tilespmem:$0x16280] =	vst v63  }
0x86: {  	_ =	swait.ge [sflag:s26], $0x50  }
0x87: {  	[sflag:s26] =	ssyncset.done $0x0  }
0x88: {  	[sflag:s26] =	ssyncadd.s32 $0xFFFFFFB0  }
0x89: {  	[spmem:s1] =	stream.indirect.scatter.add.f32 [tilespmem:s17], [sflag:$0x8], $0x80, s21, s23, $0xb8;
	[tilespmem:$0x16280] =	vst v63  }
0x8a: {  	_ =	swait.ge [sflag:s7], $0x2800  }
0x8b: {  	[sflag:s7] =	ssyncset.done $0x0  }
0x8c: {  	[sflag:s7] =	ssyncadd.s32 $0xFFFFD800  }
0x8d: {  	_ =	swait.ge [sflag:s28], $0x2800  }
0x8e: {  	[sflag:s28] =	ssyncset.done $0x0  }
0x8f: {  	[sflag:s28] =	ssyncadd.s32 $0xFFFFD800  }
0x90: {  	_ =	swait.ge [sflag:s29], $0x2800  }
0x91: {  	[sflag:s29] =	ssyncset.done $0x0  }
0x92: {  	[sflag:s29] =	ssyncadd.s32 $0xFFFFD800  }
0x93: {  	_ =	swait.ge [sflag:s30], $0x2800  }
0x94: {  	[sflag:s30] =	ssyncset.done $0x0  }
0x95: {  	s9 =	rddreg [dreg:$0x6];
	[sflag:s30] =	ssyncadd.s32 $0xFFFFD800  }
0x96: {  	[tilespmem:s3], [sflag:$0x9] =	stream.linear.gather [hbm4b:s9+s3], $0x50, $0x38;
	[tilespmem:$0x16280] =	vst v63  }
0x97: {  	_ =	swait.ge [sflag:s18], $0x50  }
0x98: {  	[sflag:s18] =	ssyncset.done $0x0  }
0x99: {  	[sflag:s18] =	ssyncadd.s32 $0xFFFFFFB0  }
0x9a: {  	[spmem:s1] =	stream.indirect.scatter.add.f32 [tilespmem:s17], [sflag:$0x9], $0x80, s3, s23, $0xb8;
	[tilespmem:$0x16280] =	vst v63  }
0x9b: {  	_ =	swait.ge [sflag:s18], $0x2800  }
0x9c: {  	[sflag:s18] =	ssyncset.done $0x0  }
0x9d: {  	[sflag:s18] =	ssyncadd.s32 $0xFFFFD800  }
0x9e: {  	[bflag:$0x0] =	sbarrier.arrive $0xFFFF  }
0x9f: {  	[tilespmem:s17], [sflag:$0x9] =	stream.linear.gather [spmem:s4], $0x2800, $0x38;
	[tilespmem:$0x16280] =	vst v63  }
0xa0: {  	_ =	swait.ge [sflag:s18], $0x2800  }
.Ltmp3:
0xa1: {  	s11 =	sshrl.u32 s16, $0x3;
	[sflag:s18] =	ssyncset.done $0x0;
	(pc) =	sbr.rel @!p0 .LBB2_7-.Ltmp3, $4  }
0xa2: {  	s0 =	sadd.s32 s6, s11;
	[sflag:s18] =	ssyncadd.s32 $0xFFFFD800  }
0xa3: {  	[hbm4b:s0+s3] =	stream.linear.scatter [tilespmem:s17], [sflag:$0x9], $0x2800, $0x38;
	[tilespmem:$0x16280] =	vst v63  }
0xa4: {  	s2 =	smov.u32 s16;
	_ =	swait.ge [sflag:s18], $0x2800  }
0xa5: {  	s11 =	smov.u32 s4;
	s0 =	sadd.s32 $0xFFFFFFFF, s8;
	[sflag:s18] =	ssyncset.done $0x0  }
.LBB2_6:
0xa6: {  	[sflag:s18] =	ssyncadd.s32 $0xFFFFD800;
	s2 =	sadd.s32 $0x2800, s2;
	s11 =	sadd.s32 $0x2800, s11  }
0xa7: {  	[tilespmem:s17], [sflag:$0x9] =	stream.linear.gather [spmem:s11], $0x2800, $0x38;
	[tilespmem:$0x16280] =	vst v63  }
0xa8: {  	p0 =	sne.s32 s0, $0x1;
	s0 =	sadd.s32 $0xFFFFFFFF, s0;
	_ =	swait.ge [sflag:s18], $0x2800  }
.Ltmp4:
0xa9: {  	s5 =	sshrl.u32 s2, $0x3;
	[sflag:s18] =	ssyncset.done $0x0;
	(pc) =	sbr.rel @p0 .LBB2_6-.Ltmp4, $4  }
0xaa: {  	s5 =	sadd.s32 s6, s5;
	[sflag:s18] =	ssyncadd.s32 $0xFFFFD800  }
0xab: {  	[hbm4b:s5+s3] =	stream.linear.scatter [tilespmem:s17], [sflag:$0x9], $0x2800, $0x38;
	[tilespmem:$0x16280] =	vst v63  }
0xac: {  	_ =	swait.ge [sflag:s18], $0x2800  }
0xad: {  	[sflag:s18] =	ssyncset.done $0x0  }
.LBB2_7:
0xae: {  	s31 =	sadd.s32 $0x1, s31  }
0xaf: {  	p0 =	sne.s32 s31, s10  }
.Ltmp5:
0xb0: {  	_ = 	snop;
	(pc) =	sbr.rel @p0 .LBB2_1-.Ltmp5, $2  }
0xb1: {  	_ =	sdelay $0x2  }
0xb2: {  	[sflag:s18] =	ssyncadd.s32 $0xFFFFD800  }
0xb3: {  	_ =	sfence.sel $0x180000  }
0xb4: {  	[bflag:$0x0] =	sbarrier.arrive $0xFFFF  }
0xb5: {  	_ =	strace $0x90000053  }
0xb6: {  	s0 =	stileid.u32;
	[bflag:$0x2] =	sbarrier.arrive $0xFFFF  }
0xb7: {  	p0 =	sne.s32 s0, $0x0;
	s0 =	rddreg [dreg:$0x3]  }
0xb8: {  	s0 =	sadd.s32 @!p0 $0x100000, s0  }
0xb9: {  	[sflag:s0] =	ssyncadd.tile.s32 @!p0 $0x1;
	_ =	shalt  }
.Lfunc_end2:
_tile_overlayer_lowered:
.L_overlay_start_2:
0xba: {  	(tag) =	ssettag $0x2  }
0xbb: {  	s0 =	rddreg [dreg:$0x0];
	s2 =	stileid.u32  }
0xbc: {  	s1 =	rddreg [dreg:$0x1];
	p0 =	sne.s32 s2, $0x0  }
0xbd: {  	s3 =	rddreg [dreg:$0x2];
	[bflag:$0x3] =	sbarrier.arrive $0xFFFF;
	s2 =	simm.s32 @!p0 $0x1C09  }
0xbe: {  	[timem:s3], [sflag:s2] =	dma.local @!p0 [hbm:s0], s1  }
0xbf: {  	s0 =	simm.s32 @!p0 $0x9  }
0xc0: {  	_ =	swait.ge @!p0 [sflag:s0], s1  }
0xc1: {  	s1 =	ssub.s32 @!p0 $0x0, s1;
	[sflag:s0] =	ssyncset.done @!p0 $0x0  }
0xc2: {  	[sflag:s0] =	ssyncadd.s32 @!p0 s1  }
0xc3: {  	[bflag:$0x3] =	sbarrier.arrive $0xFFFF  }
0xc4: {  	_ =	shalt  }

</sc_bundles>
